<compile_context>
chip_gen: v7x
topology: tpu7x:2x2x1
jax: 0.10.2.dev20260603
libtpu: 0.0.44.dev20260713+nightly
codegen_flags: <defaults>
</compile_context>

<pallas_src>
import functools

import jax
import jax.numpy as jnp
from jax import lax
from jax.experimental import pallas as pl
from jax.experimental.pallas import tpu as pltpu
from jax.experimental.pallas import tpu_sc as plsc

N = 10000
NP = 10240
E = 320000
H = 128
NC = 2
NS = 16
NW = NC * NS
EPW = E // NW
C = 80
J = EPW // C
G = 5
JG = J // G
RPS = NP // NS

_sc_mesh = plsc.VectorSubcoreMesh(core_axis_name="c", subcore_axis_name="s")



@functools.partial(
    pl.kernel,
    out_type=jax.ShapeDtypeStruct((NC * NP, H), jnp.float32),
    mesh=_sc_mesh,
    scratch_types=[
        pltpu.VMEM((JG, C), jnp.int32),
        pltpu.VMEM((JG, C), jnp.int32),
        pltpu.VMEM((C, H), jnp.float32),
        pltpu.VMEM((C, H), jnp.float32),
        pltpu.VMEM((C, H), jnp.float32),
        pltpu.VMEM_SHARED((NP, H), jnp.float32),
        pltpu.SemaphoreType.DMA,
        pltpu.SemaphoreType.DMA,
        pltpu.SemaphoreType.DMA,
    ],
)
def _sc_agg(h_hbm, srcw, dstw, zeros_hbm, out_hbm, src_v, dst_v, g0, g1, g2,
            acc, sem0, sem1, sem2):
    c = lax.axis_index("c")
    s = lax.axis_index("s")
    wid = c * NS + s
    row0 = s * RPS
    pltpu.sync_copy(zeros_hbm, g0)
    for k in range(RPS // C):
        pltpu.sync_copy(g0, acc.at[pl.ds(row0 + k * C, C)])
    plsc.subcore_barrier()

    bufs = (g0, g1, g2)
    sems = (sem0, sem1, sem2)
    ND = 3
    T = (JG - ND) // ND

    def group(g, carry):
        pltpu.sync_copy(srcw.at[g, wid], src_v)
        pltpu.sync_copy(dstw.at[g, wid], dst_v)
        for k in range(ND):
            pltpu.async_copy(h_hbm.at[src_v.at[k]], bufs[k], sems[k])

        def body(t, carry2):
            j0 = ND * t
            for k in range(ND):
                j = j0 + k
                pltpu.make_async_copy(h_hbm.at[src_v.at[j]], bufs[k], sems[k]).wait()
                pltpu.sync_copy(bufs[k], acc.at[dst_v.at[j]], add=True)
                pltpu.async_copy(h_hbm.at[src_v.at[j + ND]], bufs[k], sems[k])
            return carry2

        lax.fori_loop(0, T, body, 0)
        for j in range(ND * T, JG):
            k = j % ND
            pltpu.make_async_copy(h_hbm.at[src_v.at[j]], bufs[k], sems[k]).wait()
            pltpu.sync_copy(bufs[k], acc.at[dst_v.at[j]], add=True)
            if j + ND < JG:
                pltpu.async_copy(h_hbm.at[src_v.at[j + ND]], bufs[k], sems[k])
        return carry

    lax.fori_loop(0, G, group, 0)
    plsc.subcore_barrier()
    pltpu.sync_copy(acc.at[pl.ds(row0, RPS)],
                    out_hbm.at[pl.ds(c * NP + row0, RPS)])


@functools.partial(
    pl.kernel,
    out_type=jax.ShapeDtypeStruct((NC * NP, H), jnp.float32),
    mesh=_sc_mesh,
    scratch_types=[
        pltpu.VMEM((J, C), jnp.int32),
        pltpu.VMEM((C, H), jnp.float32),
        pltpu.VMEM_SHARED((NP, H), jnp.float32),
    ],
)
def _sc_deg(dstw, zeros_hbm, ones_hbm, out_hbm, dst_v, obuf, acc):
    c = lax.axis_index("c")
    s = lax.axis_index("s")
    wid = c * NS + s
    pltpu.sync_copy(dstw.at[wid], dst_v)
    row0 = s * RPS
    pltpu.sync_copy(zeros_hbm, obuf)
    for k in range(RPS // C):
        pltpu.sync_copy(obuf, acc.at[pl.ds(row0 + k * C, C)])
    pltpu.sync_copy(ones_hbm, obuf)
    plsc.subcore_barrier()

    def body(j, carry):
        pltpu.sync_copy(obuf, acc.at[dst_v.at[j]], add=True)
        return carry

    lax.fori_loop(0, J, body, 0)
    plsc.subcore_barrier()
    pltpu.sync_copy(acc.at[pl.ds(row0, RPS)],
                    out_hbm.at[pl.ds(c * NP + row0, RPS)])



BT = 2048
GT = NP // BT


def _enc_body(x_ref, w1_ref, b1_ref, w2_ref, b2_ref, h_ref, r2_ref):
    i = pl.program_id(0)
    x = x_ref[...]
    r = jnp.maximum(
        jnp.dot(x, w1_ref[...], preferred_element_type=jnp.float32) + b1_ref[...],
        0.0)
    h_ref[...] = (
        jnp.dot(r, w2_ref[...], preferred_element_type=jnp.float32) + b2_ref[...])
    col = lax.broadcasted_iota(jnp.int32, (BT, H), 1)
    m2 = jnp.max(jnp.sum(jnp.where(col < 3, x * x, 0.0), axis=1)).reshape(1, 1)

    @pl.when(i == 0)
    def _():
        r2_ref[...] = m2

    @pl.when(i != 0)
    def _():
        r2_ref[...] = jnp.maximum(r2_ref[...], m2)


_W = pl.BlockSpec((H, H), lambda i: (0, 0))
_B = pl.BlockSpec((1, H), lambda i: (0, 0))
_ROWS = pl.BlockSpec((BT, H), lambda i: (i, 0))

_enc = pl.pallas_call(
    _enc_body,
    grid=(GT,),
    in_specs=[_ROWS, _W, _B, _W, _B],
    out_specs=[_ROWS, pl.BlockSpec((1, 1), lambda i: (0, 0))],
    out_shape=[jax.ShapeDtypeStruct((NP, H), jnp.float32),
               jax.ShapeDtypeStruct((1, 1), jnp.float32)],
)


def _blk_body(p0_ref, p1_ref, d0_ref, d1_ref, h_ref, wl_ref, bl_ref, wr_ref,
              g_ref, be_ref, o_ref):
    deg = d0_ref[:, 0:1] + d1_ref[:, 0:1]
    agg = (p0_ref[...] + p1_ref[...]) / jnp.maximum(deg, 1.0)
    h = h_ref[...]
    z = (jnp.dot(agg, wl_ref[...], preferred_element_type=jnp.float32)
         + bl_ref[...]
         + jnp.dot(h, wr_ref[...], preferred_element_type=jnp.float32))
    mu = jnp.mean(z, axis=1, keepdims=True)
    zc = z - mu
    var = jnp.mean(zc * zc, axis=1, keepdims=True)
    ln = zc / jnp.sqrt(var + 1e-5) * g_ref[...] + be_ref[...]
    o_ref[...] = h + jnp.maximum(ln, 0.0)


_blk = pl.pallas_call(
    _blk_body,
    grid=(GT,),
    in_specs=[_ROWS,
              pl.BlockSpec((BT, H), lambda i: (i + GT, 0)),
              _ROWS,
              pl.BlockSpec((BT, H), lambda i: (i + GT, 0)),
              _ROWS, _W, _B, _W, _B, _B],
    out_specs=_ROWS,
    out_shape=jax.ShapeDtypeStruct((NP, H), jnp.float32),
)


def _blk_heads_body(p0_ref, p1_ref, d0_ref, d1_ref, h_ref, wl_ref, bl_ref,
                    wr_ref, g_ref, be_ref, r2_ref, dw1, db1, dw2, db2, dw3,
                    db3, sw1, sb1, sw2, sb2, sw3, sb3, o_ref):
    deg = d0_ref[:, 0:1] + d1_ref[:, 0:1]
    agg = (p0_ref[...] + p1_ref[...]) / jnp.maximum(deg, 1.0)
    hp = h_ref[...]
    z = (jnp.dot(agg, wl_ref[...], preferred_element_type=jnp.float32)
         + bl_ref[...]
         + jnp.dot(hp, wr_ref[...], preferred_element_type=jnp.float32))
    mu = jnp.mean(z, axis=1, keepdims=True)
    zc = z - mu
    var = jnp.mean(zc * zc, axis=1, keepdims=True)
    ln = zc / jnp.sqrt(var + 1e-5) * g_ref[...] + be_ref[...]
    h = hp + jnp.maximum(ln, 0.0)
    ratio = jnp.sqrt(r2_ref[...])
    d = jnp.maximum(
        jnp.dot(h, dw1[...], preferred_element_type=jnp.float32) + db1[...], 0.0)
    d = jnp.maximum(
        jnp.dot(d, dw2[...], preferred_element_type=jnp.float32) + db2[...], 0.0)
    d = jnp.dot(d, dw3[...], preferred_element_type=jnp.float32) + db3[...]
    s = jnp.maximum(
        jnp.dot(h, sw1[...], preferred_element_type=jnp.float32) + sb1[...], 0.0)
    s = jnp.maximum(
        jnp.dot(s, sw2[...], preferred_element_type=jnp.float32) + sb2[...], 0.0)
    s = jnp.dot(s, sw3[...], preferred_element_type=jnp.float32) + sb3[...]
    o_ref[...] = jnp.concatenate([d, s], axis=1) * ratio


_H2 = H // 2
_blk_heads = pl.pallas_call(
    _blk_heads_body,
    grid=(GT,),
    in_specs=[_ROWS,
              pl.BlockSpec((BT, H), lambda i: (i + GT, 0)),
              _ROWS,
              pl.BlockSpec((BT, H), lambda i: (i + GT, 0)),
              _ROWS, _W, _B, _W, _B, _B,
              pl.BlockSpec((1, 1), lambda i: (0, 0)),
              _W, _B,
              pl.BlockSpec((H, _H2), lambda i: (0, 0)),
              pl.BlockSpec((1, _H2), lambda i: (0, 0)),
              pl.BlockSpec((_H2, 3), lambda i: (0, 0)),
              pl.BlockSpec((1, 3), lambda i: (0, 0)),
              _W, _B,
              pl.BlockSpec((H, _H2), lambda i: (0, 0)),
              pl.BlockSpec((1, _H2), lambda i: (0, 0)),
              pl.BlockSpec((_H2, 1), lambda i: (0, 0)),
              pl.BlockSpec((1, 1), lambda i: (0, 0))],
    out_specs=pl.BlockSpec((BT, 4), lambda i: (i, 0)),
    out_shape=jax.ShapeDtypeStruct((NP, 4), jnp.float32),
)



def kernel(x, edge_index, params):
    src = edge_index[0].astype(jnp.int32).reshape(NW, J, C)
    dst = edge_index[1].astype(jnp.int32).reshape(NW, J, C)
    src_g = src.reshape(NW, G, JG, C).transpose(1, 0, 2, 3)
    dst_g = dst.reshape(NW, G, JG, C).transpose(1, 0, 2, 3)
    zeros_ch = jnp.zeros((C, H), jnp.float32)
    ones_ch = jnp.ones((C, H), jnp.float32)

    degp = _sc_deg(dst, zeros_ch, ones_ch)

    b = lambda v: v.reshape(1, -1)
    x_p = jnp.pad(x, ((0, NP - N), (0, 0)))
    h, r2 = _enc(x_p, params['enc_W1'], b(params['enc_b1']),
                 params['enc_W2'], b(params['enc_b2']))

    for blk in params['blocks'][:-1]:
        parts = _sc_agg(h, src_g, dst_g, zeros_ch)
        h = _blk(parts, parts, degp, degp, h,
                 blk['Wl'], b(blk['bl']), blk['Wr'],
                 b(blk['gamma']), b(blk['beta']))

    blk = params['blocks'][-1]
    parts = _sc_agg(h, src_g, dst_g, zeros_ch)
    out = _blk_heads(parts, parts, degp, degp, h,
                     blk['Wl'], b(blk['bl']), blk['Wr'],
                     b(blk['gamma']), b(blk['beta']), r2,
                     params['d_W1'], b(params['d_b1']),
                     params['d_W2'], b(params['d_b2']),
                     params['d_W3'], b(params['d_b3']),
                     params['s_W1'], b(params['s_b1']),
                     params['s_W2'], b(params['s_b2']),
                     params['s_W3'], b(params['s_b3']))
    return out[:N]

# --- scband reference (transcript-rebuilt; emitter-appended) ---
"""Pipeline reference for scband-structural-gnn-36885179138565 (READ-ONLY COPY).

The authoritative reference and input builder live on the scoring server;
editing this copy changes nothing except your own understanding.
"""

import jax, jax.numpy as jnp
import numpy as np

N = 10000
E = 320000
F_IN = 128
H = 128
N_LAYERS = 3
LOAD_START = 0
LINEAR_SCALING = True


def _lin_init(key, fan_in, fan_out):
    return (jax.random.normal(key, (fan_in, fan_out), jnp.float32) / np.sqrt(fan_in)).astype(jnp.float32)


def _make_params(key):
    ks = iter(jax.random.split(key, 2 + 6 + 2 * N_LAYERS))
    params = {}
    params['enc_W1'] = _lin_init(next(ks), F_IN, H)
    params['enc_b1'] = jnp.zeros((H,), jnp.float32)
    params['enc_W2'] = _lin_init(next(ks), H, H)
    params['enc_b2'] = jnp.zeros((H,), jnp.float32)
    blocks = []
    for _ in range(N_LAYERS):
        blocks.append({
            'Wl': _lin_init(next(ks), H, H),
            'bl': jnp.zeros((H,), jnp.float32),
            'Wr': _lin_init(next(ks), H, H),
            'gamma': jnp.ones((H,), jnp.float32),
            'beta': jnp.zeros((H,), jnp.float32),
        })
    params['blocks'] = blocks
    params['d_W1'] = _lin_init(next(ks), H, H)
    params['d_b1'] = jnp.zeros((H,), jnp.float32)
    params['d_W2'] = _lin_init(next(ks), H, H // 2)
    params['d_b2'] = jnp.zeros((H // 2,), jnp.float32)
    params['d_W3'] = _lin_init(next(ks), H // 2, 3)
    params['d_b3'] = jnp.zeros((3,), jnp.float32)
    params['s_W1'] = _lin_init(next(ks), H, H)
    params['s_b1'] = jnp.zeros((H,), jnp.float32)
    params['s_W2'] = _lin_init(next(ks), H, H // 2)
    params['s_b2'] = jnp.zeros((H // 2,), jnp.float32)
    params['s_W3'] = _lin_init(next(ks), H // 2, 1)
    params['s_b3'] = jnp.zeros((1,), jnp.float32)
    return params


def setup_inputs(seed: int = 0):
    key = jax.random.key(seed)
    kx, ke, kp = jax.random.split(key, 3)
    x = jax.random.normal(kx, (N, F_IN), jnp.float32)
    edge_index = jax.random.randint(ke, (2, E), 0, N)
    params = _make_params(kp)
    return {'x': x, 'edge_index': edge_index, 'params': params}


def _layer_norm(h, gamma, beta):
    mu = jnp.mean(h, axis=-1, keepdims=True)
    var = jnp.var(h, axis=-1, keepdims=True)
    return (h - mu) / jnp.sqrt(var + 1e-5) * gamma + beta


def _sage_conv(x, edge_index, Wl, bl, Wr):
    # PyG SAGEConv (mean aggregation): out = lin_l(mean_{j in N(i)} x_j) + lin_r(x_i)
    src = edge_index[0]
    dst = edge_index[1]
    msg = jnp.take(x, src, axis=0)
    agg = jax.ops.segment_sum(msg, dst, num_segments=x.shape[0])
    deg = jax.ops.segment_sum(jnp.ones((edge_index.shape[1],), x.dtype), dst, num_segments=x.shape[0])
    agg = agg / jnp.clip(deg, 1.0)[:, None]
    return agg @ Wl + bl + x @ Wr


def _forward(x, params, edge_index):
    load_vec = x[:, LOAD_START:LOAD_START + 3]
    load_mag = jnp.linalg.norm(load_vec, axis=1)
    ratio = jnp.max(load_mag)
    h = jax.nn.relu(x @ params['enc_W1'] + params['enc_b1']) @ params['enc_W2'] + params['enc_b2']
    for blk in params['blocks']:
        conv = _sage_conv(h, edge_index, blk['Wl'], blk['bl'], blk['Wr'])
        h = h + jax.nn.relu(_layer_norm(conv, blk['gamma'], blk['beta']))
    d = jax.nn.relu(h @ params['d_W1'] + params['d_b1'])
    d = jax.nn.relu(d @ params['d_W2'] + params['d_b2'])
    d = d @ params['d_W3'] + params['d_b3']
    s = jax.nn.relu(h @ params['s_W1'] + params['s_b1'])
    s = jax.nn.relu(s @ params['s_W2'] + params['s_b2'])
    s = s @ params['s_W3'] + params['s_b3']
    if LINEAR_SCALING:
        d = d * ratio
        s = s * ratio
    return jnp.concatenate([d, s], axis=1)


def reference(x, edge_index, params):
    return _forward(x, params, edge_index)

if __name__ == "__main__":
    import jax
    _d = setup_inputs()
    print(jax.jit(kernel)(*tuple(_d.values())))

</pallas_src>

<mosaic_0001>
#map = affine_map<(d0, d1) -> (0, 0)>
#map1 = affine_map<(d0, d1) -> (0, 0, 0, 0)>
module attributes {stable_mosaic.version = 14 : i64} {
  func.func @_sc_agg(%arg0: i32, %arg1: i32, %arg2: memref<10240x128xf32, #tpu.memory_space<hbm>>, %arg3: memref<5x32x25x80xi32, #tpu.memory_space<hbm>>, %arg4: memref<5x32x25x80xi32, #tpu.memory_space<hbm>>, %arg5: memref<80x128xf32, #tpu.memory_space<hbm>>, %arg6: memref<20480x128xf32, #tpu.memory_space<hbm>>, %arg7: memref<25x80xi32, #tpu.memory_space<vmem>>, %arg8: memref<25x80xi32, #tpu.memory_space<vmem>>, %arg9: memref<80x128xf32, #tpu.memory_space<vmem>>, %arg10: memref<80x128xf32, #tpu.memory_space<vmem>>, %arg11: memref<80x128xf32, #tpu.memory_space<vmem>>, %arg12: memref<10240x128xf32, #tpu.memory_space<vmem_shared>>, %arg13: memref<!tpu.dma_semaphore, #tpu.memory_space<semaphore_mem>>, %arg14: memref<!tpu.dma_semaphore, #tpu.memory_space<semaphore_mem>>, %arg15: memref<!tpu.dma_semaphore, #tpu.memory_space<semaphore_mem>>) attributes {dimension_semantics = [#tpu.dimension_semantics<core_parallel>, #tpu.dimension_semantics<subcore_parallel>], iteration_bounds = array<i64: 2, 16>, scalar_prefetch = 0 : i64, scratch_operands = 9 : i64, tpu.core_type = #tpu.core_type<sc_vector_subcore>, window_params = [{transform_indices = #map}, {transform_indices = #map1}, {transform_indices = #map1}, {transform_indices = #map}, {transform_indices = #map}]} {
    %mul3A = arith.constant 16 : i32
    %mul3A_0 = arith.muli %arg0, %mul3A : i32
    %add3A = arith.addi %mul3A_0, %arg1 : i32
    %mul3A_1 = arith.constant 640 : i32
    %mul3A_2 = arith.muli %arg1, %mul3A_1 : i32
    "tpu.region"() ({
      %run_scoped3A = tpu.sem_alloc : memref<!tpu.dma_semaphore, #tpu.memory_space<semaphore_mem>>
      tpu.enqueue_dma source(%arg5 : memref<80x128xf32, #tpu.memory_space<hbm>>) target(%arg9 : memref<80x128xf32, #tpu.memory_space<vmem>>) target_semaphore(%run_scoped3A : memref<!tpu.dma_semaphore, #tpu.memory_space<semaphore_mem>>)
      tpu.wait_dma2 semaphore(%run_scoped3A : memref<!tpu.dma_semaphore, #tpu.memory_space<semaphore_mem>>) src(%arg5 : memref<80x128xf32, #tpu.memory_space<hbm>>) dst(%arg9 : memref<80x128xf32, #tpu.memory_space<vmem>>)
      tpu.yield
    }) : () -> ()
    %add3A_3 = arith.constant 0 : i32
    %add3A_4 = arith.addi %mul3A_2, %add3A_3 : i32
    "tpu.region"() ({
      %run_scoped3A = tpu.sem_alloc : memref<!tpu.dma_semaphore, #tpu.memory_space<semaphore_mem>>
      %dma_start3A = arith.constant 0 : i32
      %dma_start3A_28 = tpu.memref_slice %arg12[%add3A_4, %dma_start3A] : memref<10240x128xf32, #tpu.memory_space<vmem_shared>> -> memref<80x128xf32, #tpu.memory_space<vmem_shared>>
      %dma_start3A_29 = arith.constant 0 : i32
      %dma_start3A_30 = tpu.memref_slice %arg12[%add3A_4, %dma_start3A_29] : memref<10240x128xf32, #tpu.memory_space<vmem_shared>> -> memref<80x128xf32, #tpu.memory_space<vmem_shared>>
      tpu.enqueue_dma source(%arg9 : memref<80x128xf32, #tpu.memory_space<vmem>>) target(%dma_start3A_30 : memref<80x128xf32, #tpu.memory_space<vmem_shared>>) target_semaphore(%run_scoped3A : memref<!tpu.dma_semaphore, #tpu.memory_space<semaphore_mem>>)
      %dma_wait3A = arith.constant 0 : i32
      %dma_wait3A_31 = tpu.memref_slice %arg12[%add3A_4, %dma_wait3A] : memref<10240x128xf32, #tpu.memory_space<vmem_shared>> -> memref<80x128xf32, #tpu.memory_space<vmem_shared>>
      %dma_wait3A_32 = arith.constant 0 : i32
      %dma_wait3A_33 = tpu.memref_slice %arg12[%add3A_4, %dma_wait3A_32] : memref<10240x128xf32, #tpu.memory_space<vmem_shared>> -> memref<80x128xf32, #tpu.memory_space<vmem_shared>>
      tpu.wait_dma2 semaphore(%run_scoped3A : memref<!tpu.dma_semaphore, #tpu.memory_space<semaphore_mem>>) src(%arg9 : memref<80x128xf32, #tpu.memory_space<vmem>>) dst(%dma_wait3A_33 : memref<80x128xf32, #tpu.memory_space<vmem_shared>>)
      tpu.yield
    }) : () -> ()
    %add3A_5 = arith.constant 80 : i32
    %add3A_6 = arith.addi %mul3A_2, %add3A_5 : i32
    "tpu.region"() ({
      %run_scoped3A = tpu.sem_alloc : memref<!tpu.dma_semaphore, #tpu.memory_space<semaphore_mem>>
      %dma_start3A = arith.constant 0 : i32
      %dma_start3A_28 = tpu.memref_slice %arg12[%add3A_6, %dma_start3A] : memref<10240x128xf32, #tpu.memory_space<vmem_shared>> -> memref<80x128xf32, #tpu.memory_space<vmem_shared>>
      %dma_start3A_29 = arith.constant 0 : i32
      %dma_start3A_30 = tpu.memref_slice %arg12[%add3A_6, %dma_start3A_29] : memref<10240x128xf32, #tpu.memory_space<vmem_shared>> -> memref<80x128xf32, #tpu.memory_space<vmem_shared>>
      tpu.enqueue_dma source(%arg9 : memref<80x128xf32, #tpu.memory_space<vmem>>) target(%dma_start3A_30 : memref<80x128xf32, #tpu.memory_space<vmem_shared>>) target_semaphore(%run_scoped3A : memref<!tpu.dma_semaphore, #tpu.memory_space<semaphore_mem>>)
      %dma_wait3A = arith.constant 0 : i32
      %dma_wait3A_31 = tpu.memref_slice %arg12[%add3A_6, %dma_wait3A] : memref<10240x128xf32, #tpu.memory_space<vmem_shared>> -> memref<80x128xf32, #tpu.memory_space<vmem_shared>>
      %dma_wait3A_32 = arith.constant 0 : i32
      %dma_wait3A_33 = tpu.memref_slice %arg12[%add3A_6, %dma_wait3A_32] : memref<10240x128xf32, #tpu.memory_space<vmem_shared>> -> memref<80x128xf32, #tpu.memory_space<vmem_shared>>
      tpu.wait_dma2 semaphore(%run_scoped3A : memref<!tpu.dma_semaphore, #tpu.memory_space<semaphore_mem>>) src(%arg9 : memref<80x128xf32, #tpu.memory_space<vmem>>) dst(%dma_wait3A_33 : memref<80x128xf32, #tpu.memory_space<vmem_shared>>)
      tpu.yield
    }) : () -> ()
    %add3A_7 = arith.constant 160 : i32
    %add3A_8 = arith.addi %mul3A_2, %add3A_7 : i32
    "tpu.region"() ({
      %run_scoped3A = tpu.sem_alloc : memref<!tpu.dma_semaphore, #tpu.memory_space<semaphore_mem>>
      %dma_start3A = arith.constant 0 : i32
      %dma_start3A_28 = tpu.memref_slice %arg12[%add3A_8, %dma_start3A] : memref<10240x128xf32, #tpu.memory_space<vmem_shared>> -> memref<80x128xf32, #tpu.memory_space<vmem_shared>>
      %dma_start3A_29 = arith.constant 0 : i32
      %dma_start3A_30 = tpu.memref_slice %arg12[%add3A_8, %dma_start3A_29] : memref<10240x128xf32, #tpu.memory_space<vmem_shared>> -> memref<80x128xf32, #tpu.memory_space<vmem_shared>>
      tpu.enqueue_dma source(%arg9 : memref<80x128xf32, #tpu.memory_space<vmem>>) target(%dma_start3A_30 : memref<80x128xf32, #tpu.memory_space<vmem_shared>>) target_semaphore(%run_scoped3A : memref<!tpu.dma_semaphore, #tpu.memory_space<semaphore_mem>>)
      %dma_wait3A = arith.constant 0 : i32
      %dma_wait3A_31 = tpu.memref_slice %arg12[%add3A_8, %dma_wait3A] : memref<10240x128xf32, #tpu.memory_space<vmem_shared>> -> memref<80x128xf32, #tpu.memory_space<vmem_shared>>
      %dma_wait3A_32 = arith.constant 0 : i32
      %dma_wait3A_33 = tpu.memref_slice %arg12[%add3A_8, %dma_wait3A_32] : memref<10240x128xf32, #tpu.memory_space<vmem_shared>> -> memref<80x128xf32, #tpu.memory_space<vmem_shared>>
      tpu.wait_dma2 semaphore(%run_scoped3A : memref<!tpu.dma_semaphore, #tpu.memory_space<semaphore_mem>>) src(%arg9 : memref<80x128xf32, #tpu.memory_space<vmem>>) dst(%dma_wait3A_33 : memref<80x128xf32, #tpu.memory_space<vmem_shared>>)
      tpu.yield
    }) : () -> ()
    %add3A_9 = arith.constant 240 : i32
    %add3A_10 = arith.addi %mul3A_2, %add3A_9 : i32
    "tpu.region"() ({
      %run_scoped3A = tpu.sem_alloc : memref<!tpu.dma_semaphore, #tpu.memory_space<semaphore_mem>>
      %dma_start3A = arith.constant 0 : i32
      %dma_start3A_28 = tpu.memref_slice %arg12[%add3A_10, %dma_start3A] : memref<10240x128xf32, #tpu.memory_space<vmem_shared>> -> memref<80x128xf32, #tpu.memory_space<vmem_shared>>
      %dma_start3A_29 = arith.constant 0 : i32
      %dma_start3A_30 = tpu.memref_slice %arg12[%add3A_10, %dma_start3A_29] : memref<10240x128xf32, #tpu.memory_space<vmem_shared>> -> memref<80x128xf32, #tpu.memory_space<vmem_shared>>
      tpu.enqueue_dma source(%arg9 : memref<80x128xf32, #tpu.memory_space<vmem>>) target(%dma_start3A_30 : memref<80x128xf32, #tpu.memory_space<vmem_shared>>) target_semaphore(%run_scoped3A : memref<!tpu.dma_semaphore, #tpu.memory_space<semaphore_mem>>)
      %dma_wait3A = arith.constant 0 : i32
      %dma_wait3A_31 = tpu.memref_slice %arg12[%add3A_10, %dma_wait3A] : memref<10240x128xf32, #tpu.memory_space<vmem_shared>> -> memref<80x128xf32, #tpu.memory_space<vmem_shared>>
      %dma_wait3A_32 = arith.constant 0 : i32
      %dma_wait3A_33 = tpu.memref_slice %arg12[%add3A_10, %dma_wait3A_32] : memref<10240x128xf32, #tpu.memory_space<vmem_shared>> -> memref<80x128xf32, #tpu.memory_space<vmem_shared>>
      tpu.wait_dma2 semaphore(%run_scoped3A : memref<!tpu.dma_semaphore, #tpu.memory_space<semaphore_mem>>) src(%arg9 : memref<80x128xf32, #tpu.memory_space<vmem>>) dst(%dma_wait3A_33 : memref<80x128xf32, #tpu.memory_space<vmem_shared>>)
      tpu.yield
    }) : () -> ()
    %add3A_11 = arith.constant 320 : i32
    %add3A_12 = arith.addi %mul3A_2, %add3A_11 : i32
    "tpu.region"() ({
      %run_scoped3A = tpu.sem_alloc : memref<!tpu.dma_semaphore, #tpu.memory_space<semaphore_mem>>
      %dma_start3A = arith.constant 0 : i32
      %dma_start3A_28 = tpu.memref_slice %arg12[%add3A_12, %dma_start3A] : memref<10240x128xf32, #tpu.memory_space<vmem_shared>> -> memref<80x128xf32, #tpu.memory_space<vmem_shared>>
      %dma_start3A_29 = arith.constant 0 : i32
      %dma_start3A_30 = tpu.memref_slice %arg12[%add3A_12, %dma_start3A_29] : memref<10240x128xf32, #tpu.memory_space<vmem_shared>> -> memref<80x128xf32, #tpu.memory_space<vmem_shared>>
      tpu.enqueue_dma source(%arg9 : memref<80x128xf32, #tpu.memory_space<vmem>>) target(%dma_start3A_30 : memref<80x128xf32, #tpu.memory_space<vmem_shared>>) target_semaphore(%run_scoped3A : memref<!tpu.dma_semaphore, #tpu.memory_space<semaphore_mem>>)
      %dma_wait3A = arith.constant 0 : i32
      %dma_wait3A_31 = tpu.memref_slice %arg12[%add3A_12, %dma_wait3A] : memref<10240x128xf32, #tpu.memory_space<vmem_shared>> -> memref<80x128xf32, #tpu.memory_space<vmem_shared>>
      %dma_wait3A_32 = arith.constant 0 : i32
      %dma_wait3A_33 = tpu.memref_slice %arg12[%add3A_12, %dma_wait3A_32] : memref<10240x128xf32, #tpu.memory_space<vmem_shared>> -> memref<80x128xf32, #tpu.memory_space<vmem_shared>>
      tpu.wait_dma2 semaphore(%run_scoped3A : memref<!tpu.dma_semaphore, #tpu.memory_space<semaphore_mem>>) src(%arg9 : memref<80x128xf32, #tpu.memory_space<vmem>>) dst(%dma_wait3A_33 : memref<80x128xf32, #tpu.memory_space<vmem_shared>>)
      tpu.yield
    }) : () -> ()
    %add3A_13 = arith.constant 400 : i32
    %add3A_14 = arith.addi %mul3A_2, %add3A_13 : i32
    "tpu.region"() ({
      %run_scoped3A = tpu.sem_alloc : memref<!tpu.dma_semaphore, #tpu.memory_space<semaphore_mem>>
      %dma_start3A = arith.constant 0 : i32
      %dma_start3A_28 = tpu.memref_slice %arg12[%add3A_14, %dma_start3A] : memref<10240x128xf32, #tpu.memory_space<vmem_shared>> -> memref<80x128xf32, #tpu.memory_space<vmem_shared>>
      %dma_start3A_29 = arith.constant 0 : i32
      %dma_start3A_30 = tpu.memref_slice %arg12[%add3A_14, %dma_start3A_29] : memref<10240x128xf32, #tpu.memory_space<vmem_shared>> -> memref<80x128xf32, #tpu.memory_space<vmem_shared>>
      tpu.enqueue_dma source(%arg9 : memref<80x128xf32, #tpu.memory_space<vmem>>) target(%dma_start3A_30 : memref<80x128xf32, #tpu.memory_space<vmem_shared>>) target_semaphore(%run_scoped3A : memref<!tpu.dma_semaphore, #tpu.memory_space<semaphore_mem>>)
      %dma_wait3A = arith.constant 0 : i32
      %dma_wait3A_31 = tpu.memref_slice %arg12[%add3A_14, %dma_wait3A] : memref<10240x128xf32, #tpu.memory_space<vmem_shared>> -> memref<80x128xf32, #tpu.memory_space<vmem_shared>>
      %dma_wait3A_32 = arith.constant 0 : i32
      %dma_wait3A_33 = tpu.memref_slice %arg12[%add3A_14, %dma_wait3A_32] : memref<10240x128xf32, #tpu.memory_space<vmem_shared>> -> memref<80x128xf32, #tpu.memory_space<vmem_shared>>
      tpu.wait_dma2 semaphore(%run_scoped3A : memref<!tpu.dma_semaphore, #tpu.memory_space<semaphore_mem>>) src(%arg9 : memref<80x128xf32, #tpu.memory_space<vmem>>) dst(%dma_wait3A_33 : memref<80x128xf32, #tpu.memory_space<vmem_shared>>)
      tpu.yield
    }) : () -> ()
    %add3A_15 = arith.constant 480 : i32
    %add3A_16 = arith.addi %mul3A_2, %add3A_15 : i32
    "tpu.region"() ({
      %run_scoped3A = tpu.sem_alloc : memref<!tpu.dma_semaphore, #tpu.memory_space<semaphore_mem>>
      %dma_start3A = arith.constant 0 : i32
      %dma_start3A_28 = tpu.memref_slice %arg12[%add3A_16, %dma_start3A] : memref<10240x128xf32, #tpu.memory_space<vmem_shared>> -> memref<80x128xf32, #tpu.memory_space<vmem_shared>>
      %dma_start3A_29 = arith.constant 0 : i32
      %dma_start3A_30 = tpu.memref_slice %arg12[%add3A_16, %dma_start3A_29] : memref<10240x128xf32, #tpu.memory_space<vmem_shared>> -> memref<80x128xf32, #tpu.memory_space<vmem_shared>>
      tpu.enqueue_dma source(%arg9 : memref<80x128xf32, #tpu.memory_space<vmem>>) target(%dma_start3A_30 : memref<80x128xf32, #tpu.memory_space<vmem_shared>>) target_semaphore(%run_scoped3A : memref<!tpu.dma_semaphore, #tpu.memory_space<semaphore_mem>>)
      %dma_wait3A = arith.constant 0 : i32
      %dma_wait3A_31 = tpu.memref_slice %arg12[%add3A_16, %dma_wait3A] : memref<10240x128xf32, #tpu.memory_space<vmem_shared>> -> memref<80x128xf32, #tpu.memory_space<vmem_shared>>
      %dma_wait3A_32 = arith.constant 0 : i32
      %dma_wait3A_33 = tpu.memref_slice %arg12[%add3A_16, %dma_wait3A_32] : memref<10240x128xf32, #tpu.memory_space<vmem_shared>> -> memref<80x128xf32, #tpu.memory_space<vmem_shared>>
      tpu.wait_dma2 semaphore(%run_scoped3A : memref<!tpu.dma_semaphore, #tpu.memory_space<semaphore_mem>>) src(%arg9 : memref<80x128xf32, #tpu.memory_space<vmem>>) dst(%dma_wait3A_33 : memref<80x128xf32, #tpu.memory_space<vmem_shared>>)
      tpu.yield
    }) : () -> ()
    %add3A_17 = arith.constant 560 : i32
    %add3A_18 = arith.addi %mul3A_2, %add3A_17 : i32
    "tpu.region"() ({
      %run_scoped3A = tpu.sem_alloc : memref<!tpu.dma_semaphore, #tpu.memory_space<semaphore_mem>>
      %dma_start3A = arith.constant 0 : i32
      %dma_start3A_28 = tpu.memref_slice %arg12[%add3A_18, %dma_start3A] : memref<10240x128xf32, #tpu.memory_space<vmem_shared>> -> memref<80x128xf32, #tpu.memory_space<vmem_shared>>
      %dma_start3A_29 = arith.constant 0 : i32
      %dma_start3A_30 = tpu.memref_slice %arg12[%add3A_18, %dma_start3A_29] : memref<10240x128xf32, #tpu.memory_space<vmem_shared>> -> memref<80x128xf32, #tpu.memory_space<vmem_shared>>
      tpu.enqueue_dma source(%arg9 : memref<80x128xf32, #tpu.memory_space<vmem>>) target(%dma_start3A_30 : memref<80x128xf32, #tpu.memory_space<vmem_shared>>) target_semaphore(%run_scoped3A : memref<!tpu.dma_semaphore, #tpu.memory_space<semaphore_mem>>)
      %dma_wait3A = arith.constant 0 : i32
      %dma_wait3A_31 = tpu.memref_slice %arg12[%add3A_18, %dma_wait3A] : memref<10240x128xf32, #tpu.memory_space<vmem_shared>> -> memref<80x128xf32, #tpu.memory_space<vmem_shared>>
      %dma_wait3A_32 = arith.constant 0 : i32
      %dma_wait3A_33 = tpu.memref_slice %arg12[%add3A_18, %dma_wait3A_32] : memref<10240x128xf32, #tpu.memory_space<vmem_shared>> -> memref<80x128xf32, #tpu.memory_space<vmem_shared>>
      tpu.wait_dma2 semaphore(%run_scoped3A : memref<!tpu.dma_semaphore, #tpu.memory_space<semaphore_mem>>) src(%arg9 : memref<80x128xf32, #tpu.memory_space<vmem>>) dst(%dma_wait3A_33 : memref<80x128xf32, #tpu.memory_space<vmem_shared>>)
      tpu.yield
    }) : () -> ()
    %barrier3A = arith.constant 0 : index
    tpu.barrier barrier_id(%barrier3A)
    %scan3A = arith.constant 0 : i32
    %scan3A_19 = arith.constant 0 : i32
    %scan3A_20 = arith.constant 5 : i32
    %scan3A_21 = arith.addi %scan3A_19, %scan3A_20 : i32
    %scan3A_22 = arith.constant 1 : i32
    scf.for %scan3A_28 = %scan3A_19 to %scan3A_21 step %scan3A_22  : i32 {
      "tpu.region"() ({
        %run_scoped3A_92 = tpu.sem_alloc : memref<!tpu.dma_semaphore, #tpu.memory_space<semaphore_mem>>
        %dma_start3A_93 = arith.constant 0 : i32
        %dma_start3A_94 = arith.constant 0 : i32
        %dma_start3A_95 = tpu.memref_slice %arg3[%scan3A_28, %add3A, %dma_start3A_93, %dma_start3A_94] : memref<5x32x25x80xi32, #tpu.memory_space<hbm>> -> memref<1x1x25x80xi32, #tpu.memory_space<hbm>>
        %dma_start3A_96 = tpu.memref_squeeze %dma_start3A_95 : memref<1x1x25x80xi32, #tpu.memory_space<hbm>> -> memref<25x80xi32, #tpu.memory_space<hbm>>
        %dma_start3A_97 = arith.constant 0 : i32
        %dma_start3A_98 = arith.constant 0 : i32
        %dma_start3A_99 = tpu.memref_slice %arg3[%scan3A_28, %add3A, %dma_start3A_97, %dma_start3A_98] : memref<5x32x25x80xi32, #tpu.memory_space<hbm>> -> memref<1x1x25x80xi32, #tpu.memory_space<hbm>>
        %dma_start3A_100 = tpu.memref_squeeze %dma_start3A_99 : memref<1x1x25x80xi32, #tpu.memory_space<hbm>> -> memref<25x80xi32, #tpu.memory_space<hbm>>
        tpu.enqueue_dma source(%dma_start3A_100 : memref<25x80xi32, #tpu.memory_space<hbm>>) target(%arg7 : memref<25x80xi32, #tpu.memory_space<vmem>>) target_semaphore(%run_scoped3A_92 : memref<!tpu.dma_semaphore, #tpu.memory_space<semaphore_mem>>)
        %dma_wait3A_101 = arith.constant 0 : i32
        %dma_wait3A_102 = arith.constant 0 : i32
        %dma_wait3A_103 = tpu.memref_slice %arg3[%scan3A_28, %add3A, %dma_wait3A_101, %dma_wait3A_102] : memref<5x32x25x80xi32, #tpu.memory_space<hbm>> -> memref<1x1x25x80xi32, #tpu.memory_space<hbm>>
        %dma_wait3A_104 = tpu.memref_squeeze %dma_wait3A_103 : memref<1x1x25x80xi32, #tpu.memory_space<hbm>> -> memref<25x80xi32, #tpu.memory_space<hbm>>
        %dma_wait3A_105 = arith.constant 0 : i32
        %dma_wait3A_106 = arith.constant 0 : i32
        %dma_wait3A_107 = tpu.memref_slice %arg3[%scan3A_28, %add3A, %dma_wait3A_105, %dma_wait3A_106] : memref<5x32x25x80xi32, #tpu.memory_space<hbm>> -> memref<1x1x25x80xi32, #tpu.memory_space<hbm>>
        %dma_wait3A_108 = tpu.memref_squeeze %dma_wait3A_107 : memref<1x1x25x80xi32, #tpu.memory_space<hbm>> -> memref<25x80xi32, #tpu.memory_space<hbm>>
        tpu.wait_dma2 semaphore(%run_scoped3A_92 : memref<!tpu.dma_semaphore, #tpu.memory_space<semaphore_mem>>) src(%dma_wait3A_108 : memref<25x80xi32, #tpu.memory_space<hbm>>) dst(%arg7 : memref<25x80xi32, #tpu.memory_space<vmem>>)
        tpu.yield
      }) : () -> ()
      "tpu.region"() ({
        %run_scoped3A_92 = tpu.sem_alloc : memref<!tpu.dma_semaphore, #tpu.memory_space<semaphore_mem>>
        %dma_start3A_93 = arith.constant 0 : i32
        %dma_start3A_94 = arith.constant 0 : i32
        %dma_start3A_95 = tpu.memref_slice %arg4[%scan3A_28, %add3A, %dma_start3A_93, %dma_start3A_94] : memref<5x32x25x80xi32, #tpu.memory_space<hbm>> -> memref<1x1x25x80xi32, #tpu.memory_space<hbm>>
        %dma_start3A_96 = tpu.memref_squeeze %dma_start3A_95 : memref<1x1x25x80xi32, #tpu.memory_space<hbm>> -> memref<25x80xi32, #tpu.memory_space<hbm>>
        %dma_start3A_97 = arith.constant 0 : i32
        %dma_start3A_98 = arith.constant 0 : i32
        %dma_start3A_99 = tpu.memref_slice %arg4[%scan3A_28, %add3A, %dma_start3A_97, %dma_start3A_98] : memref<5x32x25x80xi32, #tpu.memory_space<hbm>> -> memref<1x1x25x80xi32, #tpu.memory_space<hbm>>
        %dma_start3A_100 = tpu.memref_squeeze %dma_start3A_99 : memref<1x1x25x80xi32, #tpu.memory_space<hbm>> -> memref<25x80xi32, #tpu.memory_space<hbm>>
        tpu.enqueue_dma source(%dma_start3A_100 : memref<25x80xi32, #tpu.memory_space<hbm>>) target(%arg8 : memref<25x80xi32, #tpu.memory_space<vmem>>) target_semaphore(%run_scoped3A_92 : memref<!tpu.dma_semaphore, #tpu.memory_space<semaphore_mem>>)
        %dma_wait3A_101 = arith.constant 0 : i32
        %dma_wait3A_102 = arith.constant 0 : i32
        %dma_wait3A_103 = tpu.memref_slice %arg4[%scan3A_28, %add3A, %dma_wait3A_101, %dma_wait3A_102] : memref<5x32x25x80xi32, #tpu.memory_space<hbm>> -> memref<1x1x25x80xi32, #tpu.memory_space<hbm>>
        %dma_wait3A_104 = tpu.memref_squeeze %dma_wait3A_103 : memref<1x1x25x80xi32, #tpu.memory_space<hbm>> -> memref<25x80xi32, #tpu.memory_space<hbm>>
        %dma_wait3A_105 = arith.constant 0 : i32
        %dma_wait3A_106 = arith.constant 0 : i32
        %dma_wait3A_107 = tpu.memref_slice %arg4[%scan3A_28, %add3A, %dma_wait3A_105, %dma_wait3A_106] : memref<5x32x25x80xi32, #tpu.memory_space<hbm>> -> memref<1x1x25x80xi32, #tpu.memory_space<hbm>>
        %dma_wait3A_108 = tpu.memref_squeeze %dma_wait3A_107 : memref<1x1x25x80xi32, #tpu.memory_space<hbm>> -> memref<25x80xi32, #tpu.memory_space<hbm>>
        tpu.wait_dma2 semaphore(%run_scoped3A_92 : memref<!tpu.dma_semaphore, #tpu.memory_space<semaphore_mem>>) src(%dma_wait3A_108 : memref<25x80xi32, #tpu.memory_space<hbm>>) dst(%arg8 : memref<25x80xi32, #tpu.memory_space<vmem>>)
        tpu.yield
      }) : () -> ()
      %dma_start3A = arith.constant 0 : i32
      %dma_start3A_29 = arith.constant 0 : i32
      %dma_start3A_30 = tpu.memref_slice %arg7[%dma_start3A, %dma_start3A_29] : memref<25x80xi32, #tpu.memory_space<vmem>> -> memref<1x80xi32, #tpu.memory_space<vmem>>
      %dma_start3A_31 = tpu.memref_squeeze %dma_start3A_30 : memref<1x80xi32, #tpu.memory_space<vmem>> -> memref<80xi32, #tpu.memory_space<vmem>>
      %dma_start3A_32 = arith.constant 0 : i32
      %dma_start3A_33 = arith.constant 0 : i32
      %dma_start3A_34 = tpu.memref_slice %arg2[%dma_start3A_32, %dma_start3A_33] : memref<10240x128xf32, #tpu.memory_space<hbm>> -> memref<10240x128xf32, #tpu.memory_space<hbm>>
      tpu.enqueue_indirect_dma source(%dma_start3A_34 : memref<10240x128xf32, #tpu.memory_space<hbm>>) target(%arg9 : memref<80x128xf32, #tpu.memory_space<vmem>>) offsets(%dma_start3A_31 : memref<80xi32, #tpu.memory_space<vmem>>) semaphore(%arg13 : memref<!tpu.dma_semaphore, #tpu.memory_space<semaphore_mem>>)
      %dma_start3A_35 = arith.constant 1 : i32
      %dma_start3A_36 = arith.constant 0 : i32
      %dma_start3A_37 = tpu.memref_slice %arg7[%dma_start3A_35, %dma_start3A_36] : memref<25x80xi32, #tpu.memory_space<vmem>> -> memref<1x80xi32, #tpu.memory_space<vmem>>
      %dma_start3A_38 = tpu.memref_squeeze %dma_start3A_37 : memref<1x80xi32, #tpu.memory_space<vmem>> -> memref<80xi32, #tpu.memory_space<vmem>>
      %dma_start3A_39 = arith.constant 0 : i32
      %dma_start3A_40 = arith.constant 0 : i32
      %dma_start3A_41 = tpu.memref_slice %arg2[%dma_start3A_39, %dma_start3A_40] : memref<10240x128xf32, #tpu.memory_space<hbm>> -> memref<10240x128xf32, #tpu.memory_space<hbm>>
      tpu.enqueue_indirect_dma source(%dma_start3A_41 : memref<10240x128xf32, #tpu.memory_space<hbm>>) target(%arg10 : memref<80x128xf32, #tpu.memory_space<vmem>>) offsets(%dma_start3A_38 : memref<80xi32, #tpu.memory_space<vmem>>) semaphore(%arg14 : memref<!tpu.dma_semaphore, #tpu.memory_space<semaphore_mem>>)
      %dma_start3A_42 = arith.constant 2 : i32
      %dma_start3A_43 = arith.constant 0 : i32
      %dma_start3A_44 = tpu.memref_slice %arg7[%dma_start3A_42, %dma_start3A_43] : memref<25x80xi32, #tpu.memory_space<vmem>> -> memref<1x80xi32, #tpu.memory_space<vmem>>
      %dma_start3A_45 = tpu.memref_squeeze %dma_start3A_44 : memref<1x80xi32, #tpu.memory_space<vmem>> -> memref<80xi32, #tpu.memory_space<vmem>>
      %dma_start3A_46 = arith.constant 0 : i32
      %dma_start3A_47 = arith.constant 0 : i32
      %dma_start3A_48 = tpu.memref_slice %arg2[%dma_start3A_46, %dma_start3A_47] : memref<10240x128xf32, #tpu.memory_space<hbm>> -> memref<10240x128xf32, #tpu.memory_space<hbm>>
      tpu.enqueue_indirect_dma source(%dma_start3A_48 : memref<10240x128xf32, #tpu.memory_space<hbm>>) target(%arg11 : memref<80x128xf32, #tpu.memory_space<vmem>>) offsets(%dma_start3A_45 : memref<80xi32, #tpu.memory_space<vmem>>) semaphore(%arg15 : memref<!tpu.dma_semaphore, #tpu.memory_space<semaphore_mem>>)
      %scan3A_49 = arith.constant 0 : i32
      %scan3A_50 = arith.constant 0 : i32
      %scan3A_51 = arith.constant 7 : i32
      %scan3A_52 = arith.addi %scan3A_50, %scan3A_51 : i32
      %scan3A_53 = arith.constant 1 : i32
      scf.for %scan3A_92 = %scan3A_50 to %scan3A_52 step %scan3A_53  : i32 {
        %mul3A_93 = arith.constant 3 : i32
        %mul3A_94 = arith.muli %mul3A_93, %scan3A_92 : i32
        %add3A_95 = arith.constant 0 : i32
        %add3A_96 = arith.addi %mul3A_94, %add3A_95 : i32
        %dma_wait3A_97 = arith.constant 0 : i32
        %dma_wait3A_98 = tpu.memref_slice %arg7[%add3A_96, %dma_wait3A_97] : memref<25x80xi32, #tpu.memory_space<vmem>> -> memref<1x80xi32, #tpu.memory_space<vmem>>
        %dma_wait3A_99 = tpu.memref_squeeze %dma_wait3A_98 : memref<1x80xi32, #tpu.memory_space<vmem>> -> memref<80xi32, #tpu.memory_space<vmem>>
        %dma_wait3A_100 = arith.constant 0 : i32
        %dma_wait3A_101 = arith.constant 0 : i32
        %dma_wait3A_102 = tpu.memref_slice %arg2[%dma_wait3A_100, %dma_wait3A_101] : memref<10240x128xf32, #tpu.memory_space<hbm>> -> memref<10240x128xf32, #tpu.memory_space<hbm>>
        tpu.wait_indirect_dma semaphore(%arg13 : memref<!tpu.dma_semaphore, #tpu.memory_space<semaphore_mem>>) src(%dma_wait3A_102 : memref<10240x128xf32, #tpu.memory_space<hbm>>) dst(%arg9 : memref<80x128xf32, #tpu.memory_space<vmem>>)
        "tpu.region"() ({
          %run_scoped3A_143 = tpu.sem_alloc : memref<!tpu.dma_semaphore, #tpu.memory_space<semaphore_mem>>
          %dma_start3A_144 = arith.constant 0 : i32
          %dma_start3A_145 = tpu.memref_slice %arg8[%add3A_96, %dma_start3A_144] : memref<25x80xi32, #tpu.memory_space<vmem>> -> memref<1x80xi32, #tpu.memory_space<vmem>>
          %dma_start3A_146 = tpu.memref_squeeze %dma_start3A_145 : memref<1x80xi32, #tpu.memory_space<vmem>> -> memref<80xi32, #tpu.memory_space<vmem>>
          %dma_start3A_147 = arith.constant 0 : i32
          %dma_start3A_148 = arith.constant 0 : i32
          %dma_start3A_149 = tpu.memref_slice %arg12[%dma_start3A_147, %dma_start3A_148] : memref<10240x128xf32, #tpu.memory_space<vmem_shared>> -> memref<10240x128xf32, #tpu.memory_space<vmem_shared>>
          tpu.enqueue_indirect_dma source(%arg9 : memref<80x128xf32, #tpu.memory_space<vmem>>) target(%dma_start3A_149 : memref<10240x128xf32, #tpu.memory_space<vmem_shared>>) offsets(%dma_start3A_146 : memref<80xi32, #tpu.memory_space<vmem>>) semaphore(%run_scoped3A_143 : memref<!tpu.dma_semaphore, #tpu.memory_space<semaphore_mem>>) {add = true}
          %dma_wait3A_150 = arith.constant 0 : i32
          %dma_wait3A_151 = tpu.memref_slice %arg8[%add3A_96, %dma_wait3A_150] : memref<25x80xi32, #tpu.memory_space<vmem>> -> memref<1x80xi32, #tpu.memory_space<vmem>>
          %dma_wait3A_152 = tpu.memref_squeeze %dma_wait3A_151 : memref<1x80xi32, #tpu.memory_space<vmem>> -> memref<80xi32, #tpu.memory_space<vmem>>
          %dma_wait3A_153 = arith.constant 0 : i32
          %dma_wait3A_154 = arith.constant 0 : i32
          %dma_wait3A_155 = tpu.memref_slice %arg12[%dma_wait3A_153, %dma_wait3A_154] : memref<10240x128xf32, #tpu.memory_space<vmem_shared>> -> memref<10240x128xf32, #tpu.memory_space<vmem_shared>>
          tpu.wait_indirect_dma semaphore(%run_scoped3A_143 : memref<!tpu.dma_semaphore, #tpu.memory_space<semaphore_mem>>) src(%arg9 : memref<80x128xf32, #tpu.memory_space<vmem>>) dst(%dma_wait3A_155 : memref<10240x128xf32, #tpu.memory_space<vmem_shared>>)
          tpu.yield
        }) : () -> ()
        %add3A_103 = arith.constant 3 : i32
        %add3A_104 = arith.addi %add3A_96, %add3A_103 : i32
        %dma_start3A_105 = arith.constant 0 : i32
        %dma_start3A_106 = tpu.memref_slice %arg7[%add3A_104, %dma_start3A_105] : memref<25x80xi32, #tpu.memory_space<vmem>> -> memref<1x80xi32, #tpu.memory_space<vmem>>
        %dma_start3A_107 = tpu.memref_squeeze %dma_start3A_106 : memref<1x80xi32, #tpu.memory_space<vmem>> -> memref<80xi32, #tpu.memory_space<vmem>>
        %dma_start3A_108 = arith.constant 0 : i32
        %dma_start3A_109 = arith.constant 0 : i32
        %dma_start3A_110 = tpu.memref_slice %arg2[%dma_start3A_108, %dma_start3A_109] : memref<10240x128xf32, #tpu.memory_space<hbm>> -> memref<10240x128xf32, #tpu.memory_space<hbm>>
        tpu.enqueue_indirect_dma source(%dma_start3A_110 : memref<10240x128xf32, #tpu.memory_space<hbm>>) target(%arg9 : memref<80x128xf32, #tpu.memory_space<vmem>>) offsets(%dma_start3A_107 : memref<80xi32, #tpu.memory_space<vmem>>) semaphore(%arg13 : memref<!tpu.dma_semaphore, #tpu.memory_space<semaphore_mem>>)
        %add3A_111 = arith.constant 1 : i32
        %add3A_112 = arith.addi %mul3A_94, %add3A_111 : i32
        %dma_wait3A_113 = arith.constant 0 : i32
        %dma_wait3A_114 = tpu.memref_slice %arg7[%add3A_112, %dma_wait3A_113] : memref<25x80xi32, #tpu.memory_space<vmem>> -> memref<1x80xi32, #tpu.memory_space<vmem>>
        %dma_wait3A_115 = tpu.memref_squeeze %dma_wait3A_114 : memref<1x80xi32, #tpu.memory_space<vmem>> -> memref<80xi32, #tpu.memory_space<vmem>>
        %dma_wait3A_116 = arith.constant 0 : i32
        %dma_wait3A_117 = arith.constant 0 : i32
        %dma_wait3A_118 = tpu.memref_slice %arg2[%dma_wait3A_116, %dma_wait3A_117] : memref<10240x128xf32, #tpu.memory_space<hbm>> -> memref<10240x128xf32, #tpu.memory_space<hbm>>
        tpu.wait_indirect_dma semaphore(%arg14 : memref<!tpu.dma_semaphore, #tpu.memory_space<semaphore_mem>>) src(%dma_wait3A_118 : memref<10240x128xf32, #tpu.memory_space<hbm>>) dst(%arg10 : memref<80x128xf32, #tpu.memory_space<vmem>>)
        "tpu.region"() ({
          %run_scoped3A_143 = tpu.sem_alloc : memref<!tpu.dma_semaphore, #tpu.memory_space<semaphore_mem>>
          %dma_start3A_144 = arith.constant 0 : i32
          %dma_start3A_145 = tpu.memref_slice %arg8[%add3A_112, %dma_start3A_144] : memref<25x80xi32, #tpu.memory_space<vmem>> -> memref<1x80xi32, #tpu.memory_space<vmem>>
          %dma_start3A_146 = tpu.memref_squeeze %dma_start3A_145 : memref<1x80xi32, #tpu.memory_space<vmem>> -> memref<80xi32, #tpu.memory_space<vmem>>
          %dma_start3A_147 = arith.constant 0 : i32
          %dma_start3A_148 = arith.constant 0 : i32
          %dma_start3A_149 = tpu.memref_slice %arg12[%dma_start3A_147, %dma_start3A_148] : memref<10240x128xf32, #tpu.memory_space<vmem_shared>> -> memref<10240x128xf32, #tpu.memory_space<vmem_shared>>
          tpu.enqueue_indirect_dma source(%arg10 : memref<80x128xf32, #tpu.memory_space<vmem>>) target(%dma_start3A_149 : memref<10240x128xf32, #tpu.memory_space<vmem_shared>>) offsets(%dma_start3A_146 : memref<80xi32, #tpu.memory_space<vmem>>) semaphore(%run_scoped3A_143 : memref<!tpu.dma_semaphore, #tpu.memory_space<semaphore_mem>>) {add = true}
          %dma_wait3A_150 = arith.constant 0 : i32
          %dma_wait3A_151 = tpu.memref_slice %arg8[%add3A_112, %dma_wait3A_150] : memref<25x80xi32, #tpu.memory_space<vmem>> -> memref<1x80xi32, #tpu.memory_space<vmem>>
          %dma_wait3A_152 = tpu.memref_squeeze %dma_wait3A_151 : memref<1x80xi32, #tpu.memory_space<vmem>> -> memref<80xi32, #tpu.memory_space<vmem>>
          %dma_wait3A_153 = arith.constant 0 : i32
          %dma_wait3A_154 = arith.constant 0 : i32
          %dma_wait3A_155 = tpu.memref_slice %arg12[%dma_wait3A_153, %dma_wait3A_154] : memref<10240x128xf32, #tpu.memory_space<vmem_shared>> -> memref<10240x128xf32, #tpu.memory_space<vmem_shared>>
          tpu.wait_indirect_dma semaphore(%run_scoped3A_143 : memref<!tpu.dma_semaphore, #tpu.memory_space<semaphore_mem>>) src(%arg10 : memref<80x128xf32, #tpu.memory_space<vmem>>) dst(%dma_wait3A_155 : memref<10240x128xf32, #tpu.memory_space<vmem_shared>>)
          tpu.yield
        }) : () -> ()
        %add3A_119 = arith.constant 3 : i32
        %add3A_120 = arith.addi %add3A_112, %add3A_119 : i32
        %dma_start3A_121 = arith.constant 0 : i32
        %dma_start3A_122 = tpu.memref_slice %arg7[%add3A_120, %dma_start3A_121] : memref<25x80xi32, #tpu.memory_space<vmem>> -> memref<1x80xi32, #tpu.memory_space<vmem>>
        %dma_start3A_123 = tpu.memref_squeeze %dma_start3A_122 : memref<1x80xi32, #tpu.memory_space<vmem>> -> memref<80xi32, #tpu.memory_space<vmem>>
        %dma_start3A_124 = arith.constant 0 : i32
        %dma_start3A_125 = arith.constant 0 : i32
        %dma_start3A_126 = tpu.memref_slice %arg2[%dma_start3A_124, %dma_start3A_125] : memref<10240x128xf32, #tpu.memory_space<hbm>> -> memref<10240x128xf32, #tpu.memory_space<hbm>>
        tpu.enqueue_indirect_dma source(%dma_start3A_126 : memref<10240x128xf32, #tpu.memory_space<hbm>>) target(%arg10 : memref<80x128xf32, #tpu.memory_space<vmem>>) offsets(%dma_start3A_123 : memref<80xi32, #tpu.memory_space<vmem>>) semaphore(%arg14 : memref<!tpu.dma_semaphore, #tpu.memory_space<semaphore_mem>>)
        %add3A_127 = arith.constant 2 : i32
        %add3A_128 = arith.addi %mul3A_94, %add3A_127 : i32
        %dma_wait3A_129 = arith.constant 0 : i32
        %dma_wait3A_130 = tpu.memref_slice %arg7[%add3A_128, %dma_wait3A_129] : memref<25x80xi32, #tpu.memory_space<vmem>> -> memref<1x80xi32, #tpu.memory_space<vmem>>
        %dma_wait3A_131 = tpu.memref_squeeze %dma_wait3A_130 : memref<1x80xi32, #tpu.memory_space<vmem>> -> memref<80xi32, #tpu.memory_space<vmem>>
        %dma_wait3A_132 = arith.constant 0 : i32
        %dma_wait3A_133 = arith.constant 0 : i32
        %dma_wait3A_134 = tpu.memref_slice %arg2[%dma_wait3A_132, %dma_wait3A_133] : memref<10240x128xf32, #tpu.memory_space<hbm>> -> memref<10240x128xf32, #tpu.memory_space<hbm>>
        tpu.wait_indirect_dma semaphore(%arg15 : memref<!tpu.dma_semaphore, #tpu.memory_space<semaphore_mem>>) src(%dma_wait3A_134 : memref<10240x128xf32, #tpu.memory_space<hbm>>) dst(%arg11 : memref<80x128xf32, #tpu.memory_space<vmem>>)
        "tpu.region"() ({
          %run_scoped3A_143 = tpu.sem_alloc : memref<!tpu.dma_semaphore, #tpu.memory_space<semaphore_mem>>
          %dma_start3A_144 = arith.constant 0 : i32
          %dma_start3A_145 = tpu.memref_slice %arg8[%add3A_128, %dma_start3A_144] : memref<25x80xi32, #tpu.memory_space<vmem>> -> memref<1x80xi32, #tpu.memory_space<vmem>>
          %dma_start3A_146 = tpu.memref_squeeze %dma_start3A_145 : memref<1x80xi32, #tpu.memory_space<vmem>> -> memref<80xi32, #tpu.memory_space<vmem>>
          %dma_start3A_147 = arith.constant 0 : i32
          %dma_start3A_148 = arith.constant 0 : i32
          %dma_start3A_149 = tpu.memref_slice %arg12[%dma_start3A_147, %dma_start3A_148] : memref<10240x128xf32, #tpu.memory_space<vmem_shared>> -> memref<10240x128xf32, #tpu.memory_space<vmem_shared>>
          tpu.enqueue_indirect_dma source(%arg11 : memref<80x128xf32, #tpu.memory_space<vmem>>) target(%dma_start3A_149 : memref<10240x128xf32, #tpu.memory_space<vmem_shared>>) offsets(%dma_start3A_146 : memref<80xi32, #tpu.memory_space<vmem>>) semaphore(%run_scoped3A_143 : memref<!tpu.dma_semaphore, #tpu.memory_space<semaphore_mem>>) {add = true}
          %dma_wait3A_150 = arith.constant 0 : i32
          %dma_wait3A_151 = tpu.memref_slice %arg8[%add3A_128, %dma_wait3A_150] : memref<25x80xi32, #tpu.memory_space<vmem>> -> memref<1x80xi32, #tpu.memory_space<vmem>>
          %dma_wait3A_152 = tpu.memref_squeeze %dma_wait3A_151 : memref<1x80xi32, #tpu.memory_space<vmem>> -> memref<80xi32, #tpu.memory_space<vmem>>
          %dma_wait3A_153 = arith.constant 0 : i32
          %dma_wait3A_154 = arith.constant 0 : i32
          %dma_wait3A_155 = tpu.memref_slice %arg12[%dma_wait3A_153, %dma_wait3A_154] : memref<10240x128xf32, #tpu.memory_space<vmem_shared>> -> memref<10240x128xf32, #tpu.memory_space<vmem_shared>>
          tpu.wait_indirect_dma semaphore(%run_scoped3A_143 : memref<!tpu.dma_semaphore, #tpu.memory_space<semaphore_mem>>) src(%arg11 : memref<80x128xf32, #tpu.memory_space<vmem>>) dst(%dma_wait3A_155 : memref<10240x128xf32, #tpu.memory_space<vmem_shared>>)
          tpu.yield
        }) : () -> ()
        %add3A_135 = arith.constant 3 : i32
        %add3A_136 = arith.addi %add3A_128, %add3A_135 : i32
        %dma_start3A_137 = arith.constant 0 : i32
        %dma_start3A_138 = tpu.memref_slice %arg7[%add3A_136, %dma_start3A_137] : memref<25x80xi32, #tpu.memory_space<vmem>> -> memref<1x80xi32, #tpu.memory_space<vmem>>
        %dma_start3A_139 = tpu.memref_squeeze %dma_start3A_138 : memref<1x80xi32, #tpu.memory_space<vmem>> -> memref<80xi32, #tpu.memory_space<vmem>>
        %dma_start3A_140 = arith.constant 0 : i32
        %dma_start3A_141 = arith.constant 0 : i32
        %dma_start3A_142 = tpu.memref_slice %arg2[%dma_start3A_140, %dma_start3A_141] : memref<10240x128xf32, #tpu.memory_space<hbm>> -> memref<10240x128xf32, #tpu.memory_space<hbm>>
        tpu.enqueue_indirect_dma source(%dma_start3A_142 : memref<10240x128xf32, #tpu.memory_space<hbm>>) target(%arg11 : memref<80x128xf32, #tpu.memory_space<vmem>>) offsets(%dma_start3A_139 : memref<80xi32, #tpu.memory_space<vmem>>) semaphore(%arg15 : memref<!tpu.dma_semaphore, #tpu.memory_space<semaphore_mem>>)
      }
      %scan3A_54 = arith.constant 7 : i32
      %dma_wait3A = arith.constant 21 : i32
      %dma_wait3A_55 = arith.constant 0 : i32
      %dma_wait3A_56 = tpu.memref_slice %arg7[%dma_wait3A, %dma_wait3A_55] : memref<25x80xi32, #tpu.memory_space<vmem>> -> memref<1x80xi32, #tpu.memory_space<vmem>>
      %dma_wait3A_57 = tpu.memref_squeeze %dma_wait3A_56 : memref<1x80xi32, #tpu.memory_space<vmem>> -> memref<80xi32, #tpu.memory_space<vmem>>
      %dma_wait3A_58 = arith.constant 0 : i32
      %dma_wait3A_59 = arith.constant 0 : i32
      %dma_wait3A_60 = tpu.memref_slice %arg2[%dma_wait3A_58, %dma_wait3A_59] : memref<10240x128xf32, #tpu.memory_space<hbm>> -> memref<10240x128xf32, #tpu.memory_space<hbm>>
      tpu.wait_indirect_dma semaphore(%arg13 : memref<!tpu.dma_semaphore, #tpu.memory_space<semaphore_mem>>) src(%dma_wait3A_60 : memref<10240x128xf32, #tpu.memory_space<hbm>>) dst(%arg9 : memref<80x128xf32, #tpu.memory_space<vmem>>)
      %run_scoped3A = arith.constant 21 : i32
      "tpu.region"() ({
        %run_scoped3A_92 = tpu.sem_alloc : memref<!tpu.dma_semaphore, #tpu.memory_space<semaphore_mem>>
        %dma_start3A_93 = arith.constant 0 : i32
        %dma_start3A_94 = tpu.memref_slice %arg8[%run_scoped3A, %dma_start3A_93] : memref<25x80xi32, #tpu.memory_space<vmem>> -> memref<1x80xi32, #tpu.memory_space<vmem>>
        %dma_start3A_95 = tpu.memref_squeeze %dma_start3A_94 : memref<1x80xi32, #tpu.memory_space<vmem>> -> memref<80xi32, #tpu.memory_space<vmem>>
        %dma_start3A_96 = arith.constant 0 : i32
        %dma_start3A_97 = arith.constant 0 : i32
        %dma_start3A_98 = tpu.memref_slice %arg12[%dma_start3A_96, %dma_start3A_97] : memref<10240x128xf32, #tpu.memory_space<vmem_shared>> -> memref<10240x128xf32, #tpu.memory_space<vmem_shared>>
        tpu.enqueue_indirect_dma source(%arg9 : memref<80x128xf32, #tpu.memory_space<vmem>>) target(%dma_start3A_98 : memref<10240x128xf32, #tpu.memory_space<vmem_shared>>) offsets(%dma_start3A_95 : memref<80xi32, #tpu.memory_space<vmem>>) semaphore(%run_scoped3A_92 : memref<!tpu.dma_semaphore, #tpu.memory_space<semaphore_mem>>) {add = true}
        %dma_wait3A_99 = arith.constant 0 : i32
        %dma_wait3A_100 = tpu.memref_slice %arg8[%run_scoped3A, %dma_wait3A_99] : memref<25x80xi32, #tpu.memory_space<vmem>> -> memref<1x80xi32, #tpu.memory_space<vmem>>
        %dma_wait3A_101 = tpu.memref_squeeze %dma_wait3A_100 : memref<1x80xi32, #tpu.memory_space<vmem>> -> memref<80xi32, #tpu.memory_space<vmem>>
        %dma_wait3A_102 = arith.constant 0 : i32
        %dma_wait3A_103 = arith.constant 0 : i32
        %dma_wait3A_104 = tpu.memref_slice %arg12[%dma_wait3A_102, %dma_wait3A_103] : memref<10240x128xf32, #tpu.memory_space<vmem_shared>> -> memref<10240x128xf32, #tpu.memory_space<vmem_shared>>
        tpu.wait_indirect_dma semaphore(%run_scoped3A_92 : memref<!tpu.dma_semaphore, #tpu.memory_space<semaphore_mem>>) src(%arg9 : memref<80x128xf32, #tpu.memory_space<vmem>>) dst(%dma_wait3A_104 : memref<10240x128xf32, #tpu.memory_space<vmem_shared>>)
        tpu.yield
      }) : () -> ()
      %dma_start3A_61 = arith.constant 24 : i32
      %dma_start3A_62 = arith.constant 0 : i32
      %dma_start3A_63 = tpu.memref_slice %arg7[%dma_start3A_61, %dma_start3A_62] : memref<25x80xi32, #tpu.memory_space<vmem>> -> memref<1x80xi32, #tpu.memory_space<vmem>>
      %dma_start3A_64 = tpu.memref_squeeze %dma_start3A_63 : memref<1x80xi32, #tpu.memory_space<vmem>> -> memref<80xi32, #tpu.memory_space<vmem>>
      %dma_start3A_65 = arith.constant 0 : i32
      %dma_start3A_66 = arith.constant 0 : i32
      %dma_start3A_67 = tpu.memref_slice %arg2[%dma_start3A_65, %dma_start3A_66] : memref<10240x128xf32, #tpu.memory_space<hbm>> -> memref<10240x128xf32, #tpu.memory_space<hbm>>
      tpu.enqueue_indirect_dma source(%dma_start3A_67 : memref<10240x128xf32, #tpu.memory_space<hbm>>) target(%arg9 : memref<80x128xf32, #tpu.memory_space<vmem>>) offsets(%dma_start3A_64 : memref<80xi32, #tpu.memory_space<vmem>>) semaphore(%arg13 : memref<!tpu.dma_semaphore, #tpu.memory_space<semaphore_mem>>)
      %dma_wait3A_68 = arith.constant 22 : i32
      %dma_wait3A_69 = arith.constant 0 : i32
      %dma_wait3A_70 = tpu.memref_slice %arg7[%dma_wait3A_68, %dma_wait3A_69] : memref<25x80xi32, #tpu.memory_space<vmem>> -> memref<1x80xi32, #tpu.memory_space<vmem>>
      %dma_wait3A_71 = tpu.memref_squeeze %dma_wait3A_70 : memref<1x80xi32, #tpu.memory_space<vmem>> -> memref<80xi32, #tpu.memory_space<vmem>>
      %dma_wait3A_72 = arith.constant 0 : i32
      %dma_wait3A_73 = arith.constant 0 : i32
      %dma_wait3A_74 = tpu.memref_slice %arg2[%dma_wait3A_72, %dma_wait3A_73] : memref<10240x128xf32, #tpu.memory_space<hbm>> -> memref<10240x128xf32, #tpu.memory_space<hbm>>
      tpu.wait_indirect_dma semaphore(%arg14 : memref<!tpu.dma_semaphore, #tpu.memory_space<semaphore_mem>>) src(%dma_wait3A_74 : memref<10240x128xf32, #tpu.memory_space<hbm>>) dst(%arg10 : memref<80x128xf32, #tpu.memory_space<vmem>>)
      %run_scoped3A_75 = arith.constant 22 : i32
      "tpu.region"() ({
        %run_scoped3A_92 = tpu.sem_alloc : memref<!tpu.dma_semaphore, #tpu.memory_space<semaphore_mem>>
        %dma_start3A_93 = arith.constant 0 : i32
        %dma_start3A_94 = tpu.memref_slice %arg8[%run_scoped3A_75, %dma_start3A_93] : memref<25x80xi32, #tpu.memory_space<vmem>> -> memref<1x80xi32, #tpu.memory_space<vmem>>
        %dma_start3A_95 = tpu.memref_squeeze %dma_start3A_94 : memref<1x80xi32, #tpu.memory_space<vmem>> -> memref<80xi32, #tpu.memory_space<vmem>>
        %dma_start3A_96 = arith.constant 0 : i32
        %dma_start3A_97 = arith.constant 0 : i32
        %dma_start3A_98 = tpu.memref_slice %arg12[%dma_start3A_96, %dma_start3A_97] : memref<10240x128xf32, #tpu.memory_space<vmem_shared>> -> memref<10240x128xf32, #tpu.memory_space<vmem_shared>>
        tpu.enqueue_indirect_dma source(%arg10 : memref<80x128xf32, #tpu.memory_space<vmem>>) target(%dma_start3A_98 : memref<10240x128xf32, #tpu.memory_space<vmem_shared>>) offsets(%dma_start3A_95 : memref<80xi32, #tpu.memory_space<vmem>>) semaphore(%run_scoped3A_92 : memref<!tpu.dma_semaphore, #tpu.memory_space<semaphore_mem>>) {add = true}
        %dma_wait3A_99 = arith.constant 0 : i32
        %dma_wait3A_100 = tpu.memref_slice %arg8[%run_scoped3A_75, %dma_wait3A_99] : memref<25x80xi32, #tpu.memory_space<vmem>> -> memref<1x80xi32, #tpu.memory_space<vmem>>
        %dma_wait3A_101 = tpu.memref_squeeze %dma_wait3A_100 : memref<1x80xi32, #tpu.memory_space<vmem>> -> memref<80xi32, #tpu.memory_space<vmem>>
        %dma_wait3A_102 = arith.constant 0 : i32
        %dma_wait3A_103 = arith.constant 0 : i32
        %dma_wait3A_104 = tpu.memref_slice %arg12[%dma_wait3A_102, %dma_wait3A_103] : memref<10240x128xf32, #tpu.memory_space<vmem_shared>> -> memref<10240x128xf32, #tpu.memory_space<vmem_shared>>
        tpu.wait_indirect_dma semaphore(%run_scoped3A_92 : memref<!tpu.dma_semaphore, #tpu.memory_space<semaphore_mem>>) src(%arg10 : memref<80x128xf32, #tpu.memory_space<vmem>>) dst(%dma_wait3A_104 : memref<10240x128xf32, #tpu.memory_space<vmem_shared>>)
        tpu.yield
      }) : () -> ()
      %dma_wait3A_76 = arith.constant 23 : i32
      %dma_wait3A_77 = arith.constant 0 : i32
      %dma_wait3A_78 = tpu.memref_slice %arg7[%dma_wait3A_76, %dma_wait3A_77] : memref<25x80xi32, #tpu.memory_space<vmem>> -> memref<1x80xi32, #tpu.memory_space<vmem>>
      %dma_wait3A_79 = tpu.memref_squeeze %dma_wait3A_78 : memref<1x80xi32, #tpu.memory_space<vmem>> -> memref<80xi32, #tpu.memory_space<vmem>>
      %dma_wait3A_80 = arith.constant 0 : i32
      %dma_wait3A_81 = arith.constant 0 : i32
      %dma_wait3A_82 = tpu.memref_slice %arg2[%dma_wait3A_80, %dma_wait3A_81] : memref<10240x128xf32, #tpu.memory_space<hbm>> -> memref<10240x128xf32, #tpu.memory_space<hbm>>
      tpu.wait_indirect_dma semaphore(%arg15 : memref<!tpu.dma_semaphore, #tpu.memory_space<semaphore_mem>>) src(%dma_wait3A_82 : memref<10240x128xf32, #tpu.memory_space<hbm>>) dst(%arg11 : memref<80x128xf32, #tpu.memory_space<vmem>>)
      %run_scoped3A_83 = arith.constant 23 : i32
      "tpu.region"() ({
        %run_scoped3A_92 = tpu.sem_alloc : memref<!tpu.dma_semaphore, #tpu.memory_space<semaphore_mem>>
        %dma_start3A_93 = arith.constant 0 : i32
        %dma_start3A_94 = tpu.memref_slice %arg8[%run_scoped3A_83, %dma_start3A_93] : memref<25x80xi32, #tpu.memory_space<vmem>> -> memref<1x80xi32, #tpu.memory_space<vmem>>
        %dma_start3A_95 = tpu.memref_squeeze %dma_start3A_94 : memref<1x80xi32, #tpu.memory_space<vmem>> -> memref<80xi32, #tpu.memory_space<vmem>>
        %dma_start3A_96 = arith.constant 0 : i32
        %dma_start3A_97 = arith.constant 0 : i32
        %dma_start3A_98 = tpu.memref_slice %arg12[%dma_start3A_96, %dma_start3A_97] : memref<10240x128xf32, #tpu.memory_space<vmem_shared>> -> memref<10240x128xf32, #tpu.memory_space<vmem_shared>>
        tpu.enqueue_indirect_dma source(%arg11 : memref<80x128xf32, #tpu.memory_space<vmem>>) target(%dma_start3A_98 : memref<10240x128xf32, #tpu.memory_space<vmem_shared>>) offsets(%dma_start3A_95 : memref<80xi32, #tpu.memory_space<vmem>>) semaphore(%run_scoped3A_92 : memref<!tpu.dma_semaphore, #tpu.memory_space<semaphore_mem>>) {add = true}
        %dma_wait3A_99 = arith.constant 0 : i32
        %dma_wait3A_100 = tpu.memref_slice %arg8[%run_scoped3A_83, %dma_wait3A_99] : memref<25x80xi32, #tpu.memory_space<vmem>> -> memref<1x80xi32, #tpu.memory_space<vmem>>
        %dma_wait3A_101 = tpu.memref_squeeze %dma_wait3A_100 : memref<1x80xi32, #tpu.memory_space<vmem>> -> memref<80xi32, #tpu.memory_space<vmem>>
        %dma_wait3A_102 = arith.constant 0 : i32
        %dma_wait3A_103 = arith.constant 0 : i32
        %dma_wait3A_104 = tpu.memref_slice %arg12[%dma_wait3A_102, %dma_wait3A_103] : memref<10240x128xf32, #tpu.memory_space<vmem_shared>> -> memref<10240x128xf32, #tpu.memory_space<vmem_shared>>
        tpu.wait_indirect_dma semaphore(%run_scoped3A_92 : memref<!tpu.dma_semaphore, #tpu.memory_space<semaphore_mem>>) src(%arg11 : memref<80x128xf32, #tpu.memory_space<vmem>>) dst(%dma_wait3A_104 : memref<10240x128xf32, #tpu.memory_space<vmem_shared>>)
        tpu.yield
      }) : () -> ()
      %dma_wait3A_84 = arith.constant 24 : i32
      %dma_wait3A_85 = arith.constant 0 : i32
      %dma_wait3A_86 = tpu.memref_slice %arg7[%dma_wait3A_84, %dma_wait3A_85] : memref<25x80xi32, #tpu.memory_space<vmem>> -> memref<1x80xi32, #tpu.memory_space<vmem>>
      %dma_wait3A_87 = tpu.memref_squeeze %dma_wait3A_86 : memref<1x80xi32, #tpu.memory_space<vmem>> -> memref<80xi32, #tpu.memory_space<vmem>>
      %dma_wait3A_88 = arith.constant 0 : i32
      %dma_wait3A_89 = arith.constant 0 : i32
      %dma_wait3A_90 = tpu.memref_slice %arg2[%dma_wait3A_88, %dma_wait3A_89] : memref<10240x128xf32, #tpu.memory_space<hbm>> -> memref<10240x128xf32, #tpu.memory_space<hbm>>
      tpu.wait_indirect_dma semaphore(%arg13 : memref<!tpu.dma_semaphore, #tpu.memory_space<semaphore_mem>>) src(%dma_wait3A_90 : memref<10240x128xf32, #tpu.memory_space<hbm>>) dst(%arg9 : memref<80x128xf32, #tpu.memory_space<vmem>>)
      %run_scoped3A_91 = arith.constant 24 : i32
      "tpu.region"() ({
        %run_scoped3A_92 = tpu.sem_alloc : memref<!tpu.dma_semaphore, #tpu.memory_space<semaphore_mem>>
        %dma_start3A_93 = arith.constant 0 : i32
        %dma_start3A_94 = tpu.memref_slice %arg8[%run_scoped3A_91, %dma_start3A_93] : memref<25x80xi32, #tpu.memory_space<vmem>> -> memref<1x80xi32, #tpu.memory_space<vmem>>
        %dma_start3A_95 = tpu.memref_squeeze %dma_start3A_94 : memref<1x80xi32, #tpu.memory_space<vmem>> -> memref<80xi32, #tpu.memory_space<vmem>>
        %dma_start3A_96 = arith.constant 0 : i32
        %dma_start3A_97 = arith.constant 0 : i32
        %dma_start3A_98 = tpu.memref_slice %arg12[%dma_start3A_96, %dma_start3A_97] : memref<10240x128xf32, #tpu.memory_space<vmem_shared>> -> memref<10240x128xf32, #tpu.memory_space<vmem_shared>>
        tpu.enqueue_indirect_dma source(%arg9 : memref<80x128xf32, #tpu.memory_space<vmem>>) target(%dma_start3A_98 : memref<10240x128xf32, #tpu.memory_space<vmem_shared>>) offsets(%dma_start3A_95 : memref<80xi32, #tpu.memory_space<vmem>>) semaphore(%run_scoped3A_92 : memref<!tpu.dma_semaphore, #tpu.memory_space<semaphore_mem>>) {add = true}
        %dma_wait3A_99 = arith.constant 0 : i32
        %dma_wait3A_100 = tpu.memref_slice %arg8[%run_scoped3A_91, %dma_wait3A_99] : memref<25x80xi32, #tpu.memory_space<vmem>> -> memref<1x80xi32, #tpu.memory_space<vmem>>
        %dma_wait3A_101 = tpu.memref_squeeze %dma_wait3A_100 : memref<1x80xi32, #tpu.memory_space<vmem>> -> memref<80xi32, #tpu.memory_space<vmem>>
        %dma_wait3A_102 = arith.constant 0 : i32
        %dma_wait3A_103 = arith.constant 0 : i32
        %dma_wait3A_104 = tpu.memref_slice %arg12[%dma_wait3A_102, %dma_wait3A_103] : memref<10240x128xf32, #tpu.memory_space<vmem_shared>> -> memref<10240x128xf32, #tpu.memory_space<vmem_shared>>
        tpu.wait_indirect_dma semaphore(%run_scoped3A_92 : memref<!tpu.dma_semaphore, #tpu.memory_space<semaphore_mem>>) src(%arg9 : memref<80x128xf32, #tpu.memory_space<vmem>>) dst(%dma_wait3A_104 : memref<10240x128xf32, #tpu.memory_space<vmem_shared>>)
        tpu.yield
      }) : () -> ()
    }
    %scan3A_23 = arith.constant 5 : i32
    %barrier3A_24 = arith.constant 0 : index
    tpu.barrier barrier_id(%barrier3A_24)
    %mul3A_25 = arith.constant 10240 : i32
    %mul3A_26 = arith.muli %arg0, %mul3A_25 : i32
    %add3A_27 = arith.addi %mul3A_26, %mul3A_2 : i32
    "tpu.region"() ({
      %run_scoped3A = tpu.sem_alloc : memref<!tpu.dma_semaphore, #tpu.memory_space<semaphore_mem>>
      %dma_start3A = arith.constant 0 : i32
      %dma_start3A_28 = tpu.memref_slice %arg6[%add3A_27, %dma_start3A] : memref<20480x128xf32, #tpu.memory_space<hbm>> -> memref<640x128xf32, #tpu.memory_space<hbm>>
      %dma_start3A_29 = arith.constant 0 : i32
      %dma_start3A_30 = tpu.memref_slice %arg12[%mul3A_2, %dma_start3A_29] : memref<10240x128xf32, #tpu.memory_space<vmem_shared>> -> memref<640x128xf32, #tpu.memory_space<vmem_shared>>
      tpu.enqueue_dma source(%dma_start3A_30 : memref<640x128xf32, #tpu.memory_space<vmem_shared>>) target(%dma_start3A_28 : memref<640x128xf32, #tpu.memory_space<hbm>>) target_semaphore(%run_scoped3A : memref<!tpu.dma_semaphore, #tpu.memory_space<semaphore_mem>>)
      %dma_wait3A = arith.constant 0 : i32
      %dma_wait3A_31 = tpu.memref_slice %arg6[%add3A_27, %dma_wait3A] : memref<20480x128xf32, #tpu.memory_space<hbm>> -> memref<640x128xf32, #tpu.memory_space<hbm>>
      %dma_wait3A_32 = arith.constant 0 : i32
      %dma_wait3A_33 = tpu.memref_slice %arg12[%mul3A_2, %dma_wait3A_32] : memref<10240x128xf32, #tpu.memory_space<vmem_shared>> -> memref<640x128xf32, #tpu.memory_space<vmem_shared>>
      tpu.wait_dma2 semaphore(%run_scoped3A : memref<!tpu.dma_semaphore, #tpu.memory_space<semaphore_mem>>) src(%dma_wait3A_33 : memref<640x128xf32, #tpu.memory_space<vmem_shared>>) dst(%dma_wait3A_31 : memref<640x128xf32, #tpu.memory_space<hbm>>)
      tpu.yield
    }) : () -> ()
    return
  }
}

#map = affine_map<(d0, d1) -> (0, 0)>
#map1 = affine_map<(d0, d1) -> (0, 0, 0, 0)>
module attributes {stable_mosaic.version = 14 : i64} {
  func.func @_sc_agg(%arg0: i32, %arg1: i32, %arg2: memref<10240x128xf32, #tpu.memory_space<hbm>>, %arg3: memref<5x32x25x80xi32, #tpu.memory_space<hbm>>, %arg4: memref<5x32x25x80xi32, #tpu.memory_space<hbm>>, %arg5: memref<80x128xf32, #tpu.memory_space<hbm>>, %arg6: memref<20480x128xf32, #tpu.memory_space<hbm>>, %arg7: memref<25x80xi32, #tpu.memory_space<vmem>>, %arg8: memref<25x80xi32, #tpu.memory_space<vmem>>, %arg9: memref<80x128xf32, #tpu.memory_space<vmem>>, %arg10: memref<80x128xf32, #tpu.memory_space<vmem>>, %arg11: memref<80x128xf32, #tpu.memory_space<vmem>>, %arg12: memref<10240x128xf32, #tpu.memory_space<vmem_shared>>, %arg13: memref<!tpu.dma_semaphore, #tpu.memory_space<semaphore_mem>>, %arg14: memref<!tpu.dma_semaphore, #tpu.memory_space<semaphore_mem>>, %arg15: memref<!tpu.dma_semaphore, #tpu.memory_space<semaphore_mem>>) attributes {dimension_semantics = [#tpu.dimension_semantics<core_parallel>, #tpu.dimension_semantics<subcore_parallel>], iteration_bounds = array<i64: 2, 16>, scalar_prefetch = 0 : i64, scratch_operands = 9 : i64, tpu.core_type = #tpu.core_type<sc_vector_subcore>, window_params = [{transform_indices = #map}, {transform_indices = #map1}, {transform_indices = #map1}, {transform_indices = #map}, {transform_indices = #map}]} {
    %mul3A = arith.constant 16 : i32
    %mul3A_0 = arith.muli %arg0, %mul3A : i32
    %add3A = arith.addi %mul3A_0, %arg1 : i32
    %mul3A_1 = arith.constant 640 : i32
    %mul3A_2 = arith.muli %arg1, %mul3A_1 : i32
    "tpu.region"() ({
      %run_scoped3A = tpu.sem_alloc : memref<!tpu.dma_semaphore, #tpu.memory_space<semaphore_mem>>
      tpu.enqueue_dma source(%arg5 : memref<80x128xf32, #tpu.memory_space<hbm>>) target(%arg9 : memref<80x128xf32, #tpu.memory_space<vmem>>) target_semaphore(%run_scoped3A : memref<!tpu.dma_semaphore, #tpu.memory_space<semaphore_mem>>)
      tpu.wait_dma2 semaphore(%run_scoped3A : memref<!tpu.dma_semaphore, #tpu.memory_space<semaphore_mem>>) src(%arg5 : memref<80x128xf32, #tpu.memory_space<hbm>>) dst(%arg9 : memref<80x128xf32, #tpu.memory_space<vmem>>)
      tpu.yield
    }) : () -> ()
    %add3A_3 = arith.constant 0 : i32
    %add3A_4 = arith.addi %mul3A_2, %add3A_3 : i32
    "tpu.region"() ({
      %run_scoped3A = tpu.sem_alloc : memref<!tpu.dma_semaphore, #tpu.memory_space<semaphore_mem>>
      %dma_start3A = arith.constant 0 : i32
      %dma_start3A_28 = tpu.memref_slice %arg12[%add3A_4, %dma_start3A] : memref<10240x128xf32, #tpu.memory_space<vmem_shared>> -> memref<80x128xf32, #tpu.memory_space<vmem_shared>>
      %dma_start3A_29 = arith.constant 0 : i32
      %dma_start3A_30 = tpu.memref_slice %arg12[%add3A_4, %dma_start3A_29] : memref<10240x128xf32, #tpu.memory_space<vmem_shared>> -> memref<80x128xf32, #tpu.memory_space<vmem_shared>>
      tpu.enqueue_dma source(%arg9 : memref<80x128xf32, #tpu.memory_space<vmem>>) target(%dma_start3A_30 : memref<80x128xf32, #tpu.memory_space<vmem_shared>>) target_semaphore(%run_scoped3A : memref<!tpu.dma_semaphore, #tpu.memory_space<semaphore_mem>>)
      %dma_wait3A = arith.constant 0 : i32
      %dma_wait3A_31 = tpu.memref_slice %arg12[%add3A_4, %dma_wait3A] : memref<10240x128xf32, #tpu.memory_space<vmem_shared>> -> memref<80x128xf32, #tpu.memory_space<vmem_shared>>
      %dma_wait3A_32 = arith.constant 0 : i32
      %dma_wait3A_33 = tpu.memref_slice %arg12[%add3A_4, %dma_wait3A_32] : memref<10240x128xf32, #tpu.memory_space<vmem_shared>> -> memref<80x128xf32, #tpu.memory_space<vmem_shared>>
      tpu.wait_dma2 semaphore(%run_scoped3A : memref<!tpu.dma_semaphore, #tpu.memory_space<semaphore_mem>>) src(%arg9 : memref<80x128xf32, #tpu.memory_space<vmem>>) dst(%dma_wait3A_33 : memref<80x128xf32, #tpu.memory_space<vmem_shared>>)
      tpu.yield
    }) : () -> ()
    %add3A_5 = arith.constant 80 : i32
    %add3A_6 = arith.addi %mul3A_2, %add3A_5 : i32
    "tpu.region"() ({
      %run_scoped3A = tpu.sem_alloc : memref<!tpu.dma_semaphore, #tpu.memory_space<semaphore_mem>>
      %dma_start3A = arith.constant 0 : i32
      %dma_start3A_28 = tpu.memref_slice %arg12[%add3A_6, %dma_start3A] : memref<10240x128xf32, #tpu.memory_space<vmem_shared>> -> memref<80x128xf32, #tpu.memory_space<vmem_shared>>
      %dma_start3A_29 = arith.constant 0 : i32
      %dma_start3A_30 = tpu.memref_slice %arg12[%add3A_6, %dma_start3A_29] : memref<10240x128xf32, #tpu.memory_space<vmem_shared>> -> memref<80x128xf32, #tpu.memory_space<vmem_shared>>
      tpu.enqueue_dma source(%arg9 : memref<80x128xf32, #tpu.memory_space<vmem>>) target(%dma_start3A_30 : memref<80x128xf32, #tpu.memory_space<vmem_shared>>) target_semaphore(%run_scoped3A : memref<!tpu.dma_semaphore, #tpu.memory_space<semaphore_mem>>)
      %dma_wait3A = arith.constant 0 : i32
      %dma_wait3A_31 = tpu.memref_slice %arg12[%add3A_6, %dma_wait3A] : memref<10240x128xf32, #tpu.memory_space<vmem_shared>> -> memref<80x128xf32, #tpu.memory_space<vmem_shared>>
      %dma_wait3A_32 = arith.constant 0 : i32
      %dma_wait3A_33 = tpu.memref_slice %arg12[%add3A_6, %dma_wait3A_32] : memref<10240x128xf32, #tpu.memory_space<vmem_shared>> -> memref<80x128xf32, #tpu.memory_space<vmem_shared>>
      tpu.wait_dma2 semaphore(%run_scoped3A : memref<!tpu.dma_semaphore, #tpu.memory_space<semaphore_mem>>) src(%arg9 : memref<80x128xf32, #tpu.memory_space<vmem>>) dst(%dma_wait3A_33 : memref<80x128xf32, #tpu.memory_space<vmem_shared>>)
      tpu.yield
    }) : () -> ()
    %add3A_7 = arith.constant 160 : i32
    %add3A_8 = arith.addi %mul3A_2, %add3A_7 : i32
    "tpu.region"() ({
      %run_scoped3A = tpu.sem_alloc : memref<!tpu.dma_semaphore, #tpu.memory_space<semaphore_mem>>
      %dma_start3A = arith.constant 0 : i32
      %dma_start3A_28 = tpu.memref_slice %arg12[%add3A_8, %dma_start3A] : memref<10240x128xf32, #tpu.memory_space<vmem_shared>> -> memref<80x128xf32, #tpu.memory_space<vmem_shared>>
      %dma_start3A_29 = arith.constant 0 : i32
      %dma_start3A_30 = tpu.memref_slice %arg12[%add3A_8, %dma_start3A_29] : memref<10240x128xf32, #tpu.memory_space<vmem_shared>> -> memref<80x128xf32, #tpu.memory_space<vmem_shared>>
      tpu.enqueue_dma source(%arg9 : memref<80x128xf32, #tpu.memory_space<vmem>>) target(%dma_start3A_30 : memref<80x128xf32, #tpu.memory_space<vmem_shared>>) target_semaphore(%run_scoped3A : memref<!tpu.dma_semaphore, #tpu.memory_space<semaphore_mem>>)
      %dma_wait3A = arith.constant 0 : i32
      %dma_wait3A_31 = tpu.memref_slice %arg12[%add3A_8, %dma_wait3A] : memref<10240x128xf32, #tpu.memory_space<vmem_shared>> -> memref<80x128xf32, #tpu.memory_space<vmem_shared>>
      %dma_wait3A_32 = arith.constant 0 : i32
      %dma_wait3A_33 = tpu.memref_slice %arg12[%add3A_8, %dma_wait3A_32] : memref<10240x128xf32, #tpu.memory_space<vmem_shared>> -> memref<80x128xf32, #tpu.memory_space<vmem_shared>>
      tpu.wait_dma2 semaphore(%run_scoped3A : memref<!tpu.dma_semaphore, #tpu.memory_space<semaphore_mem>>) src(%arg9 : memref<80x128xf32, #tpu.memory_space<vmem>>) dst(%dma_wait3A_33 : memref<80x128xf32, #tpu.memory_space<vmem_shared>>)
      tpu.yield
    }) : () -> ()
    %add3A_9 = arith.constant 240 : i32
    %add3A_10 = arith.addi %mul3A_2, %add3A_9 : i32
    "tpu.region"() ({
      %run_scoped3A = tpu.sem_alloc : memref<!tpu.dma_semaphore, #tpu.memory_space<semaphore_mem>>
      %dma_start3A = arith.constant 0 : i32
      %dma_start3A_28 = tpu.memref_slice %arg12[%add3A_10, %dma_start3A] : memref<10240x128xf32, #tpu.memory_space<vmem_shared>> -> memref<80x128xf32, #tpu.memory_space<vmem_shared>>
      %dma_start3A_29 = arith.constant 0 : i32
      %dma_start3A_30 = tpu.memref_slice %arg12[%add3A_10, %dma_start3A_29] : memref<10240x128xf32, #tpu.memory_space<vmem_shared>> -> memref<80x128xf32, #tpu.memory_space<vmem_shared>>
      tpu.enqueue_dma source(%arg9 : memref<80x128xf32, #tpu.memory_space<vmem>>) target(%dma_start3A_30 : memref<80x128xf32, #tpu.memory_space<vmem_shared>>) target_semaphore(%run_scoped3A : memref<!tpu.dma_semaphore, #tpu.memory_space<semaphore_mem>>)
      %dma_wait3A = arith.constant 0 : i32
      %dma_wait3A_31 = tpu.memref_slice %arg12[%add3A_10, %dma_wait3A] : memref<10240x128xf32, #tpu.memory_space<vmem_shared>> -> memref<80x128xf32, #tpu.memory_space<vmem_shared>>
      %dma_wait3A_32 = arith.constant 0 : i32
      %dma_wait3A_33 = tpu.memref_slice %arg12[%add3A_10, %dma_wait3A_32] : memref<10240x128xf32, #tpu.memory_space<vmem_shared>> -> memref<80x128xf32, #tpu.memory_space<vmem_shared>>
      tpu.wait_dma2 semaphore(%run_scoped3A : memref<!tpu.dma_semaphore, #tpu.memory_space<semaphore_mem>>) src(%arg9 : memref<80x128xf32, #tpu.memory_space<vmem>>) dst(%dma_wait3A_33 : memref<80x128xf32, #tpu.memory_space<vmem_shared>>)
      tpu.yield
    }) : () -> ()
    %add3A_11 = arith.constant 320 : i32
    %add3A_12 = arith.addi %mul3A_2, %add3A_11 : i32
    "tpu.region"() ({
      %run_scoped3A = tpu.sem_alloc : memref<!tpu.dma_semaphore, #tpu.memory_space<semaphore_mem>>
      %dma_start3A = arith.constant 0 : i32
      %dma_start3A_28 = tpu.memref_slice %arg12[%add3A_12, %dma_start3A] : memref<10240x128xf32, #tpu.memory_space<vmem_shared>> -> memref<80x128xf32, #tpu.memory_space<vmem_shared>>
      %dma_start3A_29 = arith.constant 0 : i32
      %dma_start3A_30 = tpu.memref_slice %arg12[%add3A_12, %dma_start3A_29] : memref<10240x128xf32, #tpu.memory_space<vmem_shared>> -> memref<80x128xf32, #tpu.memory_space<vmem_shared>>
      tpu.enqueue_dma source(%arg9 : memref<80x128xf32, #tpu.memory_space<vmem>>) target(%dma_start3A_30 : memref<80x128xf32, #tpu.memory_space<vmem_shared>>) target_semaphore(%run_scoped3A : memref<!tpu.dma_semaphore, #tpu.memory_space<semaphore_mem>>)
      %dma_wait3A = arith.constant 0 : i32
      %dma_wait3A_31 = tpu.memref_slice %arg12[%add3A_12, %dma_wait3A] : memref<10240x128xf32, #tpu.memory_space<vmem_shared>> -> memref<80x128xf32, #tpu.memory_space<vmem_shared>>
      %dma_wait3A_32 = arith.constant 0 : i32
      %dma_wait3A_33 = tpu.memref_slice %arg12[%add3A_12, %dma_wait3A_32] : memref<10240x128xf32, #tpu.memory_space<vmem_shared>> -> memref<80x128xf32, #tpu.memory_space<vmem_shared>>
      tpu.wait_dma2 semaphore(%run_scoped3A : memref<!tpu.dma_semaphore, #tpu.memory_space<semaphore_mem>>) src(%arg9 : memref<80x128xf32, #tpu.memory_space<vmem>>) dst(%dma_wait3A_33 : memref<80x128xf32, #tpu.memory_space<vmem_shared>>)
      tpu.yield
    }) : () -> ()
    %add3A_13 = arith.constant 400 : i32
    %add3A_14 = arith.addi %mul3A_2, %add3A_13 : i32
    "tpu.region"() ({
      %run_scoped3A = tpu.sem_alloc : memref<!tpu.dma_semaphore, #tpu.memory_space<semaphore_mem>>
      %dma_start3A = arith.constant 0 : i32
      %dma_start3A_28 = tpu.memref_slice %arg12[%add3A_14, %dma_start3A] : memref<10240x128xf32, #tpu.memory_space<vmem_shared>> -> memref<80x128xf32, #tpu.memory_space<vmem_shared>>
      %dma_start3A_29 = arith.constant 0 : i32
      %dma_start3A_30 = tpu.memref_slice %arg12[%add3A_14, %dma_start3A_29] : memref<10240x128xf32, #tpu.memory_space<vmem_shared>> -> memref<80x128xf32, #tpu.memory_space<vmem_shared>>
      tpu.enqueue_dma source(%arg9 : memref<80x128xf32, #tpu.memory_space<vmem>>) target(%dma_start3A_30 : memref<80x128xf32, #tpu.memory_space<vmem_shared>>) target_semaphore(%run_scoped3A : memref<!tpu.dma_semaphore, #tpu.memory_space<semaphore_mem>>)
      %dma_wait3A = arith.constant 0 : i32
      %dma_wait3A_31 = tpu.memref_slice %arg12[%add3A_14, %dma_wait3A] : memref<10240x128xf32, #tpu.memory_space<vmem_shared>> -> memref<80x128xf32, #tpu.memory_space<vmem_shared>>
      %dma_wait3A_32 = arith.constant 0 : i32
      %dma_wait3A_33 = tpu.memref_slice %arg12[%add3A_14, %dma_wait3A_32] : memref<10240x128xf32, #tpu.memory_space<vmem_shared>> -> memref<80x128xf32, #tpu.memory_space<vmem_shared>>
      tpu.wait_dma2 semaphore(%run_scoped3A : memref<!tpu.dma_semaphore, #tpu.memory_space<semaphore_mem>>) src(%arg9 : memref<80x128xf32, #tpu.memory_space<vmem>>) dst(%dma_wait3A_33 : memref<80x128xf32, #tpu.memory_space<vmem_shared>>)
      tpu.yield
    }) : () -> ()
    %add3A_15 = arith.constant 480 : i32
    %add3A_16 = arith.addi %mul3A_2, %add3A_15 : i32
    "tpu.region"() ({
      %run_scoped3A = tpu.sem_alloc : memref<!tpu.dma_semaphore, #tpu.memory_space<semaphore_mem>>
      %dma_start3A = arith.constant 0 : i32
      %dma_start3A_28 = tpu.memref_slice %arg12[%add3A_16, %dma_start3A] : memref<10240x128xf32, #tpu.memory_space<vmem_shared>> -> memref<80x128xf32, #tpu.memory_space<vmem_shared>>
      %dma_start3A_29 = arith.constant 0 : i32
      %dma_start3A_30 = tpu.memref_slice %arg12[%add3A_16, %dma_start3A_29] : memref<10240x128xf32, #tpu.memory_space<vmem_shared>> -> memref<80x128xf32, #tpu.memory_space<vmem_shared>>
      tpu.enqueue_dma source(%arg9 : memref<80x128xf32, #tpu.memory_space<vmem>>) target(%dma_start3A_30 : memref<80x128xf32, #tpu.memory_space<vmem_shared>>) target_semaphore(%run_scoped3A : memref<!tpu.dma_semaphore, #tpu.memory_space<semaphore_mem>>)
      %dma_wait3A = arith.constant 0 : i32
      %dma_wait3A_31 = tpu.memref_slice %arg12[%add3A_16, %dma_wait3A] : memref<10240x128xf32, #tpu.memory_space<vmem_shared>> -> memref<80x128xf32, #tpu.memory_space<vmem_shared>>
      %dma_wait3A_32 = arith.constant 0 : i32
      %dma_wait3A_33 = tpu.memref_slice %arg12[%add3A_16, %dma_wait3A_32] : memref<10240x128xf32, #tpu.memory_space<vmem_shared>> -> memref<80x128xf32, #tpu.memory_space<vmem_shared>>
      tpu.wait_dma2 semaphore(%run_scoped3A : memref<!tpu.dma_semaphore, #tpu.memory_space<semaphore_mem>>) src(%arg9 : memref<80x128xf32, #tpu.memory_space<vmem>>) dst(%dma_wait3A_33 : memref<80x128xf32, #tpu.memory_space<vmem_shared>>)
      tpu.yield
    }) : () -> ()
    %add3A_17 = arith.constant 560 : i32
    %add3A_18 = arith.addi %mul3A_2, %add3A_17 : i32
    "tpu.region"() ({
      %run_scoped3A = tpu.sem_alloc : memref<!tpu.dma_semaphore, #tpu.memory_space<semaphore_mem>>
      %dma_start3A = arith.constant 0 : i32
      %dma_start3A_28 = tpu.memref_slice %arg12[%add3A_18, %dma_start3A] : memref<10240x128xf32, #tpu.memory_space<vmem_shared>> -> memref<80x128xf32, #tpu.memory_space<vmem_shared>>
      %dma_start3A_29 = arith.constant 0 : i32
      %dma_start3A_30 = tpu.memref_slice %arg12[%add3A_18, %dma_start3A_29] : memref<10240x128xf32, #tpu.memory_space<vmem_shared>> -> memref<80x128xf32, #tpu.memory_space<vmem_shared>>
      tpu.enqueue_dma source(%arg9 : memref<80x128xf32, #tpu.memory_space<vmem>>) target(%dma_start3A_30 : memref<80x128xf32, #tpu.memory_space<vmem_shared>>) target_semaphore(%run_scoped3A : memref<!tpu.dma_semaphore, #tpu.memory_space<semaphore_mem>>)
      %dma_wait3A = arith.constant 0 : i32
      %dma_wait3A_31 = tpu.memref_slice %arg12[%add3A_18, %dma_wait3A] : memref<10240x128xf32, #tpu.memory_space<vmem_shared>> -> memref<80x128xf32, #tpu.memory_space<vmem_shared>>
      %dma_wait3A_32 = arith.constant 0 : i32
      %dma_wait3A_33 = tpu.memref_slice %arg12[%add3A_18, %dma_wait3A_32] : memref<10240x128xf32, #tpu.memory_space<vmem_shared>> -> memref<80x128xf32, #tpu.memory_space<vmem_shared>>
      tpu.wait_dma2 semaphore(%run_scoped3A : memref<!tpu.dma_semaphore, #tpu.memory_space<semaphore_mem>>) src(%arg9 : memref<80x128xf32, #tpu.memory_space<vmem>>) dst(%dma_wait3A_33 : memref<80x128xf32, #tpu.memory_space<vmem_shared>>)
      tpu.yield
    }) : () -> ()
    %barrier3A = arith.constant 0 : index
    tpu.barrier barrier_id(%barrier3A)
    %scan3A = arith.constant 0 : i32
    %scan3A_19 = arith.constant 0 : i32
    %scan3A_20 = arith.constant 5 : i32
    %scan3A_21 = arith.addi %scan3A_19, %scan3A_20 : i32
    %scan3A_22 = arith.constant 1 : i32
    scf.for %scan3A_28 = %scan3A_19 to %scan3A_21 step %scan3A_22  : i32 {
      "tpu.region"() ({
        %run_scoped3A_92 = tpu.sem_alloc : memref<!tpu.dma_semaphore, #tpu.memory_space<semaphore_mem>>
        %dma_start3A_93 = arith.constant 0 : i32
        %dma_start3A_94 = arith.constant 0 : i32
        %dma_start3A_95 = tpu.memref_slice %arg3[%scan3A_28, %add3A, %dma_start3A_93, %dma_start3A_94] : memref<5x32x25x80xi32, #tpu.memory_space<hbm>> -> memref<1x1x25x80xi32, #tpu.memory_space<hbm>>
        %dma_start3A_96 = tpu.memref_squeeze %dma_start3A_95 : memref<1x1x25x80xi32, #tpu.memory_space<hbm>> -> memref<25x80xi32, #tpu.memory_space<hbm>>
        %dma_start3A_97 = arith.constant 0 : i32
        %dma_start3A_98 = arith.constant 0 : i32
        %dma_start3A_99 = tpu.memref_slice %arg3[%scan3A_28, %add3A, %dma_start3A_97, %dma_start3A_98] : memref<5x32x25x80xi32, #tpu.memory_space<hbm>> -> memref<1x1x25x80xi32, #tpu.memory_space<hbm>>
        %dma_start3A_100 = tpu.memref_squeeze %dma_start3A_99 : memref<1x1x25x80xi32, #tpu.memory_space<hbm>> -> memref<25x80xi32, #tpu.memory_space<hbm>>
        tpu.enqueue_dma source(%dma_start3A_100 : memref<25x80xi32, #tpu.memory_space<hbm>>) target(%arg7 : memref<25x80xi32, #tpu.memory_space<vmem>>) target_semaphore(%run_scoped3A_92 : memref<!tpu.dma_semaphore, #tpu.memory_space<semaphore_mem>>)
        %dma_wait3A_101 = arith.constant 0 : i32
        %dma_wait3A_102 = arith.constant 0 : i32
        %dma_wait3A_103 = tpu.memref_slice %arg3[%scan3A_28, %add3A, %dma_wait3A_101, %dma_wait3A_102] : memref<5x32x25x80xi32, #tpu.memory_space<hbm>> -> memref<1x1x25x80xi32, #tpu.memory_space<hbm>>
        %dma_wait3A_104 = tpu.memref_squeeze %dma_wait3A_103 : memref<1x1x25x80xi32, #tpu.memory_space<hbm>> -> memref<25x80xi32, #tpu.memory_space<hbm>>
        %dma_wait3A_105 = arith.constant 0 : i32
        %dma_wait3A_106 = arith.constant 0 : i32
        %dma_wait3A_107 = tpu.memref_slice %arg3[%scan3A_28, %add3A, %dma_wait3A_105, %dma_wait3A_106] : memref<5x32x25x80xi32, #tpu.memory_space<hbm>> -> memref<1x1x25x80xi32, #tpu.memory_space<hbm>>
        %dma_wait3A_108 = tpu.memref_squeeze %dma_wait3A_107 : memref<1x1x25x80xi32, #tpu.memory_space<hbm>> -> memref<25x80xi32, #tpu.memory_space<hbm>>
        tpu.wait_dma2 semaphore(%run_scoped3A_92 : memref<!tpu.dma_semaphore, #tpu.memory_space<semaphore_mem>>) src(%dma_wait3A_108 : memref<25x80xi32, #tpu.memory_space<hbm>>) dst(%arg7 : memref<25x80xi32, #tpu.memory_space<vmem>>)
        tpu.yield
      }) : () -> ()
      "tpu.region"() ({
        %run_scoped3A_92 = tpu.sem_alloc : memref<!tpu.dma_semaphore, #tpu.memory_space<semaphore_mem>>
        %dma_start3A_93 = arith.constant 0 : i32
        %dma_start3A_94 = arith.constant 0 : i32
        %dma_start3A_95 = tpu.memref_slice %arg4[%scan3A_28, %add3A, %dma_start3A_93, %dma_start3A_94] : memref<5x32x25x80xi32, #tpu.memory_space<hbm>> -> memref<1x1x25x80xi32, #tpu.memory_space<hbm>>
        %dma_start3A_96 = tpu.memref_squeeze %dma_start3A_95 : memref<1x1x25x80xi32, #tpu.memory_space<hbm>> -> memref<25x80xi32, #tpu.memory_space<hbm>>
        %dma_start3A_97 = arith.constant 0 : i32
        %dma_start3A_98 = arith.constant 0 : i32
        %dma_start3A_99 = tpu.memref_slice %arg4[%scan3A_28, %add3A, %dma_start3A_97, %dma_start3A_98] : memref<5x32x25x80xi32, #tpu.memory_space<hbm>> -> memref<1x1x25x80xi32, #tpu.memory_space<hbm>>
        %dma_start3A_100 = tpu.memref_squeeze %dma_start3A_99 : memref<1x1x25x80xi32, #tpu.memory_space<hbm>> -> memref<25x80xi32, #tpu.memory_space<hbm>>
        tpu.enqueue_dma source(%dma_start3A_100 : memref<25x80xi32, #tpu.memory_space<hbm>>) target(%arg8 : memref<25x80xi32, #tpu.memory_space<vmem>>) target_semaphore(%run_scoped3A_92 : memref<!tpu.dma_semaphore, #tpu.memory_space<semaphore_mem>>)
        %dma_wait3A_101 = arith.constant 0 : i32
        %dma_wait3A_102 = arith.constant 0 : i32
        %dma_wait3A_103 = tpu.memref_slice %arg4[%scan3A_28, %add3A, %dma_wait3A_101, %dma_wait3A_102] : memref<5x32x25x80xi32, #tpu.memory_space<hbm>> -> memref<1x1x25x80xi32, #tpu.memory_space<hbm>>
        %dma_wait3A_104 = tpu.memref_squeeze %dma_wait3A_103 : memref<1x1x25x80xi32, #tpu.memory_space<hbm>> -> memref<25x80xi32, #tpu.memory_space<hbm>>
        %dma_wait3A_105 = arith.constant 0 : i32
        %dma_wait3A_106 = arith.constant 0 : i32
        %dma_wait3A_107 = tpu.memref_slice %arg4[%scan3A_28, %add3A, %dma_wait3A_105, %dma_wait3A_106] : memref<5x32x25x80xi32, #tpu.memory_space<hbm>> -> memref<1x1x25x80xi32, #tpu.memory_space<hbm>>
        %dma_wait3A_108 = tpu.memref_squeeze %dma_wait3A_107 : memref<1x1x25x80xi32, #tpu.memory_space<hbm>> -> memref<25x80xi32, #tpu.memory_space<hbm>>
        tpu.wait_dma2 semaphore(%run_scoped3A_92 : memref<!tpu.dma_semaphore, #tpu.memory_space<semaphore_mem>>) src(%dma_wait3A_108 : memref<25x80xi32, #tpu.memory_space<hbm>>) dst(%arg8 : memref<25x80xi32, #tpu.memory_space<vmem>>)
        tpu.yield
      }) : () -> ()
      %dma_start3A = arith.constant 0 : i32
      %dma_start3A_29 = arith.constant 0 : i32
      %dma_start3A_30 = tpu.memref_slice %arg7[%dma_start3A, %dma_start3A_29] : memref<25x80xi32, #tpu.memory_space<vmem>> -> memref<1x80xi32, #tpu.memory_space<vmem>>
      %dma_start3A_31 = tpu.memref_squeeze %dma_start3A_30 : memref<1x80xi32, #tpu.memory_space<vmem>> -> memref<80xi32, #tpu.memory_space<vmem>>
      %dma_start3A_32 = arith.constant 0 : i32
      %dma_start3A_33 = arith.constant 0 : i32
      %dma_start3A_34 = tpu.memref_slice %arg2[%dma_start3A_32, %dma_start3A_33] : memref<10240x128xf32, #tpu.memory_space<hbm>> -> memref<10240x128xf32, #tpu.memory_space<hbm>>
      tpu.enqueue_indirect_dma source(%dma_start3A_34 : memref<10240x128xf32, #tpu.memory_space<hbm>>) target(%arg9 : memref<80x128xf32, #tpu.memory_space<vmem>>) offsets(%dma_start3A_31 : memref<80xi32, #tpu.memory_space<vmem>>) semaphore(%arg13 : memref<!tpu.dma_semaphore, #tpu.memory_space<semaphore_mem>>)
      %dma_start3A_35 = arith.constant 1 : i32
      %dma_start3A_36 = arith.constant 0 : i32
      %dma_start3A_37 = tpu.memref_slice %arg7[%dma_start3A_35, %dma_start3A_36] : memref<25x80xi32, #tpu.memory_space<vmem>> -> memref<1x80xi32, #tpu.memory_space<vmem>>
      %dma_start3A_38 = tpu.memref_squeeze %dma_start3A_37 : memref<1x80xi32, #tpu.memory_space<vmem>> -> memref<80xi32, #tpu.memory_space<vmem>>
      %dma_start3A_39 = arith.constant 0 : i32
      %dma_start3A_40 = arith.constant 0 : i32
      %dma_start3A_41 = tpu.memref_slice %arg2[%dma_start3A_39, %dma_start3A_40] : memref<10240x128xf32, #tpu.memory_space<hbm>> -> memref<10240x128xf32, #tpu.memory_space<hbm>>
      tpu.enqueue_indirect_dma source(%dma_start3A_41 : memref<10240x128xf32, #tpu.memory_space<hbm>>) target(%arg10 : memref<80x128xf32, #tpu.memory_space<vmem>>) offsets(%dma_start3A_38 : memref<80xi32, #tpu.memory_space<vmem>>) semaphore(%arg14 : memref<!tpu.dma_semaphore, #tpu.memory_space<semaphore_mem>>)
      %dma_start3A_42 = arith.constant 2 : i32
      %dma_start3A_43 = arith.constant 0 : i32
      %dma_start3A_44 = tpu.memref_slice %arg7[%dma_start3A_42, %dma_start3A_43] : memref<25x80xi32, #tpu.memory_space<vmem>> -> memref<1x80xi32, #tpu.memory_space<vmem>>
      %dma_start3A_45 = tpu.memref_squeeze %dma_start3A_44 : memref<1x80xi32, #tpu.memory_space<vmem>> -> memref<80xi32, #tpu.memory_space<vmem>>
      %dma_start3A_46 = arith.constant 0 : i32
      %dma_start3A_47 = arith.constant 0 : i32
      %dma_start3A_48 = tpu.memref_slice %arg2[%dma_start3A_46, %dma_start3A_47] : memref<10240x128xf32, #tpu.memory_space<hbm>> -> memref<10240x128xf32, #tpu.memory_space<hbm>>
      tpu.enqueue_indirect_dma source(%dma_start3A_48 : memref<10240x128xf32, #tpu.memory_space<hbm>>) target(%arg11 : memref<80x128xf32, #tpu.memory_space<vmem>>) offsets(%dma_start3A_45 : memref<80xi32, #tpu.memory_space<vmem>>) semaphore(%arg15 : memref<!tpu.dma_semaphore, #tpu.memory_space<semaphore_mem>>)
      %scan3A_49 = arith.constant 0 : i32
      %scan3A_50 = arith.constant 0 : i32
      %scan3A_51 = arith.constant 7 : i32
      %scan3A_52 = arith.addi %scan3A_50, %scan3A_51 : i32
      %scan3A_53 = arith.constant 1 : i32
      scf.for %scan3A_92 = %scan3A_50 to %scan3A_52 step %scan3A_53  : i32 {
        %mul3A_93 = arith.constant 3 : i32
        %mul3A_94 = arith.muli %mul3A_93, %scan3A_92 : i32
        %add3A_95 = arith.constant 0 : i32
        %add3A_96 = arith.addi %mul3A_94, %add3A_95 : i32
        %dma_wait3A_97 = arith.constant 0 : i32
        %dma_wait3A_98 = tpu.memref_slice %arg7[%add3A_96, %dma_wait3A_97] : memref<25x80xi32, #tpu.memory_space<vmem>> -> memref<1x80xi32, #tpu.memory_space<vmem>>
        %dma_wait3A_99 = tpu.memref_squeeze %dma_wait3A_98 : memref<1x80xi32, #tpu.memory_space<vmem>> -> memref<80xi32, #tpu.memory_space<vmem>>
        %dma_wait3A_100 = arith.constant 0 : i32
        %dma_wait3A_101 = arith.constant 0 : i32
        %dma_wait3A_102 = tpu.memref_slice %arg2[%dma_wait3A_100, %dma_wait3A_101] : memref<10240x128xf32, #tpu.memory_space<hbm>> -> memref<10240x128xf32, #tpu.memory_space<hbm>>
        tpu.wait_indirect_dma semaphore(%arg13 : memref<!tpu.dma_semaphore, #tpu.memory_space<semaphore_mem>>) src(%dma_wait3A_102 : memref<10240x128xf32, #tpu.memory_space<hbm>>) dst(%arg9 : memref<80x128xf32, #tpu.memory_space<vmem>>)
        "tpu.region"() ({
          %run_scoped3A_143 = tpu.sem_alloc : memref<!tpu.dma_semaphore, #tpu.memory_space<semaphore_mem>>
          %dma_start3A_144 = arith.constant 0 : i32
          %dma_start3A_145 = tpu.memref_slice %arg8[%add3A_96, %dma_start3A_144] : memref<25x80xi32, #tpu.memory_space<vmem>> -> memref<1x80xi32, #tpu.memory_space<vmem>>
          %dma_start3A_146 = tpu.memref_squeeze %dma_start3A_145 : memref<1x80xi32, #tpu.memory_space<vmem>> -> memref<80xi32, #tpu.memory_space<vmem>>
          %dma_start3A_147 = arith.constant 0 : i32
          %dma_start3A_148 = arith.constant 0 : i32
          %dma_start3A_149 = tpu.memref_slice %arg12[%dma_start3A_147, %dma_start3A_148] : memref<10240x128xf32, #tpu.memory_space<vmem_shared>> -> memref<10240x128xf32, #tpu.memory_space<vmem_shared>>
          tpu.enqueue_indirect_dma source(%arg9 : memref<80x128xf32, #tpu.memory_space<vmem>>) target(%dma_start3A_149 : memref<10240x128xf32, #tpu.memory_space<vmem_shared>>) offsets(%dma_start3A_146 : memref<80xi32, #tpu.memory_space<vmem>>) semaphore(%run_scoped3A_143 : memref<!tpu.dma_semaphore, #tpu.memory_space<semaphore_mem>>) {add = true}
          %dma_wait3A_150 = arith.constant 0 : i32
          %dma_wait3A_151 = tpu.memref_slice %arg8[%add3A_96, %dma_wait3A_150] : memref<25x80xi32, #tpu.memory_space<vmem>> -> memref<1x80xi32, #tpu.memory_space<vmem>>
          %dma_wait3A_152 = tpu.memref_squeeze %dma_wait3A_151 : memref<1x80xi32, #tpu.memory_space<vmem>> -> memref<80xi32, #tpu.memory_space<vmem>>
          %dma_wait3A_153 = arith.constant 0 : i32
          %dma_wait3A_154 = arith.constant 0 : i32
          %dma_wait3A_155 = tpu.memref_slice %arg12[%dma_wait3A_153, %dma_wait3A_154] : memref<10240x128xf32, #tpu.memory_space<vmem_shared>> -> memref<10240x128xf32, #tpu.memory_space<vmem_shared>>
          tpu.wait_indirect_dma semaphore(%run_scoped3A_143 : memref<!tpu.dma_semaphore, #tpu.memory_space<semaphore_mem>>) src(%arg9 : memref<80x128xf32, #tpu.memory_space<vmem>>) dst(%dma_wait3A_155 : memref<10240x128xf32, #tpu.memory_space<vmem_shared>>)
          tpu.yield
        }) : () -> ()
        %add3A_103 = arith.constant 3 : i32
        %add3A_104 = arith.addi %add3A_96, %add3A_103 : i32
        %dma_start3A_105 = arith.constant 0 : i32
        %dma_start3A_106 = tpu.memref_slice %arg7[%add3A_104, %dma_start3A_105] : memref<25x80xi32, #tpu.memory_space<vmem>> -> memref<1x80xi32, #tpu.memory_space<vmem>>
        %dma_start3A_107 = tpu.memref_squeeze %dma_start3A_106 : memref<1x80xi32, #tpu.memory_space<vmem>> -> memref<80xi32, #tpu.memory_space<vmem>>
        %dma_start3A_108 = arith.constant 0 : i32
        %dma_start3A_109 = arith.constant 0 : i32
        %dma_start3A_110 = tpu.memref_slice %arg2[%dma_start3A_108, %dma_start3A_109] : memref<10240x128xf32, #tpu.memory_space<hbm>> -> memref<10240x128xf32, #tpu.memory_space<hbm>>
        tpu.enqueue_indirect_dma source(%dma_start3A_110 : memref<10240x128xf32, #tpu.memory_space<hbm>>) target(%arg9 : memref<80x128xf32, #tpu.memory_space<vmem>>) offsets(%dma_start3A_107 : memref<80xi32, #tpu.memory_space<vmem>>) semaphore(%arg13 : memref<!tpu.dma_semaphore, #tpu.memory_space<semaphore_mem>>)
        %add3A_111 = arith.constant 1 : i32
        %add3A_112 = arith.addi %mul3A_94, %add3A_111 : i32
        %dma_wait3A_113 = arith.constant 0 : i32
        %dma_wait3A_114 = tpu.memref_slice %arg7[%add3A_112, %dma_wait3A_113] : memref<25x80xi32, #tpu.memory_space<vmem>> -> memref<1x80xi32, #tpu.memory_space<vmem>>
        %dma_wait3A_115 = tpu.memref_squeeze %dma_wait3A_114 : memref<1x80xi32, #tpu.memory_space<vmem>> -> memref<80xi32, #tpu.memory_space<vmem>>
        %dma_wait3A_116 = arith.constant 0 : i32
        %dma_wait3A_117 = arith.constant 0 : i32
        %dma_wait3A_118 = tpu.memref_slice %arg2[%dma_wait3A_116, %dma_wait3A_117] : memref<10240x128xf32, #tpu.memory_space<hbm>> -> memref<10240x128xf32, #tpu.memory_space<hbm>>
        tpu.wait_indirect_dma semaphore(%arg14 : memref<!tpu.dma_semaphore, #tpu.memory_space<semaphore_mem>>) src(%dma_wait3A_118 : memref<10240x128xf32, #tpu.memory_space<hbm>>) dst(%arg10 : memref<80x128xf32, #tpu.memory_space<vmem>>)
        "tpu.region"() ({
          %run_scoped3A_143 = tpu.sem_alloc : memref<!tpu.dma_semaphore, #tpu.memory_space<semaphore_mem>>
          %dma_start3A_144 = arith.constant 0 : i32
          %dma_start3A_145 = tpu.memref_slice %arg8[%add3A_112, %dma_start3A_144] : memref<25x80xi32, #tpu.memory_space<vmem>> -> memref<1x80xi32, #tpu.memory_space<vmem>>
          %dma_start3A_146 = tpu.memref_squeeze %dma_start3A_145 : memref<1x80xi32, #tpu.memory_space<vmem>> -> memref<80xi32, #tpu.memory_space<vmem>>
          %dma_start3A_147 = arith.constant 0 : i32
          %dma_start3A_148 = arith.constant 0 : i32
          %dma_start3A_149 = tpu.memref_slice %arg12[%dma_start3A_147, %dma_start3A_148] : memref<10240x128xf32, #tpu.memory_space<vmem_shared>> -> memref<10240x128xf32, #tpu.memory_space<vmem_shared>>
          tpu.enqueue_indirect_dma source(%arg10 : memref<80x128xf32, #tpu.memory_space<vmem>>) target(%dma_start3A_149 : memref<10240x128xf32, #tpu.memory_space<vmem_shared>>) offsets(%dma_start3A_146 : memref<80xi32, #tpu.memory_space<vmem>>) semaphore(%run_scoped3A_143 : memref<!tpu.dma_semaphore, #tpu.memory_space<semaphore_mem>>) {add = true}
          %dma_wait3A_150 = arith.constant 0 : i32
          %dma_wait3A_151 = tpu.memref_slice %arg8[%add3A_112, %dma_wait3A_150] : memref<25x80xi32, #tpu.memory_space<vmem>> -> memref<1x80xi32, #tpu.memory_space<vmem>>
          %dma_wait3A_152 = tpu.memref_squeeze %dma_wait3A_151 : memref<1x80xi32, #tpu.memory_space<vmem>> -> memref<80xi32, #tpu.memory_space<vmem>>
          %dma_wait3A_153 = arith.constant 0 : i32
          %dma_wait3A_154 = arith.constant 0 : i32
          %dma_wait3A_155 = tpu.memref_slice %arg12[%dma_wait3A_153, %dma_wait3A_154] : memref<10240x128xf32, #tpu.memory_space<vmem_shared>> -> memref<10240x128xf32, #tpu.memory_space<vmem_shared>>
          tpu.wait_indirect_dma semaphore(%run_scoped3A_143 : memref<!tpu.dma_semaphore, #tpu.memory_space<semaphore_mem>>) src(%arg10 : memref<80x128xf32, #tpu.memory_space<vmem>>) dst(%dma_wait3A_155 : memref<10240x128xf32, #tpu.memory_space<vmem_shared>>)
          tpu.yield
        }) : () -> ()
        %add3A_119 = arith.constant 3 : i32
        %add3A_120 = arith.addi %add3A_112, %add3A_119 : i32
        %dma_start3A_121 = arith.constant 0 : i32
        %dma_start3A_122 = tpu.memref_slice %arg7[%add3A_120, %dma_start3A_121] : memref<25x80xi32, #tpu.memory_space<vmem>> -> memref<1x80xi32, #tpu.memory_space<vmem>>
        %dma_start3A_123 = tpu.memref_squeeze %dma_start3A_122 : memref<1x80xi32, #tpu.memory_space<vmem>> -> memref<80xi32, #tpu.memory_space<vmem>>
        %dma_start3A_124 = arith.constant 0 : i32
        %dma_start3A_125 = arith.constant 0 : i32
        %dma_start3A_126 = tpu.memref_slice %arg2[%dma_start3A_124, %dma_start3A_125] : memref<10240x128xf32, #tpu.memory_space<hbm>> -> memref<10240x128xf32, #tpu.memory_space<hbm>>
        tpu.enqueue_indirect_dma source(%dma_start3A_126 : memref<10240x128xf32, #tpu.memory_space<hbm>>) target(%arg10 : memref<80x128xf32, #tpu.memory_space<vmem>>) offsets(%dma_start3A_123 : memref<80xi32, #tpu.memory_space<vmem>>) semaphore(%arg14 : memref<!tpu.dma_semaphore, #tpu.memory_space<semaphore_mem>>)
        %add3A_127 = arith.constant 2 : i32
        %add3A_128 = arith.addi %mul3A_94, %add3A_127 : i32
        %dma_wait3A_129 = arith.constant 0 : i32
        %dma_wait3A_130 = tpu.memref_slice %arg7[%add3A_128, %dma_wait3A_129] : memref<25x80xi32, #tpu.memory_space<vmem>> -> memref<1x80xi32, #tpu.memory_space<vmem>>
        %dma_wait3A_131 = tpu.memref_squeeze %dma_wait3A_130 : memref<1x80xi32, #tpu.memory_space<vmem>> -> memref<80xi32, #tpu.memory_space<vmem>>
        %dma_wait3A_132 = arith.constant 0 : i32
        %dma_wait3A_133 = arith.constant 0 : i32
        %dma_wait3A_134 = tpu.memref_slice %arg2[%dma_wait3A_132, %dma_wait3A_133] : memref<10240x128xf32, #tpu.memory_space<hbm>> -> memref<10240x128xf32, #tpu.memory_space<hbm>>
        tpu.wait_indirect_dma semaphore(%arg15 : memref<!tpu.dma_semaphore, #tpu.memory_space<semaphore_mem>>) src(%dma_wait3A_134 : memref<10240x128xf32, #tpu.memory_space<hbm>>) dst(%arg11 : memref<80x128xf32, #tpu.memory_space<vmem>>)
        "tpu.region"() ({
          %run_scoped3A_143 = tpu.sem_alloc : memref<!tpu.dma_semaphore, #tpu.memory_space<semaphore_mem>>
          %dma_start3A_144 = arith.constant 0 : i32
          %dma_start3A_145 = tpu.memref_slice %arg8[%add3A_128, %dma_start3A_144] : memref<25x80xi32, #tpu.memory_space<vmem>> -> memref<1x80xi32, #tpu.memory_space<vmem>>
          %dma_start3A_146 = tpu.memref_squeeze %dma_start3A_145 : memref<1x80xi32, #tpu.memory_space<vmem>> -> memref<80xi32, #tpu.memory_space<vmem>>
          %dma_start3A_147 = arith.constant 0 : i32
          %dma_start3A_148 = arith.constant 0 : i32
          %dma_start3A_149 = tpu.memref_slice %arg12[%dma_start3A_147, %dma_start3A_148] : memref<10240x128xf32, #tpu.memory_space<vmem_shared>> -> memref<10240x128xf32, #tpu.memory_space<vmem_shared>>
          tpu.enqueue_indirect_dma source(%arg11 : memref<80x128xf32, #tpu.memory_space<vmem>>) target(%dma_start3A_149 : memref<10240x128xf32, #tpu.memory_space<vmem_shared>>) offsets(%dma_start3A_146 : memref<80xi32, #tpu.memory_space<vmem>>) semaphore(%run_scoped3A_143 : memref<!tpu.dma_semaphore, #tpu.memory_space<semaphore_mem>>) {add = true}
          %dma_wait3A_150 = arith.constant 0 : i32
          %dma_wait3A_151 = tpu.memref_slice %arg8[%add3A_128, %dma_wait3A_150] : memref<25x80xi32, #tpu.memory_space<vmem>> -> memref<1x80xi32, #tpu.memory_space<vmem>>
          %dma_wait3A_152 = tpu.memref_squeeze %dma_wait3A_151 : memref<1x80xi32, #tpu.memory_space<vmem>> -> memref<80xi32, #tpu.memory_space<vmem>>
          %dma_wait3A_153 = arith.constant 0 : i32
          %dma_wait3A_154 = arith.constant 0 : i32
          %dma_wait3A_155 = tpu.memref_slice %arg12[%dma_wait3A_153, %dma_wait3A_154] : memref<10240x128xf32, #tpu.memory_space<vmem_shared>> -> memref<10240x128xf32, #tpu.memory_space<vmem_shared>>
          tpu.wait_indirect_dma semaphore(%run_scoped3A_143 : memref<!tpu.dma_semaphore, #tpu.memory_space<semaphore_mem>>) src(%arg11 : memref<80x128xf32, #tpu.memory_space<vmem>>) dst(%dma_wait3A_155 : memref<10240x128xf32, #tpu.memory_space<vmem_shared>>)
          tpu.yield
        }) : () -> ()
        %add3A_135 = arith.constant 3 : i32
        %add3A_136 = arith.addi %add3A_128, %add3A_135 : i32
        %dma_start3A_137 = arith.constant 0 : i32
        %dma_start3A_138 = tpu.memref_slice %arg7[%add3A_136, %dma_start3A_137] : memref<25x80xi32, #tpu.memory_space<vmem>> -> memref<1x80xi32, #tpu.memory_space<vmem>>
        %dma_start3A_139 = tpu.memref_squeeze %dma_start3A_138 : memref<1x80xi32, #tpu.memory_space<vmem>> -> memref<80xi32, #tpu.memory_space<vmem>>
        %dma_start3A_140 = arith.constant 0 : i32
        %dma_start3A_141 = arith.constant 0 : i32
        %dma_start3A_142 = tpu.memref_slice %arg2[%dma_start3A_140, %dma_start3A_141] : memref<10240x128xf32, #tpu.memory_space<hbm>> -> memref<10240x128xf32, #tpu.memory_space<hbm>>
        tpu.enqueue_indirect_dma source(%dma_start3A_142 : memref<10240x128xf32, #tpu.memory_space<hbm>>) target(%arg11 : memref<80x128xf32, #tpu.memory_space<vmem>>) offsets(%dma_start3A_139 : memref<80xi32, #tpu.memory_space<vmem>>) semaphore(%arg15 : memref<!tpu.dma_semaphore, #tpu.memory_space<semaphore_mem>>)
      }
      %scan3A_54 = arith.constant 7 : i32
      %dma_wait3A = arith.constant 21 : i32
      %dma_wait3A_55 = arith.constant 0 : i32
      %dma_wait3A_56 = tpu.memref_slice %arg7[%dma_wait3A, %dma_wait3A_55] : memref<25x80xi32, #tpu.memory_space<vmem>> -> memref<1x80xi32, #tpu.memory_space<vmem>>
      %dma_wait3A_57 = tpu.memref_squeeze %dma_wait3A_56 : memref<1x80xi32, #tpu.memory_space<vmem>> -> memref<80xi32, #tpu.memory_space<vmem>>
      %dma_wait3A_58 = arith.constant 0 : i32
      %dma_wait3A_59 = arith.constant 0 : i32
      %dma_wait3A_60 = tpu.memref_slice %arg2[%dma_wait3A_58, %dma_wait3A_59] : memref<10240x128xf32, #tpu.memory_space<hbm>> -> memref<10240x128xf32, #tpu.memory_space<hbm>>
      tpu.wait_indirect_dma semaphore(%arg13 : memref<!tpu.dma_semaphore, #tpu.memory_space<semaphore_mem>>) src(%dma_wait3A_60 : memref<10240x128xf32, #tpu.memory_space<hbm>>) dst(%arg9 : memref<80x128xf32, #tpu.memory_space<vmem>>)
      %run_scoped3A = arith.constant 21 : i32
      "tpu.region"() ({
        %run_scoped3A_92 = tpu.sem_alloc : memref<!tpu.dma_semaphore, #tpu.memory_space<semaphore_mem>>
        %dma_start3A_93 = arith.constant 0 : i32
        %dma_start3A_94 = tpu.memref_slice %arg8[%run_scoped3A, %dma_start3A_93] : memref<25x80xi32, #tpu.memory_space<vmem>> -> memref<1x80xi32, #tpu.memory_space<vmem>>
        %dma_start3A_95 = tpu.memref_squeeze %dma_start3A_94 : memref<1x80xi32, #tpu.memory_space<vmem>> -> memref<80xi32, #tpu.memory_space<vmem>>
        %dma_start3A_96 = arith.constant 0 : i32
        %dma_start3A_97 = arith.constant 0 : i32
        %dma_start3A_98 = tpu.memref_slice %arg12[%dma_start3A_96, %dma_start3A_97] : memref<10240x128xf32, #tpu.memory_space<vmem_shared>> -> memref<10240x128xf32, #tpu.memory_space<vmem_shared>>
        tpu.enqueue_indirect_dma source(%arg9 : memref<80x128xf32, #tpu.memory_space<vmem>>) target(%dma_start3A_98 : memref<10240x128xf32, #tpu.memory_space<vmem_shared>>) offsets(%dma_start3A_95 : memref<80xi32, #tpu.memory_space<vmem>>) semaphore(%run_scoped3A_92 : memref<!tpu.dma_semaphore, #tpu.memory_space<semaphore_mem>>) {add = true}
        %dma_wait3A_99 = arith.constant 0 : i32
        %dma_wait3A_100 = tpu.memref_slice %arg8[%run_scoped3A, %dma_wait3A_99] : memref<25x80xi32, #tpu.memory_space<vmem>> -> memref<1x80xi32, #tpu.memory_space<vmem>>
        %dma_wait3A_101 = tpu.memref_squeeze %dma_wait3A_100 : memref<1x80xi32, #tpu.memory_space<vmem>> -> memref<80xi32, #tpu.memory_space<vmem>>
        %dma_wait3A_102 = arith.constant 0 : i32
        %dma_wait3A_103 = arith.constant 0 : i32
        %dma_wait3A_104 = tpu.memref_slice %arg12[%dma_wait3A_102, %dma_wait3A_103] : memref<10240x128xf32, #tpu.memory_space<vmem_shared>> -> memref<10240x128xf32, #tpu.memory_space<vmem_shared>>
        tpu.wait_indirect_dma semaphore(%run_scoped3A_92 : memref<!tpu.dma_semaphore, #tpu.memory_space<semaphore_mem>>) src(%arg9 : memref<80x128xf32, #tpu.memory_space<vmem>>) dst(%dma_wait3A_104 : memref<10240x128xf32, #tpu.memory_space<vmem_shared>>)
        tpu.yield
      }) : () -> ()
      %dma_start3A_61 = arith.constant 24 : i32
      %dma_start3A_62 = arith.constant 0 : i32
      %dma_start3A_63 = tpu.memref_slice %arg7[%dma_start3A_61, %dma_start3A_62] : memref<25x80xi32, #tpu.memory_space<vmem>> -> memref<1x80xi32, #tpu.memory_space<vmem>>
      %dma_start3A_64 = tpu.memref_squeeze %dma_start3A_63 : memref<1x80xi32, #tpu.memory_space<vmem>> -> memref<80xi32, #tpu.memory_space<vmem>>
      %dma_start3A_65 = arith.constant 0 : i32
      %dma_start3A_66 = arith.constant 0 : i32
      %dma_start3A_67 = tpu.memref_slice %arg2[%dma_start3A_65, %dma_start3A_66] : memref<10240x128xf32, #tpu.memory_space<hbm>> -> memref<10240x128xf32, #tpu.memory_space<hbm>>
      tpu.enqueue_indirect_dma source(%dma_start3A_67 : memref<10240x128xf32, #tpu.memory_space<hbm>>) target(%arg9 : memref<80x128xf32, #tpu.memory_space<vmem>>) offsets(%dma_start3A_64 : memref<80xi32, #tpu.memory_space<vmem>>) semaphore(%arg13 : memref<!tpu.dma_semaphore, #tpu.memory_space<semaphore_mem>>)
      %dma_wait3A_68 = arith.constant 22 : i32
      %dma_wait3A_69 = arith.constant 0 : i32
      %dma_wait3A_70 = tpu.memref_slice %arg7[%dma_wait3A_68, %dma_wait3A_69] : memref<25x80xi32, #tpu.memory_space<vmem>> -> memref<1x80xi32, #tpu.memory_space<vmem>>
      %dma_wait3A_71 = tpu.memref_squeeze %dma_wait3A_70 : memref<1x80xi32, #tpu.memory_space<vmem>> -> memref<80xi32, #tpu.memory_space<vmem>>
      %dma_wait3A_72 = arith.constant 0 : i32
      %dma_wait3A_73 = arith.constant 0 : i32
      %dma_wait3A_74 = tpu.memref_slice %arg2[%dma_wait3A_72, %dma_wait3A_73] : memref<10240x128xf32, #tpu.memory_space<hbm>> -> memref<10240x128xf32, #tpu.memory_space<hbm>>
      tpu.wait_indirect_dma semaphore(%arg14 : memref<!tpu.dma_semaphore, #tpu.memory_space<semaphore_mem>>) src(%dma_wait3A_74 : memref<10240x128xf32, #tpu.memory_space<hbm>>) dst(%arg10 : memref<80x128xf32, #tpu.memory_space<vmem>>)
      %run_scoped3A_75 = arith.constant 22 : i32
      "tpu.region"() ({
        %run_scoped3A_92 = tpu.sem_alloc : memref<!tpu.dma_semaphore, #tpu.memory_space<semaphore_mem>>
        %dma_start3A_93 = arith.constant 0 : i32
        %dma_start3A_94 = tpu.memref_slice %arg8[%run_scoped3A_75, %dma_start3A_93] : memref<25x80xi32, #tpu.memory_space<vmem>> -> memref<1x80xi32, #tpu.memory_space<vmem>>
        %dma_start3A_95 = tpu.memref_squeeze %dma_start3A_94 : memref<1x80xi32, #tpu.memory_space<vmem>> -> memref<80xi32, #tpu.memory_space<vmem>>
        %dma_start3A_96 = arith.constant 0 : i32
        %dma_start3A_97 = arith.constant 0 : i32
        %dma_start3A_98 = tpu.memref_slice %arg12[%dma_start3A_96, %dma_start3A_97] : memref<10240x128xf32, #tpu.memory_space<vmem_shared>> -> memref<10240x128xf32, #tpu.memory_space<vmem_shared>>
        tpu.enqueue_indirect_dma source(%arg10 : memref<80x128xf32, #tpu.memory_space<vmem>>) target(%dma_start3A_98 : memref<10240x128xf32, #tpu.memory_space<vmem_shared>>) offsets(%dma_start3A_95 : memref<80xi32, #tpu.memory_space<vmem>>) semaphore(%run_scoped3A_92 : memref<!tpu.dma_semaphore, #tpu.memory_space<semaphore_mem>>) {add = true}
        %dma_wait3A_99 = arith.constant 0 : i32
        %dma_wait3A_100 = tpu.memref_slice %arg8[%run_scoped3A_75, %dma_wait3A_99] : memref<25x80xi32, #tpu.memory_space<vmem>> -> memref<1x80xi32, #tpu.memory_space<vmem>>
        %dma_wait3A_101 = tpu.memref_squeeze %dma_wait3A_100 : memref<1x80xi32, #tpu.memory_space<vmem>> -> memref<80xi32, #tpu.memory_space<vmem>>
        %dma_wait3A_102 = arith.constant 0 : i32
        %dma_wait3A_103 = arith.constant 0 : i32
        %dma_wait3A_104 = tpu.memref_slice %arg12[%dma_wait3A_102, %dma_wait3A_103] : memref<10240x128xf32, #tpu.memory_space<vmem_shared>> -> memref<10240x128xf32, #tpu.memory_space<vmem_shared>>
        tpu.wait_indirect_dma semaphore(%run_scoped3A_92 : memref<!tpu.dma_semaphore, #tpu.memory_space<semaphore_mem>>) src(%arg10 : memref<80x128xf32, #tpu.memory_space<vmem>>) dst(%dma_wait3A_104 : memref<10240x128xf32, #tpu.memory_space<vmem_shared>>)
        tpu.yield
      }) : () -> ()
      %dma_wait3A_76 = arith.constant 23 : i32
      %dma_wait3A_77 = arith.constant 0 : i32
      %dma_wait3A_78 = tpu.memref_slice %arg7[%dma_wait3A_76, %dma_wait3A_77] : memref<25x80xi32, #tpu.memory_space<vmem>> -> memref<1x80xi32, #tpu.memory_space<vmem>>
      %dma_wait3A_79 = tpu.memref_squeeze %dma_wait3A_78 : memref<1x80xi32, #tpu.memory_space<vmem>> -> memref<80xi32, #tpu.memory_space<vmem>>
      %dma_wait3A_80 = arith.constant 0 : i32
      %dma_wait3A_81 = arith.constant 0 : i32
      %dma_wait3A_82 = tpu.memref_slice %arg2[%dma_wait3A_80, %dma_wait3A_81] : memref<10240x128xf32, #tpu.memory_space<hbm>> -> memref<10240x128xf32, #tpu.memory_space<hbm>>
      tpu.wait_indirect_dma semaphore(%arg15 : memref<!tpu.dma_semaphore, #tpu.memory_space<semaphore_mem>>) src(%dma_wait3A_82 : memref<10240x128xf32, #tpu.memory_space<hbm>>) dst(%arg11 : memref<80x128xf32, #tpu.memory_space<vmem>>)
      %run_scoped3A_83 = arith.constant 23 : i32
      "tpu.region"() ({
        %run_scoped3A_92 = tpu.sem_alloc : memref<!tpu.dma_semaphore, #tpu.memory_space<semaphore_mem>>
        %dma_start3A_93 = arith.constant 0 : i32
        %dma_start3A_94 = tpu.memref_slice %arg8[%run_scoped3A_83, %dma_start3A_93] : memref<25x80xi32, #tpu.memory_space<vmem>> -> memref<1x80xi32, #tpu.memory_space<vmem>>
        %dma_start3A_95 = tpu.memref_squeeze %dma_start3A_94 : memref<1x80xi32, #tpu.memory_space<vmem>> -> memref<80xi32, #tpu.memory_space<vmem>>
        %dma_start3A_96 = arith.constant 0 : i32
        %dma_start3A_97 = arith.constant 0 : i32
        %dma_start3A_98 = tpu.memref_slice %arg12[%dma_start3A_96, %dma_start3A_97] : memref<10240x128xf32, #tpu.memory_space<vmem_shared>> -> memref<10240x128xf32, #tpu.memory_space<vmem_shared>>
        tpu.enqueue_indirect_dma source(%arg11 : memref<80x128xf32, #tpu.memory_space<vmem>>) target(%dma_start3A_98 : memref<10240x128xf32, #tpu.memory_space<vmem_shared>>) offsets(%dma_start3A_95 : memref<80xi32, #tpu.memory_space<vmem>>) semaphore(%run_scoped3A_92 : memref<!tpu.dma_semaphore, #tpu.memory_space<semaphore_mem>>) {add = true}
        %dma_wait3A_99 = arith.constant 0 : i32
        %dma_wait3A_100 = tpu.memref_slice %arg8[%run_scoped3A_83, %dma_wait3A_99] : memref<25x80xi32, #tpu.memory_space<vmem>> -> memref<1x80xi32, #tpu.memory_space<vmem>>
        %dma_wait3A_101 = tpu.memref_squeeze %dma_wait3A_100 : memref<1x80xi32, #tpu.memory_space<vmem>> -> memref<80xi32, #tpu.memory_space<vmem>>
        %dma_wait3A_102 = arith.constant 0 : i32
        %dma_wait3A_103 = arith.constant 0 : i32
        %dma_wait3A_104 = tpu.memref_slice %arg12[%dma_wait3A_102, %dma_wait3A_103] : memref<10240x128xf32, #tpu.memory_space<vmem_shared>> -> memref<10240x128xf32, #tpu.memory_space<vmem_shared>>
        tpu.wait_indirect_dma semaphore(%run_scoped3A_92 : memref<!tpu.dma_semaphore, #tpu.memory_space<semaphore_mem>>) src(%arg11 : memref<80x128xf32, #tpu.memory_space<vmem>>) dst(%dma_wait3A_104 : memref<10240x128xf32, #tpu.memory_space<vmem_shared>>)
        tpu.yield
      }) : () -> ()
      %dma_wait3A_84 = arith.constant 24 : i32
      %dma_wait3A_85 = arith.constant 0 : i32
      %dma_wait3A_86 = tpu.memref_slice %arg7[%dma_wait3A_84, %dma_wait3A_85] : memref<25x80xi32, #tpu.memory_space<vmem>> -> memref<1x80xi32, #tpu.memory_space<vmem>>
      %dma_wait3A_87 = tpu.memref_squeeze %dma_wait3A_86 : memref<1x80xi32, #tpu.memory_space<vmem>> -> memref<80xi32, #tpu.memory_space<vmem>>
      %dma_wait3A_88 = arith.constant 0 : i32
      %dma_wait3A_89 = arith.constant 0 : i32
      %dma_wait3A_90 = tpu.memref_slice %arg2[%dma_wait3A_88, %dma_wait3A_89] : memref<10240x128xf32, #tpu.memory_space<hbm>> -> memref<10240x128xf32, #tpu.memory_space<hbm>>
      tpu.wait_indirect_dma semaphore(%arg13 : memref<!tpu.dma_semaphore, #tpu.memory_space<semaphore_mem>>) src(%dma_wait3A_90 : memref<10240x128xf32, #tpu.memory_space<hbm>>) dst(%arg9 : memref<80x128xf32, #tpu.memory_space<vmem>>)
      %run_scoped3A_91 = arith.constant 24 : i32
      "tpu.region"() ({
        %run_scoped3A_92 = tpu.sem_alloc : memref<!tpu.dma_semaphore, #tpu.memory_space<semaphore_mem>>
        %dma_start3A_93 = arith.constant 0 : i32
        %dma_start3A_94 = tpu.memref_slice %arg8[%run_scoped3A_91, %dma_start3A_93] : memref<25x80xi32, #tpu.memory_space<vmem>> -> memref<1x80xi32, #tpu.memory_space<vmem>>
        %dma_start3A_95 = tpu.memref_squeeze %dma_start3A_94 : memref<1x80xi32, #tpu.memory_space<vmem>> -> memref<80xi32, #tpu.memory_space<vmem>>
        %dma_start3A_96 = arith.constant 0 : i32
        %dma_start3A_97 = arith.constant 0 : i32
        %dma_start3A_98 = tpu.memref_slice %arg12[%dma_start3A_96, %dma_start3A_97] : memref<10240x128xf32, #tpu.memory_space<vmem_shared>> -> memref<10240x128xf32, #tpu.memory_space<vmem_shared>>
        tpu.enqueue_indirect_dma source(%arg9 : memref<80x128xf32, #tpu.memory_space<vmem>>) target(%dma_start3A_98 : memref<10240x128xf32, #tpu.memory_space<vmem_shared>>) offsets(%dma_start3A_95 : memref<80xi32, #tpu.memory_space<vmem>>) semaphore(%run_scoped3A_92 : memref<!tpu.dma_semaphore, #tpu.memory_space<semaphore_mem>>) {add = true}
        %dma_wait3A_99 = arith.constant 0 : i32
        %dma_wait3A_100 = tpu.memref_slice %arg8[%run_scoped3A_91, %dma_wait3A_99] : memref<25x80xi32, #tpu.memory_space<vmem>> -> memref<1x80xi32, #tpu.memory_space<vmem>>
        %dma_wait3A_101 = tpu.memref_squeeze %dma_wait3A_100 : memref<1x80xi32, #tpu.memory_space<vmem>> -> memref<80xi32, #tpu.memory_space<vmem>>
        %dma_wait3A_102 = arith.constant 0 : i32
        %dma_wait3A_103 = arith.constant 0 : i32
        %dma_wait3A_104 = tpu.memref_slice %arg12[%dma_wait3A_102, %dma_wait3A_103] : memref<10240x128xf32, #tpu.memory_space<vmem_shared>> -> memref<10240x128xf32, #tpu.memory_space<vmem_shared>>
        tpu.wait_indirect_dma semaphore(%run_scoped3A_92 : memref<!tpu.dma_semaphore, #tpu.memory_space<semaphore_mem>>) src(%arg9 : memref<80x128xf32, #tpu.memory_space<vmem>>) dst(%dma_wait3A_104 : memref<10240x128xf32, #tpu.memory_space<vmem_shared>>)
        tpu.yield
      }) : () -> ()
    }
    %scan3A_23 = arith.constant 5 : i32
    %barrier3A_24 = arith.constant 0 : index
    tpu.barrier barrier_id(%barrier3A_24)
    %mul3A_25 = arith.constant 10240 : i32
    %mul3A_26 = arith.muli %arg0, %mul3A_25 : i32
    %add3A_27 = arith.addi %mul3A_26, %mul3A_2 : i32
    "tpu.region"() ({
      %run_scoped3A = tpu.sem_alloc : memref<!tpu.dma_semaphore, #tpu.memory_space<semaphore_mem>>
      %dma_start3A = arith.constant 0 : i32
      %dma_start3A_28 = tpu.memref_slice %arg6[%add3A_27, %dma_start3A] : memref<20480x128xf32, #tpu.memory_space<hbm>> -> memref<640x128xf32, #tpu.memory_space<hbm>>
      %dma_start3A_29 = arith.constant 0 : i32
      %dma_start3A_30 = tpu.memref_slice %arg12[%mul3A_2, %dma_start3A_29] : memref<10240x128xf32, #tpu.memory_space<vmem_shared>> -> memref<640x128xf32, #tpu.memory_space<vmem_shared>>
      tpu.enqueue_dma source(%dma_start3A_30 : memref<640x128xf32, #tpu.memory_space<vmem_shared>>) target(%dma_start3A_28 : memref<640x128xf32, #tpu.memory_space<hbm>>) target_semaphore(%run_scoped3A : memref<!tpu.dma_semaphore, #tpu.memory_space<semaphore_mem>>)
      %dma_wait3A = arith.constant 0 : i32
      %dma_wait3A_31 = tpu.memref_slice %arg6[%add3A_27, %dma_wait3A] : memref<20480x128xf32, #tpu.memory_space<hbm>> -> memref<640x128xf32, #tpu.memory_space<hbm>>
      %dma_wait3A_32 = arith.constant 0 : i32
      %dma_wait3A_33 = tpu.memref_slice %arg12[%mul3A_2, %dma_wait3A_32] : memref<10240x128xf32, #tpu.memory_space<vmem_shared>> -> memref<640x128xf32, #tpu.memory_space<vmem_shared>>
      tpu.wait_dma2 semaphore(%run_scoped3A : memref<!tpu.dma_semaphore, #tpu.memory_space<semaphore_mem>>) src(%dma_wait3A_33 : memref<640x128xf32, #tpu.memory_space<vmem_shared>>) dst(%dma_wait3A_31 : memref<640x128xf32, #tpu.memory_space<hbm>>)
      tpu.yield
    }) : () -> ()
    return
  }
}

#map = affine_map<(d0, d1) -> (0, 0)>
#map1 = affine_map<(d0, d1) -> (0, 0, 0, 0)>
module attributes {stable_mosaic.version = 14 : i64} {
  func.func @_sc_agg(%arg0: i32, %arg1: i32, %arg2: memref<10240x128xf32, #tpu.memory_space<hbm>>, %arg3: memref<5x32x25x80xi32, #tpu.memory_space<hbm>>, %arg4: memref<5x32x25x80xi32, #tpu.memory_space<hbm>>, %arg5: memref<80x128xf32, #tpu.memory_space<hbm>>, %arg6: memref<20480x128xf32, #tpu.memory_space<hbm>>, %arg7: memref<25x80xi32, #tpu.memory_space<vmem>>, %arg8: memref<25x80xi32, #tpu.memory_space<vmem>>, %arg9: memref<80x128xf32, #tpu.memory_space<vmem>>, %arg10: memref<80x128xf32, #tpu.memory_space<vmem>>, %arg11: memref<80x128xf32, #tpu.memory_space<vmem>>, %arg12: memref<10240x128xf32, #tpu.memory_space<vmem_shared>>, %arg13: memref<!tpu.dma_semaphore, #tpu.memory_space<semaphore_mem>>, %arg14: memref<!tpu.dma_semaphore, #tpu.memory_space<semaphore_mem>>, %arg15: memref<!tpu.dma_semaphore, #tpu.memory_space<semaphore_mem>>) attributes {dimension_semantics = [#tpu.dimension_semantics<core_parallel>, #tpu.dimension_semantics<subcore_parallel>], iteration_bounds = array<i64: 2, 16>, scalar_prefetch = 0 : i64, scratch_operands = 9 : i64, tpu.core_type = #tpu.core_type<sc_vector_subcore>, window_params = [{transform_indices = #map}, {transform_indices = #map1}, {transform_indices = #map1}, {transform_indices = #map}, {transform_indices = #map}]} {
    %mul3A = arith.constant 16 : i32
    %mul3A_0 = arith.muli %arg0, %mul3A : i32
    %add3A = arith.addi %mul3A_0, %arg1 : i32
    %mul3A_1 = arith.constant 640 : i32
    %mul3A_2 = arith.muli %arg1, %mul3A_1 : i32
    "tpu.region"() ({
      %run_scoped3A = tpu.sem_alloc : memref<!tpu.dma_semaphore, #tpu.memory_space<semaphore_mem>>
      tpu.enqueue_dma source(%arg5 : memref<80x128xf32, #tpu.memory_space<hbm>>) target(%arg9 : memref<80x128xf32, #tpu.memory_space<vmem>>) target_semaphore(%run_scoped3A : memref<!tpu.dma_semaphore, #tpu.memory_space<semaphore_mem>>)
      tpu.wait_dma2 semaphore(%run_scoped3A : memref<!tpu.dma_semaphore, #tpu.memory_space<semaphore_mem>>) src(%arg5 : memref<80x128xf32, #tpu.memory_space<hbm>>) dst(%arg9 : memref<80x128xf32, #tpu.memory_space<vmem>>)
      tpu.yield
    }) : () -> ()
    %add3A_3 = arith.constant 0 : i32
    %add3A_4 = arith.addi %mul3A_2, %add3A_3 : i32
    "tpu.region"() ({
      %run_scoped3A = tpu.sem_alloc : memref<!tpu.dma_semaphore, #tpu.memory_space<semaphore_mem>>
      %dma_start3A = arith.constant 0 : i32
      %dma_start3A_28 = tpu.memref_slice %arg12[%add3A_4, %dma_start3A] : memref<10240x128xf32, #tpu.memory_space<vmem_shared>> -> memref<80x128xf32, #tpu.memory_space<vmem_shared>>
      %dma_start3A_29 = arith.constant 0 : i32
      %dma_start3A_30 = tpu.memref_slice %arg12[%add3A_4, %dma_start3A_29] : memref<10240x128xf32, #tpu.memory_space<vmem_shared>> -> memref<80x128xf32, #tpu.memory_space<vmem_shared>>
      tpu.enqueue_dma source(%arg9 : memref<80x128xf32, #tpu.memory_space<vmem>>) target(%dma_start3A_30 : memref<80x128xf32, #tpu.memory_space<vmem_shared>>) target_semaphore(%run_scoped3A : memref<!tpu.dma_semaphore, #tpu.memory_space<semaphore_mem>>)
      %dma_wait3A = arith.constant 0 : i32
      %dma_wait3A_31 = tpu.memref_slice %arg12[%add3A_4, %dma_wait3A] : memref<10240x128xf32, #tpu.memory_space<vmem_shared>> -> memref<80x128xf32, #tpu.memory_space<vmem_shared>>
      %dma_wait3A_32 = arith.constant 0 : i32
      %dma_wait3A_33 = tpu.memref_slice %arg12[%add3A_4, %dma_wait3A_32] : memref<10240x128xf32, #tpu.memory_space<vmem_shared>> -> memref<80x128xf32, #tpu.memory_space<vmem_shared>>
      tpu.wait_dma2 semaphore(%run_scoped3A : memref<!tpu.dma_semaphore, #tpu.memory_space<semaphore_mem>>) src(%arg9 : memref<80x128xf32, #tpu.memory_space<vmem>>) dst(%dma_wait3A_33 : memref<80x128xf32, #tpu.memory_space<vmem_shared>>)
      tpu.yield
    }) : () -> ()
    %add3A_5 = arith.constant 80 : i32
    %add3A_6 = arith.addi %mul3A_2, %add3A_5 : i32
    "tpu.region"() ({
      %run_scoped3A = tpu.sem_alloc : memref<!tpu.dma_semaphore, #tpu.memory_space<semaphore_mem>>
      %dma_start3A = arith.constant 0 : i32
      %dma_start3A_28 = tpu.memref_slice %arg12[%add3A_6, %dma_start3A] : memref<10240x128xf32, #tpu.memory_space<vmem_shared>> -> memref<80x128xf32, #tpu.memory_space<vmem_shared>>
      %dma_start3A_29 = arith.constant 0 : i32
      %dma_start3A_30 = tpu.memref_slice %arg12[%add3A_6, %dma_start3A_29] : memref<10240x128xf32, #tpu.memory_space<vmem_shared>> -> memref<80x128xf32, #tpu.memory_space<vmem_shared>>
      tpu.enqueue_dma source(%arg9 : memref<80x128xf32, #tpu.memory_space<vmem>>) target(%dma_start3A_30 : memref<80x128xf32, #tpu.memory_space<vmem_shared>>) target_semaphore(%run_scoped3A : memref<!tpu.dma_semaphore, #tpu.memory_space<semaphore_mem>>)
      %dma_wait3A = arith.constant 0 : i32
      %dma_wait3A_31 = tpu.memref_slice %arg12[%add3A_6, %dma_wait3A] : memref<10240x128xf32, #tpu.memory_space<vmem_shared>> -> memref<80x128xf32, #tpu.memory_space<vmem_shared>>
      %dma_wait3A_32 = arith.constant 0 : i32
      %dma_wait3A_33 = tpu.memref_slice %arg12[%add3A_6, %dma_wait3A_32] : memref<10240x128xf32, #tpu.memory_space<vmem_shared>> -> memref<80x128xf32, #tpu.memory_space<vmem_shared>>
      tpu.wait_dma2 semaphore(%run_scoped3A : memref<!tpu.dma_semaphore, #tpu.memory_space<semaphore_mem>>) src(%arg9 : memref<80x128xf32, #tpu.memory_space<vmem>>) dst(%dma_wait3A_33 : memref<80x128xf32, #tpu.memory_space<vmem_shared>>)
      tpu.yield
    }) : () -> ()
    %add3A_7 = arith.constant 160 : i32
    %add3A_8 = arith.addi %mul3A_2, %add3A_7 : i32
    "tpu.region"() ({
      %run_scoped3A = tpu.sem_alloc : memref<!tpu.dma_semaphore, #tpu.memory_space<semaphore_mem>>
      %dma_start3A = arith.constant 0 : i32
      %dma_start3A_28 = tpu.memref_slice %arg12[%add3A_8, %dma_start3A] : memref<10240x128xf32, #tpu.memory_space<vmem_shared>> -> memref<80x128xf32, #tpu.memory_space<vmem_shared>>
      %dma_start3A_29 = arith.constant 0 : i32
      %dma_start3A_30 = tpu.memref_slice %arg12[%add3A_8, %dma_start3A_29] : memref<10240x128xf32, #tpu.memory_space<vmem_shared>> -> memref<80x128xf32, #tpu.memory_space<vmem_shared>>
      tpu.enqueue_dma source(%arg9 : memref<80x128xf32, #tpu.memory_space<vmem>>) target(%dma_start3A_30 : memref<80x128xf32, #tpu.memory_space<vmem_shared>>) target_semaphore(%run_scoped3A : memref<!tpu.dma_semaphore, #tpu.memory_space<semaphore_mem>>)
      %dma_wait3A = arith.constant 0 : i32
      %dma_wait3A_31 = tpu.memref_slice %arg12[%add3A_8, %dma_wait3A] : memref<10240x128xf32, #tpu.memory_space<vmem_shared>> -> memref<80x128xf32, #tpu.memory_space<vmem_shared>>
      %dma_wait3A_32 = arith.constant 0 : i32
      %dma_wait3A_33 = tpu.memref_slice %arg12[%add3A_8, %dma_wait3A_32] : memref<10240x128xf32, #tpu.memory_space<vmem_shared>> -> memref<80x128xf32, #tpu.memory_space<vmem_shared>>
      tpu.wait_dma2 semaphore(%run_scoped3A : memref<!tpu.dma_semaphore, #tpu.memory_space<semaphore_mem>>) src(%arg9 : memref<80x128xf32, #tpu.memory_space<vmem>>) dst(%dma_wait3A_33 : memref<80x128xf32, #tpu.memory_space<vmem_shared>>)
      tpu.yield
    }) : () -> ()
    %add3A_9 = arith.constant 240 : i32
    %add3A_10 = arith.addi %mul3A_2, %add3A_9 : i32
    "tpu.region"() ({
      %run_scoped3A = tpu.sem_alloc : memref<!tpu.dma_semaphore, #tpu.memory_space<semaphore_mem>>
      %dma_start3A = arith.constant 0 : i32
      %dma_start3A_28 = tpu.memref_slice %arg12[%add3A_10, %dma_start3A] : memref<10240x128xf32, #tpu.memory_space<vmem_shared>> -> memref<80x128xf32, #tpu.memory_space<vmem_shared>>
      %dma_start3A_29 = arith.constant 0 : i32
      %dma_start3A_30 = tpu.memref_slice %arg12[%add3A_10, %dma_start3A_29] : memref<10240x128xf32, #tpu.memory_space<vmem_shared>> -> memref<80x128xf32, #tpu.memory_space<vmem_shared>>
      tpu.enqueue_dma source(%arg9 : memref<80x128xf32, #tpu.memory_space<vmem>>) target(%dma_start3A_30 : memref<80x128xf32, #tpu.memory_space<vmem_shared>>) target_semaphore(%run_scoped3A : memref<!tpu.dma_semaphore, #tpu.memory_space<semaphore_mem>>)
      %dma_wait3A = arith.constant 0 : i32
      %dma_wait3A_31 = tpu.memref_slice %arg12[%add3A_10, %dma_wait3A] : memref<10240x128xf32, #tpu.memory_space<vmem_shared>> -> memref<80x128xf32, #tpu.memory_space<vmem_shared>>
      %dma_wait3A_32 = arith.constant 0 : i32
      %dma_wait3A_33 = tpu.memref_slice %arg12[%add3A_10, %dma_wait3A_32] : memref<10240x128xf32, #tpu.memory_space<vmem_shared>> -> memref<80x128xf32, #tpu.memory_space<vmem_shared>>
      tpu.wait_dma2 semaphore(%run_scoped3A : memref<!tpu.dma_semaphore, #tpu.memory_space<semaphore_mem>>) src(%arg9 : memref<80x128xf32, #tpu.memory_space<vmem>>) dst(%dma_wait3A_33 : memref<80x128xf32, #tpu.memory_space<vmem_shared>>)
      tpu.yield
    }) : () -> ()
    %add3A_11 = arith.constant 320 : i32
    %add3A_12 = arith.addi %mul3A_2, %add3A_11 : i32
    "tpu.region"() ({
      %run_scoped3A = tpu.sem_alloc : memref<!tpu.dma_semaphore, #tpu.memory_space<semaphore_mem>>
      %dma_start3A = arith.constant 0 : i32
      %dma_start3A_28 = tpu.memref_slice %arg12[%add3A_12, %dma_start3A] : memref<10240x128xf32, #tpu.memory_space<vmem_shared>> -> memref<80x128xf32, #tpu.memory_space<vmem_shared>>
      %dma_start3A_29 = arith.constant 0 : i32
      %dma_start3A_30 = tpu.memref_slice %arg12[%add3A_12, %dma_start3A_29] : memref<10240x128xf32, #tpu.memory_space<vmem_shared>> -> memref<80x128xf32, #tpu.memory_space<vmem_shared>>
      tpu.enqueue_dma source(%arg9 : memref<80x128xf32, #tpu.memory_space<vmem>>) target(%dma_start3A_30 : memref<80x128xf32, #tpu.memory_space<vmem_shared>>) target_semaphore(%run_scoped3A : memref<!tpu.dma_semaphore, #tpu.memory_space<semaphore_mem>>)
      %dma_wait3A = arith.constant 0 : i32
      %dma_wait3A_31 = tpu.memref_slice %arg12[%add3A_12, %dma_wait3A] : memref<10240x128xf32, #tpu.memory_space<vmem_shared>> -> memref<80x128xf32, #tpu.memory_space<vmem_shared>>
      %dma_wait3A_32 = arith.constant 0 : i32
      %dma_wait3A_33 = tpu.memref_slice %arg12[%add3A_12, %dma_wait3A_32] : memref<10240x128xf32, #tpu.memory_space<vmem_shared>> -> memref<80x128xf32, #tpu.memory_space<vmem_shared>>
      tpu.wait_dma2 semaphore(%run_scoped3A : memref<!tpu.dma_semaphore, #tpu.memory_space<semaphore_mem>>) src(%arg9 : memref<80x128xf32, #tpu.memory_space<vmem>>) dst(%dma_wait3A_33 : memref<80x128xf32, #tpu.memory_space<vmem_shared>>)
      tpu.yield
    }) : () -> ()
    %add3A_13 = arith.constant 400 : i32
    %add3A_14 = arith.addi %mul3A_2, %add3A_13 : i32
    "tpu.region"() ({
      %run_scoped3A = tpu.sem_alloc : memref<!tpu.dma_semaphore, #tpu.memory_space<semaphore_mem>>
      %dma_start3A = arith.constant 0 : i32
      %dma_start3A_28 = tpu.memref_slice %arg12[%add3A_14, %dma_start3A] : memref<10240x128xf32, #tpu.memory_space<vmem_shared>> -> memref<80x128xf32, #tpu.memory_space<vmem_shared>>
      %dma_start3A_29 = arith.constant 0 : i32
      %dma_start3A_30 = tpu.memref_slice %arg12[%add3A_14, %dma_start3A_29] : memref<10240x128xf32, #tpu.memory_space<vmem_shared>> -> memref<80x128xf32, #tpu.memory_space<vmem_shared>>
      tpu.enqueue_dma source(%arg9 : memref<80x128xf32, #tpu.memory_space<vmem>>) target(%dma_start3A_30 : memref<80x128xf32, #tpu.memory_space<vmem_shared>>) target_semaphore(%run_scoped3A : memref<!tpu.dma_semaphore, #tpu.memory_space<semaphore_mem>>)
      %dma_wait3A = arith.constant 0 : i32
      %dma_wait3A_31 = tpu.memref_slice %arg12[%add3A_14, %dma_wait3A] : memref<10240x128xf32, #tpu.memory_space<vmem_shared>> -> memref<80x128xf32, #tpu.memory_space<vmem_shared>>
      %dma_wait3A_32 = arith.constant 0 : i32
      %dma_wait3A_33 = tpu.memref_slice %arg12[%add3A_14, %dma_wait3A_32] : memref<10240x128xf32, #tpu.memory_space<vmem_shared>> -> memref<80x128xf32, #tpu.memory_space<vmem_shared>>
      tpu.wait_dma2 semaphore(%run_scoped3A : memref<!tpu.dma_semaphore, #tpu.memory_space<semaphore_mem>>) src(%arg9 : memref<80x128xf32, #tpu.memory_space<vmem>>) dst(%dma_wait3A_33 : memref<80x128xf32, #tpu.memory_space<vmem_shared>>)
      tpu.yield
    }) : () -> ()
    %add3A_15 = arith.constant 480 : i32
    %add3A_16 = arith.addi %mul3A_2, %add3A_15 : i32
    "tpu.region"() ({
      %run_scoped3A = tpu.sem_alloc : memref<!tpu.dma_semaphore, #tpu.memory_space<semaphore_mem>>
      %dma_start3A = arith.constant 0 : i32
      %dma_start3A_28 = tpu.memref_slice %arg12[%add3A_16, %dma_start3A] : memref<10240x128xf32, #tpu.memory_space<vmem_shared>> -> memref<80x128xf32, #tpu.memory_space<vmem_shared>>
      %dma_start3A_29 = arith.constant 0 : i32
      %dma_start3A_30 = tpu.memref_slice %arg12[%add3A_16, %dma_start3A_29] : memref<10240x128xf32, #tpu.memory_space<vmem_shared>> -> memref<80x128xf32, #tpu.memory_space<vmem_shared>>
      tpu.enqueue_dma source(%arg9 : memref<80x128xf32, #tpu.memory_space<vmem>>) target(%dma_start3A_30 : memref<80x128xf32, #tpu.memory_space<vmem_shared>>) target_semaphore(%run_scoped3A : memref<!tpu.dma_semaphore, #tpu.memory_space<semaphore_mem>>)
      %dma_wait3A = arith.constant 0 : i32
      %dma_wait3A_31 = tpu.memref_slice %arg12[%add3A_16, %dma_wait3A] : memref<10240x128xf32, #tpu.memory_space<vmem_shared>> -> memref<80x128xf32, #tpu.memory_space<vmem_shared>>
      %dma_wait3A_32 = arith.constant 0 : i32
      %dma_wait3A_33 = tpu.memref_slice %arg12[%add3A_16, %dma_wait3A_32] : memref<10240x128xf32, #tpu.memory_space<vmem_shared>> -> memref<80x128xf32, #tpu.memory_space<vmem_shared>>
      tpu.wait_dma2 semaphore(%run_scoped3A : memref<!tpu.dma_semaphore, #tpu.memory_space<semaphore_mem>>) src(%arg9 : memref<80x128xf32, #tpu.memory_space<vmem>>) dst(%dma_wait3A_33 : memref<80x128xf32, #tpu.memory_space<vmem_shared>>)
      tpu.yield
    }) : () -> ()
    %add3A_17 = arith.constant 560 : i32
    %add3A_18 = arith.addi %mul3A_2, %add3A_17 : i32
    "tpu.region"() ({
      %run_scoped3A = tpu.sem_alloc : memref<!tpu.dma_semaphore, #tpu.memory_space<semaphore_mem>>
      %dma_start3A = arith.constant 0 : i32
      %dma_start3A_28 = tpu.memref_slice %arg12[%add3A_18, %dma_start3A] : memref<10240x128xf32, #tpu.memory_space<vmem_shared>> -> memref<80x128xf32, #tpu.memory_space<vmem_shared>>
      %dma_start3A_29 = arith.constant 0 : i32
      %dma_start3A_30 = tpu.memref_slice %arg12[%add3A_18, %dma_start3A_29] : memref<10240x128xf32, #tpu.memory_space<vmem_shared>> -> memref<80x128xf32, #tpu.memory_space<vmem_shared>>
      tpu.enqueue_dma source(%arg9 : memref<80x128xf32, #tpu.memory_space<vmem>>) target(%dma_start3A_30 : memref<80x128xf32, #tpu.memory_space<vmem_shared>>) target_semaphore(%run_scoped3A : memref<!tpu.dma_semaphore, #tpu.memory_space<semaphore_mem>>)
      %dma_wait3A = arith.constant 0 : i32
      %dma_wait3A_31 = tpu.memref_slice %arg12[%add3A_18, %dma_wait3A] : memref<10240x128xf32, #tpu.memory_space<vmem_shared>> -> memref<80x128xf32, #tpu.memory_space<vmem_shared>>
      %dma_wait3A_32 = arith.constant 0 : i32
      %dma_wait3A_33 = tpu.memref_slice %arg12[%add3A_18, %dma_wait3A_32] : memref<10240x128xf32, #tpu.memory_space<vmem_shared>> -> memref<80x128xf32, #tpu.memory_space<vmem_shared>>
      tpu.wait_dma2 semaphore(%run_scoped3A : memref<!tpu.dma_semaphore, #tpu.memory_space<semaphore_mem>>) src(%arg9 : memref<80x128xf32, #tpu.memory_space<vmem>>) dst(%dma_wait3A_33 : memref<80x128xf32, #tpu.memory_space<vmem_shared>>)
      tpu.yield
    }) : () -> ()
    %barrier3A = arith.constant 0 : index
    tpu.barrier barrier_id(%barrier3A)
    %scan3A = arith.constant 0 : i32
    %scan3A_19 = arith.constant 0 : i32
    %scan3A_20 = arith.constant 5 : i32
    %scan3A_21 = arith.addi %scan3A_19, %scan3A_20 : i32
    %scan3A_22 = arith.constant 1 : i32
    scf.for %scan3A_28 = %scan3A_19 to %scan3A_21 step %scan3A_22  : i32 {
      "tpu.region"() ({
        %run_scoped3A_92 = tpu.sem_alloc : memref<!tpu.dma_semaphore, #tpu.memory_space<semaphore_mem>>
        %dma_start3A_93 = arith.constant 0 : i32
        %dma_start3A_94 = arith.constant 0 : i32
        %dma_start3A_95 = tpu.memref_slice %arg3[%scan3A_28, %add3A, %dma_start3A_93, %dma_start3A_94] : memref<5x32x25x80xi32, #tpu.memory_space<hbm>> -> memref<1x1x25x80xi32, #tpu.memory_space<hbm>>
        %dma_start3A_96 = tpu.memref_squeeze %dma_start3A_95 : memref<1x1x25x80xi32, #tpu.memory_space<hbm>> -> memref<25x80xi32, #tpu.memory_space<hbm>>
        %dma_start3A_97 = arith.constant 0 : i32
        %dma_start3A_98 = arith.constant 0 : i32
        %dma_start3A_99 = tpu.memref_slice %arg3[%scan3A_28, %add3A, %dma_start3A_97, %dma_start3A_98] : memref<5x32x25x80xi32, #tpu.memory_space<hbm>> -> memref<1x1x25x80xi32, #tpu.memory_space<hbm>>
        %dma_start3A_100 = tpu.memref_squeeze %dma_start3A_99 : memref<1x1x25x80xi32, #tpu.memory_space<hbm>> -> memref<25x80xi32, #tpu.memory_space<hbm>>
        tpu.enqueue_dma source(%dma_start3A_100 : memref<25x80xi32, #tpu.memory_space<hbm>>) target(%arg7 : memref<25x80xi32, #tpu.memory_space<vmem>>) target_semaphore(%run_scoped3A_92 : memref<!tpu.dma_semaphore, #tpu.memory_space<semaphore_mem>>)
        %dma_wait3A_101 = arith.constant 0 : i32
        %dma_wait3A_102 = arith.constant 0 : i32
        %dma_wait3A_103 = tpu.memref_slice %arg3[%scan3A_28, %add3A, %dma_wait3A_101, %dma_wait3A_102] : memref<5x32x25x80xi32, #tpu.memory_space<hbm>> -> memref<1x1x25x80xi32, #tpu.memory_space<hbm>>
        %dma_wait3A_104 = tpu.memref_squeeze %dma_wait3A_103 : memref<1x1x25x80xi32, #tpu.memory_space<hbm>> -> memref<25x80xi32, #tpu.memory_space<hbm>>
        %dma_wait3A_105 = arith.constant 0 : i32
        %dma_wait3A_106 = arith.constant 0 : i32
        %dma_wait3A_107 = tpu.memref_slice %arg3[%scan3A_28, %add3A, %dma_wait3A_105, %dma_wait3A_106] : memref<5x32x25x80xi32, #tpu.memory_space<hbm>> -> memref<1x1x25x80xi32, #tpu.memory_space<hbm>>
        %dma_wait3A_108 = tpu.memref_squeeze %dma_wait3A_107 : memref<1x1x25x80xi32, #tpu.memory_space<hbm>> -> memref<25x80xi32, #tpu.memory_space<hbm>>
        tpu.wait_dma2 semaphore(%run_scoped3A_92 : memref<!tpu.dma_semaphore, #tpu.memory_space<semaphore_mem>>) src(%dma_wait3A_108 : memref<25x80xi32, #tpu.memory_space<hbm>>) dst(%arg7 : memref<25x80xi32, #tpu.memory_space<vmem>>)
        tpu.yield
      }) : () -> ()
      "tpu.region"() ({
        %run_scoped3A_92 = tpu.sem_alloc : memref<!tpu.dma_semaphore, #tpu.memory_space<semaphore_mem>>
        %dma_start3A_93 = arith.constant 0 : i32
        %dma_start3A_94 = arith.constant 0 : i32
        %dma_start3A_95 = tpu.memref_slice %arg4[%scan3A_28, %add3A, %dma_start3A_93, %dma_start3A_94] : memref<5x32x25x80xi32, #tpu.memory_space<hbm>> -> memref<1x1x25x80xi32, #tpu.memory_space<hbm>>
        %dma_start3A_96 = tpu.memref_squeeze %dma_start3A_95 : memref<1x1x25x80xi32, #tpu.memory_space<hbm>> -> memref<25x80xi32, #tpu.memory_space<hbm>>
        %dma_start3A_97 = arith.constant 0 : i32
        %dma_start3A_98 = arith.constant 0 : i32
        %dma_start3A_99 = tpu.memref_slice %arg4[%scan3A_28, %add3A, %dma_start3A_97, %dma_start3A_98] : memref<5x32x25x80xi32, #tpu.memory_space<hbm>> -> memref<1x1x25x80xi32, #tpu.memory_space<hbm>>
        %dma_start3A_100 = tpu.memref_squeeze %dma_start3A_99 : memref<1x1x25x80xi32, #tpu.memory_space<hbm>> -> memref<25x80xi32, #tpu.memory_space<hbm>>
        tpu.enqueue_dma source(%dma_start3A_100 : memref<25x80xi32, #tpu.memory_space<hbm>>) target(%arg8 : memref<25x80xi32, #tpu.memory_space<vmem>>) target_semaphore(%run_scoped3A_92 : memref<!tpu.dma_semaphore, #tpu.memory_space<semaphore_mem>>)
        %dma_wait3A_101 = arith.constant 0 : i32
        %dma_wait3A_102 = arith.constant 0 : i32
        %dma_wait3A_103 = tpu.memref_slice %arg4[%scan3A_28, %add3A, %dma_wait3A_101, %dma_wait3A_102] : memref<5x32x25x80xi32, #tpu.memory_space<hbm>> -> memref<1x1x25x80xi32, #tpu.memory_space<hbm>>
        %dma_wait3A_104 = tpu.memref_squeeze %dma_wait3A_103 : memref<1x1x25x80xi32, #tpu.memory_space<hbm>> -> memref<25x80xi32, #tpu.memory_space<hbm>>
        %dma_wait3A_105 = arith.constant 0 : i32
        %dma_wait3A_106 = arith.constant 0 : i32
        %dma_wait3A_107 = tpu.memref_slice %arg4[%scan3A_28, %add3A, %dma_wait3A_105, %dma_wait3A_106] : memref<5x32x25x80xi32, #tpu.memory_space<hbm>> -> memref<1x1x25x80xi32, #tpu.memory_space<hbm>>
        %dma_wait3A_108 = tpu.memref_squeeze %dma_wait3A_107 : memref<1x1x25x80xi32, #tpu.memory_space<hbm>> -> memref<25x80xi32, #tpu.memory_space<hbm>>
        tpu.wait_dma2 semaphore(%run_scoped3A_92 : memref<!tpu.dma_semaphore, #tpu.memory_space<semaphore_mem>>) src(%dma_wait3A_108 : memref<25x80xi32, #tpu.memory_space<hbm>>) dst(%arg8 : memref<25x80xi32, #tpu.memory_space<vmem>>)
        tpu.yield
      }) : () -> ()
      %dma_start3A = arith.constant 0 : i32
      %dma_start3A_29 = arith.constant 0 : i32
      %dma_start3A_30 = tpu.memref_slice %arg7[%dma_start3A, %dma_start3A_29] : memref<25x80xi32, #tpu.memory_space<vmem>> -> memref<1x80xi32, #tpu.memory_space<vmem>>
      %dma_start3A_31 = tpu.memref_squeeze %dma_start3A_30 : memref<1x80xi32, #tpu.memory_space<vmem>> -> memref<80xi32, #tpu.memory_space<vmem>>
      %dma_start3A_32 = arith.constant 0 : i32
      %dma_start3A_33 = arith.constant 0 : i32
      %dma_start3A_34 = tpu.memref_slice %arg2[%dma_start3A_32, %dma_start3A_33] : memref<10240x128xf32, #tpu.memory_space<hbm>> -> memref<10240x128xf32, #tpu.memory_space<hbm>>
      tpu.enqueue_indirect_dma source(%dma_start3A_34 : memref<10240x128xf32, #tpu.memory_space<hbm>>) target(%arg9 : memref<80x128xf32, #tpu.memory_space<vmem>>) offsets(%dma_start3A_31 : memref<80xi32, #tpu.memory_space<vmem>>) semaphore(%arg13 : memref<!tpu.dma_semaphore, #tpu.memory_space<semaphore_mem>>)
      %dma_start3A_35 = arith.constant 1 : i32
      %dma_start3A_36 = arith.constant 0 : i32
      %dma_start3A_37 = tpu.memref_slice %arg7[%dma_start3A_35, %dma_start3A_36] : memref<25x80xi32, #tpu.memory_space<vmem>> -> memref<1x80xi32, #tpu.memory_space<vmem>>
      %dma_start3A_38 = tpu.memref_squeeze %dma_start3A_37 : memref<1x80xi32, #tpu.memory_space<vmem>> -> memref<80xi32, #tpu.memory_space<vmem>>
      %dma_start3A_39 = arith.constant 0 : i32
      %dma_start3A_40 = arith.constant 0 : i32
      %dma_start3A_41 = tpu.memref_slice %arg2[%dma_start3A_39, %dma_start3A_40] : memref<10240x128xf32, #tpu.memory_space<hbm>> -> memref<10240x128xf32, #tpu.memory_space<hbm>>
      tpu.enqueue_indirect_dma source(%dma_start3A_41 : memref<10240x128xf32, #tpu.memory_space<hbm>>) target(%arg10 : memref<80x128xf32, #tpu.memory_space<vmem>>) offsets(%dma_start3A_38 : memref<80xi32, #tpu.memory_space<vmem>>) semaphore(%arg14 : memref<!tpu.dma_semaphore, #tpu.memory_space<semaphore_mem>>)
      %dma_start3A_42 = arith.constant 2 : i32
      %dma_start3A_43 = arith.constant 0 : i32
      %dma_start3A_44 = tpu.memref_slice %arg7[%dma_start3A_42, %dma_start3A_43] : memref<25x80xi32, #tpu.memory_space<vmem>> -> memref<1x80xi32, #tpu.memory_space<vmem>>
      %dma_start3A_45 = tpu.memref_squeeze %dma_start3A_44 : memref<1x80xi32, #tpu.memory_space<vmem>> -> memref<80xi32, #tpu.memory_space<vmem>>
      %dma_start3A_46 = arith.constant 0 : i32
      %dma_start3A_47 = arith.constant 0 : i32
      %dma_start3A_48 = tpu.memref_slice %arg2[%dma_start3A_46, %dma_start3A_47] : memref<10240x128xf32, #tpu.memory_space<hbm>> -> memref<10240x128xf32, #tpu.memory_space<hbm>>
      tpu.enqueue_indirect_dma source(%dma_start3A_48 : memref<10240x128xf32, #tpu.memory_space<hbm>>) target(%arg11 : memref<80x128xf32, #tpu.memory_space<vmem>>) offsets(%dma_start3A_45 : memref<80xi32, #tpu.memory_space<vmem>>) semaphore(%arg15 : memref<!tpu.dma_semaphore, #tpu.memory_space<semaphore_mem>>)
      %scan3A_49 = arith.constant 0 : i32
      %scan3A_50 = arith.constant 0 : i32
      %scan3A_51 = arith.constant 7 : i32
      %scan3A_52 = arith.addi %scan3A_50, %scan3A_51 : i32
      %scan3A_53 = arith.constant 1 : i32
      scf.for %scan3A_92 = %scan3A_50 to %scan3A_52 step %scan3A_53  : i32 {
        %mul3A_93 = arith.constant 3 : i32
        %mul3A_94 = arith.muli %mul3A_93, %scan3A_92 : i32
        %add3A_95 = arith.constant 0 : i32
        %add3A_96 = arith.addi %mul3A_94, %add3A_95 : i32
        %dma_wait3A_97 = arith.constant 0 : i32
        %dma_wait3A_98 = tpu.memref_slice %arg7[%add3A_96, %dma_wait3A_97] : memref<25x80xi32, #tpu.memory_space<vmem>> -> memref<1x80xi32, #tpu.memory_space<vmem>>
        %dma_wait3A_99 = tpu.memref_squeeze %dma_wait3A_98 : memref<1x80xi32, #tpu.memory_space<vmem>> -> memref<80xi32, #tpu.memory_space<vmem>>
        %dma_wait3A_100 = arith.constant 0 : i32
        %dma_wait3A_101 = arith.constant 0 : i32
        %dma_wait3A_102 = tpu.memref_slice %arg2[%dma_wait3A_100, %dma_wait3A_101] : memref<10240x128xf32, #tpu.memory_space<hbm>> -> memref<10240x128xf32, #tpu.memory_space<hbm>>
        tpu.wait_indirect_dma semaphore(%arg13 : memref<!tpu.dma_semaphore, #tpu.memory_space<semaphore_mem>>) src(%dma_wait3A_102 : memref<10240x128xf32, #tpu.memory_space<hbm>>) dst(%arg9 : memref<80x128xf32, #tpu.memory_space<vmem>>)
        "tpu.region"() ({
          %run_scoped3A_143 = tpu.sem_alloc : memref<!tpu.dma_semaphore, #tpu.memory_space<semaphore_mem>>
          %dma_start3A_144 = arith.constant 0 : i32
          %dma_start3A_145 = tpu.memref_slice %arg8[%add3A_96, %dma_start3A_144] : memref<25x80xi32, #tpu.memory_space<vmem>> -> memref<1x80xi32, #tpu.memory_space<vmem>>
          %dma_start3A_146 = tpu.memref_squeeze %dma_start3A_145 : memref<1x80xi32, #tpu.memory_space<vmem>> -> memref<80xi32, #tpu.memory_space<vmem>>
          %dma_start3A_147 = arith.constant 0 : i32
          %dma_start3A_148 = arith.constant 0 : i32
          %dma_start3A_149 = tpu.memref_slice %arg12[%dma_start3A_147, %dma_start3A_148] : memref<10240x128xf32, #tpu.memory_space<vmem_shared>> -> memref<10240x128xf32, #tpu.memory_space<vmem_shared>>
          tpu.enqueue_indirect_dma source(%arg9 : memref<80x128xf32, #tpu.memory_space<vmem>>) target(%dma_start3A_149 : memref<10240x128xf32, #tpu.memory_space<vmem_shared>>) offsets(%dma_start3A_146 : memref<80xi32, #tpu.memory_space<vmem>>) semaphore(%run_scoped3A_143 : memref<!tpu.dma_semaphore, #tpu.memory_space<semaphore_mem>>) {add = true}
          %dma_wait3A_150 = arith.constant 0 : i32
          %dma_wait3A_151 = tpu.memref_slice %arg8[%add3A_96, %dma_wait3A_150] : memref<25x80xi32, #tpu.memory_space<vmem>> -> memref<1x80xi32, #tpu.memory_space<vmem>>
          %dma_wait3A_152 = tpu.memref_squeeze %dma_wait3A_151 : memref<1x80xi32, #tpu.memory_space<vmem>> -> memref<80xi32, #tpu.memory_space<vmem>>
          %dma_wait3A_153 = arith.constant 0 : i32
          %dma_wait3A_154 = arith.constant 0 : i32
          %dma_wait3A_155 = tpu.memref_slice %arg12[%dma_wait3A_153, %dma_wait3A_154] : memref<10240x128xf32, #tpu.memory_space<vmem_shared>> -> memref<10240x128xf32, #tpu.memory_space<vmem_shared>>
          tpu.wait_indirect_dma semaphore(%run_scoped3A_143 : memref<!tpu.dma_semaphore, #tpu.memory_space<semaphore_mem>>) src(%arg9 : memref<80x128xf32, #tpu.memory_space<vmem>>) dst(%dma_wait3A_155 : memref<10240x128xf32, #tpu.memory_space<vmem_shared>>)
          tpu.yield
        }) : () -> ()
        %add3A_103 = arith.constant 3 : i32
        %add3A_104 = arith.addi %add3A_96, %add3A_103 : i32
        %dma_start3A_105 = arith.constant 0 : i32
        %dma_start3A_106 = tpu.memref_slice %arg7[%add3A_104, %dma_start3A_105] : memref<25x80xi32, #tpu.memory_space<vmem>> -> memref<1x80xi32, #tpu.memory_space<vmem>>
        %dma_start3A_107 = tpu.memref_squeeze %dma_start3A_106 : memref<1x80xi32, #tpu.memory_space<vmem>> -> memref<80xi32, #tpu.memory_space<vmem>>
        %dma_start3A_108 = arith.constant 0 : i32
        %dma_start3A_109 = arith.constant 0 : i32
        %dma_start3A_110 = tpu.memref_slice %arg2[%dma_start3A_108, %dma_start3A_109] : memref<10240x128xf32, #tpu.memory_space<hbm>> -> memref<10240x128xf32, #tpu.memory_space<hbm>>
        tpu.enqueue_indirect_dma source(%dma_start3A_110 : memref<10240x128xf32, #tpu.memory_space<hbm>>) target(%arg9 : memref<80x128xf32, #tpu.memory_space<vmem>>) offsets(%dma_start3A_107 : memref<80xi32, #tpu.memory_space<vmem>>) semaphore(%arg13 : memref<!tpu.dma_semaphore, #tpu.memory_space<semaphore_mem>>)
        %add3A_111 = arith.constant 1 : i32
        %add3A_112 = arith.addi %mul3A_94, %add3A_111 : i32
        %dma_wait3A_113 = arith.constant 0 : i32
        %dma_wait3A_114 = tpu.memref_slice %arg7[%add3A_112, %dma_wait3A_113] : memref<25x80xi32, #tpu.memory_space<vmem>> -> memref<1x80xi32, #tpu.memory_space<vmem>>
        %dma_wait3A_115 = tpu.memref_squeeze %dma_wait3A_114 : memref<1x80xi32, #tpu.memory_space<vmem>> -> memref<80xi32, #tpu.memory_space<vmem>>
        %dma_wait3A_116 = arith.constant 0 : i32
        %dma_wait3A_117 = arith.constant 0 : i32
        %dma_wait3A_118 = tpu.memref_slice %arg2[%dma_wait3A_116, %dma_wait3A_117] : memref<10240x128xf32, #tpu.memory_space<hbm>> -> memref<10240x128xf32, #tpu.memory_space<hbm>>
        tpu.wait_indirect_dma semaphore(%arg14 : memref<!tpu.dma_semaphore, #tpu.memory_space<semaphore_mem>>) src(%dma_wait3A_118 : memref<10240x128xf32, #tpu.memory_space<hbm>>) dst(%arg10 : memref<80x128xf32, #tpu.memory_space<vmem>>)
        "tpu.region"() ({
          %run_scoped3A_143 = tpu.sem_alloc : memref<!tpu.dma_semaphore, #tpu.memory_space<semaphore_mem>>
          %dma_start3A_144 = arith.constant 0 : i32
          %dma_start3A_145 = tpu.memref_slice %arg8[%add3A_112, %dma_start3A_144] : memref<25x80xi32, #tpu.memory_space<vmem>> -> memref<1x80xi32, #tpu.memory_space<vmem>>
          %dma_start3A_146 = tpu.memref_squeeze %dma_start3A_145 : memref<1x80xi32, #tpu.memory_space<vmem>> -> memref<80xi32, #tpu.memory_space<vmem>>
          %dma_start3A_147 = arith.constant 0 : i32
          %dma_start3A_148 = arith.constant 0 : i32
          %dma_start3A_149 = tpu.memref_slice %arg12[%dma_start3A_147, %dma_start3A_148] : memref<10240x128xf32, #tpu.memory_space<vmem_shared>> -> memref<10240x128xf32, #tpu.memory_space<vmem_shared>>
          tpu.enqueue_indirect_dma source(%arg10 : memref<80x128xf32, #tpu.memory_space<vmem>>) target(%dma_start3A_149 : memref<10240x128xf32, #tpu.memory_space<vmem_shared>>) offsets(%dma_start3A_146 : memref<80xi32, #tpu.memory_space<vmem>>) semaphore(%run_scoped3A_143 : memref<!tpu.dma_semaphore, #tpu.memory_space<semaphore_mem>>) {add = true}
          %dma_wait3A_150 = arith.constant 0 : i32
          %dma_wait3A_151 = tpu.memref_slice %arg8[%add3A_112, %dma_wait3A_150] : memref<25x80xi32, #tpu.memory_space<vmem>> -> memref<1x80xi32, #tpu.memory_space<vmem>>
          %dma_wait3A_152 = tpu.memref_squeeze %dma_wait3A_151 : memref<1x80xi32, #tpu.memory_space<vmem>> -> memref<80xi32, #tpu.memory_space<vmem>>
          %dma_wait3A_153 = arith.constant 0 : i32
          %dma_wait3A_154 = arith.constant 0 : i32
          %dma_wait3A_155 = tpu.memref_slice %arg12[%dma_wait3A_153, %dma_wait3A_154] : memref<10240x128xf32, #tpu.memory_space<vmem_shared>> -> memref<10240x128xf32, #tpu.memory_space<vmem_shared>>
          tpu.wait_indirect_dma semaphore(%run_scoped3A_143 : memref<!tpu.dma_semaphore, #tpu.memory_space<semaphore_mem>>) src(%arg10 : memref<80x128xf32, #tpu.memory_space<vmem>>) dst(%dma_wait3A_155 : memref<10240x128xf32, #tpu.memory_space<vmem_shared>>)
          tpu.yield
        }) : () -> ()
        %add3A_119 = arith.constant 3 : i32
        %add3A_120 = arith.addi %add3A_112, %add3A_119 : i32
        %dma_start3A_121 = arith.constant 0 : i32
        %dma_start3A_122 = tpu.memref_slice %arg7[%add3A_120, %dma_start3A_121] : memref<25x80xi32, #tpu.memory_space<vmem>> -> memref<1x80xi32, #tpu.memory_space<vmem>>
        %dma_start3A_123 = tpu.memref_squeeze %dma_start3A_122 : memref<1x80xi32, #tpu.memory_space<vmem>> -> memref<80xi32, #tpu.memory_space<vmem>>
        %dma_start3A_124 = arith.constant 0 : i32
        %dma_start3A_125 = arith.constant 0 : i32
        %dma_start3A_126 = tpu.memref_slice %arg2[%dma_start3A_124, %dma_start3A_125] : memref<10240x128xf32, #tpu.memory_space<hbm>> -> memref<10240x128xf32, #tpu.memory_space<hbm>>
        tpu.enqueue_indirect_dma source(%dma_start3A_126 : memref<10240x128xf32, #tpu.memory_space<hbm>>) target(%arg10 : memref<80x128xf32, #tpu.memory_space<vmem>>) offsets(%dma_start3A_123 : memref<80xi32, #tpu.memory_space<vmem>>) semaphore(%arg14 : memref<!tpu.dma_semaphore, #tpu.memory_space<semaphore_mem>>)
        %add3A_127 = arith.constant 2 : i32
        %add3A_128 = arith.addi %mul3A_94, %add3A_127 : i32
        %dma_wait3A_129 = arith.constant 0 : i32
        %dma_wait3A_130 = tpu.memref_slice %arg7[%add3A_128, %dma_wait3A_129] : memref<25x80xi32, #tpu.memory_space<vmem>> -> memref<1x80xi32, #tpu.memory_space<vmem>>
        %dma_wait3A_131 = tpu.memref_squeeze %dma_wait3A_130 : memref<1x80xi32, #tpu.memory_space<vmem>> -> memref<80xi32, #tpu.memory_space<vmem>>
        %dma_wait3A_132 = arith.constant 0 : i32
        %dma_wait3A_133 = arith.constant 0 : i32
        %dma_wait3A_134 = tpu.memref_slice %arg2[%dma_wait3A_132, %dma_wait3A_133] : memref<10240x128xf32, #tpu.memory_space<hbm>> -> memref<10240x128xf32, #tpu.memory_space<hbm>>
        tpu.wait_indirect_dma semaphore(%arg15 : memref<!tpu.dma_semaphore, #tpu.memory_space<semaphore_mem>>) src(%dma_wait3A_134 : memref<10240x128xf32, #tpu.memory_space<hbm>>) dst(%arg11 : memref<80x128xf32, #tpu.memory_space<vmem>>)
        "tpu.region"() ({
          %run_scoped3A_143 = tpu.sem_alloc : memref<!tpu.dma_semaphore, #tpu.memory_space<semaphore_mem>>
          %dma_start3A_144 = arith.constant 0 : i32
          %dma_start3A_145 = tpu.memref_slice %arg8[%add3A_128, %dma_start3A_144] : memref<25x80xi32, #tpu.memory_space<vmem>> -> memref<1x80xi32, #tpu.memory_space<vmem>>
          %dma_start3A_146 = tpu.memref_squeeze %dma_start3A_145 : memref<1x80xi32, #tpu.memory_space<vmem>> -> memref<80xi32, #tpu.memory_space<vmem>>
          %dma_start3A_147 = arith.constant 0 : i32
          %dma_start3A_148 = arith.constant 0 : i32
          %dma_start3A_149 = tpu.memref_slice %arg12[%dma_start3A_147, %dma_start3A_148] : memref<10240x128xf32, #tpu.memory_space<vmem_shared>> -> memref<10240x128xf32, #tpu.memory_space<vmem_shared>>
          tpu.enqueue_indirect_dma source(%arg11 : memref<80x128xf32, #tpu.memory_space<vmem>>) target(%dma_start3A_149 : memref<10240x128xf32, #tpu.memory_space<vmem_shared>>) offsets(%dma_start3A_146 : memref<80xi32, #tpu.memory_space<vmem>>) semaphore(%run_scoped3A_143 : memref<!tpu.dma_semaphore, #tpu.memory_space<semaphore_mem>>) {add = true}
          %dma_wait3A_150 = arith.constant 0 : i32
          %dma_wait3A_151 = tpu.memref_slice %arg8[%add3A_128, %dma_wait3A_150] : memref<25x80xi32, #tpu.memory_space<vmem>> -> memref<1x80xi32, #tpu.memory_space<vmem>>
          %dma_wait3A_152 = tpu.memref_squeeze %dma_wait3A_151 : memref<1x80xi32, #tpu.memory_space<vmem>> -> memref<80xi32, #tpu.memory_space<vmem>>
          %dma_wait3A_153 = arith.constant 0 : i32
          %dma_wait3A_154 = arith.constant 0 : i32
          %dma_wait3A_155 = tpu.memref_slice %arg12[%dma_wait3A_153, %dma_wait3A_154] : memref<10240x128xf32, #tpu.memory_space<vmem_shared>> -> memref<10240x128xf32, #tpu.memory_space<vmem_shared>>
          tpu.wait_indirect_dma semaphore(%run_scoped3A_143 : memref<!tpu.dma_semaphore, #tpu.memory_space<semaphore_mem>>) src(%arg11 : memref<80x128xf32, #tpu.memory_space<vmem>>) dst(%dma_wait3A_155 : memref<10240x128xf32, #tpu.memory_space<vmem_shared>>)
          tpu.yield
        }) : () -> ()
        %add3A_135 = arith.constant 3 : i32
        %add3A_136 = arith.addi %add3A_128, %add3A_135 : i32
        %dma_start3A_137 = arith.constant 0 : i32
        %dma_start3A_138 = tpu.memref_slice %arg7[%add3A_136, %dma_start3A_137] : memref<25x80xi32, #tpu.memory_space<vmem>> -> memref<1x80xi32, #tpu.memory_space<vmem>>
        %dma_start3A_139 = tpu.memref_squeeze %dma_start3A_138 : memref<1x80xi32, #tpu.memory_space<vmem>> -> memref<80xi32, #tpu.memory_space<vmem>>
        %dma_start3A_140 = arith.constant 0 : i32
        %dma_start3A_141 = arith.constant 0 : i32
        %dma_start3A_142 = tpu.memref_slice %arg2[%dma_start3A_140, %dma_start3A_141] : memref<10240x128xf32, #tpu.memory_space<hbm>> -> memref<10240x128xf32, #tpu.memory_space<hbm>>
        tpu.enqueue_indirect_dma source(%dma_start3A_142 : memref<10240x128xf32, #tpu.memory_space<hbm>>) target(%arg11 : memref<80x128xf32, #tpu.memory_space<vmem>>) offsets(%dma_start3A_139 : memref<80xi32, #tpu.memory_space<vmem>>) semaphore(%arg15 : memref<!tpu.dma_semaphore, #tpu.memory_space<semaphore_mem>>)
      }
      %scan3A_54 = arith.constant 7 : i32
      %dma_wait3A = arith.constant 21 : i32
      %dma_wait3A_55 = arith.constant 0 : i32
      %dma_wait3A_56 = tpu.memref_slice %arg7[%dma_wait3A, %dma_wait3A_55] : memref<25x80xi32, #tpu.memory_space<vmem>> -> memref<1x80xi32, #tpu.memory_space<vmem>>
      %dma_wait3A_57 = tpu.memref_squeeze %dma_wait3A_56 : memref<1x80xi32, #tpu.memory_space<vmem>> -> memref<80xi32, #tpu.memory_space<vmem>>
      %dma_wait3A_58 = arith.constant 0 : i32
      %dma_wait3A_59 = arith.constant 0 : i32
      %dma_wait3A_60 = tpu.memref_slice %arg2[%dma_wait3A_58, %dma_wait3A_59] : memref<10240x128xf32, #tpu.memory_space<hbm>> -> memref<10240x128xf32, #tpu.memory_space<hbm>>
      tpu.wait_indirect_dma semaphore(%arg13 : memref<!tpu.dma_semaphore, #tpu.memory_space<semaphore_mem>>) src(%dma_wait3A_60 : memref<10240x128xf32, #tpu.memory_space<hbm>>) dst(%arg9 : memref<80x128xf32, #tpu.memory_space<vmem>>)
      %run_scoped3A = arith.constant 21 : i32
      "tpu.region"() ({
        %run_scoped3A_92 = tpu.sem_alloc : memref<!tpu.dma_semaphore, #tpu.memory_space<semaphore_mem>>
        %dma_start3A_93 = arith.constant 0 : i32
        %dma_start3A_94 = tpu.memref_slice %arg8[%run_scoped3A, %dma_start3A_93] : memref<25x80xi32, #tpu.memory_space<vmem>> -> memref<1x80xi32, #tpu.memory_space<vmem>>
        %dma_start3A_95 = tpu.memref_squeeze %dma_start3A_94 : memref<1x80xi32, #tpu.memory_space<vmem>> -> memref<80xi32, #tpu.memory_space<vmem>>
        %dma_start3A_96 = arith.constant 0 : i32
        %dma_start3A_97 = arith.constant 0 : i32
        %dma_start3A_98 = tpu.memref_slice %arg12[%dma_start3A_96, %dma_start3A_97] : memref<10240x128xf32, #tpu.memory_space<vmem_shared>> -> memref<10240x128xf32, #tpu.memory_space<vmem_shared>>
        tpu.enqueue_indirect_dma source(%arg9 : memref<80x128xf32, #tpu.memory_space<vmem>>) target(%dma_start3A_98 : memref<10240x128xf32, #tpu.memory_space<vmem_shared>>) offsets(%dma_start3A_95 : memref<80xi32, #tpu.memory_space<vmem>>) semaphore(%run_scoped3A_92 : memref<!tpu.dma_semaphore, #tpu.memory_space<semaphore_mem>>) {add = true}
        %dma_wait3A_99 = arith.constant 0 : i32
        %dma_wait3A_100 = tpu.memref_slice %arg8[%run_scoped3A, %dma_wait3A_99] : memref<25x80xi32, #tpu.memory_space<vmem>> -> memref<1x80xi32, #tpu.memory_space<vmem>>
        %dma_wait3A_101 = tpu.memref_squeeze %dma_wait3A_100 : memref<1x80xi32, #tpu.memory_space<vmem>> -> memref<80xi32, #tpu.memory_space<vmem>>
        %dma_wait3A_102 = arith.constant 0 : i32
        %dma_wait3A_103 = arith.constant 0 : i32
        %dma_wait3A_104 = tpu.memref_slice %arg12[%dma_wait3A_102, %dma_wait3A_103] : memref<10240x128xf32, #tpu.memory_space<vmem_shared>> -> memref<10240x128xf32, #tpu.memory_space<vmem_shared>>
        tpu.wait_indirect_dma semaphore(%run_scoped3A_92 : memref<!tpu.dma_semaphore, #tpu.memory_space<semaphore_mem>>) src(%arg9 : memref<80x128xf32, #tpu.memory_space<vmem>>) dst(%dma_wait3A_104 : memref<10240x128xf32, #tpu.memory_space<vmem_shared>>)
        tpu.yield
      }) : () -> ()
      %dma_start3A_61 = arith.constant 24 : i32
      %dma_start3A_62 = arith.constant 0 : i32
      %dma_start3A_63 = tpu.memref_slice %arg7[%dma_start3A_61, %dma_start3A_62] : memref<25x80xi32, #tpu.memory_space<vmem>> -> memref<1x80xi32, #tpu.memory_space<vmem>>
      %dma_start3A_64 = tpu.memref_squeeze %dma_start3A_63 : memref<1x80xi32, #tpu.memory_space<vmem>> -> memref<80xi32, #tpu.memory_space<vmem>>
      %dma_start3A_65 = arith.constant 0 : i32
      %dma_start3A_66 = arith.constant 0 : i32
      %dma_start3A_67 = tpu.memref_slice %arg2[%dma_start3A_65, %dma_start3A_66] : memref<10240x128xf32, #tpu.memory_space<hbm>> -> memref<10240x128xf32, #tpu.memory_space<hbm>>
      tpu.enqueue_indirect_dma source(%dma_start3A_67 : memref<10240x128xf32, #tpu.memory_space<hbm>>) target(%arg9 : memref<80x128xf32, #tpu.memory_space<vmem>>) offsets(%dma_start3A_64 : memref<80xi32, #tpu.memory_space<vmem>>) semaphore(%arg13 : memref<!tpu.dma_semaphore, #tpu.memory_space<semaphore_mem>>)
      %dma_wait3A_68 = arith.constant 22 : i32
      %dma_wait3A_69 = arith.constant 0 : i32
      %dma_wait3A_70 = tpu.memref_slice %arg7[%dma_wait3A_68, %dma_wait3A_69] : memref<25x80xi32, #tpu.memory_space<vmem>> -> memref<1x80xi32, #tpu.memory_space<vmem>>
      %dma_wait3A_71 = tpu.memref_squeeze %dma_wait3A_70 : memref<1x80xi32, #tpu.memory_space<vmem>> -> memref<80xi32, #tpu.memory_space<vmem>>
      %dma_wait3A_72 = arith.constant 0 : i32
      %dma_wait3A_73 = arith.constant 0 : i32
      %dma_wait3A_74 = tpu.memref_slice %arg2[%dma_wait3A_72, %dma_wait3A_73] : memref<10240x128xf32, #tpu.memory_space<hbm>> -> memref<10240x128xf32, #tpu.memory_space<hbm>>
      tpu.wait_indirect_dma semaphore(%arg14 : memref<!tpu.dma_semaphore, #tpu.memory_space<semaphore_mem>>) src(%dma_wait3A_74 : memref<10240x128xf32, #tpu.memory_space<hbm>>) dst(%arg10 : memref<80x128xf32, #tpu.memory_space<vmem>>)
      %run_scoped3A_75 = arith.constant 22 : i32
      "tpu.region"() ({
        %run_scoped3A_92 = tpu.sem_alloc : memref<!tpu.dma_semaphore, #tpu.memory_space<semaphore_mem>>
        %dma_start3A_93 = arith.constant 0 : i32
        %dma_start3A_94 = tpu.memref_slice %arg8[%run_scoped3A_75, %dma_start3A_93] : memref<25x80xi32, #tpu.memory_space<vmem>> -> memref<1x80xi32, #tpu.memory_space<vmem>>
        %dma_start3A_95 = tpu.memref_squeeze %dma_start3A_94 : memref<1x80xi32, #tpu.memory_space<vmem>> -> memref<80xi32, #tpu.memory_space<vmem>>
        %dma_start3A_96 = arith.constant 0 : i32
        %dma_start3A_97 = arith.constant 0 : i32
        %dma_start3A_98 = tpu.memref_slice %arg12[%dma_start3A_96, %dma_start3A_97] : memref<10240x128xf32, #tpu.memory_space<vmem_shared>> -> memref<10240x128xf32, #tpu.memory_space<vmem_shared>>
        tpu.enqueue_indirect_dma source(%arg10 : memref<80x128xf32, #tpu.memory_space<vmem>>) target(%dma_start3A_98 : memref<10240x128xf32, #tpu.memory_space<vmem_shared>>) offsets(%dma_start3A_95 : memref<80xi32, #tpu.memory_space<vmem>>) semaphore(%run_scoped3A_92 : memref<!tpu.dma_semaphore, #tpu.memory_space<semaphore_mem>>) {add = true}
        %dma_wait3A_99 = arith.constant 0 : i32
        %dma_wait3A_100 = tpu.memref_slice %arg8[%run_scoped3A_75, %dma_wait3A_99] : memref<25x80xi32, #tpu.memory_space<vmem>> -> memref<1x80xi32, #tpu.memory_space<vmem>>
        %dma_wait3A_101 = tpu.memref_squeeze %dma_wait3A_100 : memref<1x80xi32, #tpu.memory_space<vmem>> -> memref<80xi32, #tpu.memory_space<vmem>>
        %dma_wait3A_102 = arith.constant 0 : i32
        %dma_wait3A_103 = arith.constant 0 : i32
        %dma_wait3A_104 = tpu.memref_slice %arg12[%dma_wait3A_102, %dma_wait3A_103] : memref<10240x128xf32, #tpu.memory_space<vmem_shared>> -> memref<10240x128xf32, #tpu.memory_space<vmem_shared>>
        tpu.wait_indirect_dma semaphore(%run_scoped3A_92 : memref<!tpu.dma_semaphore, #tpu.memory_space<semaphore_mem>>) src(%arg10 : memref<80x128xf32, #tpu.memory_space<vmem>>) dst(%dma_wait3A_104 : memref<10240x128xf32, #tpu.memory_space<vmem_shared>>)
        tpu.yield
      }) : () -> ()
      %dma_wait3A_76 = arith.constant 23 : i32
      %dma_wait3A_77 = arith.constant 0 : i32
      %dma_wait3A_78 = tpu.memref_slice %arg7[%dma_wait3A_76, %dma_wait3A_77] : memref<25x80xi32, #tpu.memory_space<vmem>> -> memref<1x80xi32, #tpu.memory_space<vmem>>
      %dma_wait3A_79 = tpu.memref_squeeze %dma_wait3A_78 : memref<1x80xi32, #tpu.memory_space<vmem>> -> memref<80xi32, #tpu.memory_space<vmem>>
      %dma_wait3A_80 = arith.constant 0 : i32
      %dma_wait3A_81 = arith.constant 0 : i32
      %dma_wait3A_82 = tpu.memref_slice %arg2[%dma_wait3A_80, %dma_wait3A_81] : memref<10240x128xf32, #tpu.memory_space<hbm>> -> memref<10240x128xf32, #tpu.memory_space<hbm>>
      tpu.wait_indirect_dma semaphore(%arg15 : memref<!tpu.dma_semaphore, #tpu.memory_space<semaphore_mem>>) src(%dma_wait3A_82 : memref<10240x128xf32, #tpu.memory_space<hbm>>) dst(%arg11 : memref<80x128xf32, #tpu.memory_space<vmem>>)
      %run_scoped3A_83 = arith.constant 23 : i32
      "tpu.region"() ({
        %run_scoped3A_92 = tpu.sem_alloc : memref<!tpu.dma_semaphore, #tpu.memory_space<semaphore_mem>>
        %dma_start3A_93 = arith.constant 0 : i32
        %dma_start3A_94 = tpu.memref_slice %arg8[%run_scoped3A_83, %dma_start3A_93] : memref<25x80xi32, #tpu.memory_space<vmem>> -> memref<1x80xi32, #tpu.memory_space<vmem>>
        %dma_start3A_95 = tpu.memref_squeeze %dma_start3A_94 : memref<1x80xi32, #tpu.memory_space<vmem>> -> memref<80xi32, #tpu.memory_space<vmem>>
        %dma_start3A_96 = arith.constant 0 : i32
        %dma_start3A_97 = arith.constant 0 : i32
        %dma_start3A_98 = tpu.memref_slice %arg12[%dma_start3A_96, %dma_start3A_97] : memref<10240x128xf32, #tpu.memory_space<vmem_shared>> -> memref<10240x128xf32, #tpu.memory_space<vmem_shared>>
        tpu.enqueue_indirect_dma source(%arg11 : memref<80x128xf32, #tpu.memory_space<vmem>>) target(%dma_start3A_98 : memref<10240x128xf32, #tpu.memory_space<vmem_shared>>) offsets(%dma_start3A_95 : memref<80xi32, #tpu.memory_space<vmem>>) semaphore(%run_scoped3A_92 : memref<!tpu.dma_semaphore, #tpu.memory_space<semaphore_mem>>) {add = true}
        %dma_wait3A_99 = arith.constant 0 : i32
        %dma_wait3A_100 = tpu.memref_slice %arg8[%run_scoped3A_83, %dma_wait3A_99] : memref<25x80xi32, #tpu.memory_space<vmem>> -> memref<1x80xi32, #tpu.memory_space<vmem>>
        %dma_wait3A_101 = tpu.memref_squeeze %dma_wait3A_100 : memref<1x80xi32, #tpu.memory_space<vmem>> -> memref<80xi32, #tpu.memory_space<vmem>>
        %dma_wait3A_102 = arith.constant 0 : i32
        %dma_wait3A_103 = arith.constant 0 : i32
        %dma_wait3A_104 = tpu.memref_slice %arg12[%dma_wait3A_102, %dma_wait3A_103] : memref<10240x128xf32, #tpu.memory_space<vmem_shared>> -> memref<10240x128xf32, #tpu.memory_space<vmem_shared>>
        tpu.wait_indirect_dma semaphore(%run_scoped3A_92 : memref<!tpu.dma_semaphore, #tpu.memory_space<semaphore_mem>>) src(%arg11 : memref<80x128xf32, #tpu.memory_space<vmem>>) dst(%dma_wait3A_104 : memref<10240x128xf32, #tpu.memory_space<vmem_shared>>)
        tpu.yield
      }) : () -> ()
      %dma_wait3A_84 = arith.constant 24 : i32
      %dma_wait3A_85 = arith.constant 0 : i32
      %dma_wait3A_86 = tpu.memref_slice %arg7[%dma_wait3A_84, %dma_wait3A_85] : memref<25x80xi32, #tpu.memory_space<vmem>> -> memref<1x80xi32, #tpu.memory_space<vmem>>
      %dma_wait3A_87 = tpu.memref_squeeze %dma_wait3A_86 : memref<1x80xi32, #tpu.memory_space<vmem>> -> memref<80xi32, #tpu.memory_space<vmem>>
      %dma_wait3A_88 = arith.constant 0 : i32
      %dma_wait3A_89 = arith.constant 0 : i32
      %dma_wait3A_90 = tpu.memref_slice %arg2[%dma_wait3A_88, %dma_wait3A_89] : memref<10240x128xf32, #tpu.memory_space<hbm>> -> memref<10240x128xf32, #tpu.memory_space<hbm>>
      tpu.wait_indirect_dma semaphore(%arg13 : memref<!tpu.dma_semaphore, #tpu.memory_space<semaphore_mem>>) src(%dma_wait3A_90 : memref<10240x128xf32, #tpu.memory_space<hbm>>) dst(%arg9 : memref<80x128xf32, #tpu.memory_space<vmem>>)
      %run_scoped3A_91 = arith.constant 24 : i32
      "tpu.region"() ({
        %run_scoped3A_92 = tpu.sem_alloc : memref<!tpu.dma_semaphore, #tpu.memory_space<semaphore_mem>>
        %dma_start3A_93 = arith.constant 0 : i32
        %dma_start3A_94 = tpu.memref_slice %arg8[%run_scoped3A_91, %dma_start3A_93] : memref<25x80xi32, #tpu.memory_space<vmem>> -> memref<1x80xi32, #tpu.memory_space<vmem>>
        %dma_start3A_95 = tpu.memref_squeeze %dma_start3A_94 : memref<1x80xi32, #tpu.memory_space<vmem>> -> memref<80xi32, #tpu.memory_space<vmem>>
        %dma_start3A_96 = arith.constant 0 : i32
        %dma_start3A_97 = arith.constant 0 : i32
        %dma_start3A_98 = tpu.memref_slice %arg12[%dma_start3A_96, %dma_start3A_97] : memref<10240x128xf32, #tpu.memory_space<vmem_shared>> -> memref<10240x128xf32, #tpu.memory_space<vmem_shared>>
        tpu.enqueue_indirect_dma source(%arg9 : memref<80x128xf32, #tpu.memory_space<vmem>>) target(%dma_start3A_98 : memref<10240x128xf32, #tpu.memory_space<vmem_shared>>) offsets(%dma_start3A_95 : memref<80xi32, #tpu.memory_space<vmem>>) semaphore(%run_scoped3A_92 : memref<!tpu.dma_semaphore, #tpu.memory_space<semaphore_mem>>) {add = true}
        %dma_wait3A_99 = arith.constant 0 : i32
        %dma_wait3A_100 = tpu.memref_slice %arg8[%run_scoped3A_91, %dma_wait3A_99] : memref<25x80xi32, #tpu.memory_space<vmem>> -> memref<1x80xi32, #tpu.memory_space<vmem>>
        %dma_wait3A_101 = tpu.memref_squeeze %dma_wait3A_100 : memref<1x80xi32, #tpu.memory_space<vmem>> -> memref<80xi32, #tpu.memory_space<vmem>>
        %dma_wait3A_102 = arith.constant 0 : i32
        %dma_wait3A_103 = arith.constant 0 : i32
        %dma_wait3A_104 = tpu.memref_slice %arg12[%dma_wait3A_102, %dma_wait3A_103] : memref<10240x128xf32, #tpu.memory_space<vmem_shared>> -> memref<10240x128xf32, #tpu.memory_space<vmem_shared>>
        tpu.wait_indirect_dma semaphore(%run_scoped3A_92 : memref<!tpu.dma_semaphore, #tpu.memory_space<semaphore_mem>>) src(%arg9 : memref<80x128xf32, #tpu.memory_space<vmem>>) dst(%dma_wait3A_104 : memref<10240x128xf32, #tpu.memory_space<vmem_shared>>)
        tpu.yield
      }) : () -> ()
    }
    %scan3A_23 = arith.constant 5 : i32
    %barrier3A_24 = arith.constant 0 : index
    tpu.barrier barrier_id(%barrier3A_24)
    %mul3A_25 = arith.constant 10240 : i32
    %mul3A_26 = arith.muli %arg0, %mul3A_25 : i32
    %add3A_27 = arith.addi %mul3A_26, %mul3A_2 : i32
    "tpu.region"() ({
      %run_scoped3A = tpu.sem_alloc : memref<!tpu.dma_semaphore, #tpu.memory_space<semaphore_mem>>
      %dma_start3A = arith.constant 0 : i32
      %dma_start3A_28 = tpu.memref_slice %arg6[%add3A_27, %dma_start3A] : memref<20480x128xf32, #tpu.memory_space<hbm>> -> memref<640x128xf32, #tpu.memory_space<hbm>>
      %dma_start3A_29 = arith.constant 0 : i32
      %dma_start3A_30 = tpu.memref_slice %arg12[%mul3A_2, %dma_start3A_29] : memref<10240x128xf32, #tpu.memory_space<vmem_shared>> -> memref<640x128xf32, #tpu.memory_space<vmem_shared>>
      tpu.enqueue_dma source(%dma_start3A_30 : memref<640x128xf32, #tpu.memory_space<vmem_shared>>) target(%dma_start3A_28 : memref<640x128xf32, #tpu.memory_space<hbm>>) target_semaphore(%run_scoped3A : memref<!tpu.dma_semaphore, #tpu.memory_space<semaphore_mem>>)
      %dma_wait3A = arith.constant 0 : i32
      %dma_wait3A_31 = tpu.memref_slice %arg6[%add3A_27, %dma_wait3A] : memref<20480x128xf32, #tpu.memory_space<hbm>> -> memref<640x128xf32, #tpu.memory_space<hbm>>
      %dma_wait3A_32 = arith.constant 0 : i32
      %dma_wait3A_33 = tpu.memref_slice %arg12[%mul3A_2, %dma_wait3A_32] : memref<10240x128xf32, #tpu.memory_space<vmem_shared>> -> memref<640x128xf32, #tpu.memory_space<vmem_shared>>
      tpu.wait_dma2 semaphore(%run_scoped3A : memref<!tpu.dma_semaphore, #tpu.memory_space<semaphore_mem>>) src(%dma_wait3A_33 : memref<640x128xf32, #tpu.memory_space<vmem_shared>>) dst(%dma_wait3A_31 : memref<640x128xf32, #tpu.memory_space<hbm>>)
      tpu.yield
    }) : () -> ()
    return
  }
}

#map = affine_map<(d0, d1) -> (0, 0, 0)>
#map1 = affine_map<(d0, d1) -> (0, 0)>
module attributes {stable_mosaic.version = 14 : i64} {
  func.func @_sc_deg(%arg0: i32, %arg1: i32, %arg2: memref<32x125x80xi32, #tpu.memory_space<hbm>>, %arg3: memref<80x128xf32, #tpu.memory_space<hbm>>, %arg4: memref<80x128xf32, #tpu.memory_space<hbm>>, %arg5: memref<20480x128xf32, #tpu.memory_space<hbm>>, %arg6: memref<125x80xi32, #tpu.memory_space<vmem>>, %arg7: memref<80x128xf32, #tpu.memory_space<vmem>>, %arg8: memref<10240x128xf32, #tpu.memory_space<vmem_shared>>) attributes {dimension_semantics = [#tpu.dimension_semantics<core_parallel>, #tpu.dimension_semantics<subcore_parallel>], iteration_bounds = array<i64: 2, 16>, scalar_prefetch = 0 : i64, scratch_operands = 3 : i64, tpu.core_type = #tpu.core_type<sc_vector_subcore>, window_params = [{transform_indices = #map}, {transform_indices = #map1}, {transform_indices = #map1}, {transform_indices = #map1}]} {
    %mul3A = arith.constant 16 : i32
    %mul3A_0 = arith.muli %arg0, %mul3A : i32
    %add3A = arith.addi %mul3A_0, %arg1 : i32
    "tpu.region"() ({
      %run_scoped3A = tpu.sem_alloc : memref<!tpu.dma_semaphore, #tpu.memory_space<semaphore_mem>>
      %dma_start3A = arith.constant 0 : i32
      %dma_start3A_28 = arith.constant 0 : i32
      %dma_start3A_29 = tpu.memref_slice %arg2[%add3A, %dma_start3A, %dma_start3A_28] : memref<32x125x80xi32, #tpu.memory_space<hbm>> -> memref<1x125x80xi32, #tpu.memory_space<hbm>>
      %dma_start3A_30 = tpu.memref_squeeze %dma_start3A_29 : memref<1x125x80xi32, #tpu.memory_space<hbm>> -> memref<125x80xi32, #tpu.memory_space<hbm>>
      %dma_start3A_31 = arith.constant 0 : i32
      %dma_start3A_32 = arith.constant 0 : i32
      %dma_start3A_33 = tpu.memref_slice %arg2[%add3A, %dma_start3A_31, %dma_start3A_32] : memref<32x125x80xi32, #tpu.memory_space<hbm>> -> memref<1x125x80xi32, #tpu.memory_space<hbm>>
      %dma_start3A_34 = tpu.memref_squeeze %dma_start3A_33 : memref<1x125x80xi32, #tpu.memory_space<hbm>> -> memref<125x80xi32, #tpu.memory_space<hbm>>
      tpu.enqueue_dma source(%dma_start3A_34 : memref<125x80xi32, #tpu.memory_space<hbm>>) target(%arg6 : memref<125x80xi32, #tpu.memory_space<vmem>>) target_semaphore(%run_scoped3A : memref<!tpu.dma_semaphore, #tpu.memory_space<semaphore_mem>>)
      %dma_wait3A = arith.constant 0 : i32
      %dma_wait3A_35 = arith.constant 0 : i32
      %dma_wait3A_36 = tpu.memref_slice %arg2[%add3A, %dma_wait3A, %dma_wait3A_35] : memref<32x125x80xi32, #tpu.memory_space<hbm>> -> memref<1x125x80xi32, #tpu.memory_space<hbm>>
      %dma_wait3A_37 = tpu.memref_squeeze %dma_wait3A_36 : memref<1x125x80xi32, #tpu.memory_space<hbm>> -> memref<125x80xi32, #tpu.memory_space<hbm>>
      %dma_wait3A_38 = arith.constant 0 : i32
      %dma_wait3A_39 = arith.constant 0 : i32
      %dma_wait3A_40 = tpu.memref_slice %arg2[%add3A, %dma_wait3A_38, %dma_wait3A_39] : memref<32x125x80xi32, #tpu.memory_space<hbm>> -> memref<1x125x80xi32, #tpu.memory_space<hbm>>
      %dma_wait3A_41 = tpu.memref_squeeze %dma_wait3A_40 : memref<1x125x80xi32, #tpu.memory_space<hbm>> -> memref<125x80xi32, #tpu.memory_space<hbm>>
      tpu.wait_dma2 semaphore(%run_scoped3A : memref<!tpu.dma_semaphore, #tpu.memory_space<semaphore_mem>>) src(%dma_wait3A_41 : memref<125x80xi32, #tpu.memory_space<hbm>>) dst(%arg6 : memref<125x80xi32, #tpu.memory_space<vmem>>)
      tpu.yield
    }) : () -> ()
    %mul3A_1 = arith.constant 640 : i32
    %mul3A_2 = arith.muli %arg1, %mul3A_1 : i32
    "tpu.region"() ({
      %run_scoped3A = tpu.sem_alloc : memref<!tpu.dma_semaphore, #tpu.memory_space<semaphore_mem>>
      tpu.enqueue_dma source(%arg3 : memref<80x128xf32, #tpu.memory_space<hbm>>) target(%arg7 : memref<80x128xf32, #tpu.memory_space<vmem>>) target_semaphore(%run_scoped3A : memref<!tpu.dma_semaphore, #tpu.memory_space<semaphore_mem>>)
      tpu.wait_dma2 semaphore(%run_scoped3A : memref<!tpu.dma_semaphore, #tpu.memory_space<semaphore_mem>>) src(%arg3 : memref<80x128xf32, #tpu.memory_space<hbm>>) dst(%arg7 : memref<80x128xf32, #tpu.memory_space<vmem>>)
      tpu.yield
    }) : () -> ()
    %add3A_3 = arith.constant 0 : i32
    %add3A_4 = arith.addi %mul3A_2, %add3A_3 : i32
    "tpu.region"() ({
      %run_scoped3A = tpu.sem_alloc : memref<!tpu.dma_semaphore, #tpu.memory_space<semaphore_mem>>
      %dma_start3A = arith.constant 0 : i32
      %dma_start3A_28 = tpu.memref_slice %arg8[%add3A_4, %dma_start3A] : memref<10240x128xf32, #tpu.memory_space<vmem_shared>> -> memref<80x128xf32, #tpu.memory_space<vmem_shared>>
      %dma_start3A_29 = arith.constant 0 : i32
      %dma_start3A_30 = tpu.memref_slice %arg8[%add3A_4, %dma_start3A_29] : memref<10240x128xf32, #tpu.memory_space<vmem_shared>> -> memref<80x128xf32, #tpu.memory_space<vmem_shared>>
      tpu.enqueue_dma source(%arg7 : memref<80x128xf32, #tpu.memory_space<vmem>>) target(%dma_start3A_30 : memref<80x128xf32, #tpu.memory_space<vmem_shared>>) target_semaphore(%run_scoped3A : memref<!tpu.dma_semaphore, #tpu.memory_space<semaphore_mem>>)
      %dma_wait3A = arith.constant 0 : i32
      %dma_wait3A_31 = tpu.memref_slice %arg8[%add3A_4, %dma_wait3A] : memref<10240x128xf32, #tpu.memory_space<vmem_shared>> -> memref<80x128xf32, #tpu.memory_space<vmem_shared>>
      %dma_wait3A_32 = arith.constant 0 : i32
      %dma_wait3A_33 = tpu.memref_slice %arg8[%add3A_4, %dma_wait3A_32] : memref<10240x128xf32, #tpu.memory_space<vmem_shared>> -> memref<80x128xf32, #tpu.memory_space<vmem_shared>>
      tpu.wait_dma2 semaphore(%run_scoped3A : memref<!tpu.dma_semaphore, #tpu.memory_space<semaphore_mem>>) src(%arg7 : memref<80x128xf32, #tpu.memory_space<vmem>>) dst(%dma_wait3A_33 : memref<80x128xf32, #tpu.memory_space<vmem_shared>>)
      tpu.yield
    }) : () -> ()
    %add3A_5 = arith.constant 80 : i32
    %add3A_6 = arith.addi %mul3A_2, %add3A_5 : i32
    "tpu.region"() ({
      %run_scoped3A = tpu.sem_alloc : memref<!tpu.dma_semaphore, #tpu.memory_space<semaphore_mem>>
      %dma_start3A = arith.constant 0 : i32
      %dma_start3A_28 = tpu.memref_slice %arg8[%add3A_6, %dma_start3A] : memref<10240x128xf32, #tpu.memory_space<vmem_shared>> -> memref<80x128xf32, #tpu.memory_space<vmem_shared>>
      %dma_start3A_29 = arith.constant 0 : i32
      %dma_start3A_30 = tpu.memref_slice %arg8[%add3A_6, %dma_start3A_29] : memref<10240x128xf32, #tpu.memory_space<vmem_shared>> -> memref<80x128xf32, #tpu.memory_space<vmem_shared>>
      tpu.enqueue_dma source(%arg7 : memref<80x128xf32, #tpu.memory_space<vmem>>) target(%dma_start3A_30 : memref<80x128xf32, #tpu.memory_space<vmem_shared>>) target_semaphore(%run_scoped3A : memref<!tpu.dma_semaphore, #tpu.memory_space<semaphore_mem>>)
      %dma_wait3A = arith.constant 0 : i32
      %dma_wait3A_31 = tpu.memref_slice %arg8[%add3A_6, %dma_wait3A] : memref<10240x128xf32, #tpu.memory_space<vmem_shared>> -> memref<80x128xf32, #tpu.memory_space<vmem_shared>>
      %dma_wait3A_32 = arith.constant 0 : i32
      %dma_wait3A_33 = tpu.memref_slice %arg8[%add3A_6, %dma_wait3A_32] : memref<10240x128xf32, #tpu.memory_space<vmem_shared>> -> memref<80x128xf32, #tpu.memory_space<vmem_shared>>
      tpu.wait_dma2 semaphore(%run_scoped3A : memref<!tpu.dma_semaphore, #tpu.memory_space<semaphore_mem>>) src(%arg7 : memref<80x128xf32, #tpu.memory_space<vmem>>) dst(%dma_wait3A_33 : memref<80x128xf32, #tpu.memory_space<vmem_shared>>)
      tpu.yield
    }) : () -> ()
    %add3A_7 = arith.constant 160 : i32
    %add3A_8 = arith.addi %mul3A_2, %add3A_7 : i32
    "tpu.region"() ({
      %run_scoped3A = tpu.sem_alloc : memref<!tpu.dma_semaphore, #tpu.memory_space<semaphore_mem>>
      %dma_start3A = arith.constant 0 : i32
      %dma_start3A_28 = tpu.memref_slice %arg8[%add3A_8, %dma_start3A] : memref<10240x128xf32, #tpu.memory_space<vmem_shared>> -> memref<80x128xf32, #tpu.memory_space<vmem_shared>>
      %dma_start3A_29 = arith.constant 0 : i32
      %dma_start3A_30 = tpu.memref_slice %arg8[%add3A_8, %dma_start3A_29] : memref<10240x128xf32, #tpu.memory_space<vmem_shared>> -> memref<80x128xf32, #tpu.memory_space<vmem_shared>>
      tpu.enqueue_dma source(%arg7 : memref<80x128xf32, #tpu.memory_space<vmem>>) target(%dma_start3A_30 : memref<80x128xf32, #tpu.memory_space<vmem_shared>>) target_semaphore(%run_scoped3A : memref<!tpu.dma_semaphore, #tpu.memory_space<semaphore_mem>>)
      %dma_wait3A = arith.constant 0 : i32
      %dma_wait3A_31 = tpu.memref_slice %arg8[%add3A_8, %dma_wait3A] : memref<10240x128xf32, #tpu.memory_space<vmem_shared>> -> memref<80x128xf32, #tpu.memory_space<vmem_shared>>
      %dma_wait3A_32 = arith.constant 0 : i32
      %dma_wait3A_33 = tpu.memref_slice %arg8[%add3A_8, %dma_wait3A_32] : memref<10240x128xf32, #tpu.memory_space<vmem_shared>> -> memref<80x128xf32, #tpu.memory_space<vmem_shared>>
      tpu.wait_dma2 semaphore(%run_scoped3A : memref<!tpu.dma_semaphore, #tpu.memory_space<semaphore_mem>>) src(%arg7 : memref<80x128xf32, #tpu.memory_space<vmem>>) dst(%dma_wait3A_33 : memref<80x128xf32, #tpu.memory_space<vmem_shared>>)
      tpu.yield
    }) : () -> ()
    %add3A_9 = arith.constant 240 : i32
    %add3A_10 = arith.addi %mul3A_2, %add3A_9 : i32
    "tpu.region"() ({
      %run_scoped3A = tpu.sem_alloc : memref<!tpu.dma_semaphore, #tpu.memory_space<semaphore_mem>>
      %dma_start3A = arith.constant 0 : i32
      %dma_start3A_28 = tpu.memref_slice %arg8[%add3A_10, %dma_start3A] : memref<10240x128xf32, #tpu.memory_space<vmem_shared>> -> memref<80x128xf32, #tpu.memory_space<vmem_shared>>
      %dma_start3A_29 = arith.constant 0 : i32
      %dma_start3A_30 = tpu.memref_slice %arg8[%add3A_10, %dma_start3A_29] : memref<10240x128xf32, #tpu.memory_space<vmem_shared>> -> memref<80x128xf32, #tpu.memory_space<vmem_shared>>
      tpu.enqueue_dma source(%arg7 : memref<80x128xf32, #tpu.memory_space<vmem>>) target(%dma_start3A_30 : memref<80x128xf32, #tpu.memory_space<vmem_shared>>) target_semaphore(%run_scoped3A : memref<!tpu.dma_semaphore, #tpu.memory_space<semaphore_mem>>)
      %dma_wait3A = arith.constant 0 : i32
      %dma_wait3A_31 = tpu.memref_slice %arg8[%add3A_10, %dma_wait3A] : memref<10240x128xf32, #tpu.memory_space<vmem_shared>> -> memref<80x128xf32, #tpu.memory_space<vmem_shared>>
      %dma_wait3A_32 = arith.constant 0 : i32
      %dma_wait3A_33 = tpu.memref_slice %arg8[%add3A_10, %dma_wait3A_32] : memref<10240x128xf32, #tpu.memory_space<vmem_shared>> -> memref<80x128xf32, #tpu.memory_space<vmem_shared>>
      tpu.wait_dma2 semaphore(%run_scoped3A : memref<!tpu.dma_semaphore, #tpu.memory_space<semaphore_mem>>) src(%arg7 : memref<80x128xf32, #tpu.memory_space<vmem>>) dst(%dma_wait3A_33 : memref<80x128xf32, #tpu.memory_space<vmem_shared>>)
      tpu.yield
    }) : () -> ()
    %add3A_11 = arith.constant 320 : i32
    %add3A_12 = arith.addi %mul3A_2, %add3A_11 : i32
    "tpu.region"() ({
      %run_scoped3A = tpu.sem_alloc : memref<!tpu.dma_semaphore, #tpu.memory_space<semaphore_mem>>
      %dma_start3A = arith.constant 0 : i32
      %dma_start3A_28 = tpu.memref_slice %arg8[%add3A_12, %dma_start3A] : memref<10240x128xf32, #tpu.memory_space<vmem_shared>> -> memref<80x128xf32, #tpu.memory_space<vmem_shared>>
      %dma_start3A_29 = arith.constant 0 : i32
      %dma_start3A_30 = tpu.memref_slice %arg8[%add3A_12, %dma_start3A_29] : memref<10240x128xf32, #tpu.memory_space<vmem_shared>> -> memref<80x128xf32, #tpu.memory_space<vmem_shared>>
      tpu.enqueue_dma source(%arg7 : memref<80x128xf32, #tpu.memory_space<vmem>>) target(%dma_start3A_30 : memref<80x128xf32, #tpu.memory_space<vmem_shared>>) target_semaphore(%run_scoped3A : memref<!tpu.dma_semaphore, #tpu.memory_space<semaphore_mem>>)
      %dma_wait3A = arith.constant 0 : i32
      %dma_wait3A_31 = tpu.memref_slice %arg8[%add3A_12, %dma_wait3A] : memref<10240x128xf32, #tpu.memory_space<vmem_shared>> -> memref<80x128xf32, #tpu.memory_space<vmem_shared>>
      %dma_wait3A_32 = arith.constant 0 : i32
      %dma_wait3A_33 = tpu.memref_slice %arg8[%add3A_12, %dma_wait3A_32] : memref<10240x128xf32, #tpu.memory_space<vmem_shared>> -> memref<80x128xf32, #tpu.memory_space<vmem_shared>>
      tpu.wait_dma2 semaphore(%run_scoped3A : memref<!tpu.dma_semaphore, #tpu.memory_space<semaphore_mem>>) src(%arg7 : memref<80x128xf32, #tpu.memory_space<vmem>>) dst(%dma_wait3A_33 : memref<80x128xf32, #tpu.memory_space<vmem_shared>>)
      tpu.yield
    }) : () -> ()
    %add3A_13 = arith.constant 400 : i32
    %add3A_14 = arith.addi %mul3A_2, %add3A_13 : i32
    "tpu.region"() ({
      %run_scoped3A = tpu.sem_alloc : memref<!tpu.dma_semaphore, #tpu.memory_space<semaphore_mem>>
      %dma_start3A = arith.constant 0 : i32
      %dma_start3A_28 = tpu.memref_slice %arg8[%add3A_14, %dma_start3A] : memref<10240x128xf32, #tpu.memory_space<vmem_shared>> -> memref<80x128xf32, #tpu.memory_space<vmem_shared>>
      %dma_start3A_29 = arith.constant 0 : i32
      %dma_start3A_30 = tpu.memref_slice %arg8[%add3A_14, %dma_start3A_29] : memref<10240x128xf32, #tpu.memory_space<vmem_shared>> -> memref<80x128xf32, #tpu.memory_space<vmem_shared>>
      tpu.enqueue_dma source(%arg7 : memref<80x128xf32, #tpu.memory_space<vmem>>) target(%dma_start3A_30 : memref<80x128xf32, #tpu.memory_space<vmem_shared>>) target_semaphore(%run_scoped3A : memref<!tpu.dma_semaphore, #tpu.memory_space<semaphore_mem>>)
      %dma_wait3A = arith.constant 0 : i32
      %dma_wait3A_31 = tpu.memref_slice %arg8[%add3A_14, %dma_wait3A] : memref<10240x128xf32, #tpu.memory_space<vmem_shared>> -> memref<80x128xf32, #tpu.memory_space<vmem_shared>>
      %dma_wait3A_32 = arith.constant 0 : i32
      %dma_wait3A_33 = tpu.memref_slice %arg8[%add3A_14, %dma_wait3A_32] : memref<10240x128xf32, #tpu.memory_space<vmem_shared>> -> memref<80x128xf32, #tpu.memory_space<vmem_shared>>
      tpu.wait_dma2 semaphore(%run_scoped3A : memref<!tpu.dma_semaphore, #tpu.memory_space<semaphore_mem>>) src(%arg7 : memref<80x128xf32, #tpu.memory_space<vmem>>) dst(%dma_wait3A_33 : memref<80x128xf32, #tpu.memory_space<vmem_shared>>)
      tpu.yield
    }) : () -> ()
    %add3A_15 = arith.constant 480 : i32
    %add3A_16 = arith.addi %mul3A_2, %add3A_15 : i32
    "tpu.region"() ({
      %run_scoped3A = tpu.sem_alloc : memref<!tpu.dma_semaphore, #tpu.memory_space<semaphore_mem>>
      %dma_start3A = arith.constant 0 : i32
      %dma_start3A_28 = tpu.memref_slice %arg8[%add3A_16, %dma_start3A] : memref<10240x128xf32, #tpu.memory_space<vmem_shared>> -> memref<80x128xf32, #tpu.memory_space<vmem_shared>>
      %dma_start3A_29 = arith.constant 0 : i32
      %dma_start3A_30 = tpu.memref_slice %arg8[%add3A_16, %dma_start3A_29] : memref<10240x128xf32, #tpu.memory_space<vmem_shared>> -> memref<80x128xf32, #tpu.memory_space<vmem_shared>>
      tpu.enqueue_dma source(%arg7 : memref<80x128xf32, #tpu.memory_space<vmem>>) target(%dma_start3A_30 : memref<80x128xf32, #tpu.memory_space<vmem_shared>>) target_semaphore(%run_scoped3A : memref<!tpu.dma_semaphore, #tpu.memory_space<semaphore_mem>>)
      %dma_wait3A = arith.constant 0 : i32
      %dma_wait3A_31 = tpu.memref_slice %arg8[%add3A_16, %dma_wait3A] : memref<10240x128xf32, #tpu.memory_space<vmem_shared>> -> memref<80x128xf32, #tpu.memory_space<vmem_shared>>
      %dma_wait3A_32 = arith.constant 0 : i32
      %dma_wait3A_33 = tpu.memref_slice %arg8[%add3A_16, %dma_wait3A_32] : memref<10240x128xf32, #tpu.memory_space<vmem_shared>> -> memref<80x128xf32, #tpu.memory_space<vmem_shared>>
      tpu.wait_dma2 semaphore(%run_scoped3A : memref<!tpu.dma_semaphore, #tpu.memory_space<semaphore_mem>>) src(%arg7 : memref<80x128xf32, #tpu.memory_space<vmem>>) dst(%dma_wait3A_33 : memref<80x128xf32, #tpu.memory_space<vmem_shared>>)
      tpu.yield
    }) : () -> ()
    %add3A_17 = arith.constant 560 : i32
    %add3A_18 = arith.addi %mul3A_2, %add3A_17 : i32
    "tpu.region"() ({
      %run_scoped3A = tpu.sem_alloc : memref<!tpu.dma_semaphore, #tpu.memory_space<semaphore_mem>>
      %dma_start3A = arith.constant 0 : i32
      %dma_start3A_28 = tpu.memref_slice %arg8[%add3A_18, %dma_start3A] : memref<10240x128xf32, #tpu.memory_space<vmem_shared>> -> memref<80x128xf32, #tpu.memory_space<vmem_shared>>
      %dma_start3A_29 = arith.constant 0 : i32
      %dma_start3A_30 = tpu.memref_slice %arg8[%add3A_18, %dma_start3A_29] : memref<10240x128xf32, #tpu.memory_space<vmem_shared>> -> memref<80x128xf32, #tpu.memory_space<vmem_shared>>
      tpu.enqueue_dma source(%arg7 : memref<80x128xf32, #tpu.memory_space<vmem>>) target(%dma_start3A_30 : memref<80x128xf32, #tpu.memory_space<vmem_shared>>) target_semaphore(%run_scoped3A : memref<!tpu.dma_semaphore, #tpu.memory_space<semaphore_mem>>)
      %dma_wait3A = arith.constant 0 : i32
      %dma_wait3A_31 = tpu.memref_slice %arg8[%add3A_18, %dma_wait3A] : memref<10240x128xf32, #tpu.memory_space<vmem_shared>> -> memref<80x128xf32, #tpu.memory_space<vmem_shared>>
      %dma_wait3A_32 = arith.constant 0 : i32
      %dma_wait3A_33 = tpu.memref_slice %arg8[%add3A_18, %dma_wait3A_32] : memref<10240x128xf32, #tpu.memory_space<vmem_shared>> -> memref<80x128xf32, #tpu.memory_space<vmem_shared>>
      tpu.wait_dma2 semaphore(%run_scoped3A : memref<!tpu.dma_semaphore, #tpu.memory_space<semaphore_mem>>) src(%arg7 : memref<80x128xf32, #tpu.memory_space<vmem>>) dst(%dma_wait3A_33 : memref<80x128xf32, #tpu.memory_space<vmem_shared>>)
      tpu.yield
    }) : () -> ()
    "tpu.region"() ({
      %run_scoped3A = tpu.sem_alloc : memref<!tpu.dma_semaphore, #tpu.memory_space<semaphore_mem>>
      tpu.enqueue_dma source(%arg4 : memref<80x128xf32, #tpu.memory_space<hbm>>) target(%arg7 : memref<80x128xf32, #tpu.memory_space<vmem>>) target_semaphore(%run_scoped3A : memref<!tpu.dma_semaphore, #tpu.memory_space<semaphore_mem>>)
      tpu.wait_dma2 semaphore(%run_scoped3A : memref<!tpu.dma_semaphore, #tpu.memory_space<semaphore_mem>>) src(%arg4 : memref<80x128xf32, #tpu.memory_space<hbm>>) dst(%arg7 : memref<80x128xf32, #tpu.memory_space<vmem>>)
      tpu.yield
    }) : () -> ()
    %barrier3A = arith.constant 0 : index
    tpu.barrier barrier_id(%barrier3A)
    %scan3A = arith.constant 0 : i32
    %scan3A_19 = arith.constant 0 : i32
    %scan3A_20 = arith.constant 125 : i32
    %scan3A_21 = arith.addi %scan3A_19, %scan3A_20 : i32
    %scan3A_22 = arith.constant 1 : i32
    scf.for %scan3A_28 = %scan3A_19 to %scan3A_21 step %scan3A_22  : i32 {
      "tpu.region"() ({
        %run_scoped3A = tpu.sem_alloc : memref<!tpu.dma_semaphore, #tpu.memory_space<semaphore_mem>>
        %dma_start3A = arith.constant 0 : i32
        %dma_start3A_29 = tpu.memref_slice %arg6[%scan3A_28, %dma_start3A] : memref<125x80xi32, #tpu.memory_space<vmem>> -> memref<1x80xi32, #tpu.memory_space<vmem>>
        %dma_start3A_30 = tpu.memref_squeeze %dma_start3A_29 : memref<1x80xi32, #tpu.memory_space<vmem>> -> memref<80xi32, #tpu.memory_space<vmem>>
        %dma_start3A_31 = arith.constant 0 : i32
        %dma_start3A_32 = arith.constant 0 : i32
        %dma_start3A_33 = tpu.memref_slice %arg8[%dma_start3A_31, %dma_start3A_32] : memref<10240x128xf32, #tpu.memory_space<vmem_shared>> -> memref<10240x128xf32, #tpu.memory_space<vmem_shared>>
        tpu.enqueue_indirect_dma source(%arg7 : memref<80x128xf32, #tpu.memory_space<vmem>>) target(%dma_start3A_33 : memref<10240x128xf32, #tpu.memory_space<vmem_shared>>) offsets(%dma_start3A_30 : memref<80xi32, #tpu.memory_space<vmem>>) semaphore(%run_scoped3A : memref<!tpu.dma_semaphore, #tpu.memory_space<semaphore_mem>>) {add = true}
        %dma_wait3A = arith.constant 0 : i32
        %dma_wait3A_34 = tpu.memref_slice %arg6[%scan3A_28, %dma_wait3A] : memref<125x80xi32, #tpu.memory_space<vmem>> -> memref<1x80xi32, #tpu.memory_space<vmem>>
        %dma_wait3A_35 = tpu.memref_squeeze %dma_wait3A_34 : memref<1x80xi32, #tpu.memory_space<vmem>> -> memref<80xi32, #tpu.memory_space<vmem>>
        %dma_wait3A_36 = arith.constant 0 : i32
        %dma_wait3A_37 = arith.constant 0 : i32
        %dma_wait3A_38 = tpu.memref_slice %arg8[%dma_wait3A_36, %dma_wait3A_37] : memref<10240x128xf32, #tpu.memory_space<vmem_shared>> -> memref<10240x128xf32, #tpu.memory_space<vmem_shared>>
        tpu.wait_indirect_dma semaphore(%run_scoped3A : memref<!tpu.dma_semaphore, #tpu.memory_space<semaphore_mem>>) src(%arg7 : memref<80x128xf32, #tpu.memory_space<vmem>>) dst(%dma_wait3A_38 : memref<10240x128xf32, #tpu.memory_space<vmem_shared>>)
        tpu.yield
      }) : () -> ()
    }
    %scan3A_23 = arith.constant 125 : i32
    %barrier3A_24 = arith.constant 0 : index
    tpu.barrier barrier_id(%barrier3A_24)
    %mul3A_25 = arith.constant 10240 : i32
    %mul3A_26 = arith.muli %arg0, %mul3A_25 : i32
    %add3A_27 = arith.addi %mul3A_26, %mul3A_2 : i32
    "tpu.region"() ({
      %run_scoped3A = tpu.sem_alloc : memref<!tpu.dma_semaphore, #tpu.memory_space<semaphore_mem>>
      %dma_start3A = arith.constant 0 : i32
      %dma_start3A_28 = tpu.memref_slice %arg5[%add3A_27, %dma_start3A] : memref<20480x128xf32, #tpu.memory_space<hbm>> -> memref<640x128xf32, #tpu.memory_space<hbm>>
      %dma_start3A_29 = arith.constant 0 : i32
      %dma_start3A_30 = tpu.memref_slice %arg8[%mul3A_2, %dma_start3A_29] : memref<10240x128xf32, #tpu.memory_space<vmem_shared>> -> memref<640x128xf32, #tpu.memory_space<vmem_shared>>
      tpu.enqueue_dma source(%dma_start3A_30 : memref<640x128xf32, #tpu.memory_space<vmem_shared>>) target(%dma_start3A_28 : memref<640x128xf32, #tpu.memory_space<hbm>>) target_semaphore(%run_scoped3A : memref<!tpu.dma_semaphore, #tpu.memory_space<semaphore_mem>>)
      %dma_wait3A = arith.constant 0 : i32
      %dma_wait3A_31 = tpu.memref_slice %arg5[%add3A_27, %dma_wait3A] : memref<20480x128xf32, #tpu.memory_space<hbm>> -> memref<640x128xf32, #tpu.memory_space<hbm>>
      %dma_wait3A_32 = arith.constant 0 : i32
      %dma_wait3A_33 = tpu.memref_slice %arg8[%mul3A_2, %dma_wait3A_32] : memref<10240x128xf32, #tpu.memory_space<vmem_shared>> -> memref<640x128xf32, #tpu.memory_space<vmem_shared>>
      tpu.wait_dma2 semaphore(%run_scoped3A : memref<!tpu.dma_semaphore, #tpu.memory_space<semaphore_mem>>) src(%dma_wait3A_33 : memref<640x128xf32, #tpu.memory_space<vmem_shared>>) dst(%dma_wait3A_31 : memref<640x128xf32, #tpu.memory_space<hbm>>)
      tpu.yield
    }) : () -> ()
    return
  }
}

module attributes {stable_mosaic.version = 14 : i64} {
  func.func @_enc_body(%arg0: i32, %arg1: memref<2048x128xf32, #tpu.memory_space<vmem>>, %arg2: memref<128x128xf32, #tpu.memory_space<vmem>>, %arg3: memref<1x128xf32, #tpu.memory_space<vmem>>, %arg4: memref<128x128xf32, #tpu.memory_space<vmem>>, %arg5: memref<1x128xf32, #tpu.memory_space<vmem>>, %arg6: memref<2048x128xf32, #tpu.memory_space<vmem>>, %arg7: memref<1x1xf32, #tpu.memory_space<vmem>>) attributes {dimension_semantics = [#tpu.dimension_semantics<arbitrary>], iteration_bounds = array<i64: 5>, scalar_prefetch = 0 : i64, scratch_operands = 0 : i64, tpu.core_type = #tpu.core_type<tc>, window_params = [{transform_indices = @transform_0, window_bounds = array<i64: 2048, 128>}, {pipeline_mode = #tpu.pipeline_mode<synchronous>, transform_indices = @transform_1, window_bounds = array<i64: 128, 128>}, {pipeline_mode = #tpu.pipeline_mode<synchronous>, transform_indices = @transform_2, window_bounds = array<i64: 1, 128>}, {pipeline_mode = #tpu.pipeline_mode<synchronous>, transform_indices = @transform_3, window_bounds = array<i64: 128, 128>}, {pipeline_mode = #tpu.pipeline_mode<synchronous>, transform_indices = @transform_4, window_bounds = array<i64: 1, 128>}, {transform_indices = @transform_5, window_bounds = array<i64: 2048, 128>}, {pipeline_mode = #tpu.pipeline_mode<synchronous>, transform_indices = @transform_6, window_bounds = array<i64: 1, 1>}]} {
    %get3A = arith.constant 0 : index
    %get3A_0 = arith.constant 0 : index
    %get3A_1 = vector.load %arg1[%get3A, %get3A_0] : memref<2048x128xf32, #tpu.memory_space<vmem>>, vector<2048x128xf32>
    %get3A_2 = arith.constant 0 : index
    %get3A_3 = arith.constant 0 : index
    %get3A_4 = vector.load %arg2[%get3A_2, %get3A_3] : memref<128x128xf32, #tpu.memory_space<vmem>>, vector<128x128xf32>
    %dot_general3A = arith.constant dense<0.000000e+00> : vector<2048x128xf32>
    %dot_general3A_5 = tpu.matmul %get3A_1, %get3A_4, %dot_general3A {dimension_numbers = #tpu.dot_dimension_numbers<[1], [0], [0], [1], [0, 0, 1, 1], [], []>, transpose_lhs_hint = false} : vector<2048x128xf32>, vector<128x128xf32>, vector<2048x128xf32> -> vector<2048x128xf32>
    %get3A_6 = arith.constant 0 : index
    %get3A_7 = arith.constant 0 : index
    %get3A_8 = vector.load %arg3[%get3A_6, %get3A_7] : memref<1x128xf32, #tpu.memory_space<vmem>>, vector<1x128xf32>
    %add3A = vector.broadcast %get3A_8 : vector<1x128xf32> to vector<2048x128xf32>
    %add3A_9 = arith.addf %dot_general3A_5, %add3A : vector<2048x128xf32>
    %max3A = arith.constant 0.000000e+00 : f32
    %max3A_10 = vector.broadcast %max3A : f32 to vector<2048x128xf32>
    %max3A_11 = arith.maximumf %add3A_9, %max3A_10 : vector<2048x128xf32>
    %get3A_12 = arith.constant 0 : index
    %get3A_13 = arith.constant 0 : index
    %get3A_14 = vector.load %arg4[%get3A_12, %get3A_13] : memref<128x128xf32, #tpu.memory_space<vmem>>, vector<128x128xf32>
    %dot_general3A_15 = arith.constant dense<0.000000e+00> : vector<2048x128xf32>
    %dot_general3A_16 = tpu.matmul %max3A_11, %get3A_14, %dot_general3A_15 {dimension_numbers = #tpu.dot_dimension_numbers<[1], [0], [0], [1], [0, 0, 1, 1], [], []>, transpose_lhs_hint = false} : vector<2048x128xf32>, vector<128x128xf32>, vector<2048x128xf32> -> vector<2048x128xf32>
    %get3A_17 = arith.constant 0 : index
    %get3A_18 = arith.constant 0 : index
    %get3A_19 = vector.load %arg5[%get3A_17, %get3A_18] : memref<1x128xf32, #tpu.memory_space<vmem>>, vector<1x128xf32>
    %add3A_20 = vector.broadcast %get3A_19 : vector<1x128xf32> to vector<2048x128xf32>
    %add3A_21 = arith.addf %dot_general3A_16, %add3A_20 : vector<2048x128xf32>
    %swap3A = arith.constant 0 : index
    %swap3A_22 = arith.constant 0 : index
    %swap3A_23 = vector.load %arg6[%swap3A, %swap3A_22] : memref<2048x128xf32, #tpu.memory_space<vmem>>, vector<2048x128xf32>
    tpu.vector_store %arg6[%swap3A, %swap3A_22], %add3A_21 {strides = array<i32>} : memref<2048x128xf32, #tpu.memory_space<vmem>>, vector<2048x128xf32>,
    %iota3A = tpu.iota {dimensions = array<i32: 1>} : vector<2048x128xi32>
    %lt3A = arith.constant 3 : i32
    %lt3A_24 = vector.broadcast %lt3A : i32 to vector<2048x128xi32>
    %lt3A_25 = arith.cmpi slt, %iota3A, %lt3A_24 : vector<2048x128xi32>
    %mul3A = arith.mulf %get3A_1, %get3A_1 : vector<2048x128xf32>
    %jit3A = arith.constant 0.000000e+00 : f32
    %broadcast_in_dim3A = vector.broadcast %jit3A : f32 to vector<2048x128xf32>
    %select_n3A = arith.select %lt3A_25, %mul3A, %broadcast_in_dim3A : vector<2048x128xi1>, vector<2048x128xf32>
    %reduce_sum3A = arith.constant dense<0.000000e+00> : vector<2048xf32>
    %reduce_sum3A_26 = vector.multi_reduction <add>, %select_n3A, %reduce_sum3A [1] : vector<2048x128xf32> to vector<2048xf32>
    %reduce_max3A = vector.shape_cast %reduce_sum3A_26 : vector<2048xf32> to vector<1x2048xf32>
    %reduce_max3A_27 = arith.constant dense<0xFF800000> : vector<1xf32>
    %reduce_max3A_28 = vector.multi_reduction <maximumf>, %reduce_max3A, %reduce_max3A_27 [1] : vector<1x2048xf32> to vector<1xf32>
    %reduce_max3A_29 = vector.shape_cast %reduce_max3A_28 : vector<1xf32> to vector<1x1xf32>
    %reduce_max3A_30 = vector.extract %reduce_max3A_29[0, 0] : f32 from vector<1x1xf32>
    %reshape3A = vector.broadcast %reduce_max3A_30 : f32 to vector<1x1xf32>
    %eq3A = arith.constant 0 : i32
    %eq3A_31 = arith.cmpi eq, %arg0, %eq3A : i32
    %convert_element_type3A = arith.extui %eq3A_31 : i1 to i32
    %cond3A = arith.constant 0 : i32
    %cond3A_32 = arith.cmpi ne, %convert_element_type3A, %cond3A : i32
    scf.if %cond3A_32 {
      %swap3A_37 = arith.constant 0 : index
      %swap3A_38 = arith.constant 0 : index
      %swap3A_39 = vector.load %arg7[%swap3A_37, %swap3A_38] : memref<1x1xf32, #tpu.memory_space<vmem>>, vector<1x1xf32>
      tpu.vector_store %arg7[%swap3A_37, %swap3A_38], %reshape3A {strides = array<i32>} : memref<1x1xf32, #tpu.memory_space<vmem>>, vector<1x1xf32>,
    } else {
    }
    %ne3A = arith.constant 0 : i32
    %ne3A_33 = arith.cmpi ne, %arg0, %ne3A : i32
    %convert_element_type3A_34 = arith.extui %ne3A_33 : i1 to i32
    %cond3A_35 = arith.constant 0 : i32
    %cond3A_36 = arith.cmpi ne, %convert_element_type3A_34, %cond3A_35 : i32
    scf.if %cond3A_36 {
      %get3A_37 = arith.constant 0 : index
      %get3A_38 = arith.constant 0 : index
      %get3A_39 = vector.load %arg7[%get3A_37, %get3A_38] : memref<1x1xf32, #tpu.memory_space<vmem>>, vector<1x1xf32>
      %max3A_40 = arith.maximumf %get3A_39, %reshape3A : vector<1x1xf32>
      %swap3A_41 = arith.constant 0 : index
      %swap3A_42 = arith.constant 0 : index
      %swap3A_43 = vector.load %arg7[%swap3A_41, %swap3A_42] : memref<1x1xf32, #tpu.memory_space<vmem>>, vector<1x1xf32>
      tpu.vector_store %arg7[%swap3A_41, %swap3A_42], %max3A_40 {strides = array<i32>} : memref<1x1xf32, #tpu.memory_space<vmem>>, vector<1x1xf32>,
    } else {
    }
    return
  }
  func.func @transform_0(%arg0: i32) -> (i32, i32) {
    %c0_i32 = arith.constant 0 : i32
    %c0_i32_0 = arith.constant 0 : i32
    return %arg0, %c0_i32 : i32, i32
  }
  func.func @transform_1(%arg0: i32) -> (i32, i32) {
    %c0_i32 = arith.constant 0 : i32
    %c0_i32_0 = arith.constant 0 : i32
    %c0_i32_1 = arith.constant 0 : i32
    return %c0_i32, %c0_i32_0 : i32, i32
  }
  func.func @transform_2(%arg0: i32) -> (i32, i32) {
    %c0_i32 = arith.constant 0 : i32
    %c0_i32_0 = arith.constant 0 : i32
    %c0_i32_1 = arith.constant 0 : i32
    return %c0_i32, %c0_i32_0 : i32, i32
  }
  func.func @transform_3(%arg0: i32) -> (i32, i32) {
    %c0_i32 = arith.constant 0 : i32
    %c0_i32_0 = arith.constant 0 : i32
    %c0_i32_1 = arith.constant 0 : i32
    return %c0_i32, %c0_i32_0 : i32, i32
  }
  func.func @transform_4(%arg0: i32) -> (i32, i32) {
    %c0_i32 = arith.constant 0 : i32
    %c0_i32_0 = arith.constant 0 : i32
    %c0_i32_1 = arith.constant 0 : i32
    return %c0_i32, %c0_i32_0 : i32, i32
  }
  func.func @transform_5(%arg0: i32) -> (i32, i32) {
    %c0_i32 = arith.constant 0 : i32
    %c0_i32_0 = arith.constant 0 : i32
    return %arg0, %c0_i32 : i32, i32
  }
  func.func @transform_6(%arg0: i32) -> (i32, i32) {
    %c0_i32 = arith.constant 0 : i32
    %c0_i32_0 = arith.constant 0 : i32
    %c0_i32_1 = arith.constant 0 : i32
    return %c0_i32, %c0_i32_0 : i32, i32
  }
}

module attributes {stable_mosaic.version = 14 : i64} {
  func.func @_blk_body(%arg0: i32, %arg1: memref<2048x128xf32, #tpu.memory_space<vmem>>, %arg2: memref<2048x128xf32, #tpu.memory_space<vmem>>, %arg3: memref<2048x128xf32, #tpu.memory_space<vmem>>, %arg4: memref<2048x128xf32, #tpu.memory_space<vmem>>, %arg5: memref<2048x128xf32, #tpu.memory_space<vmem>>, %arg6: memref<128x128xf32, #tpu.memory_space<vmem>>, %arg7: memref<1x128xf32, #tpu.memory_space<vmem>>, %arg8: memref<128x128xf32, #tpu.memory_space<vmem>>, %arg9: memref<1x128xf32, #tpu.memory_space<vmem>>, %arg10: memref<1x128xf32, #tpu.memory_space<vmem>>, %arg11: memref<2048x128xf32, #tpu.memory_space<vmem>>) attributes {dimension_semantics = [#tpu.dimension_semantics<arbitrary>], iteration_bounds = array<i64: 5>, scalar_prefetch = 0 : i64, scratch_operands = 0 : i64, tpu.core_type = #tpu.core_type<tc>, window_params = [{transform_indices = @transform_0, window_bounds = array<i64: 2048, 128>}, {transform_indices = @transform_1, window_bounds = array<i64: 2048, 128>}, {transform_indices = @transform_2, window_bounds = array<i64: 2048, 128>}, {transform_indices = @transform_3, window_bounds = array<i64: 2048, 128>}, {transform_indices = @transform_4, window_bounds = array<i64: 2048, 128>}, {pipeline_mode = #tpu.pipeline_mode<synchronous>, transform_indices = @transform_5, window_bounds = array<i64: 128, 128>}, {pipeline_mode = #tpu.pipeline_mode<synchronous>, transform_indices = @transform_6, window_bounds = array<i64: 1, 128>}, {pipeline_mode = #tpu.pipeline_mode<synchronous>, transform_indices = @transform_7, window_bounds = array<i64: 128, 128>}, {pipeline_mode = #tpu.pipeline_mode<synchronous>, transform_indices = @transform_8, window_bounds = array<i64: 1, 128>}, {pipeline_mode = #tpu.pipeline_mode<synchronous>, transform_indices = @transform_9, window_bounds = array<i64: 1, 128>}, {transform_indices = @transform_10, window_bounds = array<i64: 2048, 128>}]} {
    %get3A = arith.constant 0 : index
    %get3A_0 = arith.constant 0 : index
    %get3A_1 = vector.load %arg3[%get3A, %get3A_0] : memref<2048x128xf32, #tpu.memory_space<vmem>>, vector<2048x1xf32>
    %get3A_2 = arith.constant 0 : index
    %get3A_3 = arith.constant 0 : index
    %get3A_4 = vector.load %arg4[%get3A_2, %get3A_3] : memref<2048x128xf32, #tpu.memory_space<vmem>>, vector<2048x1xf32>
    %add3A = arith.addf %get3A_1, %get3A_4 : vector<2048x1xf32>
    %get3A_5 = arith.constant 0 : index
    %get3A_6 = arith.constant 0 : index
    %get3A_7 = vector.load %arg1[%get3A_5, %get3A_6] : memref<2048x128xf32, #tpu.memory_space<vmem>>, vector<2048x128xf32>
    %get3A_8 = arith.constant 0 : index
    %get3A_9 = arith.constant 0 : index
    %get3A_10 = vector.load %arg2[%get3A_8, %get3A_9] : memref<2048x128xf32, #tpu.memory_space<vmem>>, vector<2048x128xf32>
    %add3A_11 = arith.addf %get3A_7, %get3A_10 : vector<2048x128xf32>
    %max3A = arith.constant 1.000000e+00 : f32
    %max3A_12 = vector.broadcast %max3A : f32 to vector<2048x1xf32>
    %max3A_13 = arith.maximumf %add3A, %max3A_12 : vector<2048x1xf32>
    %div3A = vector.broadcast %max3A_13 : vector<2048x1xf32> to vector<2048x128xf32>
    %div3A_14 = arith.divf %add3A_11, %div3A : vector<2048x128xf32>
    %get3A_15 = arith.constant 0 : index
    %get3A_16 = arith.constant 0 : index
    %get3A_17 = vector.load %arg5[%get3A_15, %get3A_16] : memref<2048x128xf32, #tpu.memory_space<vmem>>, vector<2048x128xf32>
    %get3A_18 = arith.constant 0 : index
    %get3A_19 = arith.constant 0 : index
    %get3A_20 = vector.load %arg6[%get3A_18, %get3A_19] : memref<128x128xf32, #tpu.memory_space<vmem>>, vector<128x128xf32>
    %dot_general3A = arith.constant dense<0.000000e+00> : vector<2048x128xf32>
    %dot_general3A_21 = tpu.matmul %div3A_14, %get3A_20, %dot_general3A {dimension_numbers = #tpu.dot_dimension_numbers<[1], [0], [0], [1], [0, 0, 1, 1], [], []>, transpose_lhs_hint = false} : vector<2048x128xf32>, vector<128x128xf32>, vector<2048x128xf32> -> vector<2048x128xf32>
    %get3A_22 = arith.constant 0 : index
    %get3A_23 = arith.constant 0 : index
    %get3A_24 = vector.load %arg7[%get3A_22, %get3A_23] : memref<1x128xf32, #tpu.memory_space<vmem>>, vector<1x128xf32>
    %add3A_25 = vector.broadcast %get3A_24 : vector<1x128xf32> to vector<2048x128xf32>
    %add3A_26 = arith.addf %dot_general3A_21, %add3A_25 : vector<2048x128xf32>
    %get3A_27 = arith.constant 0 : index
    %get3A_28 = arith.constant 0 : index
    %get3A_29 = vector.load %arg8[%get3A_27, %get3A_28] : memref<128x128xf32, #tpu.memory_space<vmem>>, vector<128x128xf32>
    %dot_general3A_30 = arith.constant dense<0.000000e+00> : vector<2048x128xf32>
    %dot_general3A_31 = tpu.matmul %get3A_17, %get3A_29, %dot_general3A_30 {dimension_numbers = #tpu.dot_dimension_numbers<[1], [0], [0], [1], [0, 0, 1, 1], [], []>, transpose_lhs_hint = false} : vector<2048x128xf32>, vector<128x128xf32>, vector<2048x128xf32> -> vector<2048x128xf32>
    %add3A_32 = arith.addf %add3A_26, %dot_general3A_31 : vector<2048x128xf32>
    %reduce_sum3A = arith.constant dense<0.000000e+00> : vector<2048xf32>
    %reduce_sum3A_33 = vector.multi_reduction <add>, %add3A_32, %reduce_sum3A [1] : vector<2048x128xf32> to vector<2048xf32>
    %broadcast_in_dim3A = vector.shape_cast %reduce_sum3A_33 : vector<2048xf32> to vector<2048x1xf32>
    %div3A_34 = arith.constant 1.280000e+02 : f32
    %div3A_35 = vector.broadcast %div3A_34 : f32 to vector<2048x1xf32>
    %div3A_36 = arith.divf %broadcast_in_dim3A, %div3A_35 : vector<2048x1xf32>
    %sub3A = vector.broadcast %div3A_36 : vector<2048x1xf32> to vector<2048x128xf32>
    %sub3A_37 = arith.subf %add3A_32, %sub3A : vector<2048x128xf32>
    %mul3A = arith.mulf %sub3A_37, %sub3A_37 : vector<2048x128xf32>
    %reduce_sum3A_38 = arith.constant dense<0.000000e+00> : vector<2048xf32>
    %reduce_sum3A_39 = vector.multi_reduction <add>, %mul3A, %reduce_sum3A_38 [1] : vector<2048x128xf32> to vector<2048xf32>
    %broadcast_in_dim3A_40 = vector.shape_cast %reduce_sum3A_39 : vector<2048xf32> to vector<2048x1xf32>
    %div3A_41 = arith.constant 1.280000e+02 : f32
    %div3A_42 = vector.broadcast %div3A_41 : f32 to vector<2048x1xf32>
    %div3A_43 = arith.divf %broadcast_in_dim3A_40, %div3A_42 : vector<2048x1xf32>
    %add3A_44 = arith.constant 9.99999974E-6 : f32
    %add3A_45 = vector.broadcast %add3A_44 : f32 to vector<2048x1xf32>
    %add3A_46 = arith.addf %div3A_43, %add3A_45 : vector<2048x1xf32>
    %sqrt3A = math.sqrt %add3A_46 : vector<2048x1xf32>
    %div3A_47 = vector.broadcast %sqrt3A : vector<2048x1xf32> to vector<2048x128xf32>
    %div3A_48 = arith.divf %sub3A_37, %div3A_47 : vector<2048x128xf32>
    %get3A_49 = arith.constant 0 : index
    %get3A_50 = arith.constant 0 : index
    %get3A_51 = vector.load %arg9[%get3A_49, %get3A_50] : memref<1x128xf32, #tpu.memory_space<vmem>>, vector<1x128xf32>
    %mul3A_52 = vector.broadcast %get3A_51 : vector<1x128xf32> to vector<2048x128xf32>
    %mul3A_53 = arith.mulf %div3A_48, %mul3A_52 : vector<2048x128xf32>
    %get3A_54 = arith.constant 0 : index
    %get3A_55 = arith.constant 0 : index
    %get3A_56 = vector.load %arg10[%get3A_54, %get3A_55] : memref<1x128xf32, #tpu.memory_space<vmem>>, vector<1x128xf32>
    %add3A_57 = vector.broadcast %get3A_56 : vector<1x128xf32> to vector<2048x128xf32>
    %add3A_58 = arith.addf %mul3A_53, %add3A_57 : vector<2048x128xf32>
    %max3A_59 = arith.constant 0.000000e+00 : f32
    %max3A_60 = vector.broadcast %max3A_59 : f32 to vector<2048x128xf32>
    %max3A_61 = arith.maximumf %add3A_58, %max3A_60 : vector<2048x128xf32>
    %add3A_62 = arith.addf %get3A_17, %max3A_61 : vector<2048x128xf32>
    %swap3A = arith.constant 0 : index
    %swap3A_63 = arith.constant 0 : index
    %swap3A_64 = vector.load %arg11[%swap3A, %swap3A_63] : memref<2048x128xf32, #tpu.memory_space<vmem>>, vector<2048x128xf32>
    tpu.vector_store %arg11[%swap3A, %swap3A_63], %add3A_62 {strides = array<i32>} : memref<2048x128xf32, #tpu.memory_space<vmem>>, vector<2048x128xf32>,
    return
  }
  func.func @transform_0(%arg0: i32) -> (i32, i32) {
    %c0_i32 = arith.constant 0 : i32
    %c0_i32_0 = arith.constant 0 : i32
    return %arg0, %c0_i32 : i32, i32
  }
  func.func @transform_1(%arg0: i32) -> (i32, i32) {
    %add3A = arith.constant 5 : i32
    %add3A_0 = arith.addi %arg0, %add3A : i32
    %c0_i32 = arith.constant 0 : i32
    %c0_i32_1 = arith.constant 0 : i32
    return %add3A_0, %c0_i32 : i32, i32
  }
  func.func @transform_2(%arg0: i32) -> (i32, i32) {
    %c0_i32 = arith.constant 0 : i32
    %c0_i32_0 = arith.constant 0 : i32
    return %arg0, %c0_i32 : i32, i32
  }
  func.func @transform_3(%arg0: i32) -> (i32, i32) {
    %add3A = arith.constant 5 : i32
    %add3A_0 = arith.addi %arg0, %add3A : i32
    %c0_i32 = arith.constant 0 : i32
    %c0_i32_1 = arith.constant 0 : i32
    return %add3A_0, %c0_i32 : i32, i32
  }
  func.func @transform_4(%arg0: i32) -> (i32, i32) {
    %c0_i32 = arith.constant 0 : i32
    %c0_i32_0 = arith.constant 0 : i32
    return %arg0, %c0_i32 : i32, i32
  }
  func.func @transform_5(%arg0: i32) -> (i32, i32) {
    %c0_i32 = arith.constant 0 : i32
    %c0_i32_0 = arith.constant 0 : i32
    %c0_i32_1 = arith.constant 0 : i32
    return %c0_i32, %c0_i32_0 : i32, i32
  }
  func.func @transform_6(%arg0: i32) -> (i32, i32) {
    %c0_i32 = arith.constant 0 : i32
    %c0_i32_0 = arith.constant 0 : i32
    %c0_i32_1 = arith.constant 0 : i32
    return %c0_i32, %c0_i32_0 : i32, i32
  }
  func.func @transform_7(%arg0: i32) -> (i32, i32) {
    %c0_i32 = arith.constant 0 : i32
    %c0_i32_0 = arith.constant 0 : i32
    %c0_i32_1 = arith.constant 0 : i32
    return %c0_i32, %c0_i32_0 : i32, i32
  }
  func.func @transform_8(%arg0: i32) -> (i32, i32) {
    %c0_i32 = arith.constant 0 : i32
    %c0_i32_0 = arith.constant 0 : i32
    %c0_i32_1 = arith.constant 0 : i32
    return %c0_i32, %c0_i32_0 : i32, i32
  }
  func.func @transform_9(%arg0: i32) -> (i32, i32) {
    %c0_i32 = arith.constant 0 : i32
    %c0_i32_0 = arith.constant 0 : i32
    %c0_i32_1 = arith.constant 0 : i32
    return %c0_i32, %c0_i32_0 : i32, i32
  }
  func.func @transform_10(%arg0: i32) -> (i32, i32) {
    %c0_i32 = arith.constant 0 : i32
    %c0_i32_0 = arith.constant 0 : i32
    return %arg0, %c0_i32 : i32, i32
  }
}

module attributes {stable_mosaic.version = 14 : i64} {
  func.func @_blk_heads_body(%arg0: i32, %arg1: memref<2048x128xf32, #tpu.memory_space<vmem>>, %arg2: memref<2048x128xf32, #tpu.memory_space<vmem>>, %arg3: memref<2048x128xf32, #tpu.memory_space<vmem>>, %arg4: memref<2048x128xf32, #tpu.memory_space<vmem>>, %arg5: memref<2048x128xf32, #tpu.memory_space<vmem>>, %arg6: memref<128x128xf32, #tpu.memory_space<vmem>>, %arg7: memref<1x128xf32, #tpu.memory_space<vmem>>, %arg8: memref<128x128xf32, #tpu.memory_space<vmem>>, %arg9: memref<1x128xf32, #tpu.memory_space<vmem>>, %arg10: memref<1x128xf32, #tpu.memory_space<vmem>>, %arg11: memref<1x1xf32, #tpu.memory_space<vmem>>, %arg12: memref<128x128xf32, #tpu.memory_space<vmem>>, %arg13: memref<1x128xf32, #tpu.memory_space<vmem>>, %arg14: memref<128x64xf32, #tpu.memory_space<vmem>>, %arg15: memref<1x64xf32, #tpu.memory_space<vmem>>, %arg16: memref<64x3xf32, #tpu.memory_space<vmem>>, %arg17: memref<1x3xf32, #tpu.memory_space<vmem>>, %arg18: memref<128x128xf32, #tpu.memory_space<vmem>>, %arg19: memref<1x128xf32, #tpu.memory_space<vmem>>, %arg20: memref<128x64xf32, #tpu.memory_space<vmem>>, %arg21: memref<1x64xf32, #tpu.memory_space<vmem>>, %arg22: memref<64x1xf32, #tpu.memory_space<vmem>>, %arg23: memref<1x1xf32, #tpu.memory_space<vmem>>, %arg24: memref<2048x4xf32, #tpu.memory_space<vmem>>) attributes {dimension_semantics = [#tpu.dimension_semantics<arbitrary>], iteration_bounds = array<i64: 5>, scalar_prefetch = 0 : i64, scratch_operands = 0 : i64, tpu.core_type = #tpu.core_type<tc>, window_params = [{transform_indices = @transform_0, window_bounds = array<i64: 2048, 128>}, {transform_indices = @transform_1, window_bounds = array<i64: 2048, 128>}, {transform_indices = @transform_2, window_bounds = array<i64: 2048, 128>}, {transform_indices = @transform_3, window_bounds = array<i64: 2048, 128>}, {transform_indices = @transform_4, window_bounds = array<i64: 2048, 128>}, {pipeline_mode = #tpu.pipeline_mode<synchronous>, transform_indices = @transform_5, window_bounds = array<i64: 128, 128>}, {pipeline_mode = #tpu.pipeline_mode<synchronous>, transform_indices = @transform_6, window_bounds = array<i64: 1, 128>}, {pipeline_mode = #tpu.pipeline_mode<synchronous>, transform_indices = @transform_7, window_bounds = array<i64: 128, 128>}, {pipeline_mode = #tpu.pipeline_mode<synchronous>, transform_indices = @transform_8, window_bounds = array<i64: 1, 128>}, {pipeline_mode = #tpu.pipeline_mode<synchronous>, transform_indices = @transform_9, window_bounds = array<i64: 1, 128>}, {pipeline_mode = #tpu.pipeline_mode<synchronous>, transform_indices = @transform_10, window_bounds = array<i64: 1, 1>}, {pipeline_mode = #tpu.pipeline_mode<synchronous>, transform_indices = @transform_11, window_bounds = array<i64: 128, 128>}, {pipeline_mode = #tpu.pipeline_mode<synchronous>, transform_indices = @transform_12, window_bounds = array<i64: 1, 128>}, {pipeline_mode = #tpu.pipeline_mode<synchronous>, transform_indices = @transform_13, window_bounds = array<i64: 128, 64>}, {pipeline_mode = #tpu.pipeline_mode<synchronous>, transform_indices = @transform_14, window_bounds = array<i64: 1, 64>}, {pipeline_mode = #tpu.pipeline_mode<synchronous>, transform_indices = @transform_15, window_bounds = array<i64: 64, 3>}, {pipeline_mode = #tpu.pipeline_mode<synchronous>, transform_indices = @transform_16, window_bounds = array<i64: 1, 3>}, {pipeline_mode = #tpu.pipeline_mode<synchronous>, transform_indices = @transform_17, window_bounds = array<i64: 128, 128>}, {pipeline_mode = #tpu.pipeline_mode<synchronous>, transform_indices = @transform_18, window_bounds = array<i64: 1, 128>}, {pipeline_mode = #tpu.pipeline_mode<synchronous>, transform_indices = @transform_19, window_bounds = array<i64: 128, 64>}, {pipeline_mode = #tpu.pipeline_mode<synchronous>, transform_indices = @transform_20, window_bounds = array<i64: 1, 64>}, {pipeline_mode = #tpu.pipeline_mode<synchronous>, transform_indices = @transform_21, window_bounds = array<i64: 64, 1>}, {pipeline_mode = #tpu.pipeline_mode<synchronous>, transform_indices = @transform_22, window_bounds = array<i64: 1, 1>}, {transform_indices = @transform_23, window_bounds = array<i64: 2048, 4>}]} {
    %get3A = arith.constant 0 : index
    %get3A_0 = arith.constant 0 : index
    %get3A_1 = vector.load %arg3[%get3A, %get3A_0] : memref<2048x128xf32, #tpu.memory_space<vmem>>, vector<2048x1xf32>
    %get3A_2 = arith.constant 0 : index
    %get3A_3 = arith.constant 0 : index
    %get3A_4 = vector.load %arg4[%get3A_2, %get3A_3] : memref<2048x128xf32, #tpu.memory_space<vmem>>, vector<2048x1xf32>
    %add3A = arith.addf %get3A_1, %get3A_4 : vector<2048x1xf32>
    %get3A_5 = arith.constant 0 : index
    %get3A_6 = arith.constant 0 : index
    %get3A_7 = vector.load %arg1[%get3A_5, %get3A_6] : memref<2048x128xf32, #tpu.memory_space<vmem>>, vector<2048x128xf32>
    %get3A_8 = arith.constant 0 : index
    %get3A_9 = arith.constant 0 : index
    %get3A_10 = vector.load %arg2[%get3A_8, %get3A_9] : memref<2048x128xf32, #tpu.memory_space<vmem>>, vector<2048x128xf32>
    %add3A_11 = arith.addf %get3A_7, %get3A_10 : vector<2048x128xf32>
    %max3A = arith.constant 1.000000e+00 : f32
    %max3A_12 = vector.broadcast %max3A : f32 to vector<2048x1xf32>
    %max3A_13 = arith.maximumf %add3A, %max3A_12 : vector<2048x1xf32>
    %div3A = vector.broadcast %max3A_13 : vector<2048x1xf32> to vector<2048x128xf32>
    %div3A_14 = arith.divf %add3A_11, %div3A : vector<2048x128xf32>
    %get3A_15 = arith.constant 0 : index
    %get3A_16 = arith.constant 0 : index
    %get3A_17 = vector.load %arg5[%get3A_15, %get3A_16] : memref<2048x128xf32, #tpu.memory_space<vmem>>, vector<2048x128xf32>
    %get3A_18 = arith.constant 0 : index
    %get3A_19 = arith.constant 0 : index
    %get3A_20 = vector.load %arg6[%get3A_18, %get3A_19] : memref<128x128xf32, #tpu.memory_space<vmem>>, vector<128x128xf32>
    %dot_general3A = arith.constant dense<0.000000e+00> : vector<2048x128xf32>
    %dot_general3A_21 = tpu.matmul %div3A_14, %get3A_20, %dot_general3A {dimension_numbers = #tpu.dot_dimension_numbers<[1], [0], [0], [1], [0, 0, 1, 1], [], []>, transpose_lhs_hint = false} : vector<2048x128xf32>, vector<128x128xf32>, vector<2048x128xf32> -> vector<2048x128xf32>
    %get3A_22 = arith.constant 0 : index
    %get3A_23 = arith.constant 0 : index
    %get3A_24 = vector.load %arg7[%get3A_22, %get3A_23] : memref<1x128xf32, #tpu.memory_space<vmem>>, vector<1x128xf32>
    %add3A_25 = vector.broadcast %get3A_24 : vector<1x128xf32> to vector<2048x128xf32>
    %add3A_26 = arith.addf %dot_general3A_21, %add3A_25 : vector<2048x128xf32>
    %get3A_27 = arith.constant 0 : index
    %get3A_28 = arith.constant 0 : index
    %get3A_29 = vector.load %arg8[%get3A_27, %get3A_28] : memref<128x128xf32, #tpu.memory_space<vmem>>, vector<128x128xf32>
    %dot_general3A_30 = arith.constant dense<0.000000e+00> : vector<2048x128xf32>
    %dot_general3A_31 = tpu.matmul %get3A_17, %get3A_29, %dot_general3A_30 {dimension_numbers = #tpu.dot_dimension_numbers<[1], [0], [0], [1], [0, 0, 1, 1], [], []>, transpose_lhs_hint = false} : vector<2048x128xf32>, vector<128x128xf32>, vector<2048x128xf32> -> vector<2048x128xf32>
    %add3A_32 = arith.addf %add3A_26, %dot_general3A_31 : vector<2048x128xf32>
    %reduce_sum3A = arith.constant dense<0.000000e+00> : vector<2048xf32>
    %reduce_sum3A_33 = vector.multi_reduction <add>, %add3A_32, %reduce_sum3A [1] : vector<2048x128xf32> to vector<2048xf32>
    %broadcast_in_dim3A = vector.shape_cast %reduce_sum3A_33 : vector<2048xf32> to vector<2048x1xf32>
    %div3A_34 = arith.constant 1.280000e+02 : f32
    %div3A_35 = vector.broadcast %div3A_34 : f32 to vector<2048x1xf32>
    %div3A_36 = arith.divf %broadcast_in_dim3A, %div3A_35 : vector<2048x1xf32>
    %sub3A = vector.broadcast %div3A_36 : vector<2048x1xf32> to vector<2048x128xf32>
    %sub3A_37 = arith.subf %add3A_32, %sub3A : vector<2048x128xf32>
    %mul3A = arith.mulf %sub3A_37, %sub3A_37 : vector<2048x128xf32>
    %reduce_sum3A_38 = arith.constant dense<0.000000e+00> : vector<2048xf32>
    %reduce_sum3A_39 = vector.multi_reduction <add>, %mul3A, %reduce_sum3A_38 [1] : vector<2048x128xf32> to vector<2048xf32>
    %broadcast_in_dim3A_40 = vector.shape_cast %reduce_sum3A_39 : vector<2048xf32> to vector<2048x1xf32>
    %div3A_41 = arith.constant 1.280000e+02 : f32
    %div3A_42 = vector.broadcast %div3A_41 : f32 to vector<2048x1xf32>
    %div3A_43 = arith.divf %broadcast_in_dim3A_40, %div3A_42 : vector<2048x1xf32>
    %add3A_44 = arith.constant 9.99999974E-6 : f32
    %add3A_45 = vector.broadcast %add3A_44 : f32 to vector<2048x1xf32>
    %add3A_46 = arith.addf %div3A_43, %add3A_45 : vector<2048x1xf32>
    %sqrt3A = math.sqrt %add3A_46 : vector<2048x1xf32>
    %div3A_47 = vector.broadcast %sqrt3A : vector<2048x1xf32> to vector<2048x128xf32>
    %div3A_48 = arith.divf %sub3A_37, %div3A_47 : vector<2048x128xf32>
    %get3A_49 = arith.constant 0 : index
    %get3A_50 = arith.constant 0 : index
    %get3A_51 = vector.load %arg9[%get3A_49, %get3A_50] : memref<1x128xf32, #tpu.memory_space<vmem>>, vector<1x128xf32>
    %mul3A_52 = vector.broadcast %get3A_51 : vector<1x128xf32> to vector<2048x128xf32>
    %mul3A_53 = arith.mulf %div3A_48, %mul3A_52 : vector<2048x128xf32>
    %get3A_54 = arith.constant 0 : index
    %get3A_55 = arith.constant 0 : index
    %get3A_56 = vector.load %arg10[%get3A_54, %get3A_55] : memref<1x128xf32, #tpu.memory_space<vmem>>, vector<1x128xf32>
    %add3A_57 = vector.broadcast %get3A_56 : vector<1x128xf32> to vector<2048x128xf32>
    %add3A_58 = arith.addf %mul3A_53, %add3A_57 : vector<2048x128xf32>
    %max3A_59 = arith.constant 0.000000e+00 : f32
    %max3A_60 = vector.broadcast %max3A_59 : f32 to vector<2048x128xf32>
    %max3A_61 = arith.maximumf %add3A_58, %max3A_60 : vector<2048x128xf32>
    %add3A_62 = arith.addf %get3A_17, %max3A_61 : vector<2048x128xf32>
    %get3A_63 = arith.constant 0 : index
    %get3A_64 = arith.constant 0 : index
    %get3A_65 = vector.load %arg11[%get3A_63, %get3A_64] : memref<1x1xf32, #tpu.memory_space<vmem>>, vector<1x1xf32>
    %sqrt3A_66 = math.sqrt %get3A_65 : vector<1x1xf32>
    %get3A_67 = arith.constant 0 : index
    %get3A_68 = arith.constant 0 : index
    %get3A_69 = vector.load %arg12[%get3A_67, %get3A_68] : memref<128x128xf32, #tpu.memory_space<vmem>>, vector<128x128xf32>
    %dot_general3A_70 = arith.constant dense<0.000000e+00> : vector<2048x128xf32>
    %dot_general3A_71 = tpu.matmul %add3A_62, %get3A_69, %dot_general3A_70 {dimension_numbers = #tpu.dot_dimension_numbers<[1], [0], [0], [1], [0, 0, 1, 1], [], []>, transpose_lhs_hint = false} : vector<2048x128xf32>, vector<128x128xf32>, vector<2048x128xf32> -> vector<2048x128xf32>
    %get3A_72 = arith.constant 0 : index
    %get3A_73 = arith.constant 0 : index
    %get3A_74 = vector.load %arg13[%get3A_72, %get3A_73] : memref<1x128xf32, #tpu.memory_space<vmem>>, vector<1x128xf32>
    %add3A_75 = vector.broadcast %get3A_74 : vector<1x128xf32> to vector<2048x128xf32>
    %add3A_76 = arith.addf %dot_general3A_71, %add3A_75 : vector<2048x128xf32>
    %max3A_77 = arith.constant 0.000000e+00 : f32
    %max3A_78 = vector.broadcast %max3A_77 : f32 to vector<2048x128xf32>
    %max3A_79 = arith.maximumf %add3A_76, %max3A_78 : vector<2048x128xf32>
    %get3A_80 = arith.constant 0 : index
    %get3A_81 = arith.constant 0 : index
    %get3A_82 = vector.load %arg14[%get3A_80, %get3A_81] : memref<128x64xf32, #tpu.memory_space<vmem>>, vector<128x64xf32>
    %dot_general3A_83 = arith.constant dense<0.000000e+00> : vector<2048x64xf32>
    %dot_general3A_84 = tpu.matmul %max3A_79, %get3A_82, %dot_general3A_83 {dimension_numbers = #tpu.dot_dimension_numbers<[1], [0], [0], [1], [0, 0, 1, 1], [], []>, transpose_lhs_hint = false} : vector<2048x128xf32>, vector<128x64xf32>, vector<2048x64xf32> -> vector<2048x64xf32>
    %get3A_85 = arith.constant 0 : index
    %get3A_86 = arith.constant 0 : index
    %get3A_87 = vector.load %arg15[%get3A_85, %get3A_86] : memref<1x64xf32, #tpu.memory_space<vmem>>, vector<1x64xf32>
    %add3A_88 = vector.broadcast %get3A_87 : vector<1x64xf32> to vector<2048x64xf32>
    %add3A_89 = arith.addf %dot_general3A_84, %add3A_88 : vector<2048x64xf32>
    %max3A_90 = arith.constant 0.000000e+00 : f32
    %max3A_91 = vector.broadcast %max3A_90 : f32 to vector<2048x64xf32>
    %max3A_92 = arith.maximumf %add3A_89, %max3A_91 : vector<2048x64xf32>
    %get3A_93 = arith.constant 0 : index
    %get3A_94 = arith.constant 0 : index
    %get3A_95 = vector.load %arg16[%get3A_93, %get3A_94] : memref<64x3xf32, #tpu.memory_space<vmem>>, vector<64x3xf32>
    %dot_general3A_96 = arith.constant dense<0.000000e+00> : vector<2048x3xf32>
    %dot_general3A_97 = tpu.matmul %max3A_92, %get3A_95, %dot_general3A_96 {dimension_numbers = #tpu.dot_dimension_numbers<[1], [0], [0], [1], [0, 0, 1, 1], [], []>, transpose_lhs_hint = false} : vector<2048x64xf32>, vector<64x3xf32>, vector<2048x3xf32> -> vector<2048x3xf32>
    %get3A_98 = arith.constant 0 : index
    %get3A_99 = arith.constant 0 : index
    %get3A_100 = vector.load %arg17[%get3A_98, %get3A_99] : memref<1x3xf32, #tpu.memory_space<vmem>>, vector<1x3xf32>
    %add3A_101 = vector.broadcast %get3A_100 : vector<1x3xf32> to vector<2048x3xf32>
    %add3A_102 = arith.addf %dot_general3A_97, %add3A_101 : vector<2048x3xf32>
    %get3A_103 = arith.constant 0 : index
    %get3A_104 = arith.constant 0 : index
    %get3A_105 = vector.load %arg18[%get3A_103, %get3A_104] : memref<128x128xf32, #tpu.memory_space<vmem>>, vector<128x128xf32>
    %dot_general3A_106 = arith.constant dense<0.000000e+00> : vector<2048x128xf32>
    %dot_general3A_107 = tpu.matmul %add3A_62, %get3A_105, %dot_general3A_106 {dimension_numbers = #tpu.dot_dimension_numbers<[1], [0], [0], [1], [0, 0, 1, 1], [], []>, transpose_lhs_hint = false} : vector<2048x128xf32>, vector<128x128xf32>, vector<2048x128xf32> -> vector<2048x128xf32>
    %get3A_108 = arith.constant 0 : index
    %get3A_109 = arith.constant 0 : index
    %get3A_110 = vector.load %arg19[%get3A_108, %get3A_109] : memref<1x128xf32, #tpu.memory_space<vmem>>, vector<1x128xf32>
    %add3A_111 = vector.broadcast %get3A_110 : vector<1x128xf32> to vector<2048x128xf32>
    %add3A_112 = arith.addf %dot_general3A_107, %add3A_111 : vector<2048x128xf32>
    %max3A_113 = arith.constant 0.000000e+00 : f32
    %max3A_114 = vector.broadcast %max3A_113 : f32 to vector<2048x128xf32>
    %max3A_115 = arith.maximumf %add3A_112, %max3A_114 : vector<2048x128xf32>
    %get3A_116 = arith.constant 0 : index
    %get3A_117 = arith.constant 0 : index
    %get3A_118 = vector.load %arg20[%get3A_116, %get3A_117] : memref<128x64xf32, #tpu.memory_space<vmem>>, vector<128x64xf32>
    %dot_general3A_119 = arith.constant dense<0.000000e+00> : vector<2048x64xf32>
    %dot_general3A_120 = tpu.matmul %max3A_115, %get3A_118, %dot_general3A_119 {dimension_numbers = #tpu.dot_dimension_numbers<[1], [0], [0], [1], [0, 0, 1, 1], [], []>, transpose_lhs_hint = false} : vector<2048x128xf32>, vector<128x64xf32>, vector<2048x64xf32> -> vector<2048x64xf32>
    %get3A_121 = arith.constant 0 : index
    %get3A_122 = arith.constant 0 : index
    %get3A_123 = vector.load %arg21[%get3A_121, %get3A_122] : memref<1x64xf32, #tpu.memory_space<vmem>>, vector<1x64xf32>
    %add3A_124 = vector.broadcast %get3A_123 : vector<1x64xf32> to vector<2048x64xf32>
    %add3A_125 = arith.addf %dot_general3A_120, %add3A_124 : vector<2048x64xf32>
    %max3A_126 = arith.constant 0.000000e+00 : f32
    %max3A_127 = vector.broadcast %max3A_126 : f32 to vector<2048x64xf32>
    %max3A_128 = arith.maximumf %add3A_125, %max3A_127 : vector<2048x64xf32>
    %get3A_129 = arith.constant 0 : index
    %get3A_130 = arith.constant 0 : index
    %get3A_131 = vector.load %arg22[%get3A_129, %get3A_130] : memref<64x1xf32, #tpu.memory_space<vmem>>, vector<64x1xf32>
    %dot_general3A_132 = arith.constant dense<0.000000e+00> : vector<2048x1xf32>
    %dot_general3A_133 = tpu.matmul %max3A_128, %get3A_131, %dot_general3A_132 {dimension_numbers = #tpu.dot_dimension_numbers<[1], [0], [0], [1], [0, 0, 1, 1], [], []>, transpose_lhs_hint = false} : vector<2048x64xf32>, vector<64x1xf32>, vector<2048x1xf32> -> vector<2048x1xf32>
    %get3A_134 = arith.constant 0 : index
    %get3A_135 = arith.constant 0 : index
    %get3A_136 = vector.load %arg23[%get3A_134, %get3A_135] : memref<1x1xf32, #tpu.memory_space<vmem>>, vector<1x1xf32>
    %add3A_137 = vector.broadcast %get3A_136 : vector<1x1xf32> to vector<2048x1xf32>
    %add3A_138 = arith.addf %dot_general3A_133, %add3A_137 : vector<2048x1xf32>
    %concatenate3A = tpu.concatenate %add3A_102, %add3A_138 in 1 : vector<2048x3xf32>, vector<2048x1xf32> -> vector<2048x4xf32>
    %mul3A_139 = vector.broadcast %sqrt3A_66 : vector<1x1xf32> to vector<2048x4xf32>
    %mul3A_140 = arith.mulf %concatenate3A, %mul3A_139 : vector<2048x4xf32>
    %swap3A = arith.constant 0 : index
    %swap3A_141 = arith.constant 0 : index
    %swap3A_142 = vector.load %arg24[%swap3A, %swap3A_141] : memref<2048x4xf32, #tpu.memory_space<vmem>>, vector<2048x4xf32>
    tpu.vector_store %arg24[%swap3A, %swap3A_141], %mul3A_140 {strides = array<i32>} : memref<2048x4xf32, #tpu.memory_space<vmem>>, vector<2048x4xf32>,
    return
  }
  func.func @transform_0(%arg0: i32) -> (i32, i32) {
    %c0_i32 = arith.constant 0 : i32
    %c0_i32_0 = arith.constant 0 : i32
    return %arg0, %c0_i32 : i32, i32
  }
  func.func @transform_1(%arg0: i32) -> (i32, i32) {
    %add3A = arith.constant 5 : i32
    %add3A_0 = arith.addi %arg0, %add3A : i32
    %c0_i32 = arith.constant 0 : i32
    %c0_i32_1 = arith.constant 0 : i32
    return %add3A_0, %c0_i32 : i32, i32
  }
  func.func @transform_2(%arg0: i32) -> (i32, i32) {
    %c0_i32 = arith.constant 0 : i32
    %c0_i32_0 = arith.constant 0 : i32
    return %arg0, %c0_i32 : i32, i32
  }
  func.func @transform_3(%arg0: i32) -> (i32, i32) {
    %add3A = arith.constant 5 : i32
    %add3A_0 = arith.addi %arg0, %add3A : i32
    %c0_i32 = arith.constant 0 : i32
    %c0_i32_1 = arith.constant 0 : i32
    return %add3A_0, %c0_i32 : i32, i32
  }
  func.func @transform_4(%arg0: i32) -> (i32, i32) {
    %c0_i32 = arith.constant 0 : i32
    %c0_i32_0 = arith.constant 0 : i32
    return %arg0, %c0_i32 : i32, i32
  }
  func.func @transform_5(%arg0: i32) -> (i32, i32) {
    %c0_i32 = arith.constant 0 : i32
    %c0_i32_0 = arith.constant 0 : i32
    %c0_i32_1 = arith.constant 0 : i32
    return %c0_i32, %c0_i32_0 : i32, i32
  }
  func.func @transform_6(%arg0: i32) -> (i32, i32) {
    %c0_i32 = arith.constant 0 : i32
    %c0_i32_0 = arith.constant 0 : i32
    %c0_i32_1 = arith.constant 0 : i32
    return %c0_i32, %c0_i32_0 : i32, i32
  }
  func.func @transform_7(%arg0: i32) -> (i32, i32) {
    %c0_i32 = arith.constant 0 : i32
    %c0_i32_0 = arith.constant 0 : i32
    %c0_i32_1 = arith.constant 0 : i32
    return %c0_i32, %c0_i32_0 : i32, i32
  }
  func.func @transform_8(%arg0: i32) -> (i32, i32) {
    %c0_i32 = arith.constant 0 : i32
    %c0_i32_0 = arith.constant 0 : i32
    %c0_i32_1 = arith.constant 0 : i32
    return %c0_i32, %c0_i32_0 : i32, i32
  }
  func.func @transform_9(%arg0: i32) -> (i32, i32) {
    %c0_i32 = arith.constant 0 : i32
    %c0_i32_0 = arith.constant 0 : i32
    %c0_i32_1 = arith.constant 0 : i32
    return %c0_i32, %c0_i32_0 : i32, i32
  }
  func.func @transform_10(%arg0: i32) -> (i32, i32) {
    %c0_i32 = arith.constant 0 : i32
    %c0_i32_0 = arith.constant 0 : i32
    %c0_i32_1 = arith.constant 0 : i32
    return %c0_i32, %c0_i32_0 : i32, i32
  }
  func.func @transform_11(%arg0: i32) -> (i32, i32) {
    %c0_i32 = arith.constant 0 : i32
    %c0_i32_0 = arith.constant 0 : i32
    %c0_i32_1 = arith.constant 0 : i32
    return %c0_i32, %c0_i32_0 : i32, i32
  }
  func.func @transform_12(%arg0: i32) -> (i32, i32) {
    %c0_i32 = arith.constant 0 : i32
    %c0_i32_0 = arith.constant 0 : i32
    %c0_i32_1 = arith.constant 0 : i32
    return %c0_i32, %c0_i32_0 : i32, i32
  }
  func.func @transform_13(%arg0: i32) -> (i32, i32) {
    %c0_i32 = arith.constant 0 : i32
    %c0_i32_0 = arith.constant 0 : i32
    %c0_i32_1 = arith.constant 0 : i32
    return %c0_i32, %c0_i32_0 : i32, i32
  }
  func.func @transform_14(%arg0: i32) -> (i32, i32) {
    %c0_i32 = arith.constant 0 : i32
    %c0_i32_0 = arith.constant 0 : i32
    %c0_i32_1 = arith.constant 0 : i32
    return %c0_i32, %c0_i32_0 : i32, i32
  }
  func.func @transform_15(%arg0: i32) -> (i32, i32) {
    %c0_i32 = arith.constant 0 : i32
    %c0_i32_0 = arith.constant 0 : i32
    %c0_i32_1 = arith.constant 0 : i32
    return %c0_i32, %c0_i32_0 : i32, i32
  }
  func.func @transform_16(%arg0: i32) -> (i32, i32) {
    %c0_i32 = arith.constant 0 : i32
    %c0_i32_0 = arith.constant 0 : i32
    %c0_i32_1 = arith.constant 0 : i32
    return %c0_i32, %c0_i32_0 : i32, i32
  }
  func.func @transform_17(%arg0: i32) -> (i32, i32) {
    %c0_i32 = arith.constant 0 : i32
    %c0_i32_0 = arith.constant 0 : i32
    %c0_i32_1 = arith.constant 0 : i32
    return %c0_i32, %c0_i32_0 : i32, i32
  }
  func.func @transform_18(%arg0: i32) -> (i32, i32) {
    %c0_i32 = arith.constant 0 : i32
    %c0_i32_0 = arith.constant 0 : i32
    %c0_i32_1 = arith.constant 0 : i32
    return %c0_i32, %c0_i32_0 : i32, i32
  }
  func.func @transform_19(%arg0: i32) -> (i32, i32) {
    %c0_i32 = arith.constant 0 : i32
    %c0_i32_0 = arith.constant 0 : i32
    %c0_i32_1 = arith.constant 0 : i32
    return %c0_i32, %c0_i32_0 : i32, i32
  }
  func.func @transform_20(%arg0: i32) -> (i32, i32) {
    %c0_i32 = arith.constant 0 : i32
    %c0_i32_0 = arith.constant 0 : i32
    %c0_i32_1 = arith.constant 0 : i32
    return %c0_i32, %c0_i32_0 : i32, i32
  }
  func.func @transform_21(%arg0: i32) -> (i32, i32) {
    %c0_i32 = arith.constant 0 : i32
    %c0_i32_0 = arith.constant 0 : i32
    %c0_i32_1 = arith.constant 0 : i32
    return %c0_i32, %c0_i32_0 : i32, i32
  }
  func.func @transform_22(%arg0: i32) -> (i32, i32) {
    %c0_i32 = arith.constant 0 : i32
    %c0_i32_0 = arith.constant 0 : i32
    %c0_i32_1 = arith.constant 0 : i32
    return %c0_i32, %c0_i32_0 : i32, i32
  }
  func.func @transform_23(%arg0: i32) -> (i32, i32) {
    %c0_i32 = arith.constant 0 : i32
    %c0_i32_0 = arith.constant 0 : i32
    return %arg0, %c0_i32 : i32, i32
  }
}

</mosaic_0001>

<sc_bundles>
// kernel: kernel.10.cloned.1.call-start
scs
__scs_entry_jumppad:
0x0: {  	(pc) =	sbr.rel $0x88, $3  }
0x1: {  	(tag) =	ssettag $0x0;
	lr =	simm.s32 $0x1  }
0x2: {  	[smem:$0x3F80] =	sst lr;
	_ =	strace $0xD0000000  }
0x3: {  	_ = 	snop  }
0x4: {  	_ = 	snop  }
0x5: {  	_ = 	snop  }
0x6: {  	_ = 	snop  }
0x7: {  	_ = 	snop  }
__scs_overlays_trampoline_lowered:
0x8: {  	[smem:$0x3F8F] =	sst s0  }
0x9: {  	[smem:$0x3F90] =	sst s1  }
0xa: {  	[smem:$0x3F91] =	sst s2  }
0xb: {  	[smem:$0x3F92] =	sst s3  }
0xc: {  	[smem:$0x3F93] =	sst s4  }
0xd: {  	[smem:$0x3F94] =	sst s5  }
0xe: {  	[smem:$0x3F95] =	sst s6  }
0xf: {  	[smem:$0x3F96] =	sst s7  }
0x10: {  	[smem:$0x3F97] =	sst s8  }
0x11: {  	[smem:$0x3F98] =	sst s9;
	s0 =	simm.s32 @!p0 $0x0  }
0x12: {  	s1 =	sld [smem:$0x3F7E];
	s0 =	simm.s32 @p0 $0x1  }
0x13: {  	[smem:$0x3F99] =	sst s0;
	s0 =	simm.s32 @!p1 $0x0  }
0x14: {  	s2 =	sld [smem:$0x3F7D];
	s0 =	simm.s32 @p1 $0x1  }
0x15: {  	[smem:$0x3F9A] =	sst s0;
	s0 =	simm.s32 @!p2 $0x0  }
0x16: {  	s3 =	sld [smem:$0x3FDB];
	s0 =	simm.s32 @p2 $0x1  }
0x17: {  	s4 =	simm.s32 $0x1BF5;
	[smem:$0x3F9C] =	sst s0  }
0x18: {  	s0 =	sld [smem:$0x3F7F];
	_ =	swait.ge [sflag:s4], $0x0  }
0x19: {  	s7 =	sld [smem:$0x3F80]  }
0x1a: {  	s8 =	sadd.s32 $0xFFFFE003, lr  }
0x1b: {  	s9 =	sadd.s32 $0xFFFFFEF7, lr;
	s5 =	simm.s32 $0xFFFFFFFF;
	p2 =	slt.u32 s8, $0xFFFFF086  }
0x1c: {  	p1 =	slt.u32 s9, $0xF7A;
	s5 =	simm.s32 @!p2 $0x0  }
0x1d: {  	s5 =	simm.s32 @p1 $0x1;
	p0 =	seq.s32 s7, s2  }
0x1e: {  	s7 =	smul.u32 @!p0 $0xF7A, s2;
	p2 =	seq.s32 @!p0 s5, $0x0  }
0x1f: {  	s9 =	smul.u32 $0xF7A, s1;
	s8 =	simm.s32 @!p0 $0x1BF5;
	p2 =	por !p2, p0  }
0x20: {  	[sflag:s8] =	ssyncset.s32 @!p0 $0xFFFFF086;
	s6 =	sadd.s32 @!p0 s3, s7;
	s7 =	simm.s32 @!p0 $0x108  }
0x21: {  	s3 =	sadd.s32 s3, s9;
	s6 =	sadd.s32 @!p0 $0x88, s6;
	s7 =	simm.s32 @p2 $0x1082  }
0x22: {  	[simem:s7], [sflag:s8] =	dma.local @!p0 [hbm:s6], $0xF7A  }
0x23: {  	s9 =	sor.u32 $0xD0000000, s2;
	s6 =	simm.s32 $0x108;
	_ =	swait.ge @!p0 [sflag:s8], $0x0  }
0x24: {  	s3 =	sadd.s32 $0x88, s3;
	s6 =	simm.s32 @!p1 $0x1082;
	[sflag:s4] =	ssyncset.s32 $0xFFFFF086  }
0x25: {  	[simem:s6], [sflag:s4] =	dma.local [hbm:s3], $0xF7A  }
0x26: {  	[smem:$0x3F80] =	sst s1;
	(tag) =	ssettag s2;
	_ =	strace s9  }
0x27: {  	s1 =	sld [smem:$0x3F90]  }
0x28: {  	s2 =	sld [smem:$0x3F91]  }
0x29: {  	s4 =	sld [smem:$0x3F93]  }
0x2a: {  	p0 =	seq.s32 s5, $0x0;
	s5 =	sld [smem:$0x3F94]  }
0x2b: {  	s6 =	sld [smem:$0x3F95]  }
0x2c: {  	s7 =	sld [smem:$0x3F96]  }
0x2d: {  	s3 =	simm.s32 $0x108;
	s8 =	sld [smem:$0x3F97]  }
0x2e: {  	s3 =	simm.s32 @!p0 $0x1082;
	s9 =	sld [smem:$0x3F98]  }
0x2f: {  	lr =	sadd.s32 s0, s3;
	s0 =	sld [smem:$0x3F8F]  }
0x30: {  	s3 =	sld [smem:$0x3F92]  }
0x31: {  	[smem:$0x3F9B] =	sst s10  }
0x32: {  	s10 =	sld [smem:$0x3F99];
	_ =	sdelay $0x3  }
0x33: {  	p0 =	seq.s32 s10, $0x1;
	s10 =	sld [smem:$0x3F9B];
	_ =	sdelay $0x3  }
0x34: {  	[smem:$0x3F9B] =	sst s10  }
0x35: {  	s10 =	sld [smem:$0x3F9A];
	_ =	sdelay $0x3  }
0x36: {  	p1 =	seq.s32 s10, $0x1;
	s10 =	sld [smem:$0x3F9B];
	_ =	sdelay $0x3  }
0x37: {  	[smem:$0x3F9B] =	sst s10  }
0x38: {  	s10 =	sld [smem:$0x3F9C]  }
0x39: {  	_ = 	snop;
	(pc) =	sbr.ind lr, $3  }
0x3a: {  	_ = 	snop  }
0x3b: {  	_ = 	snop  }
0x3c: {  	p2 =	seq.s32 s10, $0x1;
	s10 =	sld [smem:$0x3F9B]  }
0x3d: {  	_ =	shalt  }
0x3e: {  	_ =	shalt  }
0x3f: {  	_ =	shalt  }
0x40: {  	_ =	shalt  }
0x41: {  	_ =	shalt  }
0x42: {  	_ =	shalt  }
0x43: {  	_ =	shalt  }
0x44: {  	_ =	shalt  }
0x45: {  	_ =	shalt  }
0x46: {  	_ =	shalt  }
0x47: {  	_ =	shalt  }
0x48: {  	_ =	shalt  }
0x49: {  	_ =	shalt  }
0x4a: {  	_ =	shalt  }
0x4b: {  	_ =	shalt  }
0x4c: {  	_ =	shalt  }
0x4d: {  	_ =	shalt  }
0x4e: {  	_ =	shalt  }
0x4f: {  	_ =	shalt  }
0x50: {  	_ =	shalt  }
0x51: {  	_ =	shalt  }
0x52: {  	_ =	shalt  }
0x53: {  	_ =	shalt  }
0x54: {  	_ =	shalt  }
0x55: {  	_ =	shalt  }
0x56: {  	_ =	shalt  }
0x57: {  	_ =	shalt  }
0x58: {  	_ =	shalt  }
0x59: {  	_ =	shalt  }
0x5a: {  	_ =	shalt  }
0x5b: {  	_ =	shalt  }
0x5c: {  	_ =	shalt  }
0x5d: {  	_ =	shalt  }
0x5e: {  	_ =	shalt  }
0x5f: {  	_ =	shalt  }
0x60: {  	_ =	shalt  }
0x61: {  	_ =	shalt  }
0x62: {  	_ =	shalt  }
0x63: {  	_ =	shalt  }
0x64: {  	_ =	shalt  }
0x65: {  	_ =	shalt  }
0x66: {  	_ =	shalt  }
0x67: {  	_ =	shalt  }
0x68: {  	_ =	shalt  }
0x69: {  	_ =	shalt  }
0x6a: {  	_ =	shalt  }
0x6b: {  	_ =	shalt  }
0x6c: {  	_ =	shalt  }
0x6d: {  	_ =	shalt  }
0x6e: {  	_ =	shalt  }
0x6f: {  	_ =	shalt  }
0x70: {  	_ =	shalt  }
0x71: {  	_ =	shalt  }
0x72: {  	_ =	shalt  }
0x73: {  	_ =	shalt  }
0x74: {  	_ =	shalt  }
0x75: {  	_ =	shalt  }
0x76: {  	_ =	shalt  }
0x77: {  	_ =	shalt  }
0x78: {  	_ =	shalt  }
0x79: {  	_ =	shalt  }
0x7a: {  	_ =	shalt  }
0x7b: {  	_ =	shalt  }
0x7c: {  	_ =	shalt  }
0x7d: {  	_ =	shalt  }
0x7e: {  	_ =	shalt  }
0x7f: {  	_ =	shalt  }
0x80: {  	_ =	shalt  }
0x81: {  	_ =	shalt  }
0x82: {  	_ =	shalt  }
0x83: {  	_ =	shalt  }
0x84: {  	_ =	shalt  }
0x85: {  	_ =	shalt  }
0x86: {  	_ =	shalt  }
0x87: {  	_ =	shalt  }
.Lfunc_end0:
.L_simem_size_0:
called_computation_lowered:
.L_overlay_start_0:
0x88: {  	s2 =	sld [smem:$0x3FD9]  }
0x89: {  	s3 =	sld [smem:$0x3FFE];
	_ =	sdelay $0x1  }
0x8a: {  	s1 =	srdreg.scid  }
0x8b: {  	s0 =	sand.u32 $0x1, s1  }
0x8c: {  	s17 =	sshll.u32 s0, $0xA;
	s2 =	sadd.s32 s3, s2  }
0x8d: {  	s2 =	sadd.s32 s2, s17  }
0x8e: {  	[smem:$0x3FA7] =	sst s2  }
0x8f: {  	_ = 	snop  }
0x90: {  	s18 =	sld [smem:$0x3FD0];
	(tm) =	ssettm $0x1  }
0x91: {  	s19 =	sld [smem:$0x3FFB];
	_ =	sdelay $0x3  }
0x92: {  	_ =	strace s19  }
0x93: {  	s2 =	sld [smem:$0x3FFC];
	_ =	sdelay $0x3  }
0x94: {  	_ =	strace s2  }
0x95: {  	s2 =	sld [smem:$0x3FFD];
	_ =	sdelay $0x3  }
0x96: {  	_ =	strace s2  }
0x97: {  	_ =	strace $0x8FFFFFFF  }
0x98: {  	s20 =	sld [smem:$0x3FDB];
	_ =	sdelay $0x1  }
0x99: {  	s4 =	simm.s32 $_scs_section_size  }
0x9a: {  	s5 =	simm.s32 $_size__tile_overlayer_lowered;
	s6 =	simm.s32 $_tile_overlayer_lowered  }
0x9b: {  	s7 =	simm.s32 $0x1BFF;
	s21 =	sshll.u32 s6, $0x1;
	s4 =	sadd.s32 s4, s20  }
0x9c: {  	s22 =	simm.s32 $0x0;
	s5 =	sshll.u32 s5, $0x1;
	s6 =	sadd.s32 s21, s4  }
0x9d: {  	[timem:s22], [sflag:s7] =	dma.local [hbm:s6], s5  }
0x9e: {  	_ =	swait.ge [sflag:s7], s5  }
0x9f: {  	s5 =	ssub.s32 $0x0, s5;
	[sflag:s7] =	ssyncset.done $0x0  }
0xa0: {  	[sflag:s7] =	ssyncadd.s32 s5;
	_ =	sdelay $0x1  }
0xa1: {  	s23 =	simm.s32 $0x1B8B  }
0xa2: {  	_ =	swait.ge [sflag:s23], $0x1  }
0xa3: {  	[sflag:s23] =	ssyncset.done $0x0  }
0xa4: {  	[sflag:s23] =	ssyncadd.s32 $0xFFFFFFFF  }
0xa5: {  	s5 =	sld [smem:$0x0]  }
0xa6: {  	s6 =	sand.u32 $0xFFFFFFFE, s1  }
0xa7: {  	p0 =	sne.s32 s1, s6  }
0xa8: {  	s6 =	sshll.u32 @p0 s6, $0xE  }
0xa9: {  	s6 =	sadd.s32 @p0 $0x11B8D, s6;
	s7 =	sshll.u32 @p0 s5, $0x11  }
0xaa: {  	s6 =	sor.u32 @p0 s7, s6  }
0xab: {  	[sflag:s6] =	ssyncadd.remote.s32 @p0 $0x1;
	_ =	sdelay $0x1  }
0xac: {  	s6 =	simm.s32 @p0 $0x1B8D  }
0xad: {  	_ =	swait.eq @p0 [sflag:s6], $0x1  }
0xae: {  	[sflag:s6] =	ssyncadd.s32 @p0 $0xFFFFFFFF  }
0xaf: {  	s7 =	sshll.u32 @!p0 s1, $0xE  }
0xb0: {  	s7 =	sor.u32 @!p0 $0x4000, s7;
	s6 =	simm.s32 @!p0 $0x1B8D  }
0xb1: {  	s5 =	sshll.u32 @!p0 s5, $0x11;
	s7 =	sadd.s32 @!p0 $0x11B8D, s7;
	_ =	swait.eq @!p0 [sflag:s6], $0x1  }
0xb2: {  	s5 =	sor.u32 @!p0 s5, s7;
	[sflag:s6] =	ssyncadd.s32 @!p0 $0xFFFFFFFF  }
0xb3: {  	s25 =	simm.s32 $0x1B8E;
	s24 =	sld [smem:$0x3FFE];
	[sflag:s5] =	ssyncadd.remote.s32 @!p0 $0x1  }
0xb4: {  	s26 =	simm.s32 $execute0_lowered;
	[smem:$0x3FD2] =	sst s25  }
0xb5: {  	s6 =	sshll.u32 s26, $0x1;
	_ =	strace $0x80000049;
	[dreg:$0x1] =	wrdreg $0xFFFFFFFF  }
0xb6: {  	s28 =	simm.s32 $_size_execute0_lowered;
	s4 =	sadd.s32 s4, s6;
	[dreg:$0x0] =	wrdreg $0x0  }
0xb7: {  	s6 =	sshll.u32 s28, $0x1;
	[dreg:$0x2] =	wrdreg s4  }
0xb8: {  	[dreg:$0x3] =	wrdreg s6  }
0xb9: {  	[dreg:$0x4] =	wrdreg $0xC0  }
0xba: {  	_ =	task [dreg:s22], $0x5FFFF  }
0xbb: {  	[dreg:$0x1] =	wrdreg $0xFFFFFFFF  }
0xbc: {  	[dreg:$0x0] =	wrdreg $0x60  }
0xbd: {  	[dreg:$0x2] =	wrdreg s24  }
0xbe: {  	[dreg:$0x3] =	wrdreg s18  }
0xbf: {  	[dreg:$0x4] =	wrdreg $0x68000  }
0xc0: {  	[dreg:$0x5] =	wrdreg $0x9  }
0xc1: {  	_ =	task.clear_ibuf [dreg:s22], $0x6FFFF;
	_ =	strace $0x90000049  }
0xc2: {  	s29 =	simm.s32 $0x9;
	_ =	strace $0x8000004B  }
0xc3: {  	_ =	swait.ge [sflag:s29], $0x1  }
0xc4: {  	[sflag:s29] =	ssyncadd.s32 $0xFFFFFFFF  }
0xc5: {  	_ =	strace $0x9000004B  }
0xc6: {  	_ =	sfence  }
0xc7: {  	s30 =	sld [smem:$0x0];
	_ =	sdelay $0x2  }
0xc8: {  	s31 =	sshll.u32 s1, $0xD;
	s1 =	sshrl.u32 s1, $0x2  }
0xc9: {  	s4 =	sand.u32 $0x4000, s31;
	s1 =	sadd.s32 s1, s30  }
0xca: {  	s0 =	sor.u32 s4, s0;
	s1 =	sshll.u32 s1, $0x11  }
0xcb: {  	s0 =	sor.u32 s1, s0  }
0xcc: {  	s0 =	sadd.s32 $0x8F2B, s0  }
0xcd: {  	[sflag:s0] =	ssyncadd.remote.s32 $0x1  }
0xce: {  	_ =	sfence.sel $0xFFFF  }
0xcf: {  	[dreg:$0x0] =	wrdreg $0xFFFFFFFF;
	(pc) =	sbr.abs _section_cstart, $3  }
0xd0: {  	[dreg:$0x1] =	wrdreg $0xFFFFFFFF  }
0xd1: {  	_ =	task.clear_ibuf [dreg:s22], $0x2FFFF;
	_ =	strace $0x9FFFFFFF  }
0xd2: {  	(tm) =	ssettm $0x7FFFFFFF  }
0xd3: {  	_ =	shalt  }
tec
execute0_lowered:
.L_overlay_start_1:
0x0: {  	(tag) =	ssettag $0x1  }
0x1: {  	s6 =	rddreg [dreg:$0x0]  }
0x2: {  	s2 =	rddreg [dreg:$0x1]  }
0x3: {  	s3 =	rddreg [dreg:$0x2]  }
0x4: {  	s0 =	rddreg [dreg:$0x3]  }
0x5: {  	s1 =	stileid.u32;
	s5 =	srdreg.scid  }
0x6: {  	s4 =	simm.s32 $0x0;
	s17 =	simm.s32 $0x1;
	s18 =	simm.s32 $0x4000  }
0x7: {  	s19 =	simm.s32 $0x50;
	s22 =	simm.s32 $0x0;
	s7 =	sand.u32 $0x1, s5  }
0x8: {  	s26 =	smul.u32 $0x2800, s1;
	[smem:$0x7FF] =	sst s4;
	s9 =	sshll.u32 s1, $0xB  }
0x9: {  	s10 =	smul.u32 $0x50000, s1;
	s5 =	sadd.s32 $0xB6A00, s6;
	s20 =	sshll.u32 s1, $0x6  }
0xa: {  	s8 =	smul.u32 $0x28000, s7;
	_ =	strace $0x8000004A;
	s9 =	sadd.s32 s9, s6  }
0xb: {  	s28 =	ssub.s32 $0x2, s7;
	s29 =	sshll.u32 s7, $0xF;
	s20 =	sor.u32 $0x1C01, s20  }
0xc: {  	s30 =	sshrl.u32 s10, $0x2;
	s31 =	sshrl.u32 s28, $0x1;
	s9 =	sadd.s32 s29, s9  }
0xd: {  	s8 =	sadd.s32 s26, s8;
	s16 =	ssub.s32 s28, s31;
	s7 =	sadd.s32 $0xA6A00, s9  }
0xe: {  	s15 =	sadd.s32 s8, s6;
	s6 =	sadd.s32 s30, s3;
	s16 =	smax.u32 s16, $0x1  }
0xf: {  	s8 =	sadd.s32 $0x2800, s6;
	s9 =	sadd.s32 $0x5000, s6;
	s10 =	sadd.s32 $0x7800, s6  }
0x10: {  	s11 =	sadd.s32 $0xA000, s6;
	s12 =	sadd.s32 $0xC800, s6;
	s13 =	sadd.s32 $0xF000, s6  }
0x11: {  	s14 =	sadd.s32 $0x11800, s6;
	s15 =	sadd.s32 $0xB7000, s15;
	s21 =	sshrl.u32 s6, $0x3  }
.LBB2_1:
0x12: {  	[tilespmem:s4], [sflag:$0x1] =	stream.linear.gather [hbm4b:s7+s4], $0x3E80, $0x38;
	[tilespmem:$0x1A800] =	vst v63  }
0x13: {  	_ =	swait.ge [sflag:s17], $0x3E80  }
0x14: {  	[sflag:s17] =	ssyncset.done $0x0  }
0x15: {  	[sflag:s17] =	ssyncadd.s32 $0xFFFFC180  }
0x16: {  	[tilespmem:s18], [sflag:$0x1] =	stream.linear.gather [hbm4b:s2+s4], $0x2800, $0x38;
	[tilespmem:$0x1A800] =	vst v63  }
0x17: {  	_ =	swait.ge [sflag:s17], $0x2800  }
0x18: {  	[sflag:s17] =	ssyncset.done $0x0  }
0x19: {  	[sflag:s17] =	ssyncadd.s32 $0xFFFFD800  }
0x1a: {  	[spmem:s6] =	stream.linear.scatter [tilespmem:s18], [sflag:$0x1], $0x2800, $0x38;
	[tilespmem:$0x1A800] =	vst v63  }
0x1b: {  	_ =	swait.ge [sflag:s17], $0x2800  }
0x1c: {  	[sflag:s17] =	ssyncset.done $0x0  }
0x1d: {  	[sflag:s17] =	ssyncadd.s32 $0xFFFFD800  }
0x1e: {  	[spmem:s8] =	stream.linear.scatter [tilespmem:s18], [sflag:$0x1], $0x2800, $0x38;
	[tilespmem:$0x1A800] =	vst v63  }
0x1f: {  	_ =	swait.ge [sflag:s17], $0x2800  }
0x20: {  	[sflag:s17] =	ssyncset.done $0x0  }
0x21: {  	[sflag:s17] =	ssyncadd.s32 $0xFFFFD800  }
0x22: {  	[spmem:s9] =	stream.linear.scatter [tilespmem:s18], [sflag:$0x1], $0x2800, $0x38;
	[tilespmem:$0x1A800] =	vst v63  }
0x23: {  	_ =	swait.ge [sflag:s17], $0x2800  }
0x24: {  	[sflag:s17] =	ssyncset.done $0x0  }
0x25: {  	[sflag:s17] =	ssyncadd.s32 $0xFFFFD800  }
0x26: {  	[spmem:s10] =	stream.linear.scatter [tilespmem:s18], [sflag:$0x1], $0x2800, $0x38;
	[tilespmem:$0x1A800] =	vst v63  }
0x27: {  	_ =	swait.ge [sflag:s17], $0x2800  }
0x28: {  	[sflag:s17] =	ssyncset.done $0x0  }
0x29: {  	[sflag:s17] =	ssyncadd.s32 $0xFFFFD800  }
0x2a: {  	[spmem:s11] =	stream.linear.scatter [tilespmem:s18], [sflag:$0x1], $0x2800, $0x38;
	[tilespmem:$0x1A800] =	vst v63  }
0x2b: {  	_ =	swait.ge [sflag:s17], $0x2800  }
0x2c: {  	[sflag:s17] =	ssyncset.done $0x0  }
0x2d: {  	[sflag:s17] =	ssyncadd.s32 $0xFFFFD800  }
0x2e: {  	[spmem:s12] =	stream.linear.scatter [tilespmem:s18], [sflag:$0x1], $0x2800, $0x38;
	[tilespmem:$0x1A800] =	vst v63  }
0x2f: {  	_ =	swait.ge [sflag:s17], $0x2800  }
0x30: {  	[sflag:s17] =	ssyncset.done $0x0  }
0x31: {  	[sflag:s17] =	ssyncadd.s32 $0xFFFFD800  }
0x32: {  	[spmem:s13] =	stream.linear.scatter [tilespmem:s18], [sflag:$0x1], $0x2800, $0x38;
	[tilespmem:$0x1A800] =	vst v63  }
0x33: {  	_ =	swait.ge [sflag:s17], $0x2800  }
0x34: {  	[sflag:s17] =	ssyncset.done $0x0  }
0x35: {  	[sflag:s17] =	ssyncadd.s32 $0xFFFFD800  }
0x36: {  	[spmem:s14] =	stream.linear.scatter [tilespmem:s18], [sflag:$0x1], $0x2800, $0x38;
	[tilespmem:$0x1A800] =	vst v63  }
0x37: {  	_ =	swait.ge [sflag:s17], $0x2800  }
0x38: {  	[sflag:s17] =	ssyncset.done $0x0  }
0x39: {  	[sflag:s17] =	ssyncadd.s32 $0xFFFFD800  }
0x3a: {  	[tilespmem:s18], [sflag:$0x1] =	stream.linear.gather [hbm4b:s5+s4], $0x2800, $0x38;
	[tilespmem:$0x1A800] =	vst v63  }
0x3b: {  	_ =	swait.ge [sflag:s17], $0x2800  }
0x3c: {  	[sflag:s17] =	ssyncset.done $0x0  }
0x3d: {  	[sflag:s17] =	ssyncadd.s32 $0xFFFFD800  }
0x3e: {  	s23 =	simm.s32 $0x0;
	[bflag:$0x0] =	sbarrier.arrive $0xFFFF  }
0x3f: {  	[spmem:s3] =	stream.indirect.scatter.add.f32 [tilespmem:s18], [sflag:$0x1], $0x80, s23, s19, $0xb8;
	[tilespmem:$0x1A800] =	vst v63  }
0x40: {  	_ =	swait.ge [sflag:s17], $0x2800  }
0x41: {  	s23 =	simm.s32 $0x200;
	[sflag:s17] =	ssyncset.done $0x0  }
.LBB2_2:
0x42: {  	s24 =	sshra.s32 s23, $0x2;
	[sflag:s17] =	ssyncadd.s32 $0xFFFFD800;
	p0 =	sne.s32 s23, $0xF800  }
0x43: {  	[spmem:s3] =	stream.indirect.scatter.add.f32 [tilespmem:s18], [sflag:$0x1], $0x80, s24, s19, $0xb8;
	[tilespmem:$0x1A800] =	vst v63  }
.Ltmp0:
0x44: {  	_ = 	snop;
	(pc) =	sbr.rel @p0 .LBB2_2-.Ltmp0, $4  }
0x45: {  	_ = 	snop  }
0x46: {  	s23 =	sadd.s32 $0x200, s23  }
0x47: {  	_ =	swait.ge [sflag:s17], $0x2800  }
0x48: {  	[sflag:s17] =	ssyncset.done $0x0  }
0x49: {  	s22 =	sadd.s32 $0x1, s22  }
0x4a: {  	[sflag:s17] =	ssyncadd.s32 $0xFFFFD800;
	p0 =	sne.s32 s22, s16  }
.Ltmp1:
0x4b: {  	[bflag:$0x0] =	sbarrier.arrive $0xFFFF;
	(pc) =	sbr.rel @p0 .LBB2_1-.Ltmp1, $4  }
0x4c: {  	[hbm:s15], [sflag:s20] =	dma.local [spmem:s21], $0x2800  }
0x4d: {  	_ =	swait.ge [sflag:s17], $0x2800  }
0x4e: {  	[sflag:s17] =	ssyncset.done $0x0  }
0x4f: {  	[sflag:s17] =	ssyncadd.s32 $0xFFFFD800  }
0x50: {  	_ =	sfence.sel $0x180000  }
0x51: {  	[bflag:$0x0] =	sbarrier.arrive $0xFFFF  }
0x52: {  	p0 =	sne.s32 s1, $0x0;
	_ =	strace $0x9000004A  }
0x53: {  	s0 =	sadd.s32 @!p0 $0x100000, s0;
	[bflag:$0x2] =	sbarrier.arrive $0xFFFF  }
0x54: {  	[sflag:s0] =	ssyncadd.tile.s32 @!p0 $0x1;
	_ =	shalt  }
.Lfunc_end2:
_tile_overlayer_lowered:
.L_overlay_start_2:
0x55: {  	(tag) =	ssettag $0x2  }
0x56: {  	s0 =	rddreg [dreg:$0x0];
	s2 =	stileid.u32  }
0x57: {  	s1 =	rddreg [dreg:$0x1];
	p0 =	sne.s32 s2, $0x0  }
0x58: {  	s3 =	rddreg [dreg:$0x2];
	[bflag:$0x3] =	sbarrier.arrive $0xFFFF;
	s2 =	simm.s32 @!p0 $0x1C01  }
0x59: {  	[timem:s3], [sflag:s2] =	dma.local @!p0 [hbm:s0], s1  }
0x5a: {  	s0 =	simm.s32 @!p0 $0x1  }
0x5b: {  	_ =	swait.ge @!p0 [sflag:s0], s1  }
0x5c: {  	s1 =	ssub.s32 @!p0 $0x0, s1;
	[sflag:s0] =	ssyncset.done @!p0 $0x0  }
0x5d: {  	[sflag:s0] =	ssyncadd.s32 @!p0 s1  }
0x5e: {  	[bflag:$0x3] =	sbarrier.arrive $0xFFFF  }
0x5f: {  	_ =	shalt  }

// kernel: kernel.13.cloned.1.call-start
scs
__scs_entry_jumppad:
0x0: {  	(pc) =	sbr.rel $0x88, $3  }
0x1: {  	(tag) =	ssettag $0x0;
	lr =	simm.s32 $0x1  }
0x2: {  	[smem:$0x3F80] =	sst lr;
	_ =	strace $0xD0000000  }
0x3: {  	_ = 	snop  }
0x4: {  	_ = 	snop  }
0x5: {  	_ = 	snop  }
0x6: {  	_ = 	snop  }
0x7: {  	_ = 	snop  }
__scs_overlays_trampoline_lowered:
0x8: {  	[smem:$0x3F8F] =	sst s0  }
0x9: {  	[smem:$0x3F90] =	sst s1  }
0xa: {  	[smem:$0x3F91] =	sst s2  }
0xb: {  	[smem:$0x3F92] =	sst s3  }
0xc: {  	[smem:$0x3F93] =	sst s4  }
0xd: {  	[smem:$0x3F94] =	sst s5  }
0xe: {  	[smem:$0x3F95] =	sst s6  }
0xf: {  	[smem:$0x3F96] =	sst s7  }
0x10: {  	[smem:$0x3F97] =	sst s8  }
0x11: {  	[smem:$0x3F98] =	sst s9;
	s0 =	simm.s32 @!p0 $0x0  }
0x12: {  	s1 =	sld [smem:$0x3F7E];
	s0 =	simm.s32 @p0 $0x1  }
0x13: {  	[smem:$0x3F99] =	sst s0;
	s0 =	simm.s32 @!p1 $0x0  }
0x14: {  	s2 =	sld [smem:$0x3F7D];
	s0 =	simm.s32 @p1 $0x1  }
0x15: {  	[smem:$0x3F9A] =	sst s0;
	s0 =	simm.s32 @!p2 $0x0  }
0x16: {  	s3 =	sld [smem:$0x3FDB];
	s0 =	simm.s32 @p2 $0x1  }
0x17: {  	s4 =	simm.s32 $0x1BF5;
	[smem:$0x3F9C] =	sst s0  }
0x18: {  	s0 =	sld [smem:$0x3F7F];
	_ =	swait.ge [sflag:s4], $0x0  }
0x19: {  	s7 =	sld [smem:$0x3F80]  }
0x1a: {  	s8 =	sadd.s32 $0xFFFFE003, lr  }
0x1b: {  	s9 =	sadd.s32 $0xFFFFFEF7, lr;
	s5 =	simm.s32 $0xFFFFFFFF;
	p2 =	slt.u32 s8, $0xFFFFF086  }
0x1c: {  	p1 =	slt.u32 s9, $0xF7A;
	s5 =	simm.s32 @!p2 $0x0  }
0x1d: {  	s5 =	simm.s32 @p1 $0x1;
	p0 =	seq.s32 s7, s2  }
0x1e: {  	s7 =	smul.u32 @!p0 $0xF7A, s2;
	p2 =	seq.s32 @!p0 s5, $0x0  }
0x1f: {  	s9 =	smul.u32 $0xF7A, s1;
	s8 =	simm.s32 @!p0 $0x1BF5;
	p2 =	por !p2, p0  }
0x20: {  	[sflag:s8] =	ssyncset.s32 @!p0 $0xFFFFF086;
	s6 =	sadd.s32 @!p0 s3, s7;
	s7 =	simm.s32 @!p0 $0x108  }
0x21: {  	s3 =	sadd.s32 s3, s9;
	s6 =	sadd.s32 @!p0 $0x88, s6;
	s7 =	simm.s32 @p2 $0x1082  }
0x22: {  	[simem:s7], [sflag:s8] =	dma.local @!p0 [hbm:s6], $0xF7A  }
0x23: {  	s9 =	sor.u32 $0xD0000000, s2;
	s6 =	simm.s32 $0x108;
	_ =	swait.ge @!p0 [sflag:s8], $0x0  }
0x24: {  	s3 =	sadd.s32 $0x88, s3;
	s6 =	simm.s32 @!p1 $0x1082;
	[sflag:s4] =	ssyncset.s32 $0xFFFFF086  }
0x25: {  	[simem:s6], [sflag:s4] =	dma.local [hbm:s3], $0xF7A  }
0x26: {  	[smem:$0x3F80] =	sst s1;
	(tag) =	ssettag s2;
	_ =	strace s9  }
0x27: {  	s1 =	sld [smem:$0x3F90]  }
0x28: {  	s2 =	sld [smem:$0x3F91]  }
0x29: {  	s4 =	sld [smem:$0x3F93]  }
0x2a: {  	p0 =	seq.s32 s5, $0x0;
	s5 =	sld [smem:$0x3F94]  }
0x2b: {  	s6 =	sld [smem:$0x3F95]  }
0x2c: {  	s7 =	sld [smem:$0x3F96]  }
0x2d: {  	s3 =	simm.s32 $0x108;
	s8 =	sld [smem:$0x3F97]  }
0x2e: {  	s3 =	simm.s32 @!p0 $0x1082;
	s9 =	sld [smem:$0x3F98]  }
0x2f: {  	lr =	sadd.s32 s0, s3;
	s0 =	sld [smem:$0x3F8F]  }
0x30: {  	s3 =	sld [smem:$0x3F92]  }
0x31: {  	[smem:$0x3F9B] =	sst s10  }
0x32: {  	s10 =	sld [smem:$0x3F99];
	_ =	sdelay $0x3  }
0x33: {  	p0 =	seq.s32 s10, $0x1;
	s10 =	sld [smem:$0x3F9B];
	_ =	sdelay $0x3  }
0x34: {  	[smem:$0x3F9B] =	sst s10  }
0x35: {  	s10 =	sld [smem:$0x3F9A];
	_ =	sdelay $0x3  }
0x36: {  	p1 =	seq.s32 s10, $0x1;
	s10 =	sld [smem:$0x3F9B];
	_ =	sdelay $0x3  }
0x37: {  	[smem:$0x3F9B] =	sst s10  }
0x38: {  	s10 =	sld [smem:$0x3F9C]  }
0x39: {  	_ = 	snop;
	(pc) =	sbr.ind lr, $3  }
0x3a: {  	_ = 	snop  }
0x3b: {  	_ = 	snop  }
0x3c: {  	p2 =	seq.s32 s10, $0x1;
	s10 =	sld [smem:$0x3F9B]  }
0x3d: {  	_ =	shalt  }
0x3e: {  	_ =	shalt  }
0x3f: {  	_ =	shalt  }
0x40: {  	_ =	shalt  }
0x41: {  	_ =	shalt  }
0x42: {  	_ =	shalt  }
0x43: {  	_ =	shalt  }
0x44: {  	_ =	shalt  }
0x45: {  	_ =	shalt  }
0x46: {  	_ =	shalt  }
0x47: {  	_ =	shalt  }
0x48: {  	_ =	shalt  }
0x49: {  	_ =	shalt  }
0x4a: {  	_ =	shalt  }
0x4b: {  	_ =	shalt  }
0x4c: {  	_ =	shalt  }
0x4d: {  	_ =	shalt  }
0x4e: {  	_ =	shalt  }
0x4f: {  	_ =	shalt  }
0x50: {  	_ =	shalt  }
0x51: {  	_ =	shalt  }
0x52: {  	_ =	shalt  }
0x53: {  	_ =	shalt  }
0x54: {  	_ =	shalt  }
0x55: {  	_ =	shalt  }
0x56: {  	_ =	shalt  }
0x57: {  	_ =	shalt  }
0x58: {  	_ =	shalt  }
0x59: {  	_ =	shalt  }
0x5a: {  	_ =	shalt  }
0x5b: {  	_ =	shalt  }
0x5c: {  	_ =	shalt  }
0x5d: {  	_ =	shalt  }
0x5e: {  	_ =	shalt  }
0x5f: {  	_ =	shalt  }
0x60: {  	_ =	shalt  }
0x61: {  	_ =	shalt  }
0x62: {  	_ =	shalt  }
0x63: {  	_ =	shalt  }
0x64: {  	_ =	shalt  }
0x65: {  	_ =	shalt  }
0x66: {  	_ =	shalt  }
0x67: {  	_ =	shalt  }
0x68: {  	_ =	shalt  }
0x69: {  	_ =	shalt  }
0x6a: {  	_ =	shalt  }
0x6b: {  	_ =	shalt  }
0x6c: {  	_ =	shalt  }
0x6d: {  	_ =	shalt  }
0x6e: {  	_ =	shalt  }
0x6f: {  	_ =	shalt  }
0x70: {  	_ =	shalt  }
0x71: {  	_ =	shalt  }
0x72: {  	_ =	shalt  }
0x73: {  	_ =	shalt  }
0x74: {  	_ =	shalt  }
0x75: {  	_ =	shalt  }
0x76: {  	_ =	shalt  }
0x77: {  	_ =	shalt  }
0x78: {  	_ =	shalt  }
0x79: {  	_ =	shalt  }
0x7a: {  	_ =	shalt  }
0x7b: {  	_ =	shalt  }
0x7c: {  	_ =	shalt  }
0x7d: {  	_ =	shalt  }
0x7e: {  	_ =	shalt  }
0x7f: {  	_ =	shalt  }
0x80: {  	_ =	shalt  }
0x81: {  	_ =	shalt  }
0x82: {  	_ =	shalt  }
0x83: {  	_ =	shalt  }
0x84: {  	_ =	shalt  }
0x85: {  	_ =	shalt  }
0x86: {  	_ =	shalt  }
0x87: {  	_ =	shalt  }
.Lfunc_end0:
.L_simem_size_0:
called_computation.1_lowered:
.L_overlay_start_0:
0x88: {  	s2 =	sld [smem:$0x3FD9]  }
0x89: {  	s3 =	sld [smem:$0x3FFE];
	_ =	sdelay $0x1  }
0x8a: {  	s1 =	srdreg.scid  }
0x8b: {  	s0 =	sand.u32 $0x1, s1  }
0x8c: {  	s17 =	sshll.u32 s0, $0xA;
	s2 =	sadd.s32 s3, s2  }
0x8d: {  	s2 =	sadd.s32 s2, s17  }
0x8e: {  	[smem:$0x3FA7] =	sst s2  }
0x8f: {  	_ = 	snop  }
0x90: {  	s2 =	sld [smem:$0x3FD0];
	(tm) =	ssettm $0x1  }
0x91: {  	s18 =	sld [smem:$0x3FFB];
	_ =	sdelay $0x3  }
0x92: {  	_ =	strace s18  }
0x93: {  	s3 =	sld [smem:$0x3FFC];
	_ =	sdelay $0x3  }
0x94: {  	_ =	strace s3  }
0x95: {  	s3 =	sld [smem:$0x3FFD];
	_ =	sdelay $0x3  }
0x96: {  	_ =	strace s3  }
0x97: {  	_ =	strace $0x8FFFFFFF  }
0x98: {  	s19 =	sld [smem:$0x3FDB];
	_ =	sdelay $0x1  }
0x99: {  	s4 =	simm.s32 $_scs_section_size  }
0x9a: {  	s5 =	simm.s32 $_size__tile_overlayer_lowered;
	s6 =	simm.s32 $_tile_overlayer_lowered  }
0x9b: {  	s22 =	simm.s32 $0x1BFF;
	s21 =	sshll.u32 s6, $0x1;
	s3 =	sadd.s32 s4, s19  }
0x9c: {  	s7 =	simm.s32 $0x0;
	s20 =	sshll.u32 s5, $0x1;
	s5 =	sadd.s32 s21, s3  }
0x9d: {  	[timem:s7], [sflag:s22] =	dma.local [hbm:s5], s20  }
0x9e: {  	_ =	swait.ge [sflag:s22], s20  }
0x9f: {  	s4 =	ssub.s32 $0x0, s20;
	[sflag:s22] =	ssyncset.done $0x0  }
0xa0: {  	[sflag:s22] =	ssyncadd.s32 s4;
	_ =	sdelay $0x1  }
0xa1: {  	s23 =	simm.s32 $0x1B8B  }
0xa2: {  	_ =	swait.ge [sflag:s23], $0x1  }
0xa3: {  	[sflag:s23] =	ssyncset.done $0x0  }
0xa4: {  	s25 =	simm.s32 $0x1B8E;
	s24 =	sld [smem:$0x3FFE];
	[sflag:s23] =	ssyncadd.s32 $0xFFFFFFFF  }
0xa5: {  	s26 =	simm.s32 $execute0_lowered;
	[smem:$0x3FD2] =	sst s25  }
0xa6: {  	s5 =	sshll.u32 s26, $0x1;
	_ =	strace $0x80000046;
	[dreg:$0x1] =	wrdreg $0xFFFFFFFF  }
0xa7: {  	s28 =	simm.s32 $_size_execute0_lowered;
	s3 =	sadd.s32 s3, s5;
	[dreg:$0x0] =	wrdreg $0x0  }
0xa8: {  	s5 =	sshll.u32 s28, $0x1;
	[dreg:$0x2] =	wrdreg s3  }
0xa9: {  	[dreg:$0x3] =	wrdreg s5  }
0xaa: {  	[dreg:$0x4] =	wrdreg $0xC0  }
0xab: {  	_ =	task [dreg:s7], $0x5FFFF  }
0xac: {  	[dreg:$0x1] =	wrdreg $0xFFFFFFFF  }
0xad: {  	[dreg:$0x0] =	wrdreg $0x60  }
0xae: {  	[dreg:$0x2] =	wrdreg s24  }
0xaf: {  	[dreg:$0x3] =	wrdreg s2  }
0xb0: {  	[dreg:$0x4] =	wrdreg $0x98000  }
0xb1: {  	[dreg:$0x5] =	wrdreg $0xA  }
0xb2: {  	_ =	task.clear_ibuf [dreg:s7], $0x6FFFF;
	_ =	strace $0x90000046  }
0xb3: {  	s29 =	simm.s32 $0xA;
	_ =	strace $0x80000048  }
0xb4: {  	_ =	swait.ge [sflag:s29], $0x1  }
0xb5: {  	[sflag:s29] =	ssyncadd.s32 $0xFFFFFFFF  }
0xb6: {  	_ =	strace $0x90000048  }
0xb7: {  	_ =	sfence  }
0xb8: {  	s30 =	sld [smem:$0x0];
	_ =	sdelay $0x2  }
0xb9: {  	s31 =	sshll.u32 s1, $0xD;
	s1 =	sshrl.u32 s1, $0x2  }
0xba: {  	s3 =	sand.u32 $0x4000, s31;
	s1 =	sadd.s32 s1, s30  }
0xbb: {  	s0 =	sor.u32 s3, s0;
	s1 =	sshll.u32 s1, $0x11  }
0xbc: {  	s0 =	sor.u32 s1, s0  }
0xbd: {  	s0 =	sadd.s32 $0x8F2B, s0  }
0xbe: {  	[sflag:s0] =	ssyncadd.remote.s32 $0x1  }
0xbf: {  	_ =	sfence.sel $0xFFFF  }
0xc0: {  	[dreg:$0x0] =	wrdreg $0xFFFFFFFF;
	(pc) =	sbr.abs _section_cstart, $3  }
0xc1: {  	[dreg:$0x1] =	wrdreg $0xFFFFFFFF  }
0xc2: {  	_ =	task.clear_ibuf [dreg:s7], $0x2FFFF;
	_ =	strace $0x9FFFFFFF  }
0xc3: {  	(tm) =	ssettm $0x7FFFFFFF  }
tec
execute0_lowered:
.L_overlay_start_1:
0x0: {  	(tag) =	ssettag $0x1  }
0x1: {  	s0 =	rddreg [dreg:$0x0]  }
0x2: {  	s3 =	rddreg [dreg:$0x2];
	s4 =	simm.s32 $0x0  }
0x3: {  	s25 =	simm.s32 $0x80;
	[smem:$0x7FF] =	sst s4  }
0x4: {  	s26 =	simm.s32 $0x100;
	_ =	strace $0x80000047;
	[dreg:$0x6] =	wrdreg s25  }
0x5: {  	s6 =	simm.s32 $0x1080;
	[dreg:$0x7] =	wrdreg s26  }
0x6: {  	s7 =	simm.s32 $0x200;
	[dreg:$0x9] =	wrdreg s6  }
0x7: {  	s9 =	simm.s32 $0x1100;
	[dreg:$0xa] =	wrdreg s7  }
0x8: {  	s10 =	simm.s32 $0x280;
	[dreg:$0xb] =	wrdreg s9  }
0x9: {  	s11 =	simm.s32 $0x1180;
	[dreg:$0xc] =	wrdreg s10  }
0xa: {  	s12 =	simm.s32 $0x300;
	[dreg:$0xd] =	wrdreg s11  }
0xb: {  	s1 =	srdreg.scid;
	s13 =	simm.s32 $0x1200;
	[dreg:$0xe] =	wrdreg s12  }
0xc: {  	s8 =	stileid.u32;
	s14 =	simm.s32 $0x380;
	[dreg:$0xf] =	wrdreg s13  }
0xd: {  	s16 =	simm.s32 $0x1280;
	s18 =	simm.s32 $0x400;
	[dreg:$0x10] =	wrdreg s14  }
0xe: {  	s19 =	simm.s32 $0x1300;
	s21 =	simm.s32 $0x480;
	[dreg:$0x11] =	wrdreg s16  }
0xf: {  	s22 =	simm.s32 $0x1380;
	s23 =	simm.s32 $0x500;
	[dreg:$0x12] =	wrdreg s18  }
0x10: {  	s28 =	simm.s32 $0x1880;
	s29 =	simm.s32 $0xA00;
	[dreg:$0x13] =	wrdreg s19  }
0x11: {  	s30 =	simm.s32 $0x1900;
	s31 =	simm.s32 $0xA80;
	[dreg:$0x14] =	wrdreg s21  }
0x12: {  	s1 =	sand.u32 $0x1, s1;
	s5 =	sshll.u32 s8, $0x9;
	[dreg:$0x15] =	wrdreg s22  }
0x13: {  	s17 =	smul.u32 $0x50000, s8;
	[dreg:$0x16] =	wrdreg s23;
	s25 =	simm.s32 $0x1400  }
0x14: {  	s2 =	sshll.u32 s1, $0xD;
	s9 =	simm.s32 $0x1480;
	[dreg:$0x17] =	wrdreg s25  }
0x15: {  	s6 =	smul.u32 $0x2800, s8;
	s11 =	simm.s32 $0x600;
	[dreg:$0x19] =	wrdreg s9  }
0x16: {  	s7 =	smul.u32 $0x28000, s1;
	s13 =	simm.s32 $0x1500;
	[dreg:$0x1a] =	wrdreg s11  }
0x17: {  	s1 =	ssub.s32 $0x2, s1;
	s16 =	simm.s32 $0x680;
	[dreg:$0x1b] =	wrdreg s13  }
0x18: {  	s18 =	simm.s32 $0x700;
	s19 =	simm.s32 $0x1600;
	[dreg:$0x1c] =	wrdreg s16  }
0x19: {  	s21 =	simm.s32 $0x1680;
	s22 =	simm.s32 $0x800;
	[dreg:$0x1e] =	wrdreg s18  }
0x1a: {  	s23 =	simm.s32 $0x1700;
	s2 =	sadd.s32 s2, s0;
	[dreg:$0x1f] =	wrdreg s19  }
0x1b: {  	s15 =	sshrl.u32 s1, $0x1;
	s20 =	sshrl.u32 s17, $0x2;
	[smem:$0x7F7] =	sst s21  }
0x1c: {  	s17 =	simm.s32 $0x1580;
	s16 =	simm.s32 $0x2000;
	[smem:$0x7F8] =	sst s22  }
0x1d: {  	s18 =	simm.s32 $0x1000;
	s19 =	simm.s32 $0x50;
	[smem:$0x7F9] =	sst s23  }
0x1e: {  	s21 =	simm.s32 $0x7000;
	s25 =	simm.s32 $0x1780;
	[dreg:$0x1d] =	wrdreg s17  }
0x1f: {  	s6 =	sadd.s32 s6, s7;
	s7 =	simm.s32 $0x580;
	[smem:$0x7FB] =	sst s25  }
0x20: {  	s14 =	sadd.s32 s20, s3;
	s20 =	simm.s32 $0x780;
	[dreg:$0x18] =	wrdreg s7  }
0x21: {  	s22 =	simm.s32 $0x1;
	s2 =	sadd.s32 s5, s2;
	[smem:$0x7F6] =	sst s20  }
0x22: {  	s23 =	simm.s32 $0x2;
	s5 =	sadd.s32 $0x1A800, s2;
	[smem:$0x7FD] =	sst s14  }
0x23: {  	s9 =	simm.s32 $0xC00;
	s2 =	sadd.s32 $0x6800, s2;
	[dreg:$0x4] =	wrdreg s5  }
0x24: {  	s11 =	simm.s32 $0x1B80;
	s24 =	sadd.s32 $0x5000, s14;
	[dreg:$0x5] =	wrdreg s2  }
0x25: {  	s13 =	simm.s32 $0x0;
	s26 =	sadd.s32 $0x7800, s14;
	[smem:$0x7EE] =	sst s24  }
0x26: {  	s1 =	ssub.s32 s1, s15;
	s8 =	sadd.s32 $0xA000, s14;
	[smem:$0x7EF] =	sst s26  }
0x27: {  	s17 =	simm.s32 $0x4;
	s10 =	sadd.s32 $0xC800, s14;
	[smem:$0x7F0] =	sst s8  }
0x28: {  	s25 =	simm.s32 $0x1800;
	s12 =	sadd.s32 $0xF000, s14;
	[smem:$0x7F1] =	sst s10  }
0x29: {  	s15 =	sadd.s32 $0x11800, s14;
	s1 =	smax.u32 s1, $0x1;
	[smem:$0x7F2] =	sst s12  }
0x2a: {  	s20 =	simm.s32 $0x4800;
	s7 =	simm.s32 $0xB80;
	[smem:$0x7F3] =	sst s15  }
0x2b: {  	s5 =	simm.s32 $0x180;
	[smem:$0x7F5] =	sst s1;
	s24 =	simm.s32 $0x880  }
0x2c: {  	s26 =	simm.s32 $0x900;
	s1 =	simm.s32 $0xB00;
	s2 =	simm.s32 $0x1A00  }
0x2d: {  	s8 =	simm.s32 $0x1A80;
	s10 =	simm.s32 $0x1B00;
	[dreg:$0x8] =	wrdreg s5  }
0x2e: {  	s12 =	simm.s32 $0x1C00;
	s5 =	sadd.s32 $0x2EA00, s0;
	[smem:$0x7FA] =	sst s24  }
0x2f: {  	s0 =	sadd.s32 s6, s0;
	s6 =	sadd.s32 $0x2800, s14;
	[smem:$0x7FC] =	sst s26  }
0x30: {  	s24 =	simm.s32 $0x3;
	[smem:$0x7ED] =	sst s6;
	s0 =	sadd.s32 $0x56A00, s0  }
0x31: {  	s26 =	simm.s32 $0x980;
	[smem:$0x7F4] =	sst s0;
	s0 =	simm.s32 $0x1980  }
.LBB2_1:
0x32: {  	[smem:$0x7EC] =	sst s13  }
0x33: {  	s6 =	rddreg [dreg:$0x1]  }
0x34: {  	[tilespmem:s16], [sflag:$0x4] =	stream.linear.gather [hbm4b:s6+s4], $0x2800, $0x38;
	[tilespmem:$0x1D800] =	vst v63  }
0x35: {  	_ =	swait.ge [sflag:s17], $0x2800  }
0x36: {  	[sflag:s17] =	ssyncset.done $0x0  }
0x37: {  	[sflag:s17] =	ssyncadd.s32 $0xFFFFD800  }
0x38: {  	[spmem:s14] =	stream.linear.scatter [tilespmem:s16], [sflag:$0x4], $0x2800, $0x38;
	[tilespmem:$0x1D800] =	vst v63  }
0x39: {  	_ =	swait.ge [sflag:s17], $0x2800  }
0x3a: {  	s15 =	sld [smem:$0x7ED]  }
0x3b: {  	[sflag:s17] =	ssyncset.done $0x0  }
0x3c: {  	[sflag:s17] =	ssyncadd.s32 $0xFFFFD800  }
0x3d: {  	[spmem:s15] =	stream.linear.scatter [tilespmem:s16], [sflag:$0x4], $0x2800, $0x38;
	[tilespmem:$0x1D800] =	vst v63  }
0x3e: {  	_ =	swait.ge [sflag:s17], $0x2800  }
0x3f: {  	s13 =	sld [smem:$0x7EE]  }
0x40: {  	[sflag:s17] =	ssyncset.done $0x0  }
0x41: {  	[sflag:s17] =	ssyncadd.s32 $0xFFFFD800  }
0x42: {  	[spmem:s13] =	stream.linear.scatter [tilespmem:s16], [sflag:$0x4], $0x2800, $0x38;
	[tilespmem:$0x1D800] =	vst v63  }
0x43: {  	_ =	swait.ge [sflag:s17], $0x2800  }
0x44: {  	s14 =	sld [smem:$0x7EF]  }
0x45: {  	[sflag:s17] =	ssyncset.done $0x0  }
0x46: {  	[sflag:s17] =	ssyncadd.s32 $0xFFFFD800  }
0x47: {  	[spmem:s14] =	stream.linear.scatter [tilespmem:s16], [sflag:$0x4], $0x2800, $0x38;
	[tilespmem:$0x1D800] =	vst v63  }
0x48: {  	_ =	swait.ge [sflag:s17], $0x2800  }
0x49: {  	s15 =	sld [smem:$0x7F0]  }
0x4a: {  	[sflag:s17] =	ssyncset.done $0x0  }
0x4b: {  	[sflag:s17] =	ssyncadd.s32 $0xFFFFD800  }
0x4c: {  	[spmem:s15] =	stream.linear.scatter [tilespmem:s16], [sflag:$0x4], $0x2800, $0x38;
	[tilespmem:$0x1D800] =	vst v63  }
0x4d: {  	_ =	swait.ge [sflag:s17], $0x2800  }
0x4e: {  	s13 =	sld [smem:$0x7F1]  }
0x4f: {  	[sflag:s17] =	ssyncset.done $0x0  }
0x50: {  	[sflag:s17] =	ssyncadd.s32 $0xFFFFD800  }
0x51: {  	[spmem:s13] =	stream.linear.scatter [tilespmem:s16], [sflag:$0x4], $0x2800, $0x38;
	[tilespmem:$0x1D800] =	vst v63  }
0x52: {  	_ =	swait.ge [sflag:s17], $0x2800  }
0x53: {  	s14 =	sld [smem:$0x7F2]  }
0x54: {  	[sflag:s17] =	ssyncset.done $0x0  }
0x55: {  	[sflag:s17] =	ssyncadd.s32 $0xFFFFD800  }
0x56: {  	[spmem:s14] =	stream.linear.scatter [tilespmem:s16], [sflag:$0x4], $0x2800, $0x38;
	[tilespmem:$0x1D800] =	vst v63  }
0x57: {  	_ =	swait.ge [sflag:s17], $0x2800  }
0x58: {  	s15 =	sld [smem:$0x7F3]  }
0x59: {  	[sflag:s17] =	ssyncset.done $0x0  }
0x5a: {  	[sflag:s17] =	ssyncadd.s32 $0xFFFFD800  }
0x5b: {  	[spmem:s15] =	stream.linear.scatter [tilespmem:s16], [sflag:$0x4], $0x2800, $0x38;
	[tilespmem:$0x1D800] =	vst v63  }
0x5c: {  	_ =	swait.ge [sflag:s17], $0x2800  }
0x5d: {  	[sflag:s17] =	ssyncset.done $0x0  }
0x5e: {  	[sflag:s17] =	ssyncadd.s32 $0xFFFFD800  }
0x5f: {  	[bflag:$0x0] =	sbarrier.arrive $0xFFFF  }
0x60: {  	s13 =	rddreg [dreg:$0x4]  }
0x61: {  	s6 =	sadd.s32 $0x0, s13  }
0x62: {  	[tilespmem:s4], [sflag:$0x4] =	stream.linear.gather [hbm4b:s6+s4], $0xC80, $0x38;
	[tilespmem:$0x1D800] =	vst v63  }
0x63: {  	_ =	swait.ge [sflag:s17], $0xC80  }
0x64: {  	s14 =	rddreg [dreg:$0x5];
	[sflag:s17] =	ssyncset.done $0x0  }
0x65: {  	[sflag:s17] =	ssyncadd.s32 $0xFFFFF380;
	s6 =	sadd.s32 $0x0, s14  }
0x66: {  	[tilespmem:s18], [sflag:$0x4] =	stream.linear.gather [hbm4b:s6+s4], $0xC80, $0x38;
	[tilespmem:$0x1D800] =	vst v63  }
0x67: {  	_ =	swait.ge [sflag:s17], $0xC80  }
0x68: {  	[sflag:s17] =	ssyncset.done $0x0  }
0x69: {  	[sflag:s17] =	ssyncadd.s32 $0xFFFFF380  }
0x6a: {  	[tilespmem:s16], [sflag:$0x1] =	stream.indirect.gather [hbm4b:s5+s19], $0x80, s4, s19, $0xb8;
	[tilespmem:$0x1D800] =	vst v63  }
0x6b: {  	s15 =	rddreg [dreg:$0x6]  }
0x6c: {  	[tilespmem:s20], [sflag:$0x2] =	stream.indirect.gather [hbm4b:s5+s19], $0x80, s15, s19, $0xb8;
	[tilespmem:$0x1D800] =	vst v63  }
0x6d: {  	s13 =	rddreg [dreg:$0x7]  }
0x6e: {  	[tilespmem:s21], [sflag:$0x3] =	stream.indirect.gather [hbm4b:s5+s19], $0x80, s13, s19, $0xb8;
	[tilespmem:$0x1D800] =	vst v63  }
0x6f: {  	_ =	swait.ge [sflag:s22], $0x2800  }
0x70: {  	[sflag:s22] =	ssyncset.done $0x0  }
0x71: {  	[sflag:s22] =	ssyncadd.s32 $0xFFFFD800  }
0x72: {  	[spmem:s3] =	stream.indirect.scatter.add.f32 [tilespmem:s16], [sflag:$0x4], $0x80, s18, s19, $0xb8;
	[tilespmem:$0x1D800] =	vst v63  }
0x73: {  	_ =	swait.ge [sflag:s17], $0x2800  }
0x74: {  	[sflag:s17] =	ssyncset.done $0x0  }
0x75: {  	s15 =	rddreg [dreg:$0x8];
	[sflag:s17] =	ssyncadd.s32 $0xFFFFD800  }
0x76: {  	[tilespmem:s16], [sflag:$0x1] =	stream.indirect.gather [hbm4b:s5+s19], $0x80, s15, s19, $0xb8;
	[tilespmem:$0x1D800] =	vst v63  }
0x77: {  	_ =	swait.ge [sflag:s23], $0x2800  }
0x78: {  	[sflag:s23] =	ssyncset.done $0x0  }
0x79: {  	s13 =	rddreg [dreg:$0x9];
	[sflag:s23] =	ssyncadd.s32 $0xFFFFD800  }
0x7a: {  	[spmem:s3] =	stream.indirect.scatter.add.f32 [tilespmem:s20], [sflag:$0x4], $0x80, s13, s19, $0xb8;
	[tilespmem:$0x1D800] =	vst v63  }
0x7b: {  	_ =	swait.ge [sflag:s17], $0x2800  }
0x7c: {  	[sflag:s17] =	ssyncset.done $0x0  }
0x7d: {  	s14 =	rddreg [dreg:$0xa];
	[sflag:s17] =	ssyncadd.s32 $0xFFFFD800  }
0x7e: {  	[tilespmem:s20], [sflag:$0x2] =	stream.indirect.gather [hbm4b:s5+s19], $0x80, s14, s19, $0xb8;
	[tilespmem:$0x1D800] =	vst v63  }
0x7f: {  	_ =	swait.ge [sflag:s24], $0x2800  }
0x80: {  	[sflag:s24] =	ssyncset.done $0x0  }
0x81: {  	s15 =	rddreg [dreg:$0xb];
	[sflag:s24] =	ssyncadd.s32 $0xFFFFD800  }
0x82: {  	[spmem:s3] =	stream.indirect.scatter.add.f32 [tilespmem:s21], [sflag:$0x4], $0x80, s15, s19, $0xb8;
	[tilespmem:$0x1D800] =	vst v63  }
0x83: {  	_ =	swait.ge [sflag:s17], $0x2800  }
0x84: {  	[sflag:s17] =	ssyncset.done $0x0  }
0x85: {  	s13 =	rddreg [dreg:$0xc];
	[sflag:s17] =	ssyncadd.s32 $0xFFFFD800  }
0x86: {  	[tilespmem:s21], [sflag:$0x3] =	stream.indirect.gather [hbm4b:s5+s19], $0x80, s13, s19, $0xb8;
	[tilespmem:$0x1D800] =	vst v63  }
0x87: {  	_ =	swait.ge [sflag:s22], $0x2800  }
0x88: {  	[sflag:s22] =	ssyncset.done $0x0  }
0x89: {  	s14 =	rddreg [dreg:$0xd];
	[sflag:s22] =	ssyncadd.s32 $0xFFFFD800  }
0x8a: {  	[spmem:s3] =	stream.indirect.scatter.add.f32 [tilespmem:s16], [sflag:$0x4], $0x80, s14, s19, $0xb8;
	[tilespmem:$0x1D800] =	vst v63  }
0x8b: {  	_ =	swait.ge [sflag:s17], $0x2800  }
0x8c: {  	[sflag:s17] =	ssyncset.done $0x0  }
0x8d: {  	s15 =	rddreg [dreg:$0xe];
	[sflag:s17] =	ssyncadd.s32 $0xFFFFD800  }
0x8e: {  	[tilespmem:s16], [sflag:$0x1] =	stream.indirect.gather [hbm4b:s5+s19], $0x80, s15, s19, $0xb8;
	[tilespmem:$0x1D800] =	vst v63  }
0x8f: {  	_ =	swait.ge [sflag:s23], $0x2800  }
0x90: {  	[sflag:s23] =	ssyncset.done $0x0  }
0x91: {  	s13 =	rddreg [dreg:$0xf];
	[sflag:s23] =	ssyncadd.s32 $0xFFFFD800  }
0x92: {  	[spmem:s3] =	stream.indirect.scatter.add.f32 [tilespmem:s20], [sflag:$0x4], $0x80, s13, s19, $0xb8;
	[tilespmem:$0x1D800] =	vst v63  }
0x93: {  	_ =	swait.ge [sflag:s17], $0x2800  }
0x94: {  	[sflag:s17] =	ssyncset.done $0x0  }
0x95: {  	s14 =	rddreg [dreg:$0x10];
	[sflag:s17] =	ssyncadd.s32 $0xFFFFD800  }
0x96: {  	[tilespmem:s20], [sflag:$0x2] =	stream.indirect.gather [hbm4b:s5+s19], $0x80, s14, s19, $0xb8;
	[tilespmem:$0x1D800] =	vst v63  }
0x97: {  	_ =	swait.ge [sflag:s24], $0x2800  }
0x98: {  	[sflag:s24] =	ssyncset.done $0x0  }
0x99: {  	s15 =	rddreg [dreg:$0x11];
	[sflag:s24] =	ssyncadd.s32 $0xFFFFD800  }
0x9a: {  	[spmem:s3] =	stream.indirect.scatter.add.f32 [tilespmem:s21], [sflag:$0x4], $0x80, s15, s19, $0xb8;
	[tilespmem:$0x1D800] =	vst v63  }
0x9b: {  	_ =	swait.ge [sflag:s17], $0x2800  }
0x9c: {  	[sflag:s17] =	ssyncset.done $0x0  }
0x9d: {  	s13 =	rddreg [dreg:$0x12];
	[sflag:s17] =	ssyncadd.s32 $0xFFFFD800  }
0x9e: {  	[tilespmem:s21], [sflag:$0x3] =	stream.indirect.gather [hbm4b:s5+s19], $0x80, s13, s19, $0xb8;
	[tilespmem:$0x1D800] =	vst v63  }
0x9f: {  	_ =	swait.ge [sflag:s22], $0x2800  }
0xa0: {  	[sflag:s22] =	ssyncset.done $0x0  }
0xa1: {  	s14 =	rddreg [dreg:$0x13];
	[sflag:s22] =	ssyncadd.s32 $0xFFFFD800  }
0xa2: {  	[spmem:s3] =	stream.indirect.scatter.add.f32 [tilespmem:s16], [sflag:$0x4], $0x80, s14, s19, $0xb8;
	[tilespmem:$0x1D800] =	vst v63  }
0xa3: {  	_ =	swait.ge [sflag:s17], $0x2800  }
0xa4: {  	[sflag:s17] =	ssyncset.done $0x0  }
0xa5: {  	s15 =	rddreg [dreg:$0x14];
	[sflag:s17] =	ssyncadd.s32 $0xFFFFD800  }
0xa6: {  	[tilespmem:s16], [sflag:$0x1] =	stream.indirect.gather [hbm4b:s5+s19], $0x80, s15, s19, $0xb8;
	[tilespmem:$0x1D800] =	vst v63  }
0xa7: {  	_ =	swait.ge [sflag:s23], $0x2800  }
0xa8: {  	[sflag:s23] =	ssyncset.done $0x0  }
0xa9: {  	s13 =	rddreg [dreg:$0x15];
	[sflag:s23] =	ssyncadd.s32 $0xFFFFD800  }
0xaa: {  	[spmem:s3] =	stream.indirect.scatter.add.f32 [tilespmem:s20], [sflag:$0x4], $0x80, s13, s19, $0xb8;
	[tilespmem:$0x1D800] =	vst v63  }
0xab: {  	_ =	swait.ge [sflag:s17], $0x2800  }
0xac: {  	[sflag:s17] =	ssyncset.done $0x0  }
0xad: {  	s14 =	rddreg [dreg:$0x16];
	[sflag:s17] =	ssyncadd.s32 $0xFFFFD800  }
0xae: {  	[tilespmem:s20], [sflag:$0x2] =	stream.indirect.gather [hbm4b:s5+s19], $0x80, s14, s19, $0xb8;
	[tilespmem:$0x1D800] =	vst v63  }
0xaf: {  	_ =	swait.ge [sflag:s24], $0x2800  }
0xb0: {  	[sflag:s24] =	ssyncset.done $0x0  }
0xb1: {  	s15 =	rddreg [dreg:$0x17];
	[sflag:s24] =	ssyncadd.s32 $0xFFFFD800  }
0xb2: {  	[spmem:s3] =	stream.indirect.scatter.add.f32 [tilespmem:s21], [sflag:$0x4], $0x80, s15, s19, $0xb8;
	[tilespmem:$0x1D800] =	vst v63  }
0xb3: {  	_ =	swait.ge [sflag:s17], $0x2800  }
0xb4: {  	[sflag:s17] =	ssyncset.done $0x0  }
0xb5: {  	s13 =	rddreg [dreg:$0x18];
	[sflag:s17] =	ssyncadd.s32 $0xFFFFD800  }
0xb6: {  	[tilespmem:s21], [sflag:$0x3] =	stream.indirect.gather [hbm4b:s5+s19], $0x80, s13, s19, $0xb8;
	[tilespmem:$0x1D800] =	vst v63  }
0xb7: {  	_ =	swait.ge [sflag:s22], $0x2800  }
0xb8: {  	[sflag:s22] =	ssyncset.done $0x0  }
0xb9: {  	s14 =	rddreg [dreg:$0x19];
	[sflag:s22] =	ssyncadd.s32 $0xFFFFD800  }
0xba: {  	[spmem:s3] =	stream.indirect.scatter.add.f32 [tilespmem:s16], [sflag:$0x4], $0x80, s14, s19, $0xb8;
	[tilespmem:$0x1D800] =	vst v63  }
0xbb: {  	_ =	swait.ge [sflag:s17], $0x2800  }
0xbc: {  	[sflag:s17] =	ssyncset.done $0x0  }
0xbd: {  	s15 =	rddreg [dreg:$0x1a];
	[sflag:s17] =	ssyncadd.s32 $0xFFFFD800  }
0xbe: {  	[tilespmem:s16], [sflag:$0x1] =	stream.indirect.gather [hbm4b:s5+s19], $0x80, s15, s19, $0xb8;
	[tilespmem:$0x1D800] =	vst v63  }
0xbf: {  	_ =	swait.ge [sflag:s23], $0x2800  }
0xc0: {  	[sflag:s23] =	ssyncset.done $0x0  }
0xc1: {  	s13 =	rddreg [dreg:$0x1b];
	[sflag:s23] =	ssyncadd.s32 $0xFFFFD800  }
0xc2: {  	[spmem:s3] =	stream.indirect.scatter.add.f32 [tilespmem:s20], [sflag:$0x4], $0x80, s13, s19, $0xb8;
	[tilespmem:$0x1D800] =	vst v63  }
0xc3: {  	_ =	swait.ge [sflag:s17], $0x2800  }
0xc4: {  	[sflag:s17] =	ssyncset.done $0x0  }
0xc5: {  	s14 =	rddreg [dreg:$0x1c];
	[sflag:s17] =	ssyncadd.s32 $0xFFFFD800  }
0xc6: {  	[tilespmem:s20], [sflag:$0x2] =	stream.indirect.gather [hbm4b:s5+s19], $0x80, s14, s19, $0xb8;
	[tilespmem:$0x1D800] =	vst v63  }
0xc7: {  	_ =	swait.ge [sflag:s24], $0x2800  }
0xc8: {  	[sflag:s24] =	ssyncset.done $0x0  }
0xc9: {  	s15 =	rddreg [dreg:$0x1d];
	[sflag:s24] =	ssyncadd.s32 $0xFFFFD800  }
0xca: {  	[spmem:s3] =	stream.indirect.scatter.add.f32 [tilespmem:s21], [sflag:$0x4], $0x80, s15, s19, $0xb8;
	[tilespmem:$0x1D800] =	vst v63  }
0xcb: {  	_ =	swait.ge [sflag:s17], $0x2800  }
0xcc: {  	[sflag:s17] =	ssyncset.done $0x0  }
0xcd: {  	s13 =	rddreg [dreg:$0x1e];
	[sflag:s17] =	ssyncadd.s32 $0xFFFFD800  }
0xce: {  	[tilespmem:s21], [sflag:$0x3] =	stream.indirect.gather [hbm4b:s5+s19], $0x80, s13, s19, $0xb8;
	[tilespmem:$0x1D800] =	vst v63  }
0xcf: {  	_ =	swait.ge [sflag:s22], $0x2800  }
0xd0: {  	[sflag:s22] =	ssyncset.done $0x0  }
0xd1: {  	s14 =	rddreg [dreg:$0x1f];
	[sflag:s22] =	ssyncadd.s32 $0xFFFFD800  }
0xd2: {  	[spmem:s3] =	stream.indirect.scatter.add.f32 [tilespmem:s16], [sflag:$0x4], $0x80, s14, s19, $0xb8;
	[tilespmem:$0x1D800] =	vst v63  }
0xd3: {  	_ =	swait.ge [sflag:s17], $0x2800  }
0xd4: {  	s15 =	sld [smem:$0x7F6]  }
0xd5: {  	[sflag:s17] =	ssyncset.done $0x0  }
0xd6: {  	[sflag:s17] =	ssyncadd.s32 $0xFFFFD800  }
0xd7: {  	[tilespmem:s16], [sflag:$0x1] =	stream.indirect.gather [hbm4b:s5+s19], $0x80, s15, s19, $0xb8;
	[tilespmem:$0x1D800] =	vst v63  }
0xd8: {  	_ =	swait.ge [sflag:s23], $0x2800  }
0xd9: {  	s13 =	sld [smem:$0x7F7]  }
0xda: {  	[sflag:s23] =	ssyncset.done $0x0  }
0xdb: {  	[sflag:s23] =	ssyncadd.s32 $0xFFFFD800  }
0xdc: {  	[spmem:s3] =	stream.indirect.scatter.add.f32 [tilespmem:s20], [sflag:$0x4], $0x80, s13, s19, $0xb8;
	[tilespmem:$0x1D800] =	vst v63  }
0xdd: {  	_ =	swait.ge [sflag:s17], $0x2800  }
0xde: {  	s14 =	sld [smem:$0x7F8]  }
0xdf: {  	[sflag:s17] =	ssyncset.done $0x0  }
0xe0: {  	[sflag:s17] =	ssyncadd.s32 $0xFFFFD800  }
0xe1: {  	[tilespmem:s20], [sflag:$0x2] =	stream.indirect.gather [hbm4b:s5+s19], $0x80, s14, s19, $0xb8;
	[tilespmem:$0x1D800] =	vst v63  }
0xe2: {  	_ =	swait.ge [sflag:s24], $0x2800  }
0xe3: {  	s15 =	sld [smem:$0x7F9]  }
0xe4: {  	[sflag:s24] =	ssyncset.done $0x0  }
0xe5: {  	[sflag:s24] =	ssyncadd.s32 $0xFFFFD800  }
0xe6: {  	[spmem:s3] =	stream.indirect.scatter.add.f32 [tilespmem:s21], [sflag:$0x4], $0x80, s15, s19, $0xb8;
	[tilespmem:$0x1D800] =	vst v63  }
0xe7: {  	_ =	swait.ge [sflag:s17], $0x2800  }
0xe8: {  	s13 =	sld [smem:$0x7FA]  }
0xe9: {  	[sflag:s17] =	ssyncset.done $0x0  }
0xea: {  	[sflag:s17] =	ssyncadd.s32 $0xFFFFD800  }
0xeb: {  	[tilespmem:s21], [sflag:$0x3] =	stream.indirect.gather [hbm4b:s5+s19], $0x80, s13, s19, $0xb8;
	[tilespmem:$0x1D800] =	vst v63  }
0xec: {  	_ =	swait.ge [sflag:s22], $0x2800  }
0xed: {  	s14 =	sld [smem:$0x7FB]  }
0xee: {  	[sflag:s22] =	ssyncset.done $0x0  }
0xef: {  	[sflag:s22] =	ssyncadd.s32 $0xFFFFD800  }
0xf0: {  	[spmem:s3] =	stream.indirect.scatter.add.f32 [tilespmem:s16], [sflag:$0x4], $0x80, s14, s19, $0xb8;
	[tilespmem:$0x1D800] =	vst v63  }
0xf1: {  	_ =	swait.ge [sflag:s17], $0x2800  }
0xf2: {  	s15 =	sld [smem:$0x7FC]  }
0xf3: {  	[sflag:s17] =	ssyncset.done $0x0  }
0xf4: {  	[sflag:s17] =	ssyncadd.s32 $0xFFFFD800  }
0xf5: {  	[tilespmem:s16], [sflag:$0x1] =	stream.indirect.gather [hbm4b:s5+s19], $0x80, s15, s19, $0xb8;
	[tilespmem:$0x1D800] =	vst v63  }
0xf6: {  	_ =	swait.ge [sflag:s23], $0x2800  }
0xf7: {  	[sflag:s23] =	ssyncset.done $0x0  }
0xf8: {  	[sflag:s23] =	ssyncadd.s32 $0xFFFFD800  }
0xf9: {  	[spmem:s3] =	stream.indirect.scatter.add.f32 [tilespmem:s20], [sflag:$0x4], $0x80, s25, s19, $0xb8;
	[tilespmem:$0x1D800] =	vst v63  }
0xfa: {  	_ =	swait.ge [sflag:s17], $0x2800  }
0xfb: {  	[sflag:s17] =	ssyncset.done $0x0  }
0xfc: {  	[sflag:s17] =	ssyncadd.s32 $0xFFFFD800  }
0xfd: {  	[tilespmem:s20], [sflag:$0x2] =	stream.indirect.gather [hbm4b:s5+s19], $0x80, s26, s19, $0xb8;
	[tilespmem:$0x1D800] =	vst v63  }
0xfe: {  	_ =	swait.ge [sflag:s24], $0x2800  }
0xff: {  	[sflag:s24] =	ssyncset.done $0x0  }
0x100: {  	[sflag:s24] =	ssyncadd.s32 $0xFFFFD800  }
0x101: {  	[spmem:s3] =	stream.indirect.scatter.add.f32 [tilespmem:s21], [sflag:$0x4], $0x80, s28, s19, $0xb8;
	[tilespmem:$0x1D800] =	vst v63  }
0x102: {  	_ =	swait.ge [sflag:s17], $0x2800  }
0x103: {  	[sflag:s17] =	ssyncset.done $0x0  }
0x104: {  	[sflag:s17] =	ssyncadd.s32 $0xFFFFD800  }
0x105: {  	[tilespmem:s21], [sflag:$0x3] =	stream.indirect.gather [hbm4b:s5+s19], $0x80, s29, s19, $0xb8;
	[tilespmem:$0x1D800] =	vst v63  }
0x106: {  	_ =	swait.ge [sflag:s22], $0x2800  }
0x107: {  	[sflag:s22] =	ssyncset.done $0x0  }
0x108: {  	[sflag:s22] =	ssyncadd.s32 $0xFFFFD800  }
0x109: {  	[spmem:s3] =	stream.indirect.scatter.add.f32 [tilespmem:s16], [sflag:$0x4], $0x80, s30, s19, $0xb8;
	[tilespmem:$0x1D800] =	vst v63  }
0x10a: {  	_ =	swait.ge [sflag:s17], $0x2800  }
0x10b: {  	[sflag:s17] =	ssyncset.done $0x0  }
0x10c: {  	[sflag:s17] =	ssyncadd.s32 $0xFFFFD800  }
0x10d: {  	[tilespmem:s16], [sflag:$0x1] =	stream.indirect.gather [hbm4b:s5+s19], $0x80, s31, s19, $0xb8;
	[tilespmem:$0x1D800] =	vst v63  }
0x10e: {  	_ =	swait.ge [sflag:s23], $0x2800  }
0x10f: {  	[sflag:s23] =	ssyncset.done $0x0  }
0x110: {  	[sflag:s23] =	ssyncadd.s32 $0xFFFFD800  }
0x111: {  	[spmem:s3] =	stream.indirect.scatter.add.f32 [tilespmem:s20], [sflag:$0x4], $0x80, s0, s19, $0xb8;
	[tilespmem:$0x1D800] =	vst v63  }
0x112: {  	_ =	swait.ge [sflag:s17], $0x2800  }
0x113: {  	[sflag:s17] =	ssyncset.done $0x0  }
0x114: {  	[sflag:s17] =	ssyncadd.s32 $0xFFFFD800  }
0x115: {  	[tilespmem:s20], [sflag:$0x2] =	stream.indirect.gather [hbm4b:s5+s19], $0x80, s1, s19, $0xb8;
	[tilespmem:$0x1D800] =	vst v63  }
0x116: {  	_ =	swait.ge [sflag:s24], $0x2800  }
0x117: {  	[sflag:s24] =	ssyncset.done $0x0  }
0x118: {  	[sflag:s24] =	ssyncadd.s32 $0xFFFFD800  }
0x119: {  	[spmem:s3] =	stream.indirect.scatter.add.f32 [tilespmem:s21], [sflag:$0x4], $0x80, s2, s19, $0xb8;
	[tilespmem:$0x1D800] =	vst v63  }
0x11a: {  	_ =	swait.ge [sflag:s17], $0x2800  }
0x11b: {  	[sflag:s17] =	ssyncset.done $0x0  }
0x11c: {  	[sflag:s17] =	ssyncadd.s32 $0xFFFFD800  }
0x11d: {  	[tilespmem:s21], [sflag:$0x3] =	stream.indirect.gather [hbm4b:s5+s19], $0x80, s7, s19, $0xb8;
	[tilespmem:$0x1D800] =	vst v63  }
0x11e: {  	_ =	swait.ge [sflag:s22], $0x2800  }
0x11f: {  	[sflag:s22] =	ssyncset.done $0x0  }
0x120: {  	[sflag:s22] =	ssyncadd.s32 $0xFFFFD800  }
0x121: {  	[spmem:s3] =	stream.indirect.scatter.add.f32 [tilespmem:s16], [sflag:$0x4], $0x80, s8, s19, $0xb8;
	[tilespmem:$0x1D800] =	vst v63  }
0x122: {  	_ =	swait.ge [sflag:s17], $0x2800  }
0x123: {  	[sflag:s17] =	ssyncset.done $0x0  }
0x124: {  	[sflag:s17] =	ssyncadd.s32 $0xFFFFD800  }
0x125: {  	[tilespmem:s16], [sflag:$0x1] =	stream.indirect.gather [hbm4b:s5+s19], $0x80, s9, s19, $0xb8;
	[tilespmem:$0x1D800] =	vst v63  }
0x126: {  	_ =	swait.ge [sflag:s23], $0x2800  }
0x127: {  	[sflag:s23] =	ssyncset.done $0x0  }
0x128: {  	[sflag:s23] =	ssyncadd.s32 $0xFFFFD800  }
0x129: {  	[spmem:s3] =	stream.indirect.scatter.add.f32 [tilespmem:s20], [sflag:$0x4], $0x80, s10, s19, $0xb8;
	[tilespmem:$0x1D800] =	vst v63  }
0x12a: {  	_ =	swait.ge [sflag:s17], $0x2800  }
0x12b: {  	[sflag:s17] =	ssyncset.done $0x0  }
0x12c: {  	[sflag:s17] =	ssyncadd.s32 $0xFFFFD800  }
0x12d: {  	_ =	swait.ge [sflag:s24], $0x2800  }
0x12e: {  	[sflag:s24] =	ssyncset.done $0x0  }
0x12f: {  	[sflag:s24] =	ssyncadd.s32 $0xFFFFD800  }
0x130: {  	[spmem:s3] =	stream.indirect.scatter.add.f32 [tilespmem:s21], [sflag:$0x4], $0x80, s11, s19, $0xb8;
	[tilespmem:$0x1D800] =	vst v63  }
0x131: {  	_ =	swait.ge [sflag:s17], $0x2800  }
0x132: {  	[sflag:s17] =	ssyncset.done $0x0  }
0x133: {  	[sflag:s17] =	ssyncadd.s32 $0xFFFFD800  }
0x134: {  	_ =	swait.ge [sflag:s22], $0x2800  }
0x135: {  	[sflag:s22] =	ssyncset.done $0x0  }
0x136: {  	[sflag:s22] =	ssyncadd.s32 $0xFFFFD800  }
0x137: {  	[spmem:s3] =	stream.indirect.scatter.add.f32 [tilespmem:s16], [sflag:$0x4], $0x80, s12, s19, $0xb8;
	[tilespmem:$0x1D800] =	vst v63  }
0x138: {  	s14 =	simm.s32 $0x4000;
	_ =	swait.ge [sflag:s17], $0x2800  }
0x139: {  	s15 =	simm.s32 $0x8000;
	s6 =	rddreg [dreg:$0x4];
	[sflag:s17] =	ssyncset.done $0x0  }
.LBB2_2:
0x13a: {  	[sflag:s17] =	ssyncadd.s32 $0xFFFFD800;
	s6 =	sadd.s32 s14, s6  }
0x13b: {  	[tilespmem:s4], [sflag:$0x4] =	stream.linear.gather [hbm4b:s6+s4], $0xC80, $0x38;
	[tilespmem:$0x1D800] =	vst v63  }
0x13c: {  	_ =	swait.ge [sflag:s17], $0xC80  }
0x13d: {  	s6 =	rddreg [dreg:$0x5];
	[sflag:s17] =	ssyncset.done $0x0  }
0x13e: {  	[sflag:s17] =	ssyncadd.s32 $0xFFFFF380;
	s6 =	sadd.s32 s14, s6  }
0x13f: {  	[tilespmem:s18], [sflag:$0x4] =	stream.linear.gather [hbm4b:s6+s4], $0xC80, $0x38;
	[tilespmem:$0x1D800] =	vst v63  }
0x140: {  	_ =	swait.ge [sflag:s17], $0xC80  }
0x141: {  	[sflag:s17] =	ssyncset.done $0x0  }
0x142: {  	[sflag:s17] =	ssyncadd.s32 $0xFFFFF380  }
0x143: {  	[tilespmem:s16], [sflag:$0x1] =	stream.indirect.gather [hbm4b:s5+s19], $0x80, s4, s19, $0xb8;
	[tilespmem:$0x1D800] =	vst v63  }
0x144: {  	s13 =	smov.u32 s15;
	s6 =	rddreg [dreg:$0x6]  }
0x145: {  	[tilespmem:s20], [sflag:$0x2] =	stream.indirect.gather [hbm4b:s5+s19], $0x80, s6, s19, $0xb8;
	[tilespmem:$0x1D800] =	vst v63  }
0x146: {  	s14 =	smov.u32 s13;
	s13 =	rddreg [dreg:$0x7]  }
0x147: {  	[tilespmem:s21], [sflag:$0x3] =	stream.indirect.gather [hbm4b:s5+s19], $0x80, s13, s19, $0xb8;
	[tilespmem:$0x1D800] =	vst v63  }
0x148: {  	_ =	swait.ge [sflag:s22], $0x2800  }
0x149: {  	[sflag:s22] =	ssyncset.done $0x0  }
0x14a: {  	[sflag:s22] =	ssyncadd.s32 $0xFFFFD800  }
0x14b: {  	[spmem:s3] =	stream.indirect.scatter.add.f32 [tilespmem:s16], [sflag:$0x4], $0x80, s18, s19, $0xb8;
	[tilespmem:$0x1D800] =	vst v63  }
0x14c: {  	_ =	swait.ge [sflag:s17], $0x2800  }
0x14d: {  	[sflag:s17] =	ssyncset.done $0x0  }
0x14e: {  	s13 =	rddreg [dreg:$0x8];
	[sflag:s17] =	ssyncadd.s32 $0xFFFFD800  }
0x14f: {  	[tilespmem:s16], [sflag:$0x1] =	stream.indirect.gather [hbm4b:s5+s19], $0x80, s13, s19, $0xb8;
	[tilespmem:$0x1D800] =	vst v63  }
0x150: {  	_ =	swait.ge [sflag:s23], $0x2800  }
0x151: {  	[sflag:s23] =	ssyncset.done $0x0  }
0x152: {  	s13 =	rddreg [dreg:$0x9];
	[sflag:s23] =	ssyncadd.s32 $0xFFFFD800  }
0x153: {  	[spmem:s3] =	stream.indirect.scatter.add.f32 [tilespmem:s20], [sflag:$0x4], $0x80, s13, s19, $0xb8;
	[tilespmem:$0x1D800] =	vst v63  }
0x154: {  	_ =	swait.ge [sflag:s17], $0x2800  }
0x155: {  	[sflag:s17] =	ssyncset.done $0x0  }
0x156: {  	s13 =	rddreg [dreg:$0xa];
	[sflag:s17] =	ssyncadd.s32 $0xFFFFD800  }
0x157: {  	[tilespmem:s20], [sflag:$0x2] =	stream.indirect.gather [hbm4b:s5+s19], $0x80, s13, s19, $0xb8;
	[tilespmem:$0x1D800] =	vst v63  }
0x158: {  	_ =	swait.ge [sflag:s24], $0x2800  }
0x159: {  	[sflag:s24] =	ssyncset.done $0x0  }
0x15a: {  	s13 =	rddreg [dreg:$0xb];
	[sflag:s24] =	ssyncadd.s32 $0xFFFFD800  }
0x15b: {  	[spmem:s3] =	stream.indirect.scatter.add.f32 [tilespmem:s21], [sflag:$0x4], $0x80, s13, s19, $0xb8;
	[tilespmem:$0x1D800] =	vst v63  }
0x15c: {  	_ =	swait.ge [sflag:s17], $0x2800  }
0x15d: {  	[sflag:s17] =	ssyncset.done $0x0  }
0x15e: {  	s13 =	rddreg [dreg:$0xc];
	[sflag:s17] =	ssyncadd.s32 $0xFFFFD800  }
0x15f: {  	[tilespmem:s21], [sflag:$0x3] =	stream.indirect.gather [hbm4b:s5+s19], $0x80, s13, s19, $0xb8;
	[tilespmem:$0x1D800] =	vst v63  }
0x160: {  	_ =	swait.ge [sflag:s22], $0x2800  }
0x161: {  	[sflag:s22] =	ssyncset.done $0x0  }
0x162: {  	s13 =	rddreg [dreg:$0xd];
	[sflag:s22] =	ssyncadd.s32 $0xFFFFD800  }
0x163: {  	[spmem:s3] =	stream.indirect.scatter.add.f32 [tilespmem:s16], [sflag:$0x4], $0x80, s13, s19, $0xb8;
	[tilespmem:$0x1D800] =	vst v63  }
0x164: {  	_ =	swait.ge [sflag:s17], $0x2800  }
0x165: {  	[sflag:s17] =	ssyncset.done $0x0  }
0x166: {  	s13 =	rddreg [dreg:$0xe];
	[sflag:s17] =	ssyncadd.s32 $0xFFFFD800  }
0x167: {  	[tilespmem:s16], [sflag:$0x1] =	stream.indirect.gather [hbm4b:s5+s19], $0x80, s13, s19, $0xb8;
	[tilespmem:$0x1D800] =	vst v63  }
0x168: {  	_ =	swait.ge [sflag:s23], $0x2800  }
0x169: {  	[sflag:s23] =	ssyncset.done $0x0  }
0x16a: {  	s13 =	rddreg [dreg:$0xf];
	[sflag:s23] =	ssyncadd.s32 $0xFFFFD800  }
0x16b: {  	[spmem:s3] =	stream.indirect.scatter.add.f32 [tilespmem:s20], [sflag:$0x4], $0x80, s13, s19, $0xb8;
	[tilespmem:$0x1D800] =	vst v63  }
0x16c: {  	_ =	swait.ge [sflag:s17], $0x2800  }
0x16d: {  	[sflag:s17] =	ssyncset.done $0x0  }
0x16e: {  	s13 =	rddreg [dreg:$0x10];
	[sflag:s17] =	ssyncadd.s32 $0xFFFFD800  }
0x16f: {  	[tilespmem:s20], [sflag:$0x2] =	stream.indirect.gather [hbm4b:s5+s19], $0x80, s13, s19, $0xb8;
	[tilespmem:$0x1D800] =	vst v63  }
0x170: {  	_ =	swait.ge [sflag:s24], $0x2800  }
0x171: {  	[sflag:s24] =	ssyncset.done $0x0  }
0x172: {  	s13 =	rddreg [dreg:$0x11];
	[sflag:s24] =	ssyncadd.s32 $0xFFFFD800  }
0x173: {  	[spmem:s3] =	stream.indirect.scatter.add.f32 [tilespmem:s21], [sflag:$0x4], $0x80, s13, s19, $0xb8;
	[tilespmem:$0x1D800] =	vst v63  }
0x174: {  	_ =	swait.ge [sflag:s17], $0x2800  }
0x175: {  	[sflag:s17] =	ssyncset.done $0x0  }
0x176: {  	s13 =	rddreg [dreg:$0x12];
	[sflag:s17] =	ssyncadd.s32 $0xFFFFD800  }
0x177: {  	[tilespmem:s21], [sflag:$0x3] =	stream.indirect.gather [hbm4b:s5+s19], $0x80, s13, s19, $0xb8;
	[tilespmem:$0x1D800] =	vst v63  }
0x178: {  	_ =	swait.ge [sflag:s22], $0x2800  }
0x179: {  	[sflag:s22] =	ssyncset.done $0x0  }
0x17a: {  	s13 =	rddreg [dreg:$0x13];
	[sflag:s22] =	ssyncadd.s32 $0xFFFFD800  }
0x17b: {  	[spmem:s3] =	stream.indirect.scatter.add.f32 [tilespmem:s16], [sflag:$0x4], $0x80, s13, s19, $0xb8;
	[tilespmem:$0x1D800] =	vst v63  }
0x17c: {  	_ =	swait.ge [sflag:s17], $0x2800  }
0x17d: {  	[sflag:s17] =	ssyncset.done $0x0  }
0x17e: {  	s13 =	rddreg [dreg:$0x14];
	[sflag:s17] =	ssyncadd.s32 $0xFFFFD800  }
0x17f: {  	[tilespmem:s16], [sflag:$0x1] =	stream.indirect.gather [hbm4b:s5+s19], $0x80, s13, s19, $0xb8;
	[tilespmem:$0x1D800] =	vst v63  }
0x180: {  	_ =	swait.ge [sflag:s23], $0x2800  }
0x181: {  	[sflag:s23] =	ssyncset.done $0x0  }
0x182: {  	s13 =	rddreg [dreg:$0x15];
	[sflag:s23] =	ssyncadd.s32 $0xFFFFD800  }
0x183: {  	[spmem:s3] =	stream.indirect.scatter.add.f32 [tilespmem:s20], [sflag:$0x4], $0x80, s13, s19, $0xb8;
	[tilespmem:$0x1D800] =	vst v63  }
0x184: {  	_ =	swait.ge [sflag:s17], $0x2800  }
0x185: {  	[sflag:s17] =	ssyncset.done $0x0  }
0x186: {  	s13 =	rddreg [dreg:$0x16];
	[sflag:s17] =	ssyncadd.s32 $0xFFFFD800  }
0x187: {  	[tilespmem:s20], [sflag:$0x2] =	stream.indirect.gather [hbm4b:s5+s19], $0x80, s13, s19, $0xb8;
	[tilespmem:$0x1D800] =	vst v63  }
0x188: {  	_ =	swait.ge [sflag:s24], $0x2800  }
0x189: {  	[sflag:s24] =	ssyncset.done $0x0  }
0x18a: {  	s13 =	rddreg [dreg:$0x17];
	[sflag:s24] =	ssyncadd.s32 $0xFFFFD800  }
0x18b: {  	[spmem:s3] =	stream.indirect.scatter.add.f32 [tilespmem:s21], [sflag:$0x4], $0x80, s13, s19, $0xb8;
	[tilespmem:$0x1D800] =	vst v63  }
0x18c: {  	_ =	swait.ge [sflag:s17], $0x2800  }
0x18d: {  	[sflag:s17] =	ssyncset.done $0x0  }
0x18e: {  	s13 =	rddreg [dreg:$0x18];
	[sflag:s17] =	ssyncadd.s32 $0xFFFFD800  }
0x18f: {  	[tilespmem:s21], [sflag:$0x3] =	stream.indirect.gather [hbm4b:s5+s19], $0x80, s13, s19, $0xb8;
	[tilespmem:$0x1D800] =	vst v63  }
0x190: {  	_ =	swait.ge [sflag:s22], $0x2800  }
0x191: {  	[sflag:s22] =	ssyncset.done $0x0  }
0x192: {  	s13 =	rddreg [dreg:$0x19];
	[sflag:s22] =	ssyncadd.s32 $0xFFFFD800  }
0x193: {  	[spmem:s3] =	stream.indirect.scatter.add.f32 [tilespmem:s16], [sflag:$0x4], $0x80, s13, s19, $0xb8;
	[tilespmem:$0x1D800] =	vst v63  }
0x194: {  	_ =	swait.ge [sflag:s17], $0x2800  }
0x195: {  	[sflag:s17] =	ssyncset.done $0x0  }
0x196: {  	s13 =	rddreg [dreg:$0x1a];
	[sflag:s17] =	ssyncadd.s32 $0xFFFFD800  }
0x197: {  	[tilespmem:s16], [sflag:$0x1] =	stream.indirect.gather [hbm4b:s5+s19], $0x80, s13, s19, $0xb8;
	[tilespmem:$0x1D800] =	vst v63  }
0x198: {  	_ =	swait.ge [sflag:s23], $0x2800  }
0x199: {  	[sflag:s23] =	ssyncset.done $0x0  }
0x19a: {  	s13 =	rddreg [dreg:$0x1b];
	[sflag:s23] =	ssyncadd.s32 $0xFFFFD800  }
0x19b: {  	[spmem:s3] =	stream.indirect.scatter.add.f32 [tilespmem:s20], [sflag:$0x4], $0x80, s13, s19, $0xb8;
	[tilespmem:$0x1D800] =	vst v63  }
0x19c: {  	_ =	swait.ge [sflag:s17], $0x2800  }
0x19d: {  	[sflag:s17] =	ssyncset.done $0x0  }
0x19e: {  	s13 =	rddreg [dreg:$0x1c];
	[sflag:s17] =	ssyncadd.s32 $0xFFFFD800  }
0x19f: {  	[tilespmem:s20], [sflag:$0x2] =	stream.indirect.gather [hbm4b:s5+s19], $0x80, s13, s19, $0xb8;
	[tilespmem:$0x1D800] =	vst v63  }
0x1a0: {  	_ =	swait.ge [sflag:s24], $0x2800  }
0x1a1: {  	[sflag:s24] =	ssyncset.done $0x0  }
0x1a2: {  	s13 =	rddreg [dreg:$0x1d];
	[sflag:s24] =	ssyncadd.s32 $0xFFFFD800  }
0x1a3: {  	[spmem:s3] =	stream.indirect.scatter.add.f32 [tilespmem:s21], [sflag:$0x4], $0x80, s13, s19, $0xb8;
	[tilespmem:$0x1D800] =	vst v63  }
0x1a4: {  	_ =	swait.ge [sflag:s17], $0x2800  }
0x1a5: {  	[sflag:s17] =	ssyncset.done $0x0  }
0x1a6: {  	s13 =	rddreg [dreg:$0x1e];
	[sflag:s17] =	ssyncadd.s32 $0xFFFFD800  }
0x1a7: {  	[tilespmem:s21], [sflag:$0x3] =	stream.indirect.gather [hbm4b:s5+s19], $0x80, s13, s19, $0xb8;
	[tilespmem:$0x1D800] =	vst v63  }
0x1a8: {  	_ =	swait.ge [sflag:s22], $0x2800  }
0x1a9: {  	[sflag:s22] =	ssyncset.done $0x0  }
0x1aa: {  	s13 =	rddreg [dreg:$0x1f];
	[sflag:s22] =	ssyncadd.s32 $0xFFFFD800  }
0x1ab: {  	[spmem:s3] =	stream.indirect.scatter.add.f32 [tilespmem:s16], [sflag:$0x4], $0x80, s13, s19, $0xb8;
	[tilespmem:$0x1D800] =	vst v63  }
0x1ac: {  	_ =	swait.ge [sflag:s17], $0x2800  }
0x1ad: {  	s13 =	sld [smem:$0x7F6]  }
0x1ae: {  	[sflag:s17] =	ssyncset.done $0x0  }
0x1af: {  	[sflag:s17] =	ssyncadd.s32 $0xFFFFD800  }
0x1b0: {  	[tilespmem:s16], [sflag:$0x1] =	stream.indirect.gather [hbm4b:s5+s19], $0x80, s13, s19, $0xb8;
	[tilespmem:$0x1D800] =	vst v63  }
0x1b1: {  	_ =	swait.ge [sflag:s23], $0x2800  }
0x1b2: {  	s13 =	sld [smem:$0x7F7]  }
0x1b3: {  	[sflag:s23] =	ssyncset.done $0x0  }
0x1b4: {  	[sflag:s23] =	ssyncadd.s32 $0xFFFFD800  }
0x1b5: {  	[spmem:s3] =	stream.indirect.scatter.add.f32 [tilespmem:s20], [sflag:$0x4], $0x80, s13, s19, $0xb8;
	[tilespmem:$0x1D800] =	vst v63  }
0x1b6: {  	_ =	swait.ge [sflag:s17], $0x2800  }
0x1b7: {  	s13 =	sld [smem:$0x7F8]  }
0x1b8: {  	[sflag:s17] =	ssyncset.done $0x0  }
0x1b9: {  	[sflag:s17] =	ssyncadd.s32 $0xFFFFD800  }
0x1ba: {  	[tilespmem:s20], [sflag:$0x2] =	stream.indirect.gather [hbm4b:s5+s19], $0x80, s13, s19, $0xb8;
	[tilespmem:$0x1D800] =	vst v63  }
0x1bb: {  	_ =	swait.ge [sflag:s24], $0x2800  }
0x1bc: {  	s13 =	sld [smem:$0x7F9]  }
0x1bd: {  	[sflag:s24] =	ssyncset.done $0x0  }
0x1be: {  	[sflag:s24] =	ssyncadd.s32 $0xFFFFD800  }
0x1bf: {  	[spmem:s3] =	stream.indirect.scatter.add.f32 [tilespmem:s21], [sflag:$0x4], $0x80, s13, s19, $0xb8;
	[tilespmem:$0x1D800] =	vst v63  }
0x1c0: {  	_ =	swait.ge [sflag:s17], $0x2800  }
0x1c1: {  	s13 =	sld [smem:$0x7FA]  }
0x1c2: {  	[sflag:s17] =	ssyncset.done $0x0  }
0x1c3: {  	[sflag:s17] =	ssyncadd.s32 $0xFFFFD800  }
0x1c4: {  	[tilespmem:s21], [sflag:$0x3] =	stream.indirect.gather [hbm4b:s5+s19], $0x80, s13, s19, $0xb8;
	[tilespmem:$0x1D800] =	vst v63  }
0x1c5: {  	_ =	swait.ge [sflag:s22], $0x2800  }
0x1c6: {  	s13 =	sld [smem:$0x7FB]  }
0x1c7: {  	[sflag:s22] =	ssyncset.done $0x0  }
0x1c8: {  	[sflag:s22] =	ssyncadd.s32 $0xFFFFD800  }
0x1c9: {  	[spmem:s3] =	stream.indirect.scatter.add.f32 [tilespmem:s16], [sflag:$0x4], $0x80, s13, s19, $0xb8;
	[tilespmem:$0x1D800] =	vst v63  }
0x1ca: {  	_ =	swait.ge [sflag:s17], $0x2800  }
0x1cb: {  	s13 =	sld [smem:$0x7FC]  }
0x1cc: {  	[sflag:s17] =	ssyncset.done $0x0  }
0x1cd: {  	[sflag:s17] =	ssyncadd.s32 $0xFFFFD800  }
0x1ce: {  	[tilespmem:s16], [sflag:$0x1] =	stream.indirect.gather [hbm4b:s5+s19], $0x80, s13, s19, $0xb8;
	[tilespmem:$0x1D800] =	vst v63  }
0x1cf: {  	_ =	swait.ge [sflag:s23], $0x2800  }
0x1d0: {  	[sflag:s23] =	ssyncset.done $0x0  }
0x1d1: {  	[sflag:s23] =	ssyncadd.s32 $0xFFFFD800  }
0x1d2: {  	[spmem:s3] =	stream.indirect.scatter.add.f32 [tilespmem:s20], [sflag:$0x4], $0x80, s25, s19, $0xb8;
	[tilespmem:$0x1D800] =	vst v63  }
0x1d3: {  	_ =	swait.ge [sflag:s17], $0x2800  }
0x1d4: {  	[sflag:s17] =	ssyncset.done $0x0  }
0x1d5: {  	[sflag:s17] =	ssyncadd.s32 $0xFFFFD800  }
0x1d6: {  	[tilespmem:s20], [sflag:$0x2] =	stream.indirect.gather [hbm4b:s5+s19], $0x80, s26, s19, $0xb8;
	[tilespmem:$0x1D800] =	vst v63  }
0x1d7: {  	_ =	swait.ge [sflag:s24], $0x2800  }
0x1d8: {  	[sflag:s24] =	ssyncset.done $0x0  }
0x1d9: {  	[sflag:s24] =	ssyncadd.s32 $0xFFFFD800  }
0x1da: {  	[spmem:s3] =	stream.indirect.scatter.add.f32 [tilespmem:s21], [sflag:$0x4], $0x80, s28, s19, $0xb8;
	[tilespmem:$0x1D800] =	vst v63  }
0x1db: {  	_ =	swait.ge [sflag:s17], $0x2800  }
0x1dc: {  	[sflag:s17] =	ssyncset.done $0x0  }
0x1dd: {  	[sflag:s17] =	ssyncadd.s32 $0xFFFFD800  }
0x1de: {  	[tilespmem:s21], [sflag:$0x3] =	stream.indirect.gather [hbm4b:s5+s19], $0x80, s29, s19, $0xb8;
	[tilespmem:$0x1D800] =	vst v63  }
0x1df: {  	_ =	swait.ge [sflag:s22], $0x2800  }
0x1e0: {  	[sflag:s22] =	ssyncset.done $0x0  }
0x1e1: {  	[sflag:s22] =	ssyncadd.s32 $0xFFFFD800  }
0x1e2: {  	[spmem:s3] =	stream.indirect.scatter.add.f32 [tilespmem:s16], [sflag:$0x4], $0x80, s30, s19, $0xb8;
	[tilespmem:$0x1D800] =	vst v63  }
0x1e3: {  	_ =	swait.ge [sflag:s17], $0x2800  }
0x1e4: {  	[sflag:s17] =	ssyncset.done $0x0  }
0x1e5: {  	[sflag:s17] =	ssyncadd.s32 $0xFFFFD800  }
0x1e6: {  	[tilespmem:s16], [sflag:$0x1] =	stream.indirect.gather [hbm4b:s5+s19], $0x80, s31, s19, $0xb8;
	[tilespmem:$0x1D800] =	vst v63  }
0x1e7: {  	_ =	swait.ge [sflag:s23], $0x2800  }
0x1e8: {  	[sflag:s23] =	ssyncset.done $0x0  }
0x1e9: {  	[sflag:s23] =	ssyncadd.s32 $0xFFFFD800  }
0x1ea: {  	[spmem:s3] =	stream.indirect.scatter.add.f32 [tilespmem:s20], [sflag:$0x4], $0x80, s0, s19, $0xb8;
	[tilespmem:$0x1D800] =	vst v63  }
0x1eb: {  	_ =	swait.ge [sflag:s17], $0x2800  }
0x1ec: {  	[sflag:s17] =	ssyncset.done $0x0  }
0x1ed: {  	[sflag:s17] =	ssyncadd.s32 $0xFFFFD800  }
0x1ee: {  	[tilespmem:s20], [sflag:$0x2] =	stream.indirect.gather [hbm4b:s5+s19], $0x80, s1, s19, $0xb8;
	[tilespmem:$0x1D800] =	vst v63  }
0x1ef: {  	_ =	swait.ge [sflag:s24], $0x2800  }
0x1f0: {  	[sflag:s24] =	ssyncset.done $0x0  }
0x1f1: {  	[sflag:s24] =	ssyncadd.s32 $0xFFFFD800  }
0x1f2: {  	[spmem:s3] =	stream.indirect.scatter.add.f32 [tilespmem:s21], [sflag:$0x4], $0x80, s2, s19, $0xb8;
	[tilespmem:$0x1D800] =	vst v63  }
0x1f3: {  	_ =	swait.ge [sflag:s17], $0x2800  }
0x1f4: {  	[sflag:s17] =	ssyncset.done $0x0  }
0x1f5: {  	[sflag:s17] =	ssyncadd.s32 $0xFFFFD800  }
0x1f6: {  	[tilespmem:s21], [sflag:$0x3] =	stream.indirect.gather [hbm4b:s5+s19], $0x80, s7, s19, $0xb8;
	[tilespmem:$0x1D800] =	vst v63  }
0x1f7: {  	_ =	swait.ge [sflag:s22], $0x2800  }
0x1f8: {  	[sflag:s22] =	ssyncset.done $0x0  }
0x1f9: {  	[sflag:s22] =	ssyncadd.s32 $0xFFFFD800  }
0x1fa: {  	[spmem:s3] =	stream.indirect.scatter.add.f32 [tilespmem:s16], [sflag:$0x4], $0x80, s8, s19, $0xb8;
	[tilespmem:$0x1D800] =	vst v63  }
0x1fb: {  	_ =	swait.ge [sflag:s17], $0x2800  }
0x1fc: {  	[sflag:s17] =	ssyncset.done $0x0  }
0x1fd: {  	[sflag:s17] =	ssyncadd.s32 $0xFFFFD800  }
0x1fe: {  	[tilespmem:s16], [sflag:$0x1] =	stream.indirect.gather [hbm4b:s5+s19], $0x80, s9, s19, $0xb8;
	[tilespmem:$0x1D800] =	vst v63  }
0x1ff: {  	_ =	swait.ge [sflag:s23], $0x2800  }
0x200: {  	[sflag:s23] =	ssyncset.done $0x0  }
0x201: {  	[sflag:s23] =	ssyncadd.s32 $0xFFFFD800  }
0x202: {  	[spmem:s3] =	stream.indirect.scatter.add.f32 [tilespmem:s20], [sflag:$0x4], $0x80, s10, s19, $0xb8;
	[tilespmem:$0x1D800] =	vst v63  }
0x203: {  	_ =	swait.ge [sflag:s17], $0x2800  }
0x204: {  	[sflag:s17] =	ssyncset.done $0x0  }
0x205: {  	[sflag:s17] =	ssyncadd.s32 $0xFFFFD800  }
0x206: {  	_ =	swait.ge [sflag:s24], $0x2800  }
0x207: {  	[sflag:s24] =	ssyncset.done $0x0  }
0x208: {  	[sflag:s24] =	ssyncadd.s32 $0xFFFFD800  }
0x209: {  	[spmem:s3] =	stream.indirect.scatter.add.f32 [tilespmem:s21], [sflag:$0x4], $0x80, s11, s19, $0xb8;
	[tilespmem:$0x1D800] =	vst v63  }
0x20a: {  	_ =	swait.ge [sflag:s17], $0x2800  }
0x20b: {  	[sflag:s17] =	ssyncset.done $0x0  }
0x20c: {  	[sflag:s17] =	ssyncadd.s32 $0xFFFFD800  }
0x20d: {  	p0 =	sne.s32 s15, $0x10000;
	_ =	swait.ge [sflag:s22], $0x2800  }
.Ltmp0:
0x20e: {  	[sflag:s22] =	ssyncset.done $0x0;
	(pc) =	sbr.rel @p0 .LBB2_2-.Ltmp0, $4  }
0x20f: {  	[sflag:s22] =	ssyncadd.s32 $0xFFFFD800  }
0x210: {  	[spmem:s3] =	stream.indirect.scatter.add.f32 [tilespmem:s16], [sflag:$0x4], $0x80, s12, s19, $0xb8;
	[tilespmem:$0x1D800] =	vst v63  }
0x211: {  	_ =	swait.ge [sflag:s17], $0x2800  }
0x212: {  	s15 =	sadd.s32 $0x4000, s15;
	s6 =	rddreg [dreg:$0x4];
	[sflag:s17] =	ssyncset.done $0x0  }
0x213: {  	[sflag:s17] =	ssyncadd.s32 $0xFFFFD800;
	s6 =	sadd.s32 s14, s6  }
0x214: {  	[tilespmem:s4], [sflag:$0x4] =	stream.linear.gather [hbm4b:s6+s4], $0xC80, $0x38;
	[tilespmem:$0x1D800] =	vst v63  }
0x215: {  	_ =	swait.ge [sflag:s17], $0xC80  }
0x216: {  	s13 =	rddreg [dreg:$0x5];
	[sflag:s17] =	ssyncset.done $0x0  }
0x217: {  	[sflag:s17] =	ssyncadd.s32 $0xFFFFF380;
	s6 =	sadd.s32 s14, s13  }
0x218: {  	[tilespmem:s18], [sflag:$0x4] =	stream.linear.gather [hbm4b:s6+s4], $0xC80, $0x38;
	[tilespmem:$0x1D800] =	vst v63  }
0x219: {  	_ =	swait.ge [sflag:s17], $0xC80  }
0x21a: {  	[sflag:s17] =	ssyncset.done $0x0  }
0x21b: {  	[sflag:s17] =	ssyncadd.s32 $0xFFFFF380  }
0x21c: {  	[tilespmem:s16], [sflag:$0x1] =	stream.indirect.gather [hbm4b:s5+s19], $0x80, s4, s19, $0xb8;
	[tilespmem:$0x1D800] =	vst v63  }
0x21d: {  	s15 =	rddreg [dreg:$0x6]  }
0x21e: {  	[tilespmem:s20], [sflag:$0x2] =	stream.indirect.gather [hbm4b:s5+s19], $0x80, s15, s19, $0xb8;
	[tilespmem:$0x1D800] =	vst v63  }
0x21f: {  	s13 =	rddreg [dreg:$0x7]  }
0x220: {  	[tilespmem:s21], [sflag:$0x3] =	stream.indirect.gather [hbm4b:s5+s19], $0x80, s13, s19, $0xb8;
	[tilespmem:$0x1D800] =	vst v63  }
0x221: {  	_ =	swait.ge [sflag:s22], $0x2800  }
0x222: {  	[sflag:s22] =	ssyncset.done $0x0  }
0x223: {  	[sflag:s22] =	ssyncadd.s32 $0xFFFFD800  }
0x224: {  	[spmem:s3] =	stream.indirect.scatter.add.f32 [tilespmem:s16], [sflag:$0x4], $0x80, s18, s19, $0xb8;
	[tilespmem:$0x1D800] =	vst v63  }
0x225: {  	_ =	swait.ge [sflag:s17], $0x2800  }
0x226: {  	[sflag:s17] =	ssyncset.done $0x0  }
0x227: {  	s14 =	rddreg [dreg:$0x8];
	[sflag:s17] =	ssyncadd.s32 $0xFFFFD800  }
0x228: {  	[tilespmem:s16], [sflag:$0x1] =	stream.indirect.gather [hbm4b:s5+s19], $0x80, s14, s19, $0xb8;
	[tilespmem:$0x1D800] =	vst v63  }
0x229: {  	_ =	swait.ge [sflag:s23], $0x2800  }
0x22a: {  	[sflag:s23] =	ssyncset.done $0x0  }
0x22b: {  	s15 =	rddreg [dreg:$0x9];
	[sflag:s23] =	ssyncadd.s32 $0xFFFFD800  }
0x22c: {  	[spmem:s3] =	stream.indirect.scatter.add.f32 [tilespmem:s20], [sflag:$0x4], $0x80, s15, s19, $0xb8;
	[tilespmem:$0x1D800] =	vst v63  }
0x22d: {  	_ =	swait.ge [sflag:s17], $0x2800  }
0x22e: {  	[sflag:s17] =	ssyncset.done $0x0  }
0x22f: {  	s13 =	rddreg [dreg:$0xa];
	[sflag:s17] =	ssyncadd.s32 $0xFFFFD800  }
0x230: {  	[tilespmem:s20], [sflag:$0x2] =	stream.indirect.gather [hbm4b:s5+s19], $0x80, s13, s19, $0xb8;
	[tilespmem:$0x1D800] =	vst v63  }
0x231: {  	_ =	swait.ge [sflag:s24], $0x2800  }
0x232: {  	[sflag:s24] =	ssyncset.done $0x0  }
0x233: {  	s14 =	rddreg [dreg:$0xb];
	[sflag:s24] =	ssyncadd.s32 $0xFFFFD800  }
0x234: {  	[spmem:s3] =	stream.indirect.scatter.add.f32 [tilespmem:s21], [sflag:$0x4], $0x80, s14, s19, $0xb8;
	[tilespmem:$0x1D800] =	vst v63  }
0x235: {  	_ =	swait.ge [sflag:s17], $0x2800  }
0x236: {  	[sflag:s17] =	ssyncset.done $0x0  }
0x237: {  	s15 =	rddreg [dreg:$0xc];
	[sflag:s17] =	ssyncadd.s32 $0xFFFFD800  }
0x238: {  	[tilespmem:s21], [sflag:$0x3] =	stream.indirect.gather [hbm4b:s5+s19], $0x80, s15, s19, $0xb8;
	[tilespmem:$0x1D800] =	vst v63  }
0x239: {  	_ =	swait.ge [sflag:s22], $0x2800  }
0x23a: {  	[sflag:s22] =	ssyncset.done $0x0  }
0x23b: {  	s13 =	rddreg [dreg:$0xd];
	[sflag:s22] =	ssyncadd.s32 $0xFFFFD800  }
0x23c: {  	[spmem:s3] =	stream.indirect.scatter.add.f32 [tilespmem:s16], [sflag:$0x4], $0x80, s13, s19, $0xb8;
	[tilespmem:$0x1D800] =	vst v63  }
0x23d: {  	_ =	swait.ge [sflag:s17], $0x2800  }
0x23e: {  	[sflag:s17] =	ssyncset.done $0x0  }
0x23f: {  	s14 =	rddreg [dreg:$0xe];
	[sflag:s17] =	ssyncadd.s32 $0xFFFFD800  }
0x240: {  	[tilespmem:s16], [sflag:$0x1] =	stream.indirect.gather [hbm4b:s5+s19], $0x80, s14, s19, $0xb8;
	[tilespmem:$0x1D800] =	vst v63  }
0x241: {  	_ =	swait.ge [sflag:s23], $0x2800  }
0x242: {  	[sflag:s23] =	ssyncset.done $0x0  }
0x243: {  	s15 =	rddreg [dreg:$0xf];
	[sflag:s23] =	ssyncadd.s32 $0xFFFFD800  }
0x244: {  	[spmem:s3] =	stream.indirect.scatter.add.f32 [tilespmem:s20], [sflag:$0x4], $0x80, s15, s19, $0xb8;
	[tilespmem:$0x1D800] =	vst v63  }
0x245: {  	_ =	swait.ge [sflag:s17], $0x2800  }
0x246: {  	[sflag:s17] =	ssyncset.done $0x0  }
0x247: {  	s13 =	rddreg [dreg:$0x10];
	[sflag:s17] =	ssyncadd.s32 $0xFFFFD800  }
0x248: {  	[tilespmem:s20], [sflag:$0x2] =	stream.indirect.gather [hbm4b:s5+s19], $0x80, s13, s19, $0xb8;
	[tilespmem:$0x1D800] =	vst v63  }
0x249: {  	_ =	swait.ge [sflag:s24], $0x2800  }
0x24a: {  	[sflag:s24] =	ssyncset.done $0x0  }
0x24b: {  	s14 =	rddreg [dreg:$0x11];
	[sflag:s24] =	ssyncadd.s32 $0xFFFFD800  }
0x24c: {  	[spmem:s3] =	stream.indirect.scatter.add.f32 [tilespmem:s21], [sflag:$0x4], $0x80, s14, s19, $0xb8;
	[tilespmem:$0x1D800] =	vst v63  }
0x24d: {  	_ =	swait.ge [sflag:s17], $0x2800  }
0x24e: {  	[sflag:s17] =	ssyncset.done $0x0  }
0x24f: {  	s15 =	rddreg [dreg:$0x12];
	[sflag:s17] =	ssyncadd.s32 $0xFFFFD800  }
0x250: {  	[tilespmem:s21], [sflag:$0x3] =	stream.indirect.gather [hbm4b:s5+s19], $0x80, s15, s19, $0xb8;
	[tilespmem:$0x1D800] =	vst v63  }
0x251: {  	_ =	swait.ge [sflag:s22], $0x2800  }
0x252: {  	[sflag:s22] =	ssyncset.done $0x0  }
0x253: {  	s13 =	rddreg [dreg:$0x13];
	[sflag:s22] =	ssyncadd.s32 $0xFFFFD800  }
0x254: {  	[spmem:s3] =	stream.indirect.scatter.add.f32 [tilespmem:s16], [sflag:$0x4], $0x80, s13, s19, $0xb8;
	[tilespmem:$0x1D800] =	vst v63  }
0x255: {  	_ =	swait.ge [sflag:s17], $0x2800  }
0x256: {  	[sflag:s17] =	ssyncset.done $0x0  }
0x257: {  	s14 =	rddreg [dreg:$0x14];
	[sflag:s17] =	ssyncadd.s32 $0xFFFFD800  }
0x258: {  	[tilespmem:s16], [sflag:$0x1] =	stream.indirect.gather [hbm4b:s5+s19], $0x80, s14, s19, $0xb8;
	[tilespmem:$0x1D800] =	vst v63  }
0x259: {  	_ =	swait.ge [sflag:s23], $0x2800  }
0x25a: {  	[sflag:s23] =	ssyncset.done $0x0  }
0x25b: {  	s15 =	rddreg [dreg:$0x15];
	[sflag:s23] =	ssyncadd.s32 $0xFFFFD800  }
0x25c: {  	[spmem:s3] =	stream.indirect.scatter.add.f32 [tilespmem:s20], [sflag:$0x4], $0x80, s15, s19, $0xb8;
	[tilespmem:$0x1D800] =	vst v63  }
0x25d: {  	_ =	swait.ge [sflag:s17], $0x2800  }
0x25e: {  	[sflag:s17] =	ssyncset.done $0x0  }
0x25f: {  	s13 =	rddreg [dreg:$0x16];
	[sflag:s17] =	ssyncadd.s32 $0xFFFFD800  }
0x260: {  	[tilespmem:s20], [sflag:$0x2] =	stream.indirect.gather [hbm4b:s5+s19], $0x80, s13, s19, $0xb8;
	[tilespmem:$0x1D800] =	vst v63  }
0x261: {  	_ =	swait.ge [sflag:s24], $0x2800  }
0x262: {  	[sflag:s24] =	ssyncset.done $0x0  }
0x263: {  	s14 =	rddreg [dreg:$0x17];
	[sflag:s24] =	ssyncadd.s32 $0xFFFFD800  }
0x264: {  	[spmem:s3] =	stream.indirect.scatter.add.f32 [tilespmem:s21], [sflag:$0x4], $0x80, s14, s19, $0xb8;
	[tilespmem:$0x1D800] =	vst v63  }
0x265: {  	_ =	swait.ge [sflag:s17], $0x2800  }
0x266: {  	[sflag:s17] =	ssyncset.done $0x0  }
0x267: {  	s15 =	rddreg [dreg:$0x18];
	[sflag:s17] =	ssyncadd.s32 $0xFFFFD800  }
0x268: {  	[tilespmem:s21], [sflag:$0x3] =	stream.indirect.gather [hbm4b:s5+s19], $0x80, s15, s19, $0xb8;
	[tilespmem:$0x1D800] =	vst v63  }
0x269: {  	_ =	swait.ge [sflag:s22], $0x2800  }
0x26a: {  	[sflag:s22] =	ssyncset.done $0x0  }
0x26b: {  	s13 =	rddreg [dreg:$0x19];
	[sflag:s22] =	ssyncadd.s32 $0xFFFFD800  }
0x26c: {  	[spmem:s3] =	stream.indirect.scatter.add.f32 [tilespmem:s16], [sflag:$0x4], $0x80, s13, s19, $0xb8;
	[tilespmem:$0x1D800] =	vst v63  }
0x26d: {  	_ =	swait.ge [sflag:s17], $0x2800  }
0x26e: {  	[sflag:s17] =	ssyncset.done $0x0  }
0x26f: {  	s14 =	rddreg [dreg:$0x1a];
	[sflag:s17] =	ssyncadd.s32 $0xFFFFD800  }
0x270: {  	[tilespmem:s16], [sflag:$0x1] =	stream.indirect.gather [hbm4b:s5+s19], $0x80, s14, s19, $0xb8;
	[tilespmem:$0x1D800] =	vst v63  }
0x271: {  	_ =	swait.ge [sflag:s23], $0x2800  }
0x272: {  	[sflag:s23] =	ssyncset.done $0x0  }
0x273: {  	s15 =	rddreg [dreg:$0x1b];
	[sflag:s23] =	ssyncadd.s32 $0xFFFFD800  }
0x274: {  	[spmem:s3] =	stream.indirect.scatter.add.f32 [tilespmem:s20], [sflag:$0x4], $0x80, s15, s19, $0xb8;
	[tilespmem:$0x1D800] =	vst v63  }
0x275: {  	_ =	swait.ge [sflag:s17], $0x2800  }
0x276: {  	[sflag:s17] =	ssyncset.done $0x0  }
0x277: {  	s13 =	rddreg [dreg:$0x1c];
	[sflag:s17] =	ssyncadd.s32 $0xFFFFD800  }
0x278: {  	[tilespmem:s20], [sflag:$0x2] =	stream.indirect.gather [hbm4b:s5+s19], $0x80, s13, s19, $0xb8;
	[tilespmem:$0x1D800] =	vst v63  }
0x279: {  	_ =	swait.ge [sflag:s24], $0x2800  }
0x27a: {  	[sflag:s24] =	ssyncset.done $0x0  }
0x27b: {  	s14 =	rddreg [dreg:$0x1d];
	[sflag:s24] =	ssyncadd.s32 $0xFFFFD800  }
0x27c: {  	[spmem:s3] =	stream.indirect.scatter.add.f32 [tilespmem:s21], [sflag:$0x4], $0x80, s14, s19, $0xb8;
	[tilespmem:$0x1D800] =	vst v63  }
0x27d: {  	_ =	swait.ge [sflag:s17], $0x2800  }
0x27e: {  	[sflag:s17] =	ssyncset.done $0x0  }
0x27f: {  	s15 =	rddreg [dreg:$0x1e];
	[sflag:s17] =	ssyncadd.s32 $0xFFFFD800  }
0x280: {  	[tilespmem:s21], [sflag:$0x3] =	stream.indirect.gather [hbm4b:s5+s19], $0x80, s15, s19, $0xb8;
	[tilespmem:$0x1D800] =	vst v63  }
0x281: {  	_ =	swait.ge [sflag:s22], $0x2800  }
0x282: {  	[sflag:s22] =	ssyncset.done $0x0  }
0x283: {  	s13 =	rddreg [dreg:$0x1f];
	[sflag:s22] =	ssyncadd.s32 $0xFFFFD800  }
0x284: {  	[spmem:s3] =	stream.indirect.scatter.add.f32 [tilespmem:s16], [sflag:$0x4], $0x80, s13, s19, $0xb8;
	[tilespmem:$0x1D800] =	vst v63  }
0x285: {  	_ =	swait.ge [sflag:s17], $0x2800  }
0x286: {  	s14 =	sld [smem:$0x7F6]  }
0x287: {  	[sflag:s17] =	ssyncset.done $0x0  }
0x288: {  	[sflag:s17] =	ssyncadd.s32 $0xFFFFD800  }
0x289: {  	[tilespmem:s16], [sflag:$0x1] =	stream.indirect.gather [hbm4b:s5+s19], $0x80, s14, s19, $0xb8;
	[tilespmem:$0x1D800] =	vst v63  }
0x28a: {  	_ =	swait.ge [sflag:s23], $0x2800  }
0x28b: {  	s15 =	sld [smem:$0x7F7]  }
0x28c: {  	[sflag:s23] =	ssyncset.done $0x0  }
0x28d: {  	[sflag:s23] =	ssyncadd.s32 $0xFFFFD800  }
0x28e: {  	[spmem:s3] =	stream.indirect.scatter.add.f32 [tilespmem:s20], [sflag:$0x4], $0x80, s15, s19, $0xb8;
	[tilespmem:$0x1D800] =	vst v63  }
0x28f: {  	_ =	swait.ge [sflag:s17], $0x2800  }
0x290: {  	s13 =	sld [smem:$0x7F8]  }
0x291: {  	[sflag:s17] =	ssyncset.done $0x0  }
0x292: {  	[sflag:s17] =	ssyncadd.s32 $0xFFFFD800  }
0x293: {  	[tilespmem:s20], [sflag:$0x2] =	stream.indirect.gather [hbm4b:s5+s19], $0x80, s13, s19, $0xb8;
	[tilespmem:$0x1D800] =	vst v63  }
0x294: {  	_ =	swait.ge [sflag:s24], $0x2800  }
0x295: {  	s14 =	sld [smem:$0x7F9]  }
0x296: {  	[sflag:s24] =	ssyncset.done $0x0  }
0x297: {  	[sflag:s24] =	ssyncadd.s32 $0xFFFFD800  }
0x298: {  	[spmem:s3] =	stream.indirect.scatter.add.f32 [tilespmem:s21], [sflag:$0x4], $0x80, s14, s19, $0xb8;
	[tilespmem:$0x1D800] =	vst v63  }
0x299: {  	_ =	swait.ge [sflag:s17], $0x2800  }
0x29a: {  	s15 =	sld [smem:$0x7FA]  }
0x29b: {  	[sflag:s17] =	ssyncset.done $0x0  }
0x29c: {  	[sflag:s17] =	ssyncadd.s32 $0xFFFFD800  }
0x29d: {  	[tilespmem:s21], [sflag:$0x3] =	stream.indirect.gather [hbm4b:s5+s19], $0x80, s15, s19, $0xb8;
	[tilespmem:$0x1D800] =	vst v63  }
0x29e: {  	_ =	swait.ge [sflag:s22], $0x2800  }
0x29f: {  	s13 =	sld [smem:$0x7FB]  }
0x2a0: {  	[sflag:s22] =	ssyncset.done $0x0  }
0x2a1: {  	[sflag:s22] =	ssyncadd.s32 $0xFFFFD800  }
0x2a2: {  	[spmem:s3] =	stream.indirect.scatter.add.f32 [tilespmem:s16], [sflag:$0x4], $0x80, s13, s19, $0xb8;
	[tilespmem:$0x1D800] =	vst v63  }
0x2a3: {  	_ =	swait.ge [sflag:s17], $0x2800  }
0x2a4: {  	s14 =	sld [smem:$0x7FC]  }
0x2a5: {  	[sflag:s17] =	ssyncset.done $0x0  }
0x2a6: {  	[sflag:s17] =	ssyncadd.s32 $0xFFFFD800  }
0x2a7: {  	[tilespmem:s16], [sflag:$0x1] =	stream.indirect.gather [hbm4b:s5+s19], $0x80, s14, s19, $0xb8;
	[tilespmem:$0x1D800] =	vst v63  }
0x2a8: {  	_ =	swait.ge [sflag:s23], $0x2800  }
0x2a9: {  	[sflag:s23] =	ssyncset.done $0x0  }
0x2aa: {  	[sflag:s23] =	ssyncadd.s32 $0xFFFFD800  }
0x2ab: {  	[spmem:s3] =	stream.indirect.scatter.add.f32 [tilespmem:s20], [sflag:$0x4], $0x80, s25, s19, $0xb8;
	[tilespmem:$0x1D800] =	vst v63  }
0x2ac: {  	_ =	swait.ge [sflag:s17], $0x2800  }
0x2ad: {  	[sflag:s17] =	ssyncset.done $0x0  }
0x2ae: {  	[sflag:s17] =	ssyncadd.s32 $0xFFFFD800  }
0x2af: {  	[tilespmem:s20], [sflag:$0x2] =	stream.indirect.gather [hbm4b:s5+s19], $0x80, s26, s19, $0xb8;
	[tilespmem:$0x1D800] =	vst v63  }
0x2b0: {  	_ =	swait.ge [sflag:s24], $0x2800  }
0x2b1: {  	[sflag:s24] =	ssyncset.done $0x0  }
0x2b2: {  	[sflag:s24] =	ssyncadd.s32 $0xFFFFD800  }
0x2b3: {  	[spmem:s3] =	stream.indirect.scatter.add.f32 [tilespmem:s21], [sflag:$0x4], $0x80, s28, s19, $0xb8;
	[tilespmem:$0x1D800] =	vst v63  }
0x2b4: {  	_ =	swait.ge [sflag:s17], $0x2800  }
0x2b5: {  	[sflag:s17] =	ssyncset.done $0x0  }
0x2b6: {  	[sflag:s17] =	ssyncadd.s32 $0xFFFFD800  }
0x2b7: {  	[tilespmem:s21], [sflag:$0x3] =	stream.indirect.gather [hbm4b:s5+s19], $0x80, s29, s19, $0xb8;
	[tilespmem:$0x1D800] =	vst v63  }
0x2b8: {  	_ =	swait.ge [sflag:s22], $0x2800  }
0x2b9: {  	[sflag:s22] =	ssyncset.done $0x0  }
0x2ba: {  	[sflag:s22] =	ssyncadd.s32 $0xFFFFD800  }
0x2bb: {  	[spmem:s3] =	stream.indirect.scatter.add.f32 [tilespmem:s16], [sflag:$0x4], $0x80, s30, s19, $0xb8;
	[tilespmem:$0x1D800] =	vst v63  }
0x2bc: {  	_ =	swait.ge [sflag:s17], $0x2800  }
0x2bd: {  	[sflag:s17] =	ssyncset.done $0x0  }
0x2be: {  	[sflag:s17] =	ssyncadd.s32 $0xFFFFD800  }
0x2bf: {  	[tilespmem:s16], [sflag:$0x1] =	stream.indirect.gather [hbm4b:s5+s19], $0x80, s31, s19, $0xb8;
	[tilespmem:$0x1D800] =	vst v63  }
0x2c0: {  	_ =	swait.ge [sflag:s23], $0x2800  }
0x2c1: {  	[sflag:s23] =	ssyncset.done $0x0  }
0x2c2: {  	[sflag:s23] =	ssyncadd.s32 $0xFFFFD800  }
0x2c3: {  	[spmem:s3] =	stream.indirect.scatter.add.f32 [tilespmem:s20], [sflag:$0x4], $0x80, s0, s19, $0xb8;
	[tilespmem:$0x1D800] =	vst v63  }
0x2c4: {  	_ =	swait.ge [sflag:s17], $0x2800  }
0x2c5: {  	[sflag:s17] =	ssyncset.done $0x0  }
0x2c6: {  	[sflag:s17] =	ssyncadd.s32 $0xFFFFD800  }
0x2c7: {  	[tilespmem:s20], [sflag:$0x2] =	stream.indirect.gather [hbm4b:s5+s19], $0x80, s1, s19, $0xb8;
	[tilespmem:$0x1D800] =	vst v63  }
0x2c8: {  	_ =	swait.ge [sflag:s24], $0x2800  }
0x2c9: {  	[sflag:s24] =	ssyncset.done $0x0  }
0x2ca: {  	[sflag:s24] =	ssyncadd.s32 $0xFFFFD800  }
0x2cb: {  	[spmem:s3] =	stream.indirect.scatter.add.f32 [tilespmem:s21], [sflag:$0x4], $0x80, s2, s19, $0xb8;
	[tilespmem:$0x1D800] =	vst v63  }
0x2cc: {  	_ =	swait.ge [sflag:s17], $0x2800  }
0x2cd: {  	[sflag:s17] =	ssyncset.done $0x0  }
0x2ce: {  	[sflag:s17] =	ssyncadd.s32 $0xFFFFD800  }
0x2cf: {  	[tilespmem:s21], [sflag:$0x3] =	stream.indirect.gather [hbm4b:s5+s19], $0x80, s7, s19, $0xb8;
	[tilespmem:$0x1D800] =	vst v63  }
0x2d0: {  	_ =	swait.ge [sflag:s22], $0x2800  }
0x2d1: {  	[sflag:s22] =	ssyncset.done $0x0  }
0x2d2: {  	[sflag:s22] =	ssyncadd.s32 $0xFFFFD800  }
0x2d3: {  	[spmem:s3] =	stream.indirect.scatter.add.f32 [tilespmem:s16], [sflag:$0x4], $0x80, s8, s19, $0xb8;
	[tilespmem:$0x1D800] =	vst v63  }
0x2d4: {  	_ =	swait.ge [sflag:s17], $0x2800  }
0x2d5: {  	[sflag:s17] =	ssyncset.done $0x0  }
0x2d6: {  	[sflag:s17] =	ssyncadd.s32 $0xFFFFD800  }
0x2d7: {  	[tilespmem:s16], [sflag:$0x1] =	stream.indirect.gather [hbm4b:s5+s19], $0x80, s9, s19, $0xb8;
	[tilespmem:$0x1D800] =	vst v63  }
0x2d8: {  	_ =	swait.ge [sflag:s23], $0x2800  }
0x2d9: {  	[sflag:s23] =	ssyncset.done $0x0  }
0x2da: {  	[sflag:s23] =	ssyncadd.s32 $0xFFFFD800  }
0x2db: {  	[spmem:s3] =	stream.indirect.scatter.add.f32 [tilespmem:s20], [sflag:$0x4], $0x80, s10, s19, $0xb8;
	[tilespmem:$0x1D800] =	vst v63  }
0x2dc: {  	_ =	swait.ge [sflag:s17], $0x2800  }
0x2dd: {  	[sflag:s17] =	ssyncset.done $0x0  }
0x2de: {  	[sflag:s17] =	ssyncadd.s32 $0xFFFFD800  }
0x2df: {  	_ =	swait.ge [sflag:s24], $0x2800  }
0x2e0: {  	[sflag:s24] =	ssyncset.done $0x0  }
0x2e1: {  	[sflag:s24] =	ssyncadd.s32 $0xFFFFD800  }
0x2e2: {  	[spmem:s3] =	stream.indirect.scatter.add.f32 [tilespmem:s21], [sflag:$0x4], $0x80, s11, s19, $0xb8;
	[tilespmem:$0x1D800] =	vst v63  }
0x2e3: {  	_ =	swait.ge [sflag:s17], $0x2800  }
0x2e4: {  	[sflag:s17] =	ssyncset.done $0x0  }
0x2e5: {  	[sflag:s17] =	ssyncadd.s32 $0xFFFFD800  }
0x2e6: {  	_ =	swait.ge [sflag:s22], $0x2800  }
0x2e7: {  	[sflag:s22] =	ssyncset.done $0x0  }
0x2e8: {  	[sflag:s22] =	ssyncadd.s32 $0xFFFFD800  }
0x2e9: {  	[spmem:s3] =	stream.indirect.scatter.add.f32 [tilespmem:s16], [sflag:$0x4], $0x80, s12, s19, $0xb8;
	[tilespmem:$0x1D800] =	vst v63  }
0x2ea: {  	_ =	swait.ge [sflag:s17], $0x2800  }
0x2eb: {  	[sflag:s17] =	ssyncset.done $0x0  }
0x2ec: {  	[sflag:s17] =	ssyncadd.s32 $0xFFFFD800  }
0x2ed: {  	[bflag:$0x0] =	sbarrier.arrive $0xFFFF  }
0x2ee: {  	s15 =	stileid.u32;
	s14 =	sld [smem:$0x7FD]  }
0x2ef: {  	s6 =	sshll.u32 s15, $0x6;
	s15 =	sld [smem:$0x7F4];
	_ =	sdelay $0x1  }
0x2f0: {  	s6 =	sor.u32 $0x1C04, s6;
	s13 =	sshrl.u32 s14, $0x3  }
0x2f1: {  	[hbm:s15], [sflag:s6] =	dma.local [spmem:s13], $0x2800  }
0x2f2: {  	_ =	swait.ge [sflag:s17], $0x2800  }
0x2f3: {  	s6 =	sld [smem:$0x7EC]  }
0x2f4: {  	s15 =	sld [smem:$0x7F5];
	_ =	sdelay $0x1  }
0x2f5: {  	s13 =	sadd.s32 $0x1, s6  }
0x2f6: {  	p0 =	sne.s32 s13, s15  }
.Ltmp1:
0x2f7: {  	_ = 	snop;
	(pc) =	sbr.rel @p0 .LBB2_1-.Ltmp1, $3  }
0x2f8: {  	_ =	sdelay $0x1  }
0x2f9: {  	[sflag:s17] =	ssyncset.done $0x0  }
0x2fa: {  	[sflag:s17] =	ssyncadd.s32 $0xFFFFD800  }
0x2fb: {  	_ =	sfence.sel $0x180000  }
0x2fc: {  	[bflag:$0x0] =	sbarrier.arrive $0xFFFF  }
0x2fd: {  	_ =	strace $0x90000047  }
0x2fe: {  	s0 =	stileid.u32;
	[bflag:$0x2] =	sbarrier.arrive $0xFFFF  }
0x2ff: {  	p0 =	sne.s32 s0, $0x0;
	s0 =	rddreg [dreg:$0x3]  }
0x300: {  	s0 =	sadd.s32 @!p0 $0x100000, s0  }
0x301: {  	[sflag:s0] =	ssyncadd.tile.s32 @!p0 $0x1;
	_ =	shalt  }
.Lfunc_end2:
_tile_overlayer_lowered:
.L_overlay_start_2:
0x302: {  	(tag) =	ssettag $0x2  }
0x303: {  	s0 =	rddreg [dreg:$0x0];
	s2 =	stileid.u32  }
0x304: {  	s1 =	rddreg [dreg:$0x1];
	p0 =	sne.s32 s2, $0x0  }
0x305: {  	s3 =	rddreg [dreg:$0x2];
	[bflag:$0x3] =	sbarrier.arrive $0xFFFF;
	s2 =	simm.s32 @!p0 $0x1C04  }
0x306: {  	[timem:s3], [sflag:s2] =	dma.local @!p0 [hbm:s0], s1  }
0x307: {  	s0 =	simm.s32 @!p0 $0x4  }
0x308: {  	_ =	swait.ge @!p0 [sflag:s0], s1  }
0x309: {  	s1 =	ssub.s32 @!p0 $0x0, s1;
	[sflag:s0] =	ssyncset.done @!p0 $0x0  }
0x30a: {  	[sflag:s0] =	ssyncadd.s32 @!p0 s1  }
0x30b: {  	[bflag:$0x3] =	sbarrier.arrive $0xFFFF  }
0x30c: {  	_ =	shalt  }

// kernel: kernel.16.cloned.1.call-start
scs
__scs_entry_jumppad:
0x0: {  	(pc) =	sbr.rel $0x88, $3  }
0x1: {  	(tag) =	ssettag $0x0;
	lr =	simm.s32 $0x1  }
0x2: {  	[smem:$0x3F80] =	sst lr;
	_ =	strace $0xD0000000  }
0x3: {  	_ = 	snop  }
0x4: {  	_ = 	snop  }
0x5: {  	_ = 	snop  }
0x6: {  	_ = 	snop  }
0x7: {  	_ = 	snop  }
__scs_overlays_trampoline_lowered:
0x8: {  	[smem:$0x3F8F] =	sst s0  }
0x9: {  	[smem:$0x3F90] =	sst s1  }
0xa: {  	[smem:$0x3F91] =	sst s2  }
0xb: {  	[smem:$0x3F92] =	sst s3  }
0xc: {  	[smem:$0x3F93] =	sst s4  }
0xd: {  	[smem:$0x3F94] =	sst s5  }
0xe: {  	[smem:$0x3F95] =	sst s6  }
0xf: {  	[smem:$0x3F96] =	sst s7  }
0x10: {  	[smem:$0x3F97] =	sst s8  }
0x11: {  	[smem:$0x3F98] =	sst s9;
	s0 =	simm.s32 @!p0 $0x0  }
0x12: {  	s1 =	sld [smem:$0x3F7E];
	s0 =	simm.s32 @p0 $0x1  }
0x13: {  	[smem:$0x3F99] =	sst s0;
	s0 =	simm.s32 @!p1 $0x0  }
0x14: {  	s2 =	sld [smem:$0x3F7D];
	s0 =	simm.s32 @p1 $0x1  }
0x15: {  	[smem:$0x3F9A] =	sst s0;
	s0 =	simm.s32 @!p2 $0x0  }
0x16: {  	s3 =	sld [smem:$0x3FDB];
	s0 =	simm.s32 @p2 $0x1  }
0x17: {  	s4 =	simm.s32 $0x1BF5;
	[smem:$0x3F9C] =	sst s0  }
0x18: {  	s0 =	sld [smem:$0x3F7F];
	_ =	swait.ge [sflag:s4], $0x0  }
0x19: {  	s7 =	sld [smem:$0x3F80]  }
0x1a: {  	s8 =	sadd.s32 $0xFFFFE003, lr  }
0x1b: {  	s9 =	sadd.s32 $0xFFFFFEF7, lr;
	s5 =	simm.s32 $0xFFFFFFFF;
	p2 =	slt.u32 s8, $0xFFFFF086  }
0x1c: {  	p1 =	slt.u32 s9, $0xF7A;
	s5 =	simm.s32 @!p2 $0x0  }
0x1d: {  	s5 =	simm.s32 @p1 $0x1;
	p0 =	seq.s32 s7, s2  }
0x1e: {  	s7 =	smul.u32 @!p0 $0xF7A, s2;
	p2 =	seq.s32 @!p0 s5, $0x0  }
0x1f: {  	s9 =	smul.u32 $0xF7A, s1;
	s8 =	simm.s32 @!p0 $0x1BF5;
	p2 =	por !p2, p0  }
0x20: {  	[sflag:s8] =	ssyncset.s32 @!p0 $0xFFFFF086;
	s6 =	sadd.s32 @!p0 s3, s7;
	s7 =	simm.s32 @!p0 $0x108  }
0x21: {  	s3 =	sadd.s32 s3, s9;
	s6 =	sadd.s32 @!p0 $0x88, s6;
	s7 =	simm.s32 @p2 $0x1082  }
0x22: {  	[simem:s7], [sflag:s8] =	dma.local @!p0 [hbm:s6], $0xF7A  }
0x23: {  	s9 =	sor.u32 $0xD0000000, s2;
	s6 =	simm.s32 $0x108;
	_ =	swait.ge @!p0 [sflag:s8], $0x0  }
0x24: {  	s3 =	sadd.s32 $0x88, s3;
	s6 =	simm.s32 @!p1 $0x1082;
	[sflag:s4] =	ssyncset.s32 $0xFFFFF086  }
0x25: {  	[simem:s6], [sflag:s4] =	dma.local [hbm:s3], $0xF7A  }
0x26: {  	[smem:$0x3F80] =	sst s1;
	(tag) =	ssettag s2;
	_ =	strace s9  }
0x27: {  	s1 =	sld [smem:$0x3F90]  }
0x28: {  	s2 =	sld [smem:$0x3F91]  }
0x29: {  	s4 =	sld [smem:$0x3F93]  }
0x2a: {  	p0 =	seq.s32 s5, $0x0;
	s5 =	sld [smem:$0x3F94]  }
0x2b: {  	s6 =	sld [smem:$0x3F95]  }
0x2c: {  	s7 =	sld [smem:$0x3F96]  }
0x2d: {  	s3 =	simm.s32 $0x108;
	s8 =	sld [smem:$0x3F97]  }
0x2e: {  	s3 =	simm.s32 @!p0 $0x1082;
	s9 =	sld [smem:$0x3F98]  }
0x2f: {  	lr =	sadd.s32 s0, s3;
	s0 =	sld [smem:$0x3F8F]  }
0x30: {  	s3 =	sld [smem:$0x3F92]  }
0x31: {  	[smem:$0x3F9B] =	sst s10  }
0x32: {  	s10 =	sld [smem:$0x3F99];
	_ =	sdelay $0x3  }
0x33: {  	p0 =	seq.s32 s10, $0x1;
	s10 =	sld [smem:$0x3F9B];
	_ =	sdelay $0x3  }
0x34: {  	[smem:$0x3F9B] =	sst s10  }
0x35: {  	s10 =	sld [smem:$0x3F9A];
	_ =	sdelay $0x3  }
0x36: {  	p1 =	seq.s32 s10, $0x1;
	s10 =	sld [smem:$0x3F9B];
	_ =	sdelay $0x3  }
0x37: {  	[smem:$0x3F9B] =	sst s10  }
0x38: {  	s10 =	sld [smem:$0x3F9C]  }
0x39: {  	_ = 	snop;
	(pc) =	sbr.ind lr, $3  }
0x3a: {  	_ = 	snop  }
0x3b: {  	_ = 	snop  }
0x3c: {  	p2 =	seq.s32 s10, $0x1;
	s10 =	sld [smem:$0x3F9B]  }
0x3d: {  	_ =	shalt  }
0x3e: {  	_ =	shalt  }
0x3f: {  	_ =	shalt  }
0x40: {  	_ =	shalt  }
0x41: {  	_ =	shalt  }
0x42: {  	_ =	shalt  }
0x43: {  	_ =	shalt  }
0x44: {  	_ =	shalt  }
0x45: {  	_ =	shalt  }
0x46: {  	_ =	shalt  }
0x47: {  	_ =	shalt  }
0x48: {  	_ =	shalt  }
0x49: {  	_ =	shalt  }
0x4a: {  	_ =	shalt  }
0x4b: {  	_ =	shalt  }
0x4c: {  	_ =	shalt  }
0x4d: {  	_ =	shalt  }
0x4e: {  	_ =	shalt  }
0x4f: {  	_ =	shalt  }
0x50: {  	_ =	shalt  }
0x51: {  	_ =	shalt  }
0x52: {  	_ =	shalt  }
0x53: {  	_ =	shalt  }
0x54: {  	_ =	shalt  }
0x55: {  	_ =	shalt  }
0x56: {  	_ =	shalt  }
0x57: {  	_ =	shalt  }
0x58: {  	_ =	shalt  }
0x59: {  	_ =	shalt  }
0x5a: {  	_ =	shalt  }
0x5b: {  	_ =	shalt  }
0x5c: {  	_ =	shalt  }
0x5d: {  	_ =	shalt  }
0x5e: {  	_ =	shalt  }
0x5f: {  	_ =	shalt  }
0x60: {  	_ =	shalt  }
0x61: {  	_ =	shalt  }
0x62: {  	_ =	shalt  }
0x63: {  	_ =	shalt  }
0x64: {  	_ =	shalt  }
0x65: {  	_ =	shalt  }
0x66: {  	_ =	shalt  }
0x67: {  	_ =	shalt  }
0x68: {  	_ =	shalt  }
0x69: {  	_ =	shalt  }
0x6a: {  	_ =	shalt  }
0x6b: {  	_ =	shalt  }
0x6c: {  	_ =	shalt  }
0x6d: {  	_ =	shalt  }
0x6e: {  	_ =	shalt  }
0x6f: {  	_ =	shalt  }
0x70: {  	_ =	shalt  }
0x71: {  	_ =	shalt  }
0x72: {  	_ =	shalt  }
0x73: {  	_ =	shalt  }
0x74: {  	_ =	shalt  }
0x75: {  	_ =	shalt  }
0x76: {  	_ =	shalt  }
0x77: {  	_ =	shalt  }
0x78: {  	_ =	shalt  }
0x79: {  	_ =	shalt  }
0x7a: {  	_ =	shalt  }
0x7b: {  	_ =	shalt  }
0x7c: {  	_ =	shalt  }
0x7d: {  	_ =	shalt  }
0x7e: {  	_ =	shalt  }
0x7f: {  	_ =	shalt  }
0x80: {  	_ =	shalt  }
0x81: {  	_ =	shalt  }
0x82: {  	_ =	shalt  }
0x83: {  	_ =	shalt  }
0x84: {  	_ =	shalt  }
0x85: {  	_ =	shalt  }
0x86: {  	_ =	shalt  }
0x87: {  	_ =	shalt  }
.Lfunc_end0:
.L_simem_size_0:
called_computation.2_lowered:
.L_overlay_start_0:
0x88: {  	s2 =	sld [smem:$0x3FD9]  }
0x89: {  	s3 =	sld [smem:$0x3FFE];
	_ =	sdelay $0x1  }
0x8a: {  	s1 =	srdreg.scid  }
0x8b: {  	s0 =	sand.u32 $0x1, s1  }
0x8c: {  	s17 =	sshll.u32 s0, $0xA;
	s2 =	sadd.s32 s3, s2  }
0x8d: {  	s2 =	sadd.s32 s2, s17  }
0x8e: {  	[smem:$0x3FA7] =	sst s2  }
0x8f: {  	_ = 	snop  }
0x90: {  	s2 =	sld [smem:$0x3FD0];
	(tm) =	ssettm $0x1  }
0x91: {  	s18 =	sld [smem:$0x3FFB];
	_ =	sdelay $0x3  }
0x92: {  	_ =	strace s18  }
0x93: {  	s3 =	sld [smem:$0x3FFC];
	_ =	sdelay $0x3  }
0x94: {  	_ =	strace s3  }
0x95: {  	s3 =	sld [smem:$0x3FFD];
	_ =	sdelay $0x3  }
0x96: {  	_ =	strace s3  }
0x97: {  	_ =	strace $0x8FFFFFFF  }
0x98: {  	s19 =	sld [smem:$0x3FDB];
	_ =	sdelay $0x1  }
0x99: {  	s4 =	simm.s32 $_scs_section_size  }
0x9a: {  	s5 =	simm.s32 $_size__tile_overlayer_lowered;
	s6 =	simm.s32 $_tile_overlayer_lowered  }
0x9b: {  	s22 =	simm.s32 $0x1BFF;
	s21 =	sshll.u32 s6, $0x1;
	s3 =	sadd.s32 s4, s19  }
0x9c: {  	s7 =	simm.s32 $0x0;
	s20 =	sshll.u32 s5, $0x1;
	s5 =	sadd.s32 s21, s3  }
0x9d: {  	[timem:s7], [sflag:s22] =	dma.local [hbm:s5], s20  }
0x9e: {  	_ =	swait.ge [sflag:s22], s20  }
0x9f: {  	s4 =	ssub.s32 $0x0, s20;
	[sflag:s22] =	ssyncset.done $0x0  }
0xa0: {  	[sflag:s22] =	ssyncadd.s32 s4;
	_ =	sdelay $0x1  }
0xa1: {  	s23 =	simm.s32 $0x1B8B  }
0xa2: {  	_ =	swait.ge [sflag:s23], $0x1  }
0xa3: {  	[sflag:s23] =	ssyncset.done $0x0  }
0xa4: {  	s25 =	simm.s32 $0x1B8E;
	s24 =	sld [smem:$0x3FFE];
	[sflag:s23] =	ssyncadd.s32 $0xFFFFFFFF  }
0xa5: {  	s26 =	simm.s32 $execute0_lowered;
	[smem:$0x3FD2] =	sst s25  }
0xa6: {  	s5 =	sshll.u32 s26, $0x1;
	_ =	strace $0x8000004C;
	[dreg:$0x1] =	wrdreg $0xFFFFFFFF  }
0xa7: {  	s28 =	simm.s32 $_size_execute0_lowered;
	s3 =	sadd.s32 s3, s5;
	[dreg:$0x0] =	wrdreg $0x0  }
0xa8: {  	s5 =	sshll.u32 s28, $0x1;
	[dreg:$0x2] =	wrdreg s3  }
0xa9: {  	[dreg:$0x3] =	wrdreg s5  }
0xaa: {  	[dreg:$0x4] =	wrdreg $0xC0  }
0xab: {  	_ =	task [dreg:s7], $0x5FFFF  }
0xac: {  	[dreg:$0x1] =	wrdreg $0xFFFFFFFF  }
0xad: {  	[dreg:$0x0] =	wrdreg $0x60  }
0xae: {  	[dreg:$0x2] =	wrdreg s24  }
0xaf: {  	[dreg:$0x3] =	wrdreg s2  }
0xb0: {  	[dreg:$0x4] =	wrdreg $0x98000  }
0xb1: {  	[dreg:$0x5] =	wrdreg $0x9  }
0xb2: {  	_ =	task.clear_ibuf [dreg:s7], $0x6FFFF;
	_ =	strace $0x9000004C  }
0xb3: {  	s29 =	simm.s32 $0x9;
	_ =	strace $0x8000004E  }
0xb4: {  	_ =	swait.ge [sflag:s29], $0x1  }
0xb5: {  	[sflag:s29] =	ssyncadd.s32 $0xFFFFFFFF  }
0xb6: {  	_ =	strace $0x9000004E  }
0xb7: {  	_ =	sfence  }
0xb8: {  	s30 =	sld [smem:$0x0];
	_ =	sdelay $0x2  }
0xb9: {  	s31 =	sshll.u32 s1, $0xD;
	s1 =	sshrl.u32 s1, $0x2  }
0xba: {  	s3 =	sand.u32 $0x4000, s31;
	s1 =	sadd.s32 s1, s30  }
0xbb: {  	s0 =	sor.u32 s3, s0;
	s1 =	sshll.u32 s1, $0x11  }
0xbc: {  	s0 =	sor.u32 s1, s0  }
0xbd: {  	s0 =	sadd.s32 $0x8F2B, s0  }
0xbe: {  	[sflag:s0] =	ssyncadd.remote.s32 $0x1  }
0xbf: {  	_ =	sfence.sel $0xFFFF  }
0xc0: {  	[dreg:$0x0] =	wrdreg $0xFFFFFFFF;
	(pc) =	sbr.abs _section_cstart, $3  }
0xc1: {  	[dreg:$0x1] =	wrdreg $0xFFFFFFFF  }
0xc2: {  	_ =	task.clear_ibuf [dreg:s7], $0x2FFFF;
	_ =	strace $0x9FFFFFFF  }
0xc3: {  	(tm) =	ssettm $0x7FFFFFFF  }
tec
execute0_lowered:
.L_overlay_start_1:
0x0: {  	(tag) =	ssettag $0x1  }
0x1: {  	s0 =	rddreg [dreg:$0x0]  }
0x2: {  	s3 =	rddreg [dreg:$0x2];
	s4 =	simm.s32 $0x0  }
0x3: {  	s25 =	simm.s32 $0x80;
	[smem:$0x7FF] =	sst s4  }
0x4: {  	s26 =	simm.s32 $0x100;
	_ =	strace $0x8000004D;
	[dreg:$0x6] =	wrdreg s25  }
0x5: {  	s6 =	simm.s32 $0x1080;
	[dreg:$0x7] =	wrdreg s26  }
0x6: {  	s7 =	simm.s32 $0x200;
	[dreg:$0x9] =	wrdreg s6  }
0x7: {  	s9 =	simm.s32 $0x1100;
	[dreg:$0xa] =	wrdreg s7  }
0x8: {  	s10 =	simm.s32 $0x280;
	[dreg:$0xb] =	wrdreg s9  }
0x9: {  	s11 =	simm.s32 $0x1180;
	[dreg:$0xc] =	wrdreg s10  }
0xa: {  	s12 =	simm.s32 $0x300;
	[dreg:$0xd] =	wrdreg s11  }
0xb: {  	s1 =	srdreg.scid;
	s13 =	simm.s32 $0x1200;
	[dreg:$0xe] =	wrdreg s12  }
0xc: {  	s8 =	stileid.u32;
	s14 =	simm.s32 $0x380;
	[dreg:$0xf] =	wrdreg s13  }
0xd: {  	s16 =	simm.s32 $0x1280;
	s18 =	simm.s32 $0x400;
	[dreg:$0x10] =	wrdreg s14  }
0xe: {  	s19 =	simm.s32 $0x1300;
	s21 =	simm.s32 $0x480;
	[dreg:$0x11] =	wrdreg s16  }
0xf: {  	s22 =	simm.s32 $0x1380;
	s23 =	simm.s32 $0x500;
	[dreg:$0x12] =	wrdreg s18  }
0x10: {  	s28 =	simm.s32 $0x1880;
	s29 =	simm.s32 $0xA00;
	[dreg:$0x13] =	wrdreg s19  }
0x11: {  	s30 =	simm.s32 $0x1900;
	s31 =	simm.s32 $0xA80;
	[dreg:$0x14] =	wrdreg s21  }
0x12: {  	s1 =	sand.u32 $0x1, s1;
	s5 =	sshll.u32 s8, $0x9;
	[dreg:$0x15] =	wrdreg s22  }
0x13: {  	s17 =	smul.u32 $0x50000, s8;
	[dreg:$0x16] =	wrdreg s23;
	s25 =	simm.s32 $0x1400  }
0x14: {  	s2 =	sshll.u32 s1, $0xD;
	s9 =	simm.s32 $0x1480;
	[dreg:$0x17] =	wrdreg s25  }
0x15: {  	s6 =	smul.u32 $0x2800, s8;
	s11 =	simm.s32 $0x600;
	[dreg:$0x19] =	wrdreg s9  }
0x16: {  	s7 =	smul.u32 $0x28000, s1;
	s13 =	simm.s32 $0x1500;
	[dreg:$0x1a] =	wrdreg s11  }
0x17: {  	s1 =	ssub.s32 $0x2, s1;
	s16 =	simm.s32 $0x680;
	[dreg:$0x1b] =	wrdreg s13  }
0x18: {  	s18 =	simm.s32 $0x700;
	s19 =	simm.s32 $0x1600;
	[dreg:$0x1c] =	wrdreg s16  }
0x19: {  	s21 =	simm.s32 $0x1680;
	s22 =	simm.s32 $0x800;
	[dreg:$0x1e] =	wrdreg s18  }
0x1a: {  	s23 =	simm.s32 $0x1700;
	s2 =	sadd.s32 s2, s0;
	[dreg:$0x1f] =	wrdreg s19  }
0x1b: {  	s15 =	sshrl.u32 s1, $0x1;
	s20 =	sshrl.u32 s17, $0x2;
	[smem:$0x7F7] =	sst s21  }
0x1c: {  	s17 =	simm.s32 $0x1580;
	s16 =	simm.s32 $0x2000;
	[smem:$0x7F8] =	sst s22  }
0x1d: {  	s18 =	simm.s32 $0x1000;
	s19 =	simm.s32 $0x50;
	[smem:$0x7F9] =	sst s23  }
0x1e: {  	s21 =	simm.s32 $0x7000;
	s25 =	simm.s32 $0x1780;
	[dreg:$0x1d] =	wrdreg s17  }
0x1f: {  	s6 =	sadd.s32 s6, s7;
	s7 =	simm.s32 $0x580;
	[smem:$0x7FB] =	sst s25  }
0x20: {  	s14 =	sadd.s32 s20, s3;
	s20 =	simm.s32 $0x780;
	[dreg:$0x18] =	wrdreg s7  }
0x21: {  	s22 =	simm.s32 $0x1;
	s2 =	sadd.s32 s5, s2;
	[smem:$0x7F6] =	sst s20  }
0x22: {  	s23 =	simm.s32 $0x2;
	s5 =	sadd.s32 $0x1A800, s2;
	[smem:$0x7FD] =	sst s14  }
0x23: {  	s9 =	simm.s32 $0xC00;
	s2 =	sadd.s32 $0x6800, s2;
	[dreg:$0x4] =	wrdreg s5  }
0x24: {  	s11 =	simm.s32 $0x1B80;
	s24 =	sadd.s32 $0x5000, s14;
	[dreg:$0x5] =	wrdreg s2  }
0x25: {  	s13 =	simm.s32 $0x0;
	s26 =	sadd.s32 $0x7800, s14;
	[smem:$0x7EE] =	sst s24  }
0x26: {  	s1 =	ssub.s32 s1, s15;
	s8 =	sadd.s32 $0xA000, s14;
	[smem:$0x7EF] =	sst s26  }
0x27: {  	s17 =	simm.s32 $0x4;
	s10 =	sadd.s32 $0xC800, s14;
	[smem:$0x7F0] =	sst s8  }
0x28: {  	s25 =	simm.s32 $0x1800;
	s12 =	sadd.s32 $0xF000, s14;
	[smem:$0x7F1] =	sst s10  }
0x29: {  	s15 =	sadd.s32 $0x11800, s14;
	s1 =	smax.u32 s1, $0x1;
	[smem:$0x7F2] =	sst s12  }
0x2a: {  	s20 =	simm.s32 $0x4800;
	s7 =	simm.s32 $0xB80;
	[smem:$0x7F3] =	sst s15  }
0x2b: {  	s5 =	simm.s32 $0x180;
	[smem:$0x7F5] =	sst s1;
	s24 =	simm.s32 $0x880  }
0x2c: {  	s26 =	simm.s32 $0x900;
	s1 =	simm.s32 $0xB00;
	s2 =	simm.s32 $0x1A00  }
0x2d: {  	s8 =	simm.s32 $0x1A80;
	s10 =	simm.s32 $0x1B00;
	[dreg:$0x8] =	wrdreg s5  }
0x2e: {  	s12 =	simm.s32 $0x1C00;
	s5 =	sadd.s32 $0x2EA00, s0;
	[smem:$0x7FA] =	sst s24  }
0x2f: {  	s0 =	sadd.s32 s6, s0;
	s6 =	sadd.s32 $0x2800, s14;
	[smem:$0x7FC] =	sst s26  }
0x30: {  	s24 =	simm.s32 $0x3;
	[smem:$0x7ED] =	sst s6;
	s0 =	sadd.s32 $0x56A00, s0  }
0x31: {  	s26 =	simm.s32 $0x980;
	[smem:$0x7F4] =	sst s0;
	s0 =	simm.s32 $0x1980  }
.LBB2_1:
0x32: {  	[smem:$0x7EC] =	sst s13  }
0x33: {  	s6 =	rddreg [dreg:$0x1]  }
0x34: {  	[tilespmem:s16], [sflag:$0x4] =	stream.linear.gather [hbm4b:s6+s4], $0x2800, $0x38;
	[tilespmem:$0x1D800] =	vst v63  }
0x35: {  	_ =	swait.ge [sflag:s17], $0x2800  }
0x36: {  	[sflag:s17] =	ssyncset.done $0x0  }
0x37: {  	[sflag:s17] =	ssyncadd.s32 $0xFFFFD800  }
0x38: {  	[spmem:s14] =	stream.linear.scatter [tilespmem:s16], [sflag:$0x4], $0x2800, $0x38;
	[tilespmem:$0x1D800] =	vst v63  }
0x39: {  	_ =	swait.ge [sflag:s17], $0x2800  }
0x3a: {  	s15 =	sld [smem:$0x7ED]  }
0x3b: {  	[sflag:s17] =	ssyncset.done $0x0  }
0x3c: {  	[sflag:s17] =	ssyncadd.s32 $0xFFFFD800  }
0x3d: {  	[spmem:s15] =	stream.linear.scatter [tilespmem:s16], [sflag:$0x4], $0x2800, $0x38;
	[tilespmem:$0x1D800] =	vst v63  }
0x3e: {  	_ =	swait.ge [sflag:s17], $0x2800  }
0x3f: {  	s13 =	sld [smem:$0x7EE]  }
0x40: {  	[sflag:s17] =	ssyncset.done $0x0  }
0x41: {  	[sflag:s17] =	ssyncadd.s32 $0xFFFFD800  }
0x42: {  	[spmem:s13] =	stream.linear.scatter [tilespmem:s16], [sflag:$0x4], $0x2800, $0x38;
	[tilespmem:$0x1D800] =	vst v63  }
0x43: {  	_ =	swait.ge [sflag:s17], $0x2800  }
0x44: {  	s14 =	sld [smem:$0x7EF]  }
0x45: {  	[sflag:s17] =	ssyncset.done $0x0  }
0x46: {  	[sflag:s17] =	ssyncadd.s32 $0xFFFFD800  }
0x47: {  	[spmem:s14] =	stream.linear.scatter [tilespmem:s16], [sflag:$0x4], $0x2800, $0x38;
	[tilespmem:$0x1D800] =	vst v63  }
0x48: {  	_ =	swait.ge [sflag:s17], $0x2800  }
0x49: {  	s15 =	sld [smem:$0x7F0]  }
0x4a: {  	[sflag:s17] =	ssyncset.done $0x0  }
0x4b: {  	[sflag:s17] =	ssyncadd.s32 $0xFFFFD800  }
0x4c: {  	[spmem:s15] =	stream.linear.scatter [tilespmem:s16], [sflag:$0x4], $0x2800, $0x38;
	[tilespmem:$0x1D800] =	vst v63  }
0x4d: {  	_ =	swait.ge [sflag:s17], $0x2800  }
0x4e: {  	s13 =	sld [smem:$0x7F1]  }
0x4f: {  	[sflag:s17] =	ssyncset.done $0x0  }
0x50: {  	[sflag:s17] =	ssyncadd.s32 $0xFFFFD800  }
0x51: {  	[spmem:s13] =	stream.linear.scatter [tilespmem:s16], [sflag:$0x4], $0x2800, $0x38;
	[tilespmem:$0x1D800] =	vst v63  }
0x52: {  	_ =	swait.ge [sflag:s17], $0x2800  }
0x53: {  	s14 =	sld [smem:$0x7F2]  }
0x54: {  	[sflag:s17] =	ssyncset.done $0x0  }
0x55: {  	[sflag:s17] =	ssyncadd.s32 $0xFFFFD800  }
0x56: {  	[spmem:s14] =	stream.linear.scatter [tilespmem:s16], [sflag:$0x4], $0x2800, $0x38;
	[tilespmem:$0x1D800] =	vst v63  }
0x57: {  	_ =	swait.ge [sflag:s17], $0x2800  }
0x58: {  	s15 =	sld [smem:$0x7F3]  }
0x59: {  	[sflag:s17] =	ssyncset.done $0x0  }
0x5a: {  	[sflag:s17] =	ssyncadd.s32 $0xFFFFD800  }
0x5b: {  	[spmem:s15] =	stream.linear.scatter [tilespmem:s16], [sflag:$0x4], $0x2800, $0x38;
	[tilespmem:$0x1D800] =	vst v63  }
0x5c: {  	_ =	swait.ge [sflag:s17], $0x2800  }
0x5d: {  	[sflag:s17] =	ssyncset.done $0x0  }
0x5e: {  	[sflag:s17] =	ssyncadd.s32 $0xFFFFD800  }
0x5f: {  	[bflag:$0x0] =	sbarrier.arrive $0xFFFF  }
0x60: {  	s13 =	rddreg [dreg:$0x4]  }
0x61: {  	s6 =	sadd.s32 $0x0, s13  }
0x62: {  	[tilespmem:s4], [sflag:$0x4] =	stream.linear.gather [hbm4b:s6+s4], $0xC80, $0x38;
	[tilespmem:$0x1D800] =	vst v63  }
0x63: {  	_ =	swait.ge [sflag:s17], $0xC80  }
0x64: {  	s14 =	rddreg [dreg:$0x5];
	[sflag:s17] =	ssyncset.done $0x0  }
0x65: {  	[sflag:s17] =	ssyncadd.s32 $0xFFFFF380;
	s6 =	sadd.s32 $0x0, s14  }
0x66: {  	[tilespmem:s18], [sflag:$0x4] =	stream.linear.gather [hbm4b:s6+s4], $0xC80, $0x38;
	[tilespmem:$0x1D800] =	vst v63  }
0x67: {  	_ =	swait.ge [sflag:s17], $0xC80  }
0x68: {  	[sflag:s17] =	ssyncset.done $0x0  }
0x69: {  	[sflag:s17] =	ssyncadd.s32 $0xFFFFF380  }
0x6a: {  	[tilespmem:s16], [sflag:$0x1] =	stream.indirect.gather [hbm4b:s5+s19], $0x80, s4, s19, $0xb8;
	[tilespmem:$0x1D800] =	vst v63  }
0x6b: {  	s15 =	rddreg [dreg:$0x6]  }
0x6c: {  	[tilespmem:s20], [sflag:$0x2] =	stream.indirect.gather [hbm4b:s5+s19], $0x80, s15, s19, $0xb8;
	[tilespmem:$0x1D800] =	vst v63  }
0x6d: {  	s13 =	rddreg [dreg:$0x7]  }
0x6e: {  	[tilespmem:s21], [sflag:$0x3] =	stream.indirect.gather [hbm4b:s5+s19], $0x80, s13, s19, $0xb8;
	[tilespmem:$0x1D800] =	vst v63  }
0x6f: {  	_ =	swait.ge [sflag:s22], $0x2800  }
0x70: {  	[sflag:s22] =	ssyncset.done $0x0  }
0x71: {  	[sflag:s22] =	ssyncadd.s32 $0xFFFFD800  }
0x72: {  	[spmem:s3] =	stream.indirect.scatter.add.f32 [tilespmem:s16], [sflag:$0x4], $0x80, s18, s19, $0xb8;
	[tilespmem:$0x1D800] =	vst v63  }
0x73: {  	_ =	swait.ge [sflag:s17], $0x2800  }
0x74: {  	[sflag:s17] =	ssyncset.done $0x0  }
0x75: {  	s15 =	rddreg [dreg:$0x8];
	[sflag:s17] =	ssyncadd.s32 $0xFFFFD800  }
0x76: {  	[tilespmem:s16], [sflag:$0x1] =	stream.indirect.gather [hbm4b:s5+s19], $0x80, s15, s19, $0xb8;
	[tilespmem:$0x1D800] =	vst v63  }
0x77: {  	_ =	swait.ge [sflag:s23], $0x2800  }
0x78: {  	[sflag:s23] =	ssyncset.done $0x0  }
0x79: {  	s13 =	rddreg [dreg:$0x9];
	[sflag:s23] =	ssyncadd.s32 $0xFFFFD800  }
0x7a: {  	[spmem:s3] =	stream.indirect.scatter.add.f32 [tilespmem:s20], [sflag:$0x4], $0x80, s13, s19, $0xb8;
	[tilespmem:$0x1D800] =	vst v63  }
0x7b: {  	_ =	swait.ge [sflag:s17], $0x2800  }
0x7c: {  	[sflag:s17] =	ssyncset.done $0x0  }
0x7d: {  	s14 =	rddreg [dreg:$0xa];
	[sflag:s17] =	ssyncadd.s32 $0xFFFFD800  }
0x7e: {  	[tilespmem:s20], [sflag:$0x2] =	stream.indirect.gather [hbm4b:s5+s19], $0x80, s14, s19, $0xb8;
	[tilespmem:$0x1D800] =	vst v63  }
0x7f: {  	_ =	swait.ge [sflag:s24], $0x2800  }
0x80: {  	[sflag:s24] =	ssyncset.done $0x0  }
0x81: {  	s15 =	rddreg [dreg:$0xb];
	[sflag:s24] =	ssyncadd.s32 $0xFFFFD800  }
0x82: {  	[spmem:s3] =	stream.indirect.scatter.add.f32 [tilespmem:s21], [sflag:$0x4], $0x80, s15, s19, $0xb8;
	[tilespmem:$0x1D800] =	vst v63  }
0x83: {  	_ =	swait.ge [sflag:s17], $0x2800  }
0x84: {  	[sflag:s17] =	ssyncset.done $0x0  }
0x85: {  	s13 =	rddreg [dreg:$0xc];
	[sflag:s17] =	ssyncadd.s32 $0xFFFFD800  }
0x86: {  	[tilespmem:s21], [sflag:$0x3] =	stream.indirect.gather [hbm4b:s5+s19], $0x80, s13, s19, $0xb8;
	[tilespmem:$0x1D800] =	vst v63  }
0x87: {  	_ =	swait.ge [sflag:s22], $0x2800  }
0x88: {  	[sflag:s22] =	ssyncset.done $0x0  }
0x89: {  	s14 =	rddreg [dreg:$0xd];
	[sflag:s22] =	ssyncadd.s32 $0xFFFFD800  }
0x8a: {  	[spmem:s3] =	stream.indirect.scatter.add.f32 [tilespmem:s16], [sflag:$0x4], $0x80, s14, s19, $0xb8;
	[tilespmem:$0x1D800] =	vst v63  }
0x8b: {  	_ =	swait.ge [sflag:s17], $0x2800  }
0x8c: {  	[sflag:s17] =	ssyncset.done $0x0  }
0x8d: {  	s15 =	rddreg [dreg:$0xe];
	[sflag:s17] =	ssyncadd.s32 $0xFFFFD800  }
0x8e: {  	[tilespmem:s16], [sflag:$0x1] =	stream.indirect.gather [hbm4b:s5+s19], $0x80, s15, s19, $0xb8;
	[tilespmem:$0x1D800] =	vst v63  }
0x8f: {  	_ =	swait.ge [sflag:s23], $0x2800  }
0x90: {  	[sflag:s23] =	ssyncset.done $0x0  }
0x91: {  	s13 =	rddreg [dreg:$0xf];
	[sflag:s23] =	ssyncadd.s32 $0xFFFFD800  }
0x92: {  	[spmem:s3] =	stream.indirect.scatter.add.f32 [tilespmem:s20], [sflag:$0x4], $0x80, s13, s19, $0xb8;
	[tilespmem:$0x1D800] =	vst v63  }
0x93: {  	_ =	swait.ge [sflag:s17], $0x2800  }
0x94: {  	[sflag:s17] =	ssyncset.done $0x0  }
0x95: {  	s14 =	rddreg [dreg:$0x10];
	[sflag:s17] =	ssyncadd.s32 $0xFFFFD800  }
0x96: {  	[tilespmem:s20], [sflag:$0x2] =	stream.indirect.gather [hbm4b:s5+s19], $0x80, s14, s19, $0xb8;
	[tilespmem:$0x1D800] =	vst v63  }
0x97: {  	_ =	swait.ge [sflag:s24], $0x2800  }
0x98: {  	[sflag:s24] =	ssyncset.done $0x0  }
0x99: {  	s15 =	rddreg [dreg:$0x11];
	[sflag:s24] =	ssyncadd.s32 $0xFFFFD800  }
0x9a: {  	[spmem:s3] =	stream.indirect.scatter.add.f32 [tilespmem:s21], [sflag:$0x4], $0x80, s15, s19, $0xb8;
	[tilespmem:$0x1D800] =	vst v63  }
0x9b: {  	_ =	swait.ge [sflag:s17], $0x2800  }
0x9c: {  	[sflag:s17] =	ssyncset.done $0x0  }
0x9d: {  	s13 =	rddreg [dreg:$0x12];
	[sflag:s17] =	ssyncadd.s32 $0xFFFFD800  }
0x9e: {  	[tilespmem:s21], [sflag:$0x3] =	stream.indirect.gather [hbm4b:s5+s19], $0x80, s13, s19, $0xb8;
	[tilespmem:$0x1D800] =	vst v63  }
0x9f: {  	_ =	swait.ge [sflag:s22], $0x2800  }
0xa0: {  	[sflag:s22] =	ssyncset.done $0x0  }
0xa1: {  	s14 =	rddreg [dreg:$0x13];
	[sflag:s22] =	ssyncadd.s32 $0xFFFFD800  }
0xa2: {  	[spmem:s3] =	stream.indirect.scatter.add.f32 [tilespmem:s16], [sflag:$0x4], $0x80, s14, s19, $0xb8;
	[tilespmem:$0x1D800] =	vst v63  }
0xa3: {  	_ =	swait.ge [sflag:s17], $0x2800  }
0xa4: {  	[sflag:s17] =	ssyncset.done $0x0  }
0xa5: {  	s15 =	rddreg [dreg:$0x14];
	[sflag:s17] =	ssyncadd.s32 $0xFFFFD800  }
0xa6: {  	[tilespmem:s16], [sflag:$0x1] =	stream.indirect.gather [hbm4b:s5+s19], $0x80, s15, s19, $0xb8;
	[tilespmem:$0x1D800] =	vst v63  }
0xa7: {  	_ =	swait.ge [sflag:s23], $0x2800  }
0xa8: {  	[sflag:s23] =	ssyncset.done $0x0  }
0xa9: {  	s13 =	rddreg [dreg:$0x15];
	[sflag:s23] =	ssyncadd.s32 $0xFFFFD800  }
0xaa: {  	[spmem:s3] =	stream.indirect.scatter.add.f32 [tilespmem:s20], [sflag:$0x4], $0x80, s13, s19, $0xb8;
	[tilespmem:$0x1D800] =	vst v63  }
0xab: {  	_ =	swait.ge [sflag:s17], $0x2800  }
0xac: {  	[sflag:s17] =	ssyncset.done $0x0  }
0xad: {  	s14 =	rddreg [dreg:$0x16];
	[sflag:s17] =	ssyncadd.s32 $0xFFFFD800  }
0xae: {  	[tilespmem:s20], [sflag:$0x2] =	stream.indirect.gather [hbm4b:s5+s19], $0x80, s14, s19, $0xb8;
	[tilespmem:$0x1D800] =	vst v63  }
0xaf: {  	_ =	swait.ge [sflag:s24], $0x2800  }
0xb0: {  	[sflag:s24] =	ssyncset.done $0x0  }
0xb1: {  	s15 =	rddreg [dreg:$0x17];
	[sflag:s24] =	ssyncadd.s32 $0xFFFFD800  }
0xb2: {  	[spmem:s3] =	stream.indirect.scatter.add.f32 [tilespmem:s21], [sflag:$0x4], $0x80, s15, s19, $0xb8;
	[tilespmem:$0x1D800] =	vst v63  }
0xb3: {  	_ =	swait.ge [sflag:s17], $0x2800  }
0xb4: {  	[sflag:s17] =	ssyncset.done $0x0  }
0xb5: {  	s13 =	rddreg [dreg:$0x18];
	[sflag:s17] =	ssyncadd.s32 $0xFFFFD800  }
0xb6: {  	[tilespmem:s21], [sflag:$0x3] =	stream.indirect.gather [hbm4b:s5+s19], $0x80, s13, s19, $0xb8;
	[tilespmem:$0x1D800] =	vst v63  }
0xb7: {  	_ =	swait.ge [sflag:s22], $0x2800  }
0xb8: {  	[sflag:s22] =	ssyncset.done $0x0  }
0xb9: {  	s14 =	rddreg [dreg:$0x19];
	[sflag:s22] =	ssyncadd.s32 $0xFFFFD800  }
0xba: {  	[spmem:s3] =	stream.indirect.scatter.add.f32 [tilespmem:s16], [sflag:$0x4], $0x80, s14, s19, $0xb8;
	[tilespmem:$0x1D800] =	vst v63  }
0xbb: {  	_ =	swait.ge [sflag:s17], $0x2800  }
0xbc: {  	[sflag:s17] =	ssyncset.done $0x0  }
0xbd: {  	s15 =	rddreg [dreg:$0x1a];
	[sflag:s17] =	ssyncadd.s32 $0xFFFFD800  }
0xbe: {  	[tilespmem:s16], [sflag:$0x1] =	stream.indirect.gather [hbm4b:s5+s19], $0x80, s15, s19, $0xb8;
	[tilespmem:$0x1D800] =	vst v63  }
0xbf: {  	_ =	swait.ge [sflag:s23], $0x2800  }
0xc0: {  	[sflag:s23] =	ssyncset.done $0x0  }
0xc1: {  	s13 =	rddreg [dreg:$0x1b];
	[sflag:s23] =	ssyncadd.s32 $0xFFFFD800  }
0xc2: {  	[spmem:s3] =	stream.indirect.scatter.add.f32 [tilespmem:s20], [sflag:$0x4], $0x80, s13, s19, $0xb8;
	[tilespmem:$0x1D800] =	vst v63  }
0xc3: {  	_ =	swait.ge [sflag:s17], $0x2800  }
0xc4: {  	[sflag:s17] =	ssyncset.done $0x0  }
0xc5: {  	s14 =	rddreg [dreg:$0x1c];
	[sflag:s17] =	ssyncadd.s32 $0xFFFFD800  }
0xc6: {  	[tilespmem:s20], [sflag:$0x2] =	stream.indirect.gather [hbm4b:s5+s19], $0x80, s14, s19, $0xb8;
	[tilespmem:$0x1D800] =	vst v63  }
0xc7: {  	_ =	swait.ge [sflag:s24], $0x2800  }
0xc8: {  	[sflag:s24] =	ssyncset.done $0x0  }
0xc9: {  	s15 =	rddreg [dreg:$0x1d];
	[sflag:s24] =	ssyncadd.s32 $0xFFFFD800  }
0xca: {  	[spmem:s3] =	stream.indirect.scatter.add.f32 [tilespmem:s21], [sflag:$0x4], $0x80, s15, s19, $0xb8;
	[tilespmem:$0x1D800] =	vst v63  }
0xcb: {  	_ =	swait.ge [sflag:s17], $0x2800  }
0xcc: {  	[sflag:s17] =	ssyncset.done $0x0  }
0xcd: {  	s13 =	rddreg [dreg:$0x1e];
	[sflag:s17] =	ssyncadd.s32 $0xFFFFD800  }
0xce: {  	[tilespmem:s21], [sflag:$0x3] =	stream.indirect.gather [hbm4b:s5+s19], $0x80, s13, s19, $0xb8;
	[tilespmem:$0x1D800] =	vst v63  }
0xcf: {  	_ =	swait.ge [sflag:s22], $0x2800  }
0xd0: {  	[sflag:s22] =	ssyncset.done $0x0  }
0xd1: {  	s14 =	rddreg [dreg:$0x1f];
	[sflag:s22] =	ssyncadd.s32 $0xFFFFD800  }
0xd2: {  	[spmem:s3] =	stream.indirect.scatter.add.f32 [tilespmem:s16], [sflag:$0x4], $0x80, s14, s19, $0xb8;
	[tilespmem:$0x1D800] =	vst v63  }
0xd3: {  	_ =	swait.ge [sflag:s17], $0x2800  }
0xd4: {  	s15 =	sld [smem:$0x7F6]  }
0xd5: {  	[sflag:s17] =	ssyncset.done $0x0  }
0xd6: {  	[sflag:s17] =	ssyncadd.s32 $0xFFFFD800  }
0xd7: {  	[tilespmem:s16], [sflag:$0x1] =	stream.indirect.gather [hbm4b:s5+s19], $0x80, s15, s19, $0xb8;
	[tilespmem:$0x1D800] =	vst v63  }
0xd8: {  	_ =	swait.ge [sflag:s23], $0x2800  }
0xd9: {  	s13 =	sld [smem:$0x7F7]  }
0xda: {  	[sflag:s23] =	ssyncset.done $0x0  }
0xdb: {  	[sflag:s23] =	ssyncadd.s32 $0xFFFFD800  }
0xdc: {  	[spmem:s3] =	stream.indirect.scatter.add.f32 [tilespmem:s20], [sflag:$0x4], $0x80, s13, s19, $0xb8;
	[tilespmem:$0x1D800] =	vst v63  }
0xdd: {  	_ =	swait.ge [sflag:s17], $0x2800  }
0xde: {  	s14 =	sld [smem:$0x7F8]  }
0xdf: {  	[sflag:s17] =	ssyncset.done $0x0  }
0xe0: {  	[sflag:s17] =	ssyncadd.s32 $0xFFFFD800  }
0xe1: {  	[tilespmem:s20], [sflag:$0x2] =	stream.indirect.gather [hbm4b:s5+s19], $0x80, s14, s19, $0xb8;
	[tilespmem:$0x1D800] =	vst v63  }
0xe2: {  	_ =	swait.ge [sflag:s24], $0x2800  }
0xe3: {  	s15 =	sld [smem:$0x7F9]  }
0xe4: {  	[sflag:s24] =	ssyncset.done $0x0  }
0xe5: {  	[sflag:s24] =	ssyncadd.s32 $0xFFFFD800  }
0xe6: {  	[spmem:s3] =	stream.indirect.scatter.add.f32 [tilespmem:s21], [sflag:$0x4], $0x80, s15, s19, $0xb8;
	[tilespmem:$0x1D800] =	vst v63  }
0xe7: {  	_ =	swait.ge [sflag:s17], $0x2800  }
0xe8: {  	s13 =	sld [smem:$0x7FA]  }
0xe9: {  	[sflag:s17] =	ssyncset.done $0x0  }
0xea: {  	[sflag:s17] =	ssyncadd.s32 $0xFFFFD800  }
0xeb: {  	[tilespmem:s21], [sflag:$0x3] =	stream.indirect.gather [hbm4b:s5+s19], $0x80, s13, s19, $0xb8;
	[tilespmem:$0x1D800] =	vst v63  }
0xec: {  	_ =	swait.ge [sflag:s22], $0x2800  }
0xed: {  	s14 =	sld [smem:$0x7FB]  }
0xee: {  	[sflag:s22] =	ssyncset.done $0x0  }
0xef: {  	[sflag:s22] =	ssyncadd.s32 $0xFFFFD800  }
0xf0: {  	[spmem:s3] =	stream.indirect.scatter.add.f32 [tilespmem:s16], [sflag:$0x4], $0x80, s14, s19, $0xb8;
	[tilespmem:$0x1D800] =	vst v63  }
0xf1: {  	_ =	swait.ge [sflag:s17], $0x2800  }
0xf2: {  	s15 =	sld [smem:$0x7FC]  }
0xf3: {  	[sflag:s17] =	ssyncset.done $0x0  }
0xf4: {  	[sflag:s17] =	ssyncadd.s32 $0xFFFFD800  }
0xf5: {  	[tilespmem:s16], [sflag:$0x1] =	stream.indirect.gather [hbm4b:s5+s19], $0x80, s15, s19, $0xb8;
	[tilespmem:$0x1D800] =	vst v63  }
0xf6: {  	_ =	swait.ge [sflag:s23], $0x2800  }
0xf7: {  	[sflag:s23] =	ssyncset.done $0x0  }
0xf8: {  	[sflag:s23] =	ssyncadd.s32 $0xFFFFD800  }
0xf9: {  	[spmem:s3] =	stream.indirect.scatter.add.f32 [tilespmem:s20], [sflag:$0x4], $0x80, s25, s19, $0xb8;
	[tilespmem:$0x1D800] =	vst v63  }
0xfa: {  	_ =	swait.ge [sflag:s17], $0x2800  }
0xfb: {  	[sflag:s17] =	ssyncset.done $0x0  }
0xfc: {  	[sflag:s17] =	ssyncadd.s32 $0xFFFFD800  }
0xfd: {  	[tilespmem:s20], [sflag:$0x2] =	stream.indirect.gather [hbm4b:s5+s19], $0x80, s26, s19, $0xb8;
	[tilespmem:$0x1D800] =	vst v63  }
0xfe: {  	_ =	swait.ge [sflag:s24], $0x2800  }
0xff: {  	[sflag:s24] =	ssyncset.done $0x0  }
0x100: {  	[sflag:s24] =	ssyncadd.s32 $0xFFFFD800  }
0x101: {  	[spmem:s3] =	stream.indirect.scatter.add.f32 [tilespmem:s21], [sflag:$0x4], $0x80, s28, s19, $0xb8;
	[tilespmem:$0x1D800] =	vst v63  }
0x102: {  	_ =	swait.ge [sflag:s17], $0x2800  }
0x103: {  	[sflag:s17] =	ssyncset.done $0x0  }
0x104: {  	[sflag:s17] =	ssyncadd.s32 $0xFFFFD800  }
0x105: {  	[tilespmem:s21], [sflag:$0x3] =	stream.indirect.gather [hbm4b:s5+s19], $0x80, s29, s19, $0xb8;
	[tilespmem:$0x1D800] =	vst v63  }
0x106: {  	_ =	swait.ge [sflag:s22], $0x2800  }
0x107: {  	[sflag:s22] =	ssyncset.done $0x0  }
0x108: {  	[sflag:s22] =	ssyncadd.s32 $0xFFFFD800  }
0x109: {  	[spmem:s3] =	stream.indirect.scatter.add.f32 [tilespmem:s16], [sflag:$0x4], $0x80, s30, s19, $0xb8;
	[tilespmem:$0x1D800] =	vst v63  }
0x10a: {  	_ =	swait.ge [sflag:s17], $0x2800  }
0x10b: {  	[sflag:s17] =	ssyncset.done $0x0  }
0x10c: {  	[sflag:s17] =	ssyncadd.s32 $0xFFFFD800  }
0x10d: {  	[tilespmem:s16], [sflag:$0x1] =	stream.indirect.gather [hbm4b:s5+s19], $0x80, s31, s19, $0xb8;
	[tilespmem:$0x1D800] =	vst v63  }
0x10e: {  	_ =	swait.ge [sflag:s23], $0x2800  }
0x10f: {  	[sflag:s23] =	ssyncset.done $0x0  }
0x110: {  	[sflag:s23] =	ssyncadd.s32 $0xFFFFD800  }
0x111: {  	[spmem:s3] =	stream.indirect.scatter.add.f32 [tilespmem:s20], [sflag:$0x4], $0x80, s0, s19, $0xb8;
	[tilespmem:$0x1D800] =	vst v63  }
0x112: {  	_ =	swait.ge [sflag:s17], $0x2800  }
0x113: {  	[sflag:s17] =	ssyncset.done $0x0  }
0x114: {  	[sflag:s17] =	ssyncadd.s32 $0xFFFFD800  }
0x115: {  	[tilespmem:s20], [sflag:$0x2] =	stream.indirect.gather [hbm4b:s5+s19], $0x80, s1, s19, $0xb8;
	[tilespmem:$0x1D800] =	vst v63  }
0x116: {  	_ =	swait.ge [sflag:s24], $0x2800  }
0x117: {  	[sflag:s24] =	ssyncset.done $0x0  }
0x118: {  	[sflag:s24] =	ssyncadd.s32 $0xFFFFD800  }
0x119: {  	[spmem:s3] =	stream.indirect.scatter.add.f32 [tilespmem:s21], [sflag:$0x4], $0x80, s2, s19, $0xb8;
	[tilespmem:$0x1D800] =	vst v63  }
0x11a: {  	_ =	swait.ge [sflag:s17], $0x2800  }
0x11b: {  	[sflag:s17] =	ssyncset.done $0x0  }
0x11c: {  	[sflag:s17] =	ssyncadd.s32 $0xFFFFD800  }
0x11d: {  	[tilespmem:s21], [sflag:$0x3] =	stream.indirect.gather [hbm4b:s5+s19], $0x80, s7, s19, $0xb8;
	[tilespmem:$0x1D800] =	vst v63  }
0x11e: {  	_ =	swait.ge [sflag:s22], $0x2800  }
0x11f: {  	[sflag:s22] =	ssyncset.done $0x0  }
0x120: {  	[sflag:s22] =	ssyncadd.s32 $0xFFFFD800  }
0x121: {  	[spmem:s3] =	stream.indirect.scatter.add.f32 [tilespmem:s16], [sflag:$0x4], $0x80, s8, s19, $0xb8;
	[tilespmem:$0x1D800] =	vst v63  }
0x122: {  	_ =	swait.ge [sflag:s17], $0x2800  }
0x123: {  	[sflag:s17] =	ssyncset.done $0x0  }
0x124: {  	[sflag:s17] =	ssyncadd.s32 $0xFFFFD800  }
0x125: {  	[tilespmem:s16], [sflag:$0x1] =	stream.indirect.gather [hbm4b:s5+s19], $0x80, s9, s19, $0xb8;
	[tilespmem:$0x1D800] =	vst v63  }
0x126: {  	_ =	swait.ge [sflag:s23], $0x2800  }
0x127: {  	[sflag:s23] =	ssyncset.done $0x0  }
0x128: {  	[sflag:s23] =	ssyncadd.s32 $0xFFFFD800  }
0x129: {  	[spmem:s3] =	stream.indirect.scatter.add.f32 [tilespmem:s20], [sflag:$0x4], $0x80, s10, s19, $0xb8;
	[tilespmem:$0x1D800] =	vst v63  }
0x12a: {  	_ =	swait.ge [sflag:s17], $0x2800  }
0x12b: {  	[sflag:s17] =	ssyncset.done $0x0  }
0x12c: {  	[sflag:s17] =	ssyncadd.s32 $0xFFFFD800  }
0x12d: {  	_ =	swait.ge [sflag:s24], $0x2800  }
0x12e: {  	[sflag:s24] =	ssyncset.done $0x0  }
0x12f: {  	[sflag:s24] =	ssyncadd.s32 $0xFFFFD800  }
0x130: {  	[spmem:s3] =	stream.indirect.scatter.add.f32 [tilespmem:s21], [sflag:$0x4], $0x80, s11, s19, $0xb8;
	[tilespmem:$0x1D800] =	vst v63  }
0x131: {  	_ =	swait.ge [sflag:s17], $0x2800  }
0x132: {  	[sflag:s17] =	ssyncset.done $0x0  }
0x133: {  	[sflag:s17] =	ssyncadd.s32 $0xFFFFD800  }
0x134: {  	_ =	swait.ge [sflag:s22], $0x2800  }
0x135: {  	[sflag:s22] =	ssyncset.done $0x0  }
0x136: {  	[sflag:s22] =	ssyncadd.s32 $0xFFFFD800  }
0x137: {  	[spmem:s3] =	stream.indirect.scatter.add.f32 [tilespmem:s16], [sflag:$0x4], $0x80, s12, s19, $0xb8;
	[tilespmem:$0x1D800] =	vst v63  }
0x138: {  	s14 =	simm.s32 $0x4000;
	_ =	swait.ge [sflag:s17], $0x2800  }
0x139: {  	s15 =	simm.s32 $0x8000;
	s6 =	rddreg [dreg:$0x4];
	[sflag:s17] =	ssyncset.done $0x0  }
.LBB2_2:
0x13a: {  	[sflag:s17] =	ssyncadd.s32 $0xFFFFD800;
	s6 =	sadd.s32 s14, s6  }
0x13b: {  	[tilespmem:s4], [sflag:$0x4] =	stream.linear.gather [hbm4b:s6+s4], $0xC80, $0x38;
	[tilespmem:$0x1D800] =	vst v63  }
0x13c: {  	_ =	swait.ge [sflag:s17], $0xC80  }
0x13d: {  	s6 =	rddreg [dreg:$0x5];
	[sflag:s17] =	ssyncset.done $0x0  }
0x13e: {  	[sflag:s17] =	ssyncadd.s32 $0xFFFFF380;
	s6 =	sadd.s32 s14, s6  }
0x13f: {  	[tilespmem:s18], [sflag:$0x4] =	stream.linear.gather [hbm4b:s6+s4], $0xC80, $0x38;
	[tilespmem:$0x1D800] =	vst v63  }
0x140: {  	_ =	swait.ge [sflag:s17], $0xC80  }
0x141: {  	[sflag:s17] =	ssyncset.done $0x0  }
0x142: {  	[sflag:s17] =	ssyncadd.s32 $0xFFFFF380  }
0x143: {  	[tilespmem:s16], [sflag:$0x1] =	stream.indirect.gather [hbm4b:s5+s19], $0x80, s4, s19, $0xb8;
	[tilespmem:$0x1D800] =	vst v63  }
0x144: {  	s13 =	smov.u32 s15;
	s6 =	rddreg [dreg:$0x6]  }
0x145: {  	[tilespmem:s20], [sflag:$0x2] =	stream.indirect.gather [hbm4b:s5+s19], $0x80, s6, s19, $0xb8;
	[tilespmem:$0x1D800] =	vst v63  }
0x146: {  	s14 =	smov.u32 s13;
	s13 =	rddreg [dreg:$0x7]  }
0x147: {  	[tilespmem:s21], [sflag:$0x3] =	stream.indirect.gather [hbm4b:s5+s19], $0x80, s13, s19, $0xb8;
	[tilespmem:$0x1D800] =	vst v63  }
0x148: {  	_ =	swait.ge [sflag:s22], $0x2800  }
0x149: {  	[sflag:s22] =	ssyncset.done $0x0  }
0x14a: {  	[sflag:s22] =	ssyncadd.s32 $0xFFFFD800  }
0x14b: {  	[spmem:s3] =	stream.indirect.scatter.add.f32 [tilespmem:s16], [sflag:$0x4], $0x80, s18, s19, $0xb8;
	[tilespmem:$0x1D800] =	vst v63  }
0x14c: {  	_ =	swait.ge [sflag:s17], $0x2800  }
0x14d: {  	[sflag:s17] =	ssyncset.done $0x0  }
0x14e: {  	s13 =	rddreg [dreg:$0x8];
	[sflag:s17] =	ssyncadd.s32 $0xFFFFD800  }
0x14f: {  	[tilespmem:s16], [sflag:$0x1] =	stream.indirect.gather [hbm4b:s5+s19], $0x80, s13, s19, $0xb8;
	[tilespmem:$0x1D800] =	vst v63  }
0x150: {  	_ =	swait.ge [sflag:s23], $0x2800  }
0x151: {  	[sflag:s23] =	ssyncset.done $0x0  }
0x152: {  	s13 =	rddreg [dreg:$0x9];
	[sflag:s23] =	ssyncadd.s32 $0xFFFFD800  }
0x153: {  	[spmem:s3] =	stream.indirect.scatter.add.f32 [tilespmem:s20], [sflag:$0x4], $0x80, s13, s19, $0xb8;
	[tilespmem:$0x1D800] =	vst v63  }
0x154: {  	_ =	swait.ge [sflag:s17], $0x2800  }
0x155: {  	[sflag:s17] =	ssyncset.done $0x0  }
0x156: {  	s13 =	rddreg [dreg:$0xa];
	[sflag:s17] =	ssyncadd.s32 $0xFFFFD800  }
0x157: {  	[tilespmem:s20], [sflag:$0x2] =	stream.indirect.gather [hbm4b:s5+s19], $0x80, s13, s19, $0xb8;
	[tilespmem:$0x1D800] =	vst v63  }
0x158: {  	_ =	swait.ge [sflag:s24], $0x2800  }
0x159: {  	[sflag:s24] =	ssyncset.done $0x0  }
0x15a: {  	s13 =	rddreg [dreg:$0xb];
	[sflag:s24] =	ssyncadd.s32 $0xFFFFD800  }
0x15b: {  	[spmem:s3] =	stream.indirect.scatter.add.f32 [tilespmem:s21], [sflag:$0x4], $0x80, s13, s19, $0xb8;
	[tilespmem:$0x1D800] =	vst v63  }
0x15c: {  	_ =	swait.ge [sflag:s17], $0x2800  }
0x15d: {  	[sflag:s17] =	ssyncset.done $0x0  }
0x15e: {  	s13 =	rddreg [dreg:$0xc];
	[sflag:s17] =	ssyncadd.s32 $0xFFFFD800  }
0x15f: {  	[tilespmem:s21], [sflag:$0x3] =	stream.indirect.gather [hbm4b:s5+s19], $0x80, s13, s19, $0xb8;
	[tilespmem:$0x1D800] =	vst v63  }
0x160: {  	_ =	swait.ge [sflag:s22], $0x2800  }
0x161: {  	[sflag:s22] =	ssyncset.done $0x0  }
0x162: {  	s13 =	rddreg [dreg:$0xd];
	[sflag:s22] =	ssyncadd.s32 $0xFFFFD800  }
0x163: {  	[spmem:s3] =	stream.indirect.scatter.add.f32 [tilespmem:s16], [sflag:$0x4], $0x80, s13, s19, $0xb8;
	[tilespmem:$0x1D800] =	vst v63  }
0x164: {  	_ =	swait.ge [sflag:s17], $0x2800  }
0x165: {  	[sflag:s17] =	ssyncset.done $0x0  }
0x166: {  	s13 =	rddreg [dreg:$0xe];
	[sflag:s17] =	ssyncadd.s32 $0xFFFFD800  }
0x167: {  	[tilespmem:s16], [sflag:$0x1] =	stream.indirect.gather [hbm4b:s5+s19], $0x80, s13, s19, $0xb8;
	[tilespmem:$0x1D800] =	vst v63  }
0x168: {  	_ =	swait.ge [sflag:s23], $0x2800  }
0x169: {  	[sflag:s23] =	ssyncset.done $0x0  }
0x16a: {  	s13 =	rddreg [dreg:$0xf];
	[sflag:s23] =	ssyncadd.s32 $0xFFFFD800  }
0x16b: {  	[spmem:s3] =	stream.indirect.scatter.add.f32 [tilespmem:s20], [sflag:$0x4], $0x80, s13, s19, $0xb8;
	[tilespmem:$0x1D800] =	vst v63  }
0x16c: {  	_ =	swait.ge [sflag:s17], $0x2800  }
0x16d: {  	[sflag:s17] =	ssyncset.done $0x0  }
0x16e: {  	s13 =	rddreg [dreg:$0x10];
	[sflag:s17] =	ssyncadd.s32 $0xFFFFD800  }
0x16f: {  	[tilespmem:s20], [sflag:$0x2] =	stream.indirect.gather [hbm4b:s5+s19], $0x80, s13, s19, $0xb8;
	[tilespmem:$0x1D800] =	vst v63  }
0x170: {  	_ =	swait.ge [sflag:s24], $0x2800  }
0x171: {  	[sflag:s24] =	ssyncset.done $0x0  }
0x172: {  	s13 =	rddreg [dreg:$0x11];
	[sflag:s24] =	ssyncadd.s32 $0xFFFFD800  }
0x173: {  	[spmem:s3] =	stream.indirect.scatter.add.f32 [tilespmem:s21], [sflag:$0x4], $0x80, s13, s19, $0xb8;
	[tilespmem:$0x1D800] =	vst v63  }
0x174: {  	_ =	swait.ge [sflag:s17], $0x2800  }
0x175: {  	[sflag:s17] =	ssyncset.done $0x0  }
0x176: {  	s13 =	rddreg [dreg:$0x12];
	[sflag:s17] =	ssyncadd.s32 $0xFFFFD800  }
0x177: {  	[tilespmem:s21], [sflag:$0x3] =	stream.indirect.gather [hbm4b:s5+s19], $0x80, s13, s19, $0xb8;
	[tilespmem:$0x1D800] =	vst v63  }
0x178: {  	_ =	swait.ge [sflag:s22], $0x2800  }
0x179: {  	[sflag:s22] =	ssyncset.done $0x0  }
0x17a: {  	s13 =	rddreg [dreg:$0x13];
	[sflag:s22] =	ssyncadd.s32 $0xFFFFD800  }
0x17b: {  	[spmem:s3] =	stream.indirect.scatter.add.f32 [tilespmem:s16], [sflag:$0x4], $0x80, s13, s19, $0xb8;
	[tilespmem:$0x1D800] =	vst v63  }
0x17c: {  	_ =	swait.ge [sflag:s17], $0x2800  }
0x17d: {  	[sflag:s17] =	ssyncset.done $0x0  }
0x17e: {  	s13 =	rddreg [dreg:$0x14];
	[sflag:s17] =	ssyncadd.s32 $0xFFFFD800  }
0x17f: {  	[tilespmem:s16], [sflag:$0x1] =	stream.indirect.gather [hbm4b:s5+s19], $0x80, s13, s19, $0xb8;
	[tilespmem:$0x1D800] =	vst v63  }
0x180: {  	_ =	swait.ge [sflag:s23], $0x2800  }
0x181: {  	[sflag:s23] =	ssyncset.done $0x0  }
0x182: {  	s13 =	rddreg [dreg:$0x15];
	[sflag:s23] =	ssyncadd.s32 $0xFFFFD800  }
0x183: {  	[spmem:s3] =	stream.indirect.scatter.add.f32 [tilespmem:s20], [sflag:$0x4], $0x80, s13, s19, $0xb8;
	[tilespmem:$0x1D800] =	vst v63  }
0x184: {  	_ =	swait.ge [sflag:s17], $0x2800  }
0x185: {  	[sflag:s17] =	ssyncset.done $0x0  }
0x186: {  	s13 =	rddreg [dreg:$0x16];
	[sflag:s17] =	ssyncadd.s32 $0xFFFFD800  }
0x187: {  	[tilespmem:s20], [sflag:$0x2] =	stream.indirect.gather [hbm4b:s5+s19], $0x80, s13, s19, $0xb8;
	[tilespmem:$0x1D800] =	vst v63  }
0x188: {  	_ =	swait.ge [sflag:s24], $0x2800  }
0x189: {  	[sflag:s24] =	ssyncset.done $0x0  }
0x18a: {  	s13 =	rddreg [dreg:$0x17];
	[sflag:s24] =	ssyncadd.s32 $0xFFFFD800  }
0x18b: {  	[spmem:s3] =	stream.indirect.scatter.add.f32 [tilespmem:s21], [sflag:$0x4], $0x80, s13, s19, $0xb8;
	[tilespmem:$0x1D800] =	vst v63  }
0x18c: {  	_ =	swait.ge [sflag:s17], $0x2800  }
0x18d: {  	[sflag:s17] =	ssyncset.done $0x0  }
0x18e: {  	s13 =	rddreg [dreg:$0x18];
	[sflag:s17] =	ssyncadd.s32 $0xFFFFD800  }
0x18f: {  	[tilespmem:s21], [sflag:$0x3] =	stream.indirect.gather [hbm4b:s5+s19], $0x80, s13, s19, $0xb8;
	[tilespmem:$0x1D800] =	vst v63  }
0x190: {  	_ =	swait.ge [sflag:s22], $0x2800  }
0x191: {  	[sflag:s22] =	ssyncset.done $0x0  }
0x192: {  	s13 =	rddreg [dreg:$0x19];
	[sflag:s22] =	ssyncadd.s32 $0xFFFFD800  }
0x193: {  	[spmem:s3] =	stream.indirect.scatter.add.f32 [tilespmem:s16], [sflag:$0x4], $0x80, s13, s19, $0xb8;
	[tilespmem:$0x1D800] =	vst v63  }
0x194: {  	_ =	swait.ge [sflag:s17], $0x2800  }
0x195: {  	[sflag:s17] =	ssyncset.done $0x0  }
0x196: {  	s13 =	rddreg [dreg:$0x1a];
	[sflag:s17] =	ssyncadd.s32 $0xFFFFD800  }
0x197: {  	[tilespmem:s16], [sflag:$0x1] =	stream.indirect.gather [hbm4b:s5+s19], $0x80, s13, s19, $0xb8;
	[tilespmem:$0x1D800] =	vst v63  }
0x198: {  	_ =	swait.ge [sflag:s23], $0x2800  }
0x199: {  	[sflag:s23] =	ssyncset.done $0x0  }
0x19a: {  	s13 =	rddreg [dreg:$0x1b];
	[sflag:s23] =	ssyncadd.s32 $0xFFFFD800  }
0x19b: {  	[spmem:s3] =	stream.indirect.scatter.add.f32 [tilespmem:s20], [sflag:$0x4], $0x80, s13, s19, $0xb8;
	[tilespmem:$0x1D800] =	vst v63  }
0x19c: {  	_ =	swait.ge [sflag:s17], $0x2800  }
0x19d: {  	[sflag:s17] =	ssyncset.done $0x0  }
0x19e: {  	s13 =	rddreg [dreg:$0x1c];
	[sflag:s17] =	ssyncadd.s32 $0xFFFFD800  }
0x19f: {  	[tilespmem:s20], [sflag:$0x2] =	stream.indirect.gather [hbm4b:s5+s19], $0x80, s13, s19, $0xb8;
	[tilespmem:$0x1D800] =	vst v63  }
0x1a0: {  	_ =	swait.ge [sflag:s24], $0x2800  }
0x1a1: {  	[sflag:s24] =	ssyncset.done $0x0  }
0x1a2: {  	s13 =	rddreg [dreg:$0x1d];
	[sflag:s24] =	ssyncadd.s32 $0xFFFFD800  }
0x1a3: {  	[spmem:s3] =	stream.indirect.scatter.add.f32 [tilespmem:s21], [sflag:$0x4], $0x80, s13, s19, $0xb8;
	[tilespmem:$0x1D800] =	vst v63  }
0x1a4: {  	_ =	swait.ge [sflag:s17], $0x2800  }
0x1a5: {  	[sflag:s17] =	ssyncset.done $0x0  }
0x1a6: {  	s13 =	rddreg [dreg:$0x1e];
	[sflag:s17] =	ssyncadd.s32 $0xFFFFD800  }
0x1a7: {  	[tilespmem:s21], [sflag:$0x3] =	stream.indirect.gather [hbm4b:s5+s19], $0x80, s13, s19, $0xb8;
	[tilespmem:$0x1D800] =	vst v63  }
0x1a8: {  	_ =	swait.ge [sflag:s22], $0x2800  }
0x1a9: {  	[sflag:s22] =	ssyncset.done $0x0  }
0x1aa: {  	s13 =	rddreg [dreg:$0x1f];
	[sflag:s22] =	ssyncadd.s32 $0xFFFFD800  }
0x1ab: {  	[spmem:s3] =	stream.indirect.scatter.add.f32 [tilespmem:s16], [sflag:$0x4], $0x80, s13, s19, $0xb8;
	[tilespmem:$0x1D800] =	vst v63  }
0x1ac: {  	_ =	swait.ge [sflag:s17], $0x2800  }
0x1ad: {  	s13 =	sld [smem:$0x7F6]  }
0x1ae: {  	[sflag:s17] =	ssyncset.done $0x0  }
0x1af: {  	[sflag:s17] =	ssyncadd.s32 $0xFFFFD800  }
0x1b0: {  	[tilespmem:s16], [sflag:$0x1] =	stream.indirect.gather [hbm4b:s5+s19], $0x80, s13, s19, $0xb8;
	[tilespmem:$0x1D800] =	vst v63  }
0x1b1: {  	_ =	swait.ge [sflag:s23], $0x2800  }
0x1b2: {  	s13 =	sld [smem:$0x7F7]  }
0x1b3: {  	[sflag:s23] =	ssyncset.done $0x0  }
0x1b4: {  	[sflag:s23] =	ssyncadd.s32 $0xFFFFD800  }
0x1b5: {  	[spmem:s3] =	stream.indirect.scatter.add.f32 [tilespmem:s20], [sflag:$0x4], $0x80, s13, s19, $0xb8;
	[tilespmem:$0x1D800] =	vst v63  }
0x1b6: {  	_ =	swait.ge [sflag:s17], $0x2800  }
0x1b7: {  	s13 =	sld [smem:$0x7F8]  }
0x1b8: {  	[sflag:s17] =	ssyncset.done $0x0  }
0x1b9: {  	[sflag:s17] =	ssyncadd.s32 $0xFFFFD800  }
0x1ba: {  	[tilespmem:s20], [sflag:$0x2] =	stream.indirect.gather [hbm4b:s5+s19], $0x80, s13, s19, $0xb8;
	[tilespmem:$0x1D800] =	vst v63  }
0x1bb: {  	_ =	swait.ge [sflag:s24], $0x2800  }
0x1bc: {  	s13 =	sld [smem:$0x7F9]  }
0x1bd: {  	[sflag:s24] =	ssyncset.done $0x0  }
0x1be: {  	[sflag:s24] =	ssyncadd.s32 $0xFFFFD800  }
0x1bf: {  	[spmem:s3] =	stream.indirect.scatter.add.f32 [tilespmem:s21], [sflag:$0x4], $0x80, s13, s19, $0xb8;
	[tilespmem:$0x1D800] =	vst v63  }
0x1c0: {  	_ =	swait.ge [sflag:s17], $0x2800  }
0x1c1: {  	s13 =	sld [smem:$0x7FA]  }
0x1c2: {  	[sflag:s17] =	ssyncset.done $0x0  }
0x1c3: {  	[sflag:s17] =	ssyncadd.s32 $0xFFFFD800  }
0x1c4: {  	[tilespmem:s21], [sflag:$0x3] =	stream.indirect.gather [hbm4b:s5+s19], $0x80, s13, s19, $0xb8;
	[tilespmem:$0x1D800] =	vst v63  }
0x1c5: {  	_ =	swait.ge [sflag:s22], $0x2800  }
0x1c6: {  	s13 =	sld [smem:$0x7FB]  }
0x1c7: {  	[sflag:s22] =	ssyncset.done $0x0  }
0x1c8: {  	[sflag:s22] =	ssyncadd.s32 $0xFFFFD800  }
0x1c9: {  	[spmem:s3] =	stream.indirect.scatter.add.f32 [tilespmem:s16], [sflag:$0x4], $0x80, s13, s19, $0xb8;
	[tilespmem:$0x1D800] =	vst v63  }
0x1ca: {  	_ =	swait.ge [sflag:s17], $0x2800  }
0x1cb: {  	s13 =	sld [smem:$0x7FC]  }
0x1cc: {  	[sflag:s17] =	ssyncset.done $0x0  }
0x1cd: {  	[sflag:s17] =	ssyncadd.s32 $0xFFFFD800  }
0x1ce: {  	[tilespmem:s16], [sflag:$0x1] =	stream.indirect.gather [hbm4b:s5+s19], $0x80, s13, s19, $0xb8;
	[tilespmem:$0x1D800] =	vst v63  }
0x1cf: {  	_ =	swait.ge [sflag:s23], $0x2800  }
0x1d0: {  	[sflag:s23] =	ssyncset.done $0x0  }
0x1d1: {  	[sflag:s23] =	ssyncadd.s32 $0xFFFFD800  }
0x1d2: {  	[spmem:s3] =	stream.indirect.scatter.add.f32 [tilespmem:s20], [sflag:$0x4], $0x80, s25, s19, $0xb8;
	[tilespmem:$0x1D800] =	vst v63  }
0x1d3: {  	_ =	swait.ge [sflag:s17], $0x2800  }
0x1d4: {  	[sflag:s17] =	ssyncset.done $0x0  }
0x1d5: {  	[sflag:s17] =	ssyncadd.s32 $0xFFFFD800  }
0x1d6: {  	[tilespmem:s20], [sflag:$0x2] =	stream.indirect.gather [hbm4b:s5+s19], $0x80, s26, s19, $0xb8;
	[tilespmem:$0x1D800] =	vst v63  }
0x1d7: {  	_ =	swait.ge [sflag:s24], $0x2800  }
0x1d8: {  	[sflag:s24] =	ssyncset.done $0x0  }
0x1d9: {  	[sflag:s24] =	ssyncadd.s32 $0xFFFFD800  }
0x1da: {  	[spmem:s3] =	stream.indirect.scatter.add.f32 [tilespmem:s21], [sflag:$0x4], $0x80, s28, s19, $0xb8;
	[tilespmem:$0x1D800] =	vst v63  }
0x1db: {  	_ =	swait.ge [sflag:s17], $0x2800  }
0x1dc: {  	[sflag:s17] =	ssyncset.done $0x0  }
0x1dd: {  	[sflag:s17] =	ssyncadd.s32 $0xFFFFD800  }
0x1de: {  	[tilespmem:s21], [sflag:$0x3] =	stream.indirect.gather [hbm4b:s5+s19], $0x80, s29, s19, $0xb8;
	[tilespmem:$0x1D800] =	vst v63  }
0x1df: {  	_ =	swait.ge [sflag:s22], $0x2800  }
0x1e0: {  	[sflag:s22] =	ssyncset.done $0x0  }
0x1e1: {  	[sflag:s22] =	ssyncadd.s32 $0xFFFFD800  }
0x1e2: {  	[spmem:s3] =	stream.indirect.scatter.add.f32 [tilespmem:s16], [sflag:$0x4], $0x80, s30, s19, $0xb8;
	[tilespmem:$0x1D800] =	vst v63  }
0x1e3: {  	_ =	swait.ge [sflag:s17], $0x2800  }
0x1e4: {  	[sflag:s17] =	ssyncset.done $0x0  }
0x1e5: {  	[sflag:s17] =	ssyncadd.s32 $0xFFFFD800  }
0x1e6: {  	[tilespmem:s16], [sflag:$0x1] =	stream.indirect.gather [hbm4b:s5+s19], $0x80, s31, s19, $0xb8;
	[tilespmem:$0x1D800] =	vst v63  }
0x1e7: {  	_ =	swait.ge [sflag:s23], $0x2800  }
0x1e8: {  	[sflag:s23] =	ssyncset.done $0x0  }
0x1e9: {  	[sflag:s23] =	ssyncadd.s32 $0xFFFFD800  }
0x1ea: {  	[spmem:s3] =	stream.indirect.scatter.add.f32 [tilespmem:s20], [sflag:$0x4], $0x80, s0, s19, $0xb8;
	[tilespmem:$0x1D800] =	vst v63  }
0x1eb: {  	_ =	swait.ge [sflag:s17], $0x2800  }
0x1ec: {  	[sflag:s17] =	ssyncset.done $0x0  }
0x1ed: {  	[sflag:s17] =	ssyncadd.s32 $0xFFFFD800  }
0x1ee: {  	[tilespmem:s20], [sflag:$0x2] =	stream.indirect.gather [hbm4b:s5+s19], $0x80, s1, s19, $0xb8;
	[tilespmem:$0x1D800] =	vst v63  }
0x1ef: {  	_ =	swait.ge [sflag:s24], $0x2800  }
0x1f0: {  	[sflag:s24] =	ssyncset.done $0x0  }
0x1f1: {  	[sflag:s24] =	ssyncadd.s32 $0xFFFFD800  }
0x1f2: {  	[spmem:s3] =	stream.indirect.scatter.add.f32 [tilespmem:s21], [sflag:$0x4], $0x80, s2, s19, $0xb8;
	[tilespmem:$0x1D800] =	vst v63  }
0x1f3: {  	_ =	swait.ge [sflag:s17], $0x2800  }
0x1f4: {  	[sflag:s17] =	ssyncset.done $0x0  }
0x1f5: {  	[sflag:s17] =	ssyncadd.s32 $0xFFFFD800  }
0x1f6: {  	[tilespmem:s21], [sflag:$0x3] =	stream.indirect.gather [hbm4b:s5+s19], $0x80, s7, s19, $0xb8;
	[tilespmem:$0x1D800] =	vst v63  }
0x1f7: {  	_ =	swait.ge [sflag:s22], $0x2800  }
0x1f8: {  	[sflag:s22] =	ssyncset.done $0x0  }
0x1f9: {  	[sflag:s22] =	ssyncadd.s32 $0xFFFFD800  }
0x1fa: {  	[spmem:s3] =	stream.indirect.scatter.add.f32 [tilespmem:s16], [sflag:$0x4], $0x80, s8, s19, $0xb8;
	[tilespmem:$0x1D800] =	vst v63  }
0x1fb: {  	_ =	swait.ge [sflag:s17], $0x2800  }
0x1fc: {  	[sflag:s17] =	ssyncset.done $0x0  }
0x1fd: {  	[sflag:s17] =	ssyncadd.s32 $0xFFFFD800  }
0x1fe: {  	[tilespmem:s16], [sflag:$0x1] =	stream.indirect.gather [hbm4b:s5+s19], $0x80, s9, s19, $0xb8;
	[tilespmem:$0x1D800] =	vst v63  }
0x1ff: {  	_ =	swait.ge [sflag:s23], $0x2800  }
0x200: {  	[sflag:s23] =	ssyncset.done $0x0  }
0x201: {  	[sflag:s23] =	ssyncadd.s32 $0xFFFFD800  }
0x202: {  	[spmem:s3] =	stream.indirect.scatter.add.f32 [tilespmem:s20], [sflag:$0x4], $0x80, s10, s19, $0xb8;
	[tilespmem:$0x1D800] =	vst v63  }
0x203: {  	_ =	swait.ge [sflag:s17], $0x2800  }
0x204: {  	[sflag:s17] =	ssyncset.done $0x0  }
0x205: {  	[sflag:s17] =	ssyncadd.s32 $0xFFFFD800  }
0x206: {  	_ =	swait.ge [sflag:s24], $0x2800  }
0x207: {  	[sflag:s24] =	ssyncset.done $0x0  }
0x208: {  	[sflag:s24] =	ssyncadd.s32 $0xFFFFD800  }
0x209: {  	[spmem:s3] =	stream.indirect.scatter.add.f32 [tilespmem:s21], [sflag:$0x4], $0x80, s11, s19, $0xb8;
	[tilespmem:$0x1D800] =	vst v63  }
0x20a: {  	_ =	swait.ge [sflag:s17], $0x2800  }
0x20b: {  	[sflag:s17] =	ssyncset.done $0x0  }
0x20c: {  	[sflag:s17] =	ssyncadd.s32 $0xFFFFD800  }
0x20d: {  	p0 =	sne.s32 s15, $0x10000;
	_ =	swait.ge [sflag:s22], $0x2800  }
.Ltmp0:
0x20e: {  	[sflag:s22] =	ssyncset.done $0x0;
	(pc) =	sbr.rel @p0 .LBB2_2-.Ltmp0, $4  }
0x20f: {  	[sflag:s22] =	ssyncadd.s32 $0xFFFFD800  }
0x210: {  	[spmem:s3] =	stream.indirect.scatter.add.f32 [tilespmem:s16], [sflag:$0x4], $0x80, s12, s19, $0xb8;
	[tilespmem:$0x1D800] =	vst v63  }
0x211: {  	_ =	swait.ge [sflag:s17], $0x2800  }
0x212: {  	s15 =	sadd.s32 $0x4000, s15;
	s6 =	rddreg [dreg:$0x4];
	[sflag:s17] =	ssyncset.done $0x0  }
0x213: {  	[sflag:s17] =	ssyncadd.s32 $0xFFFFD800;
	s6 =	sadd.s32 s14, s6  }
0x214: {  	[tilespmem:s4], [sflag:$0x4] =	stream.linear.gather [hbm4b:s6+s4], $0xC80, $0x38;
	[tilespmem:$0x1D800] =	vst v63  }
0x215: {  	_ =	swait.ge [sflag:s17], $0xC80  }
0x216: {  	s13 =	rddreg [dreg:$0x5];
	[sflag:s17] =	ssyncset.done $0x0  }
0x217: {  	[sflag:s17] =	ssyncadd.s32 $0xFFFFF380;
	s6 =	sadd.s32 s14, s13  }
0x218: {  	[tilespmem:s18], [sflag:$0x4] =	stream.linear.gather [hbm4b:s6+s4], $0xC80, $0x38;
	[tilespmem:$0x1D800] =	vst v63  }
0x219: {  	_ =	swait.ge [sflag:s17], $0xC80  }
0x21a: {  	[sflag:s17] =	ssyncset.done $0x0  }
0x21b: {  	[sflag:s17] =	ssyncadd.s32 $0xFFFFF380  }
0x21c: {  	[tilespmem:s16], [sflag:$0x1] =	stream.indirect.gather [hbm4b:s5+s19], $0x80, s4, s19, $0xb8;
	[tilespmem:$0x1D800] =	vst v63  }
0x21d: {  	s15 =	rddreg [dreg:$0x6]  }
0x21e: {  	[tilespmem:s20], [sflag:$0x2] =	stream.indirect.gather [hbm4b:s5+s19], $0x80, s15, s19, $0xb8;
	[tilespmem:$0x1D800] =	vst v63  }
0x21f: {  	s13 =	rddreg [dreg:$0x7]  }
0x220: {  	[tilespmem:s21], [sflag:$0x3] =	stream.indirect.gather [hbm4b:s5+s19], $0x80, s13, s19, $0xb8;
	[tilespmem:$0x1D800] =	vst v63  }
0x221: {  	_ =	swait.ge [sflag:s22], $0x2800  }
0x222: {  	[sflag:s22] =	ssyncset.done $0x0  }
0x223: {  	[sflag:s22] =	ssyncadd.s32 $0xFFFFD800  }
0x224: {  	[spmem:s3] =	stream.indirect.scatter.add.f32 [tilespmem:s16], [sflag:$0x4], $0x80, s18, s19, $0xb8;
	[tilespmem:$0x1D800] =	vst v63  }
0x225: {  	_ =	swait.ge [sflag:s17], $0x2800  }
0x226: {  	[sflag:s17] =	ssyncset.done $0x0  }
0x227: {  	s14 =	rddreg [dreg:$0x8];
	[sflag:s17] =	ssyncadd.s32 $0xFFFFD800  }
0x228: {  	[tilespmem:s16], [sflag:$0x1] =	stream.indirect.gather [hbm4b:s5+s19], $0x80, s14, s19, $0xb8;
	[tilespmem:$0x1D800] =	vst v63  }
0x229: {  	_ =	swait.ge [sflag:s23], $0x2800  }
0x22a: {  	[sflag:s23] =	ssyncset.done $0x0  }
0x22b: {  	s15 =	rddreg [dreg:$0x9];
	[sflag:s23] =	ssyncadd.s32 $0xFFFFD800  }
0x22c: {  	[spmem:s3] =	stream.indirect.scatter.add.f32 [tilespmem:s20], [sflag:$0x4], $0x80, s15, s19, $0xb8;
	[tilespmem:$0x1D800] =	vst v63  }
0x22d: {  	_ =	swait.ge [sflag:s17], $0x2800  }
0x22e: {  	[sflag:s17] =	ssyncset.done $0x0  }
0x22f: {  	s13 =	rddreg [dreg:$0xa];
	[sflag:s17] =	ssyncadd.s32 $0xFFFFD800  }
0x230: {  	[tilespmem:s20], [sflag:$0x2] =	stream.indirect.gather [hbm4b:s5+s19], $0x80, s13, s19, $0xb8;
	[tilespmem:$0x1D800] =	vst v63  }
0x231: {  	_ =	swait.ge [sflag:s24], $0x2800  }
0x232: {  	[sflag:s24] =	ssyncset.done $0x0  }
0x233: {  	s14 =	rddreg [dreg:$0xb];
	[sflag:s24] =	ssyncadd.s32 $0xFFFFD800  }
0x234: {  	[spmem:s3] =	stream.indirect.scatter.add.f32 [tilespmem:s21], [sflag:$0x4], $0x80, s14, s19, $0xb8;
	[tilespmem:$0x1D800] =	vst v63  }
0x235: {  	_ =	swait.ge [sflag:s17], $0x2800  }
0x236: {  	[sflag:s17] =	ssyncset.done $0x0  }
0x237: {  	s15 =	rddreg [dreg:$0xc];
	[sflag:s17] =	ssyncadd.s32 $0xFFFFD800  }
0x238: {  	[tilespmem:s21], [sflag:$0x3] =	stream.indirect.gather [hbm4b:s5+s19], $0x80, s15, s19, $0xb8;
	[tilespmem:$0x1D800] =	vst v63  }
0x239: {  	_ =	swait.ge [sflag:s22], $0x2800  }
0x23a: {  	[sflag:s22] =	ssyncset.done $0x0  }
0x23b: {  	s13 =	rddreg [dreg:$0xd];
	[sflag:s22] =	ssyncadd.s32 $0xFFFFD800  }
0x23c: {  	[spmem:s3] =	stream.indirect.scatter.add.f32 [tilespmem:s16], [sflag:$0x4], $0x80, s13, s19, $0xb8;
	[tilespmem:$0x1D800] =	vst v63  }
0x23d: {  	_ =	swait.ge [sflag:s17], $0x2800  }
0x23e: {  	[sflag:s17] =	ssyncset.done $0x0  }
0x23f: {  	s14 =	rddreg [dreg:$0xe];
	[sflag:s17] =	ssyncadd.s32 $0xFFFFD800  }
0x240: {  	[tilespmem:s16], [sflag:$0x1] =	stream.indirect.gather [hbm4b:s5+s19], $0x80, s14, s19, $0xb8;
	[tilespmem:$0x1D800] =	vst v63  }
0x241: {  	_ =	swait.ge [sflag:s23], $0x2800  }
0x242: {  	[sflag:s23] =	ssyncset.done $0x0  }
0x243: {  	s15 =	rddreg [dreg:$0xf];
	[sflag:s23] =	ssyncadd.s32 $0xFFFFD800  }
0x244: {  	[spmem:s3] =	stream.indirect.scatter.add.f32 [tilespmem:s20], [sflag:$0x4], $0x80, s15, s19, $0xb8;
	[tilespmem:$0x1D800] =	vst v63  }
0x245: {  	_ =	swait.ge [sflag:s17], $0x2800  }
0x246: {  	[sflag:s17] =	ssyncset.done $0x0  }
0x247: {  	s13 =	rddreg [dreg:$0x10];
	[sflag:s17] =	ssyncadd.s32 $0xFFFFD800  }
0x248: {  	[tilespmem:s20], [sflag:$0x2] =	stream.indirect.gather [hbm4b:s5+s19], $0x80, s13, s19, $0xb8;
	[tilespmem:$0x1D800] =	vst v63  }
0x249: {  	_ =	swait.ge [sflag:s24], $0x2800  }
0x24a: {  	[sflag:s24] =	ssyncset.done $0x0  }
0x24b: {  	s14 =	rddreg [dreg:$0x11];
	[sflag:s24] =	ssyncadd.s32 $0xFFFFD800  }
0x24c: {  	[spmem:s3] =	stream.indirect.scatter.add.f32 [tilespmem:s21], [sflag:$0x4], $0x80, s14, s19, $0xb8;
	[tilespmem:$0x1D800] =	vst v63  }
0x24d: {  	_ =	swait.ge [sflag:s17], $0x2800  }
0x24e: {  	[sflag:s17] =	ssyncset.done $0x0  }
0x24f: {  	s15 =	rddreg [dreg:$0x12];
	[sflag:s17] =	ssyncadd.s32 $0xFFFFD800  }
0x250: {  	[tilespmem:s21], [sflag:$0x3] =	stream.indirect.gather [hbm4b:s5+s19], $0x80, s15, s19, $0xb8;
	[tilespmem:$0x1D800] =	vst v63  }
0x251: {  	_ =	swait.ge [sflag:s22], $0x2800  }
0x252: {  	[sflag:s22] =	ssyncset.done $0x0  }
0x253: {  	s13 =	rddreg [dreg:$0x13];
	[sflag:s22] =	ssyncadd.s32 $0xFFFFD800  }
0x254: {  	[spmem:s3] =	stream.indirect.scatter.add.f32 [tilespmem:s16], [sflag:$0x4], $0x80, s13, s19, $0xb8;
	[tilespmem:$0x1D800] =	vst v63  }
0x255: {  	_ =	swait.ge [sflag:s17], $0x2800  }
0x256: {  	[sflag:s17] =	ssyncset.done $0x0  }
0x257: {  	s14 =	rddreg [dreg:$0x14];
	[sflag:s17] =	ssyncadd.s32 $0xFFFFD800  }
0x258: {  	[tilespmem:s16], [sflag:$0x1] =	stream.indirect.gather [hbm4b:s5+s19], $0x80, s14, s19, $0xb8;
	[tilespmem:$0x1D800] =	vst v63  }
0x259: {  	_ =	swait.ge [sflag:s23], $0x2800  }
0x25a: {  	[sflag:s23] =	ssyncset.done $0x0  }
0x25b: {  	s15 =	rddreg [dreg:$0x15];
	[sflag:s23] =	ssyncadd.s32 $0xFFFFD800  }
0x25c: {  	[spmem:s3] =	stream.indirect.scatter.add.f32 [tilespmem:s20], [sflag:$0x4], $0x80, s15, s19, $0xb8;
	[tilespmem:$0x1D800] =	vst v63  }
0x25d: {  	_ =	swait.ge [sflag:s17], $0x2800  }
0x25e: {  	[sflag:s17] =	ssyncset.done $0x0  }
0x25f: {  	s13 =	rddreg [dreg:$0x16];
	[sflag:s17] =	ssyncadd.s32 $0xFFFFD800  }
0x260: {  	[tilespmem:s20], [sflag:$0x2] =	stream.indirect.gather [hbm4b:s5+s19], $0x80, s13, s19, $0xb8;
	[tilespmem:$0x1D800] =	vst v63  }
0x261: {  	_ =	swait.ge [sflag:s24], $0x2800  }
0x262: {  	[sflag:s24] =	ssyncset.done $0x0  }
0x263: {  	s14 =	rddreg [dreg:$0x17];
	[sflag:s24] =	ssyncadd.s32 $0xFFFFD800  }
0x264: {  	[spmem:s3] =	stream.indirect.scatter.add.f32 [tilespmem:s21], [sflag:$0x4], $0x80, s14, s19, $0xb8;
	[tilespmem:$0x1D800] =	vst v63  }
0x265: {  	_ =	swait.ge [sflag:s17], $0x2800  }
0x266: {  	[sflag:s17] =	ssyncset.done $0x0  }
0x267: {  	s15 =	rddreg [dreg:$0x18];
	[sflag:s17] =	ssyncadd.s32 $0xFFFFD800  }
0x268: {  	[tilespmem:s21], [sflag:$0x3] =	stream.indirect.gather [hbm4b:s5+s19], $0x80, s15, s19, $0xb8;
	[tilespmem:$0x1D800] =	vst v63  }
0x269: {  	_ =	swait.ge [sflag:s22], $0x2800  }
0x26a: {  	[sflag:s22] =	ssyncset.done $0x0  }
0x26b: {  	s13 =	rddreg [dreg:$0x19];
	[sflag:s22] =	ssyncadd.s32 $0xFFFFD800  }
0x26c: {  	[spmem:s3] =	stream.indirect.scatter.add.f32 [tilespmem:s16], [sflag:$0x4], $0x80, s13, s19, $0xb8;
	[tilespmem:$0x1D800] =	vst v63  }
0x26d: {  	_ =	swait.ge [sflag:s17], $0x2800  }
0x26e: {  	[sflag:s17] =	ssyncset.done $0x0  }
0x26f: {  	s14 =	rddreg [dreg:$0x1a];
	[sflag:s17] =	ssyncadd.s32 $0xFFFFD800  }
0x270: {  	[tilespmem:s16], [sflag:$0x1] =	stream.indirect.gather [hbm4b:s5+s19], $0x80, s14, s19, $0xb8;
	[tilespmem:$0x1D800] =	vst v63  }
0x271: {  	_ =	swait.ge [sflag:s23], $0x2800  }
0x272: {  	[sflag:s23] =	ssyncset.done $0x0  }
0x273: {  	s15 =	rddreg [dreg:$0x1b];
	[sflag:s23] =	ssyncadd.s32 $0xFFFFD800  }
0x274: {  	[spmem:s3] =	stream.indirect.scatter.add.f32 [tilespmem:s20], [sflag:$0x4], $0x80, s15, s19, $0xb8;
	[tilespmem:$0x1D800] =	vst v63  }
0x275: {  	_ =	swait.ge [sflag:s17], $0x2800  }
0x276: {  	[sflag:s17] =	ssyncset.done $0x0  }
0x277: {  	s13 =	rddreg [dreg:$0x1c];
	[sflag:s17] =	ssyncadd.s32 $0xFFFFD800  }
0x278: {  	[tilespmem:s20], [sflag:$0x2] =	stream.indirect.gather [hbm4b:s5+s19], $0x80, s13, s19, $0xb8;
	[tilespmem:$0x1D800] =	vst v63  }
0x279: {  	_ =	swait.ge [sflag:s24], $0x2800  }
0x27a: {  	[sflag:s24] =	ssyncset.done $0x0  }
0x27b: {  	s14 =	rddreg [dreg:$0x1d];
	[sflag:s24] =	ssyncadd.s32 $0xFFFFD800  }
0x27c: {  	[spmem:s3] =	stream.indirect.scatter.add.f32 [tilespmem:s21], [sflag:$0x4], $0x80, s14, s19, $0xb8;
	[tilespmem:$0x1D800] =	vst v63  }
0x27d: {  	_ =	swait.ge [sflag:s17], $0x2800  }
0x27e: {  	[sflag:s17] =	ssyncset.done $0x0  }
0x27f: {  	s15 =	rddreg [dreg:$0x1e];
	[sflag:s17] =	ssyncadd.s32 $0xFFFFD800  }
0x280: {  	[tilespmem:s21], [sflag:$0x3] =	stream.indirect.gather [hbm4b:s5+s19], $0x80, s15, s19, $0xb8;
	[tilespmem:$0x1D800] =	vst v63  }
0x281: {  	_ =	swait.ge [sflag:s22], $0x2800  }
0x282: {  	[sflag:s22] =	ssyncset.done $0x0  }
0x283: {  	s13 =	rddreg [dreg:$0x1f];
	[sflag:s22] =	ssyncadd.s32 $0xFFFFD800  }
0x284: {  	[spmem:s3] =	stream.indirect.scatter.add.f32 [tilespmem:s16], [sflag:$0x4], $0x80, s13, s19, $0xb8;
	[tilespmem:$0x1D800] =	vst v63  }
0x285: {  	_ =	swait.ge [sflag:s17], $0x2800  }
0x286: {  	s14 =	sld [smem:$0x7F6]  }
0x287: {  	[sflag:s17] =	ssyncset.done $0x0  }
0x288: {  	[sflag:s17] =	ssyncadd.s32 $0xFFFFD800  }
0x289: {  	[tilespmem:s16], [sflag:$0x1] =	stream.indirect.gather [hbm4b:s5+s19], $0x80, s14, s19, $0xb8;
	[tilespmem:$0x1D800] =	vst v63  }
0x28a: {  	_ =	swait.ge [sflag:s23], $0x2800  }
0x28b: {  	s15 =	sld [smem:$0x7F7]  }
0x28c: {  	[sflag:s23] =	ssyncset.done $0x0  }
0x28d: {  	[sflag:s23] =	ssyncadd.s32 $0xFFFFD800  }
0x28e: {  	[spmem:s3] =	stream.indirect.scatter.add.f32 [tilespmem:s20], [sflag:$0x4], $0x80, s15, s19, $0xb8;
	[tilespmem:$0x1D800] =	vst v63  }
0x28f: {  	_ =	swait.ge [sflag:s17], $0x2800  }
0x290: {  	s13 =	sld [smem:$0x7F8]  }
0x291: {  	[sflag:s17] =	ssyncset.done $0x0  }
0x292: {  	[sflag:s17] =	ssyncadd.s32 $0xFFFFD800  }
0x293: {  	[tilespmem:s20], [sflag:$0x2] =	stream.indirect.gather [hbm4b:s5+s19], $0x80, s13, s19, $0xb8;
	[tilespmem:$0x1D800] =	vst v63  }
0x294: {  	_ =	swait.ge [sflag:s24], $0x2800  }
0x295: {  	s14 =	sld [smem:$0x7F9]  }
0x296: {  	[sflag:s24] =	ssyncset.done $0x0  }
0x297: {  	[sflag:s24] =	ssyncadd.s32 $0xFFFFD800  }
0x298: {  	[spmem:s3] =	stream.indirect.scatter.add.f32 [tilespmem:s21], [sflag:$0x4], $0x80, s14, s19, $0xb8;
	[tilespmem:$0x1D800] =	vst v63  }
0x299: {  	_ =	swait.ge [sflag:s17], $0x2800  }
0x29a: {  	s15 =	sld [smem:$0x7FA]  }
0x29b: {  	[sflag:s17] =	ssyncset.done $0x0  }
0x29c: {  	[sflag:s17] =	ssyncadd.s32 $0xFFFFD800  }
0x29d: {  	[tilespmem:s21], [sflag:$0x3] =	stream.indirect.gather [hbm4b:s5+s19], $0x80, s15, s19, $0xb8;
	[tilespmem:$0x1D800] =	vst v63  }
0x29e: {  	_ =	swait.ge [sflag:s22], $0x2800  }
0x29f: {  	s13 =	sld [smem:$0x7FB]  }
0x2a0: {  	[sflag:s22] =	ssyncset.done $0x0  }
0x2a1: {  	[sflag:s22] =	ssyncadd.s32 $0xFFFFD800  }
0x2a2: {  	[spmem:s3] =	stream.indirect.scatter.add.f32 [tilespmem:s16], [sflag:$0x4], $0x80, s13, s19, $0xb8;
	[tilespmem:$0x1D800] =	vst v63  }
0x2a3: {  	_ =	swait.ge [sflag:s17], $0x2800  }
0x2a4: {  	s14 =	sld [smem:$0x7FC]  }
0x2a5: {  	[sflag:s17] =	ssyncset.done $0x0  }
0x2a6: {  	[sflag:s17] =	ssyncadd.s32 $0xFFFFD800  }
0x2a7: {  	[tilespmem:s16], [sflag:$0x1] =	stream.indirect.gather [hbm4b:s5+s19], $0x80, s14, s19, $0xb8;
	[tilespmem:$0x1D800] =	vst v63  }
0x2a8: {  	_ =	swait.ge [sflag:s23], $0x2800  }
0x2a9: {  	[sflag:s23] =	ssyncset.done $0x0  }
0x2aa: {  	[sflag:s23] =	ssyncadd.s32 $0xFFFFD800  }
0x2ab: {  	[spmem:s3] =	stream.indirect.scatter.add.f32 [tilespmem:s20], [sflag:$0x4], $0x80, s25, s19, $0xb8;
	[tilespmem:$0x1D800] =	vst v63  }
0x2ac: {  	_ =	swait.ge [sflag:s17], $0x2800  }
0x2ad: {  	[sflag:s17] =	ssyncset.done $0x0  }
0x2ae: {  	[sflag:s17] =	ssyncadd.s32 $0xFFFFD800  }
0x2af: {  	[tilespmem:s20], [sflag:$0x2] =	stream.indirect.gather [hbm4b:s5+s19], $0x80, s26, s19, $0xb8;
	[tilespmem:$0x1D800] =	vst v63  }
0x2b0: {  	_ =	swait.ge [sflag:s24], $0x2800  }
0x2b1: {  	[sflag:s24] =	ssyncset.done $0x0  }
0x2b2: {  	[sflag:s24] =	ssyncadd.s32 $0xFFFFD800  }
0x2b3: {  	[spmem:s3] =	stream.indirect.scatter.add.f32 [tilespmem:s21], [sflag:$0x4], $0x80, s28, s19, $0xb8;
	[tilespmem:$0x1D800] =	vst v63  }
0x2b4: {  	_ =	swait.ge [sflag:s17], $0x2800  }
0x2b5: {  	[sflag:s17] =	ssyncset.done $0x0  }
0x2b6: {  	[sflag:s17] =	ssyncadd.s32 $0xFFFFD800  }
0x2b7: {  	[tilespmem:s21], [sflag:$0x3] =	stream.indirect.gather [hbm4b:s5+s19], $0x80, s29, s19, $0xb8;
	[tilespmem:$0x1D800] =	vst v63  }
0x2b8: {  	_ =	swait.ge [sflag:s22], $0x2800  }
0x2b9: {  	[sflag:s22] =	ssyncset.done $0x0  }
0x2ba: {  	[sflag:s22] =	ssyncadd.s32 $0xFFFFD800  }
0x2bb: {  	[spmem:s3] =	stream.indirect.scatter.add.f32 [tilespmem:s16], [sflag:$0x4], $0x80, s30, s19, $0xb8;
	[tilespmem:$0x1D800] =	vst v63  }
0x2bc: {  	_ =	swait.ge [sflag:s17], $0x2800  }
0x2bd: {  	[sflag:s17] =	ssyncset.done $0x0  }
0x2be: {  	[sflag:s17] =	ssyncadd.s32 $0xFFFFD800  }
0x2bf: {  	[tilespmem:s16], [sflag:$0x1] =	stream.indirect.gather [hbm4b:s5+s19], $0x80, s31, s19, $0xb8;
	[tilespmem:$0x1D800] =	vst v63  }
0x2c0: {  	_ =	swait.ge [sflag:s23], $0x2800  }
0x2c1: {  	[sflag:s23] =	ssyncset.done $0x0  }
0x2c2: {  	[sflag:s23] =	ssyncadd.s32 $0xFFFFD800  }
0x2c3: {  	[spmem:s3] =	stream.indirect.scatter.add.f32 [tilespmem:s20], [sflag:$0x4], $0x80, s0, s19, $0xb8;
	[tilespmem:$0x1D800] =	vst v63  }
0x2c4: {  	_ =	swait.ge [sflag:s17], $0x2800  }
0x2c5: {  	[sflag:s17] =	ssyncset.done $0x0  }
0x2c6: {  	[sflag:s17] =	ssyncadd.s32 $0xFFFFD800  }
0x2c7: {  	[tilespmem:s20], [sflag:$0x2] =	stream.indirect.gather [hbm4b:s5+s19], $0x80, s1, s19, $0xb8;
	[tilespmem:$0x1D800] =	vst v63  }
0x2c8: {  	_ =	swait.ge [sflag:s24], $0x2800  }
0x2c9: {  	[sflag:s24] =	ssyncset.done $0x0  }
0x2ca: {  	[sflag:s24] =	ssyncadd.s32 $0xFFFFD800  }
0x2cb: {  	[spmem:s3] =	stream.indirect.scatter.add.f32 [tilespmem:s21], [sflag:$0x4], $0x80, s2, s19, $0xb8;
	[tilespmem:$0x1D800] =	vst v63  }
0x2cc: {  	_ =	swait.ge [sflag:s17], $0x2800  }
0x2cd: {  	[sflag:s17] =	ssyncset.done $0x0  }
0x2ce: {  	[sflag:s17] =	ssyncadd.s32 $0xFFFFD800  }
0x2cf: {  	[tilespmem:s21], [sflag:$0x3] =	stream.indirect.gather [hbm4b:s5+s19], $0x80, s7, s19, $0xb8;
	[tilespmem:$0x1D800] =	vst v63  }
0x2d0: {  	_ =	swait.ge [sflag:s22], $0x2800  }
0x2d1: {  	[sflag:s22] =	ssyncset.done $0x0  }
0x2d2: {  	[sflag:s22] =	ssyncadd.s32 $0xFFFFD800  }
0x2d3: {  	[spmem:s3] =	stream.indirect.scatter.add.f32 [tilespmem:s16], [sflag:$0x4], $0x80, s8, s19, $0xb8;
	[tilespmem:$0x1D800] =	vst v63  }
0x2d4: {  	_ =	swait.ge [sflag:s17], $0x2800  }
0x2d5: {  	[sflag:s17] =	ssyncset.done $0x0  }
0x2d6: {  	[sflag:s17] =	ssyncadd.s32 $0xFFFFD800  }
0x2d7: {  	[tilespmem:s16], [sflag:$0x1] =	stream.indirect.gather [hbm4b:s5+s19], $0x80, s9, s19, $0xb8;
	[tilespmem:$0x1D800] =	vst v63  }
0x2d8: {  	_ =	swait.ge [sflag:s23], $0x2800  }
0x2d9: {  	[sflag:s23] =	ssyncset.done $0x0  }
0x2da: {  	[sflag:s23] =	ssyncadd.s32 $0xFFFFD800  }
0x2db: {  	[spmem:s3] =	stream.indirect.scatter.add.f32 [tilespmem:s20], [sflag:$0x4], $0x80, s10, s19, $0xb8;
	[tilespmem:$0x1D800] =	vst v63  }
0x2dc: {  	_ =	swait.ge [sflag:s17], $0x2800  }
0x2dd: {  	[sflag:s17] =	ssyncset.done $0x0  }
0x2de: {  	[sflag:s17] =	ssyncadd.s32 $0xFFFFD800  }
0x2df: {  	_ =	swait.ge [sflag:s24], $0x2800  }
0x2e0: {  	[sflag:s24] =	ssyncset.done $0x0  }
0x2e1: {  	[sflag:s24] =	ssyncadd.s32 $0xFFFFD800  }
0x2e2: {  	[spmem:s3] =	stream.indirect.scatter.add.f32 [tilespmem:s21], [sflag:$0x4], $0x80, s11, s19, $0xb8;
	[tilespmem:$0x1D800] =	vst v63  }
0x2e3: {  	_ =	swait.ge [sflag:s17], $0x2800  }
0x2e4: {  	[sflag:s17] =	ssyncset.done $0x0  }
0x2e5: {  	[sflag:s17] =	ssyncadd.s32 $0xFFFFD800  }
0x2e6: {  	_ =	swait.ge [sflag:s22], $0x2800  }
0x2e7: {  	[sflag:s22] =	ssyncset.done $0x0  }
0x2e8: {  	[sflag:s22] =	ssyncadd.s32 $0xFFFFD800  }
0x2e9: {  	[spmem:s3] =	stream.indirect.scatter.add.f32 [tilespmem:s16], [sflag:$0x4], $0x80, s12, s19, $0xb8;
	[tilespmem:$0x1D800] =	vst v63  }
0x2ea: {  	_ =	swait.ge [sflag:s17], $0x2800  }
0x2eb: {  	[sflag:s17] =	ssyncset.done $0x0  }
0x2ec: {  	[sflag:s17] =	ssyncadd.s32 $0xFFFFD800  }
0x2ed: {  	[bflag:$0x0] =	sbarrier.arrive $0xFFFF  }
0x2ee: {  	s15 =	stileid.u32;
	s14 =	sld [smem:$0x7FD]  }
0x2ef: {  	s6 =	sshll.u32 s15, $0x6;
	s15 =	sld [smem:$0x7F4];
	_ =	sdelay $0x1  }
0x2f0: {  	s6 =	sor.u32 $0x1C04, s6;
	s13 =	sshrl.u32 s14, $0x3  }
0x2f1: {  	[hbm:s15], [sflag:s6] =	dma.local [spmem:s13], $0x2800  }
0x2f2: {  	_ =	swait.ge [sflag:s17], $0x2800  }
0x2f3: {  	s6 =	sld [smem:$0x7EC]  }
0x2f4: {  	s15 =	sld [smem:$0x7F5];
	_ =	sdelay $0x1  }
0x2f5: {  	s13 =	sadd.s32 $0x1, s6  }
0x2f6: {  	p0 =	sne.s32 s13, s15  }
.Ltmp1:
0x2f7: {  	_ = 	snop;
	(pc) =	sbr.rel @p0 .LBB2_1-.Ltmp1, $3  }
0x2f8: {  	_ =	sdelay $0x1  }
0x2f9: {  	[sflag:s17] =	ssyncset.done $0x0  }
0x2fa: {  	[sflag:s17] =	ssyncadd.s32 $0xFFFFD800  }
0x2fb: {  	_ =	sfence.sel $0x180000  }
0x2fc: {  	[bflag:$0x0] =	sbarrier.arrive $0xFFFF  }
0x2fd: {  	_ =	strace $0x9000004D  }
0x2fe: {  	s0 =	stileid.u32;
	[bflag:$0x2] =	sbarrier.arrive $0xFFFF  }
0x2ff: {  	p0 =	sne.s32 s0, $0x0;
	s0 =	rddreg [dreg:$0x3]  }
0x300: {  	s0 =	sadd.s32 @!p0 $0x100000, s0  }
0x301: {  	[sflag:s0] =	ssyncadd.tile.s32 @!p0 $0x1;
	_ =	shalt  }
.Lfunc_end2:
_tile_overlayer_lowered:
.L_overlay_start_2:
0x302: {  	(tag) =	ssettag $0x2  }
0x303: {  	s0 =	rddreg [dreg:$0x0];
	s2 =	stileid.u32  }
0x304: {  	s1 =	rddreg [dreg:$0x1];
	p0 =	sne.s32 s2, $0x0  }
0x305: {  	s3 =	rddreg [dreg:$0x2];
	[bflag:$0x3] =	sbarrier.arrive $0xFFFF;
	s2 =	simm.s32 @!p0 $0x1C04  }
0x306: {  	[timem:s3], [sflag:s2] =	dma.local @!p0 [hbm:s0], s1  }
0x307: {  	s0 =	simm.s32 @!p0 $0x4  }
0x308: {  	_ =	swait.ge @!p0 [sflag:s0], s1  }
0x309: {  	s1 =	ssub.s32 @!p0 $0x0, s1;
	[sflag:s0] =	ssyncset.done @!p0 $0x0  }
0x30a: {  	[sflag:s0] =	ssyncadd.s32 @!p0 s1  }
0x30b: {  	[bflag:$0x3] =	sbarrier.arrive $0xFFFF  }
0x30c: {  	_ =	shalt  }

// kernel: kernel.19.cloned.1.call-start
scs
__scs_entry_jumppad:
0x0: {  	(pc) =	sbr.rel $0x88, $3  }
0x1: {  	(tag) =	ssettag $0x0;
	lr =	simm.s32 $0x1  }
0x2: {  	[smem:$0x3F80] =	sst lr;
	_ =	strace $0xD0000000  }
0x3: {  	_ = 	snop  }
0x4: {  	_ = 	snop  }
0x5: {  	_ = 	snop  }
0x6: {  	_ = 	snop  }
0x7: {  	_ = 	snop  }
__scs_overlays_trampoline_lowered:
0x8: {  	[smem:$0x3F8F] =	sst s0  }
0x9: {  	[smem:$0x3F90] =	sst s1  }
0xa: {  	[smem:$0x3F91] =	sst s2  }
0xb: {  	[smem:$0x3F92] =	sst s3  }
0xc: {  	[smem:$0x3F93] =	sst s4  }
0xd: {  	[smem:$0x3F94] =	sst s5  }
0xe: {  	[smem:$0x3F95] =	sst s6  }
0xf: {  	[smem:$0x3F96] =	sst s7  }
0x10: {  	[smem:$0x3F97] =	sst s8  }
0x11: {  	[smem:$0x3F98] =	sst s9;
	s0 =	simm.s32 @!p0 $0x0  }
0x12: {  	s1 =	sld [smem:$0x3F7E];
	s0 =	simm.s32 @p0 $0x1  }
0x13: {  	[smem:$0x3F99] =	sst s0;
	s0 =	simm.s32 @!p1 $0x0  }
0x14: {  	s2 =	sld [smem:$0x3F7D];
	s0 =	simm.s32 @p1 $0x1  }
0x15: {  	[smem:$0x3F9A] =	sst s0;
	s0 =	simm.s32 @!p2 $0x0  }
0x16: {  	s3 =	sld [smem:$0x3FDB];
	s0 =	simm.s32 @p2 $0x1  }
0x17: {  	s4 =	simm.s32 $0x1BF5;
	[smem:$0x3F9C] =	sst s0  }
0x18: {  	s0 =	sld [smem:$0x3F7F];
	_ =	swait.ge [sflag:s4], $0x0  }
0x19: {  	s7 =	sld [smem:$0x3F80]  }
0x1a: {  	s8 =	sadd.s32 $0xFFFFE003, lr  }
0x1b: {  	s9 =	sadd.s32 $0xFFFFFEF7, lr;
	s5 =	simm.s32 $0xFFFFFFFF;
	p2 =	slt.u32 s8, $0xFFFFF086  }
0x1c: {  	p1 =	slt.u32 s9, $0xF7A;
	s5 =	simm.s32 @!p2 $0x0  }
0x1d: {  	s5 =	simm.s32 @p1 $0x1;
	p0 =	seq.s32 s7, s2  }
0x1e: {  	s7 =	smul.u32 @!p0 $0xF7A, s2;
	p2 =	seq.s32 @!p0 s5, $0x0  }
0x1f: {  	s9 =	smul.u32 $0xF7A, s1;
	s8 =	simm.s32 @!p0 $0x1BF5;
	p2 =	por !p2, p0  }
0x20: {  	[sflag:s8] =	ssyncset.s32 @!p0 $0xFFFFF086;
	s6 =	sadd.s32 @!p0 s3, s7;
	s7 =	simm.s32 @!p0 $0x108  }
0x21: {  	s3 =	sadd.s32 s3, s9;
	s6 =	sadd.s32 @!p0 $0x88, s6;
	s7 =	simm.s32 @p2 $0x1082  }
0x22: {  	[simem:s7], [sflag:s8] =	dma.local @!p0 [hbm:s6], $0xF7A  }
0x23: {  	s9 =	sor.u32 $0xD0000000, s2;
	s6 =	simm.s32 $0x108;
	_ =	swait.ge @!p0 [sflag:s8], $0x0  }
0x24: {  	s3 =	sadd.s32 $0x88, s3;
	s6 =	simm.s32 @!p1 $0x1082;
	[sflag:s4] =	ssyncset.s32 $0xFFFFF086  }
0x25: {  	[simem:s6], [sflag:s4] =	dma.local [hbm:s3], $0xF7A  }
0x26: {  	[smem:$0x3F80] =	sst s1;
	(tag) =	ssettag s2;
	_ =	strace s9  }
0x27: {  	s1 =	sld [smem:$0x3F90]  }
0x28: {  	s2 =	sld [smem:$0x3F91]  }
0x29: {  	s4 =	sld [smem:$0x3F93]  }
0x2a: {  	p0 =	seq.s32 s5, $0x0;
	s5 =	sld [smem:$0x3F94]  }
0x2b: {  	s6 =	sld [smem:$0x3F95]  }
0x2c: {  	s7 =	sld [smem:$0x3F96]  }
0x2d: {  	s3 =	simm.s32 $0x108;
	s8 =	sld [smem:$0x3F97]  }
0x2e: {  	s3 =	simm.s32 @!p0 $0x1082;
	s9 =	sld [smem:$0x3F98]  }
0x2f: {  	lr =	sadd.s32 s0, s3;
	s0 =	sld [smem:$0x3F8F]  }
0x30: {  	s3 =	sld [smem:$0x3F92]  }
0x31: {  	[smem:$0x3F9B] =	sst s10  }
0x32: {  	s10 =	sld [smem:$0x3F99];
	_ =	sdelay $0x3  }
0x33: {  	p0 =	seq.s32 s10, $0x1;
	s10 =	sld [smem:$0x3F9B];
	_ =	sdelay $0x3  }
0x34: {  	[smem:$0x3F9B] =	sst s10  }
0x35: {  	s10 =	sld [smem:$0x3F9A];
	_ =	sdelay $0x3  }
0x36: {  	p1 =	seq.s32 s10, $0x1;
	s10 =	sld [smem:$0x3F9B];
	_ =	sdelay $0x3  }
0x37: {  	[smem:$0x3F9B] =	sst s10  }
0x38: {  	s10 =	sld [smem:$0x3F9C]  }
0x39: {  	_ = 	snop;
	(pc) =	sbr.ind lr, $3  }
0x3a: {  	_ = 	snop  }
0x3b: {  	_ = 	snop  }
0x3c: {  	p2 =	seq.s32 s10, $0x1;
	s10 =	sld [smem:$0x3F9B]  }
0x3d: {  	_ =	shalt  }
0x3e: {  	_ =	shalt  }
0x3f: {  	_ =	shalt  }
0x40: {  	_ =	shalt  }
0x41: {  	_ =	shalt  }
0x42: {  	_ =	shalt  }
0x43: {  	_ =	shalt  }
0x44: {  	_ =	shalt  }
0x45: {  	_ =	shalt  }
0x46: {  	_ =	shalt  }
0x47: {  	_ =	shalt  }
0x48: {  	_ =	shalt  }
0x49: {  	_ =	shalt  }
0x4a: {  	_ =	shalt  }
0x4b: {  	_ =	shalt  }
0x4c: {  	_ =	shalt  }
0x4d: {  	_ =	shalt  }
0x4e: {  	_ =	shalt  }
0x4f: {  	_ =	shalt  }
0x50: {  	_ =	shalt  }
0x51: {  	_ =	shalt  }
0x52: {  	_ =	shalt  }
0x53: {  	_ =	shalt  }
0x54: {  	_ =	shalt  }
0x55: {  	_ =	shalt  }
0x56: {  	_ =	shalt  }
0x57: {  	_ =	shalt  }
0x58: {  	_ =	shalt  }
0x59: {  	_ =	shalt  }
0x5a: {  	_ =	shalt  }
0x5b: {  	_ =	shalt  }
0x5c: {  	_ =	shalt  }
0x5d: {  	_ =	shalt  }
0x5e: {  	_ =	shalt  }
0x5f: {  	_ =	shalt  }
0x60: {  	_ =	shalt  }
0x61: {  	_ =	shalt  }
0x62: {  	_ =	shalt  }
0x63: {  	_ =	shalt  }
0x64: {  	_ =	shalt  }
0x65: {  	_ =	shalt  }
0x66: {  	_ =	shalt  }
0x67: {  	_ =	shalt  }
0x68: {  	_ =	shalt  }
0x69: {  	_ =	shalt  }
0x6a: {  	_ =	shalt  }
0x6b: {  	_ =	shalt  }
0x6c: {  	_ =	shalt  }
0x6d: {  	_ =	shalt  }
0x6e: {  	_ =	shalt  }
0x6f: {  	_ =	shalt  }
0x70: {  	_ =	shalt  }
0x71: {  	_ =	shalt  }
0x72: {  	_ =	shalt  }
0x73: {  	_ =	shalt  }
0x74: {  	_ =	shalt  }
0x75: {  	_ =	shalt  }
0x76: {  	_ =	shalt  }
0x77: {  	_ =	shalt  }
0x78: {  	_ =	shalt  }
0x79: {  	_ =	shalt  }
0x7a: {  	_ =	shalt  }
0x7b: {  	_ =	shalt  }
0x7c: {  	_ =	shalt  }
0x7d: {  	_ =	shalt  }
0x7e: {  	_ =	shalt  }
0x7f: {  	_ =	shalt  }
0x80: {  	_ =	shalt  }
0x81: {  	_ =	shalt  }
0x82: {  	_ =	shalt  }
0x83: {  	_ =	shalt  }
0x84: {  	_ =	shalt  }
0x85: {  	_ =	shalt  }
0x86: {  	_ =	shalt  }
0x87: {  	_ =	shalt  }
.Lfunc_end0:
.L_simem_size_0:
called_computation.3_lowered:
.L_overlay_start_0:
0x88: {  	s2 =	sld [smem:$0x3FD9]  }
0x89: {  	s3 =	sld [smem:$0x3FFE];
	_ =	sdelay $0x1  }
0x8a: {  	s1 =	srdreg.scid  }
0x8b: {  	s0 =	sand.u32 $0x1, s1  }
0x8c: {  	s17 =	sshll.u32 s0, $0xA;
	s2 =	sadd.s32 s3, s2  }
0x8d: {  	s2 =	sadd.s32 s2, s17  }
0x8e: {  	[smem:$0x3FA7] =	sst s2  }
0x8f: {  	_ = 	snop  }
0x90: {  	s2 =	sld [smem:$0x3FD0];
	(tm) =	ssettm $0x1  }
0x91: {  	s18 =	sld [smem:$0x3FFB];
	_ =	sdelay $0x3  }
0x92: {  	_ =	strace s18  }
0x93: {  	s3 =	sld [smem:$0x3FFC];
	_ =	sdelay $0x3  }
0x94: {  	_ =	strace s3  }
0x95: {  	s3 =	sld [smem:$0x3FFD];
	_ =	sdelay $0x3  }
0x96: {  	_ =	strace s3  }
0x97: {  	_ =	strace $0x8FFFFFFF  }
0x98: {  	s19 =	sld [smem:$0x3FDB];
	_ =	sdelay $0x1  }
0x99: {  	s4 =	simm.s32 $_scs_section_size  }
0x9a: {  	s5 =	simm.s32 $_size__tile_overlayer_lowered;
	s6 =	simm.s32 $_tile_overlayer_lowered  }
0x9b: {  	s22 =	simm.s32 $0x1BFF;
	s21 =	sshll.u32 s6, $0x1;
	s3 =	sadd.s32 s4, s19  }
0x9c: {  	s7 =	simm.s32 $0x0;
	s20 =	sshll.u32 s5, $0x1;
	s5 =	sadd.s32 s21, s3  }
0x9d: {  	[timem:s7], [sflag:s22] =	dma.local [hbm:s5], s20  }
0x9e: {  	_ =	swait.ge [sflag:s22], s20  }
0x9f: {  	s4 =	ssub.s32 $0x0, s20;
	[sflag:s22] =	ssyncset.done $0x0  }
0xa0: {  	[sflag:s22] =	ssyncadd.s32 s4;
	_ =	sdelay $0x1  }
0xa1: {  	s23 =	simm.s32 $0x1B8B  }
0xa2: {  	_ =	swait.ge [sflag:s23], $0x1  }
0xa3: {  	[sflag:s23] =	ssyncset.done $0x0  }
0xa4: {  	s25 =	simm.s32 $0x1B8E;
	s24 =	sld [smem:$0x3FFE];
	[sflag:s23] =	ssyncadd.s32 $0xFFFFFFFF  }
0xa5: {  	s26 =	simm.s32 $execute0_lowered;
	[smem:$0x3FD2] =	sst s25  }
0xa6: {  	s5 =	sshll.u32 s26, $0x1;
	_ =	strace $0x8000004F;
	[dreg:$0x1] =	wrdreg $0xFFFFFFFF  }
0xa7: {  	s28 =	simm.s32 $_size_execute0_lowered;
	s3 =	sadd.s32 s3, s5;
	[dreg:$0x0] =	wrdreg $0x0  }
0xa8: {  	s5 =	sshll.u32 s28, $0x1;
	[dreg:$0x2] =	wrdreg s3  }
0xa9: {  	[dreg:$0x3] =	wrdreg s5  }
0xaa: {  	[dreg:$0x4] =	wrdreg $0xC0  }
0xab: {  	_ =	task [dreg:s7], $0x5FFFF  }
0xac: {  	[dreg:$0x1] =	wrdreg $0xFFFFFFFF  }
0xad: {  	[dreg:$0x0] =	wrdreg $0x60  }
0xae: {  	[dreg:$0x2] =	wrdreg s24  }
0xaf: {  	[dreg:$0x3] =	wrdreg s2  }
0xb0: {  	[dreg:$0x4] =	wrdreg $0x98000  }
0xb1: {  	[dreg:$0x5] =	wrdreg $0x9  }
0xb2: {  	_ =	task.clear_ibuf [dreg:s7], $0x6FFFF;
	_ =	strace $0x9000004F  }
0xb3: {  	s29 =	simm.s32 $0x9;
	_ =	strace $0x80000051  }
0xb4: {  	_ =	swait.ge [sflag:s29], $0x1  }
0xb5: {  	[sflag:s29] =	ssyncadd.s32 $0xFFFFFFFF  }
0xb6: {  	_ =	strace $0x90000051  }
0xb7: {  	_ =	sfence  }
0xb8: {  	s30 =	sld [smem:$0x0];
	_ =	sdelay $0x2  }
0xb9: {  	s31 =	sshll.u32 s1, $0xD;
	s1 =	sshrl.u32 s1, $0x2  }
0xba: {  	s3 =	sand.u32 $0x4000, s31;
	s1 =	sadd.s32 s1, s30  }
0xbb: {  	s0 =	sor.u32 s3, s0;
	s1 =	sshll.u32 s1, $0x11  }
0xbc: {  	s0 =	sor.u32 s1, s0  }
0xbd: {  	s0 =	sadd.s32 $0x8F2B, s0  }
0xbe: {  	[sflag:s0] =	ssyncadd.remote.s32 $0x1  }
0xbf: {  	_ =	sfence.sel $0xFFFF  }
0xc0: {  	[dreg:$0x0] =	wrdreg $0xFFFFFFFF;
	(pc) =	sbr.abs _section_cstart, $3  }
0xc1: {  	[dreg:$0x1] =	wrdreg $0xFFFFFFFF  }
0xc2: {  	_ =	task.clear_ibuf [dreg:s7], $0x2FFFF;
	_ =	strace $0x9FFFFFFF  }
0xc3: {  	(tm) =	ssettm $0x7FFFFFFF  }
tec
execute0_lowered:
.L_overlay_start_1:
0x0: {  	(tag) =	ssettag $0x1  }
0x1: {  	s0 =	rddreg [dreg:$0x0]  }
0x2: {  	s3 =	rddreg [dreg:$0x2];
	s4 =	simm.s32 $0x0  }
0x3: {  	s25 =	simm.s32 $0x80;
	[smem:$0x7FF] =	sst s4  }
0x4: {  	s26 =	simm.s32 $0x100;
	_ =	strace $0x80000050;
	[dreg:$0x6] =	wrdreg s25  }
0x5: {  	s6 =	simm.s32 $0x1080;
	[dreg:$0x7] =	wrdreg s26  }
0x6: {  	s7 =	simm.s32 $0x200;
	[dreg:$0x9] =	wrdreg s6  }
0x7: {  	s9 =	simm.s32 $0x1100;
	[dreg:$0xa] =	wrdreg s7  }
0x8: {  	s10 =	simm.s32 $0x280;
	[dreg:$0xb] =	wrdreg s9  }
0x9: {  	s11 =	simm.s32 $0x1180;
	[dreg:$0xc] =	wrdreg s10  }
0xa: {  	s12 =	simm.s32 $0x300;
	[dreg:$0xd] =	wrdreg s11  }
0xb: {  	s1 =	srdreg.scid;
	s13 =	simm.s32 $0x1200;
	[dreg:$0xe] =	wrdreg s12  }
0xc: {  	s8 =	stileid.u32;
	s14 =	simm.s32 $0x380;
	[dreg:$0xf] =	wrdreg s13  }
0xd: {  	s16 =	simm.s32 $0x1280;
	s18 =	simm.s32 $0x400;
	[dreg:$0x10] =	wrdreg s14  }
0xe: {  	s19 =	simm.s32 $0x1300;
	s21 =	simm.s32 $0x480;
	[dreg:$0x11] =	wrdreg s16  }
0xf: {  	s22 =	simm.s32 $0x1380;
	s23 =	simm.s32 $0x500;
	[dreg:$0x12] =	wrdreg s18  }
0x10: {  	s28 =	simm.s32 $0x1880;
	s29 =	simm.s32 $0xA00;
	[dreg:$0x13] =	wrdreg s19  }
0x11: {  	s30 =	simm.s32 $0x1900;
	s31 =	simm.s32 $0xA80;
	[dreg:$0x14] =	wrdreg s21  }
0x12: {  	s1 =	sand.u32 $0x1, s1;
	s5 =	sshll.u32 s8, $0x9;
	[dreg:$0x15] =	wrdreg s22  }
0x13: {  	s17 =	smul.u32 $0x50000, s8;
	[dreg:$0x16] =	wrdreg s23;
	s25 =	simm.s32 $0x1400  }
0x14: {  	s2 =	sshll.u32 s1, $0xD;
	s9 =	simm.s32 $0x1480;
	[dreg:$0x17] =	wrdreg s25  }
0x15: {  	s6 =	smul.u32 $0x2800, s8;
	s11 =	simm.s32 $0x600;
	[dreg:$0x19] =	wrdreg s9  }
0x16: {  	s7 =	smul.u32 $0x28000, s1;
	s13 =	simm.s32 $0x1500;
	[dreg:$0x1a] =	wrdreg s11  }
0x17: {  	s1 =	ssub.s32 $0x2, s1;
	s16 =	simm.s32 $0x680;
	[dreg:$0x1b] =	wrdreg s13  }
0x18: {  	s18 =	simm.s32 $0x700;
	s19 =	simm.s32 $0x1600;
	[dreg:$0x1c] =	wrdreg s16  }
0x19: {  	s21 =	simm.s32 $0x1680;
	s22 =	simm.s32 $0x800;
	[dreg:$0x1e] =	wrdreg s18  }
0x1a: {  	s23 =	simm.s32 $0x1700;
	s2 =	sadd.s32 s2, s0;
	[dreg:$0x1f] =	wrdreg s19  }
0x1b: {  	s15 =	sshrl.u32 s1, $0x1;
	s20 =	sshrl.u32 s17, $0x2;
	[smem:$0x7F7] =	sst s21  }
0x1c: {  	s17 =	simm.s32 $0x1580;
	s16 =	simm.s32 $0x2000;
	[smem:$0x7F8] =	sst s22  }
0x1d: {  	s18 =	simm.s32 $0x1000;
	s19 =	simm.s32 $0x50;
	[smem:$0x7F9] =	sst s23  }
0x1e: {  	s21 =	simm.s32 $0x7000;
	s25 =	simm.s32 $0x1780;
	[dreg:$0x1d] =	wrdreg s17  }
0x1f: {  	s6 =	sadd.s32 s6, s7;
	s7 =	simm.s32 $0x580;
	[smem:$0x7FB] =	sst s25  }
0x20: {  	s14 =	sadd.s32 s20, s3;
	s20 =	simm.s32 $0x780;
	[dreg:$0x18] =	wrdreg s7  }
0x21: {  	s22 =	simm.s32 $0x1;
	s2 =	sadd.s32 s5, s2;
	[smem:$0x7F6] =	sst s20  }
0x22: {  	s23 =	simm.s32 $0x2;
	s5 =	sadd.s32 $0x1A800, s2;
	[smem:$0x7FD] =	sst s14  }
0x23: {  	s9 =	simm.s32 $0xC00;
	s2 =	sadd.s32 $0x6800, s2;
	[dreg:$0x4] =	wrdreg s5  }
0x24: {  	s11 =	simm.s32 $0x1B80;
	s24 =	sadd.s32 $0x5000, s14;
	[dreg:$0x5] =	wrdreg s2  }
0x25: {  	s13 =	simm.s32 $0x0;
	s26 =	sadd.s32 $0x7800, s14;
	[smem:$0x7EE] =	sst s24  }
0x26: {  	s1 =	ssub.s32 s1, s15;
	s8 =	sadd.s32 $0xA000, s14;
	[smem:$0x7EF] =	sst s26  }
0x27: {  	s17 =	simm.s32 $0x4;
	s10 =	sadd.s32 $0xC800, s14;
	[smem:$0x7F0] =	sst s8  }
0x28: {  	s25 =	simm.s32 $0x1800;
	s12 =	sadd.s32 $0xF000, s14;
	[smem:$0x7F1] =	sst s10  }
0x29: {  	s15 =	sadd.s32 $0x11800, s14;
	s1 =	smax.u32 s1, $0x1;
	[smem:$0x7F2] =	sst s12  }
0x2a: {  	s20 =	simm.s32 $0x4800;
	s7 =	simm.s32 $0xB80;
	[smem:$0x7F3] =	sst s15  }
0x2b: {  	s5 =	simm.s32 $0x180;
	[smem:$0x7F5] =	sst s1;
	s24 =	simm.s32 $0x880  }
0x2c: {  	s26 =	simm.s32 $0x900;
	s1 =	simm.s32 $0xB00;
	s2 =	simm.s32 $0x1A00  }
0x2d: {  	s8 =	simm.s32 $0x1A80;
	s10 =	simm.s32 $0x1B00;
	[dreg:$0x8] =	wrdreg s5  }
0x2e: {  	s12 =	simm.s32 $0x1C00;
	s5 =	sadd.s32 $0x2EA00, s0;
	[smem:$0x7FA] =	sst s24  }
0x2f: {  	s0 =	sadd.s32 s6, s0;
	s6 =	sadd.s32 $0x2800, s14;
	[smem:$0x7FC] =	sst s26  }
0x30: {  	s24 =	simm.s32 $0x3;
	[smem:$0x7ED] =	sst s6;
	s0 =	sadd.s32 $0x56A00, s0  }
0x31: {  	s26 =	simm.s32 $0x980;
	[smem:$0x7F4] =	sst s0;
	s0 =	simm.s32 $0x1980  }
.LBB2_1:
0x32: {  	[smem:$0x7EC] =	sst s13  }
0x33: {  	s6 =	rddreg [dreg:$0x1]  }
0x34: {  	[tilespmem:s16], [sflag:$0x4] =	stream.linear.gather [hbm4b:s6+s4], $0x2800, $0x38;
	[tilespmem:$0x1D800] =	vst v63  }
0x35: {  	_ =	swait.ge [sflag:s17], $0x2800  }
0x36: {  	[sflag:s17] =	ssyncset.done $0x0  }
0x37: {  	[sflag:s17] =	ssyncadd.s32 $0xFFFFD800  }
0x38: {  	[spmem:s14] =	stream.linear.scatter [tilespmem:s16], [sflag:$0x4], $0x2800, $0x38;
	[tilespmem:$0x1D800] =	vst v63  }
0x39: {  	_ =	swait.ge [sflag:s17], $0x2800  }
0x3a: {  	s15 =	sld [smem:$0x7ED]  }
0x3b: {  	[sflag:s17] =	ssyncset.done $0x0  }
0x3c: {  	[sflag:s17] =	ssyncadd.s32 $0xFFFFD800  }
0x3d: {  	[spmem:s15] =	stream.linear.scatter [tilespmem:s16], [sflag:$0x4], $0x2800, $0x38;
	[tilespmem:$0x1D800] =	vst v63  }
0x3e: {  	_ =	swait.ge [sflag:s17], $0x2800  }
0x3f: {  	s13 =	sld [smem:$0x7EE]  }
0x40: {  	[sflag:s17] =	ssyncset.done $0x0  }
0x41: {  	[sflag:s17] =	ssyncadd.s32 $0xFFFFD800  }
0x42: {  	[spmem:s13] =	stream.linear.scatter [tilespmem:s16], [sflag:$0x4], $0x2800, $0x38;
	[tilespmem:$0x1D800] =	vst v63  }
0x43: {  	_ =	swait.ge [sflag:s17], $0x2800  }
0x44: {  	s14 =	sld [smem:$0x7EF]  }
0x45: {  	[sflag:s17] =	ssyncset.done $0x0  }
0x46: {  	[sflag:s17] =	ssyncadd.s32 $0xFFFFD800  }
0x47: {  	[spmem:s14] =	stream.linear.scatter [tilespmem:s16], [sflag:$0x4], $0x2800, $0x38;
	[tilespmem:$0x1D800] =	vst v63  }
0x48: {  	_ =	swait.ge [sflag:s17], $0x2800  }
0x49: {  	s15 =	sld [smem:$0x7F0]  }
0x4a: {  	[sflag:s17] =	ssyncset.done $0x0  }
0x4b: {  	[sflag:s17] =	ssyncadd.s32 $0xFFFFD800  }
0x4c: {  	[spmem:s15] =	stream.linear.scatter [tilespmem:s16], [sflag:$0x4], $0x2800, $0x38;
	[tilespmem:$0x1D800] =	vst v63  }
0x4d: {  	_ =	swait.ge [sflag:s17], $0x2800  }
0x4e: {  	s13 =	sld [smem:$0x7F1]  }
0x4f: {  	[sflag:s17] =	ssyncset.done $0x0  }
0x50: {  	[sflag:s17] =	ssyncadd.s32 $0xFFFFD800  }
0x51: {  	[spmem:s13] =	stream.linear.scatter [tilespmem:s16], [sflag:$0x4], $0x2800, $0x38;
	[tilespmem:$0x1D800] =	vst v63  }
0x52: {  	_ =	swait.ge [sflag:s17], $0x2800  }
0x53: {  	s14 =	sld [smem:$0x7F2]  }
0x54: {  	[sflag:s17] =	ssyncset.done $0x0  }
0x55: {  	[sflag:s17] =	ssyncadd.s32 $0xFFFFD800  }
0x56: {  	[spmem:s14] =	stream.linear.scatter [tilespmem:s16], [sflag:$0x4], $0x2800, $0x38;
	[tilespmem:$0x1D800] =	vst v63  }
0x57: {  	_ =	swait.ge [sflag:s17], $0x2800  }
0x58: {  	s15 =	sld [smem:$0x7F3]  }
0x59: {  	[sflag:s17] =	ssyncset.done $0x0  }
0x5a: {  	[sflag:s17] =	ssyncadd.s32 $0xFFFFD800  }
0x5b: {  	[spmem:s15] =	stream.linear.scatter [tilespmem:s16], [sflag:$0x4], $0x2800, $0x38;
	[tilespmem:$0x1D800] =	vst v63  }
0x5c: {  	_ =	swait.ge [sflag:s17], $0x2800  }
0x5d: {  	[sflag:s17] =	ssyncset.done $0x0  }
0x5e: {  	[sflag:s17] =	ssyncadd.s32 $0xFFFFD800  }
0x5f: {  	[bflag:$0x0] =	sbarrier.arrive $0xFFFF  }
0x60: {  	s13 =	rddreg [dreg:$0x4]  }
0x61: {  	s6 =	sadd.s32 $0x0, s13  }
0x62: {  	[tilespmem:s4], [sflag:$0x4] =	stream.linear.gather [hbm4b:s6+s4], $0xC80, $0x38;
	[tilespmem:$0x1D800] =	vst v63  }
0x63: {  	_ =	swait.ge [sflag:s17], $0xC80  }
0x64: {  	s14 =	rddreg [dreg:$0x5];
	[sflag:s17] =	ssyncset.done $0x0  }
0x65: {  	[sflag:s17] =	ssyncadd.s32 $0xFFFFF380;
	s6 =	sadd.s32 $0x0, s14  }
0x66: {  	[tilespmem:s18], [sflag:$0x4] =	stream.linear.gather [hbm4b:s6+s4], $0xC80, $0x38;
	[tilespmem:$0x1D800] =	vst v63  }
0x67: {  	_ =	swait.ge [sflag:s17], $0xC80  }
0x68: {  	[sflag:s17] =	ssyncset.done $0x0  }
0x69: {  	[sflag:s17] =	ssyncadd.s32 $0xFFFFF380  }
0x6a: {  	[tilespmem:s16], [sflag:$0x1] =	stream.indirect.gather [hbm4b:s5+s19], $0x80, s4, s19, $0xb8;
	[tilespmem:$0x1D800] =	vst v63  }
0x6b: {  	s15 =	rddreg [dreg:$0x6]  }
0x6c: {  	[tilespmem:s20], [sflag:$0x2] =	stream.indirect.gather [hbm4b:s5+s19], $0x80, s15, s19, $0xb8;
	[tilespmem:$0x1D800] =	vst v63  }
0x6d: {  	s13 =	rddreg [dreg:$0x7]  }
0x6e: {  	[tilespmem:s21], [sflag:$0x3] =	stream.indirect.gather [hbm4b:s5+s19], $0x80, s13, s19, $0xb8;
	[tilespmem:$0x1D800] =	vst v63  }
0x6f: {  	_ =	swait.ge [sflag:s22], $0x2800  }
0x70: {  	[sflag:s22] =	ssyncset.done $0x0  }
0x71: {  	[sflag:s22] =	ssyncadd.s32 $0xFFFFD800  }
0x72: {  	[spmem:s3] =	stream.indirect.scatter.add.f32 [tilespmem:s16], [sflag:$0x4], $0x80, s18, s19, $0xb8;
	[tilespmem:$0x1D800] =	vst v63  }
0x73: {  	_ =	swait.ge [sflag:s17], $0x2800  }
0x74: {  	[sflag:s17] =	ssyncset.done $0x0  }
0x75: {  	s15 =	rddreg [dreg:$0x8];
	[sflag:s17] =	ssyncadd.s32 $0xFFFFD800  }
0x76: {  	[tilespmem:s16], [sflag:$0x1] =	stream.indirect.gather [hbm4b:s5+s19], $0x80, s15, s19, $0xb8;
	[tilespmem:$0x1D800] =	vst v63  }
0x77: {  	_ =	swait.ge [sflag:s23], $0x2800  }
0x78: {  	[sflag:s23] =	ssyncset.done $0x0  }
0x79: {  	s13 =	rddreg [dreg:$0x9];
	[sflag:s23] =	ssyncadd.s32 $0xFFFFD800  }
0x7a: {  	[spmem:s3] =	stream.indirect.scatter.add.f32 [tilespmem:s20], [sflag:$0x4], $0x80, s13, s19, $0xb8;
	[tilespmem:$0x1D800] =	vst v63  }
0x7b: {  	_ =	swait.ge [sflag:s17], $0x2800  }
0x7c: {  	[sflag:s17] =	ssyncset.done $0x0  }
0x7d: {  	s14 =	rddreg [dreg:$0xa];
	[sflag:s17] =	ssyncadd.s32 $0xFFFFD800  }
0x7e: {  	[tilespmem:s20], [sflag:$0x2] =	stream.indirect.gather [hbm4b:s5+s19], $0x80, s14, s19, $0xb8;
	[tilespmem:$0x1D800] =	vst v63  }
0x7f: {  	_ =	swait.ge [sflag:s24], $0x2800  }
0x80: {  	[sflag:s24] =	ssyncset.done $0x0  }
0x81: {  	s15 =	rddreg [dreg:$0xb];
	[sflag:s24] =	ssyncadd.s32 $0xFFFFD800  }
0x82: {  	[spmem:s3] =	stream.indirect.scatter.add.f32 [tilespmem:s21], [sflag:$0x4], $0x80, s15, s19, $0xb8;
	[tilespmem:$0x1D800] =	vst v63  }
0x83: {  	_ =	swait.ge [sflag:s17], $0x2800  }
0x84: {  	[sflag:s17] =	ssyncset.done $0x0  }
0x85: {  	s13 =	rddreg [dreg:$0xc];
	[sflag:s17] =	ssyncadd.s32 $0xFFFFD800  }
0x86: {  	[tilespmem:s21], [sflag:$0x3] =	stream.indirect.gather [hbm4b:s5+s19], $0x80, s13, s19, $0xb8;
	[tilespmem:$0x1D800] =	vst v63  }
0x87: {  	_ =	swait.ge [sflag:s22], $0x2800  }
0x88: {  	[sflag:s22] =	ssyncset.done $0x0  }
0x89: {  	s14 =	rddreg [dreg:$0xd];
	[sflag:s22] =	ssyncadd.s32 $0xFFFFD800  }
0x8a: {  	[spmem:s3] =	stream.indirect.scatter.add.f32 [tilespmem:s16], [sflag:$0x4], $0x80, s14, s19, $0xb8;
	[tilespmem:$0x1D800] =	vst v63  }
0x8b: {  	_ =	swait.ge [sflag:s17], $0x2800  }
0x8c: {  	[sflag:s17] =	ssyncset.done $0x0  }
0x8d: {  	s15 =	rddreg [dreg:$0xe];
	[sflag:s17] =	ssyncadd.s32 $0xFFFFD800  }
0x8e: {  	[tilespmem:s16], [sflag:$0x1] =	stream.indirect.gather [hbm4b:s5+s19], $0x80, s15, s19, $0xb8;
	[tilespmem:$0x1D800] =	vst v63  }
0x8f: {  	_ =	swait.ge [sflag:s23], $0x2800  }
0x90: {  	[sflag:s23] =	ssyncset.done $0x0  }
0x91: {  	s13 =	rddreg [dreg:$0xf];
	[sflag:s23] =	ssyncadd.s32 $0xFFFFD800  }
0x92: {  	[spmem:s3] =	stream.indirect.scatter.add.f32 [tilespmem:s20], [sflag:$0x4], $0x80, s13, s19, $0xb8;
	[tilespmem:$0x1D800] =	vst v63  }
0x93: {  	_ =	swait.ge [sflag:s17], $0x2800  }
0x94: {  	[sflag:s17] =	ssyncset.done $0x0  }
0x95: {  	s14 =	rddreg [dreg:$0x10];
	[sflag:s17] =	ssyncadd.s32 $0xFFFFD800  }
0x96: {  	[tilespmem:s20], [sflag:$0x2] =	stream.indirect.gather [hbm4b:s5+s19], $0x80, s14, s19, $0xb8;
	[tilespmem:$0x1D800] =	vst v63  }
0x97: {  	_ =	swait.ge [sflag:s24], $0x2800  }
0x98: {  	[sflag:s24] =	ssyncset.done $0x0  }
0x99: {  	s15 =	rddreg [dreg:$0x11];
	[sflag:s24] =	ssyncadd.s32 $0xFFFFD800  }
0x9a: {  	[spmem:s3] =	stream.indirect.scatter.add.f32 [tilespmem:s21], [sflag:$0x4], $0x80, s15, s19, $0xb8;
	[tilespmem:$0x1D800] =	vst v63  }
0x9b: {  	_ =	swait.ge [sflag:s17], $0x2800  }
0x9c: {  	[sflag:s17] =	ssyncset.done $0x0  }
0x9d: {  	s13 =	rddreg [dreg:$0x12];
	[sflag:s17] =	ssyncadd.s32 $0xFFFFD800  }
0x9e: {  	[tilespmem:s21], [sflag:$0x3] =	stream.indirect.gather [hbm4b:s5+s19], $0x80, s13, s19, $0xb8;
	[tilespmem:$0x1D800] =	vst v63  }
0x9f: {  	_ =	swait.ge [sflag:s22], $0x2800  }
0xa0: {  	[sflag:s22] =	ssyncset.done $0x0  }
0xa1: {  	s14 =	rddreg [dreg:$0x13];
	[sflag:s22] =	ssyncadd.s32 $0xFFFFD800  }
0xa2: {  	[spmem:s3] =	stream.indirect.scatter.add.f32 [tilespmem:s16], [sflag:$0x4], $0x80, s14, s19, $0xb8;
	[tilespmem:$0x1D800] =	vst v63  }
0xa3: {  	_ =	swait.ge [sflag:s17], $0x2800  }
0xa4: {  	[sflag:s17] =	ssyncset.done $0x0  }
0xa5: {  	s15 =	rddreg [dreg:$0x14];
	[sflag:s17] =	ssyncadd.s32 $0xFFFFD800  }
0xa6: {  	[tilespmem:s16], [sflag:$0x1] =	stream.indirect.gather [hbm4b:s5+s19], $0x80, s15, s19, $0xb8;
	[tilespmem:$0x1D800] =	vst v63  }
0xa7: {  	_ =	swait.ge [sflag:s23], $0x2800  }
0xa8: {  	[sflag:s23] =	ssyncset.done $0x0  }
0xa9: {  	s13 =	rddreg [dreg:$0x15];
	[sflag:s23] =	ssyncadd.s32 $0xFFFFD800  }
0xaa: {  	[spmem:s3] =	stream.indirect.scatter.add.f32 [tilespmem:s20], [sflag:$0x4], $0x80, s13, s19, $0xb8;
	[tilespmem:$0x1D800] =	vst v63  }
0xab: {  	_ =	swait.ge [sflag:s17], $0x2800  }
0xac: {  	[sflag:s17] =	ssyncset.done $0x0  }
0xad: {  	s14 =	rddreg [dreg:$0x16];
	[sflag:s17] =	ssyncadd.s32 $0xFFFFD800  }
0xae: {  	[tilespmem:s20], [sflag:$0x2] =	stream.indirect.gather [hbm4b:s5+s19], $0x80, s14, s19, $0xb8;
	[tilespmem:$0x1D800] =	vst v63  }
0xaf: {  	_ =	swait.ge [sflag:s24], $0x2800  }
0xb0: {  	[sflag:s24] =	ssyncset.done $0x0  }
0xb1: {  	s15 =	rddreg [dreg:$0x17];
	[sflag:s24] =	ssyncadd.s32 $0xFFFFD800  }
0xb2: {  	[spmem:s3] =	stream.indirect.scatter.add.f32 [tilespmem:s21], [sflag:$0x4], $0x80, s15, s19, $0xb8;
	[tilespmem:$0x1D800] =	vst v63  }
0xb3: {  	_ =	swait.ge [sflag:s17], $0x2800  }
0xb4: {  	[sflag:s17] =	ssyncset.done $0x0  }
0xb5: {  	s13 =	rddreg [dreg:$0x18];
	[sflag:s17] =	ssyncadd.s32 $0xFFFFD800  }
0xb6: {  	[tilespmem:s21], [sflag:$0x3] =	stream.indirect.gather [hbm4b:s5+s19], $0x80, s13, s19, $0xb8;
	[tilespmem:$0x1D800] =	vst v63  }
0xb7: {  	_ =	swait.ge [sflag:s22], $0x2800  }
0xb8: {  	[sflag:s22] =	ssyncset.done $0x0  }
0xb9: {  	s14 =	rddreg [dreg:$0x19];
	[sflag:s22] =	ssyncadd.s32 $0xFFFFD800  }
0xba: {  	[spmem:s3] =	stream.indirect.scatter.add.f32 [tilespmem:s16], [sflag:$0x4], $0x80, s14, s19, $0xb8;
	[tilespmem:$0x1D800] =	vst v63  }
0xbb: {  	_ =	swait.ge [sflag:s17], $0x2800  }
0xbc: {  	[sflag:s17] =	ssyncset.done $0x0  }
0xbd: {  	s15 =	rddreg [dreg:$0x1a];
	[sflag:s17] =	ssyncadd.s32 $0xFFFFD800  }
0xbe: {  	[tilespmem:s16], [sflag:$0x1] =	stream.indirect.gather [hbm4b:s5+s19], $0x80, s15, s19, $0xb8;
	[tilespmem:$0x1D800] =	vst v63  }
0xbf: {  	_ =	swait.ge [sflag:s23], $0x2800  }
0xc0: {  	[sflag:s23] =	ssyncset.done $0x0  }
0xc1: {  	s13 =	rddreg [dreg:$0x1b];
	[sflag:s23] =	ssyncadd.s32 $0xFFFFD800  }
0xc2: {  	[spmem:s3] =	stream.indirect.scatter.add.f32 [tilespmem:s20], [sflag:$0x4], $0x80, s13, s19, $0xb8;
	[tilespmem:$0x1D800] =	vst v63  }
0xc3: {  	_ =	swait.ge [sflag:s17], $0x2800  }
0xc4: {  	[sflag:s17] =	ssyncset.done $0x0  }
0xc5: {  	s14 =	rddreg [dreg:$0x1c];
	[sflag:s17] =	ssyncadd.s32 $0xFFFFD800  }
0xc6: {  	[tilespmem:s20], [sflag:$0x2] =	stream.indirect.gather [hbm4b:s5+s19], $0x80, s14, s19, $0xb8;
	[tilespmem:$0x1D800] =	vst v63  }
0xc7: {  	_ =	swait.ge [sflag:s24], $0x2800  }
0xc8: {  	[sflag:s24] =	ssyncset.done $0x0  }
0xc9: {  	s15 =	rddreg [dreg:$0x1d];
	[sflag:s24] =	ssyncadd.s32 $0xFFFFD800  }
0xca: {  	[spmem:s3] =	stream.indirect.scatter.add.f32 [tilespmem:s21], [sflag:$0x4], $0x80, s15, s19, $0xb8;
	[tilespmem:$0x1D800] =	vst v63  }
0xcb: {  	_ =	swait.ge [sflag:s17], $0x2800  }
0xcc: {  	[sflag:s17] =	ssyncset.done $0x0  }
0xcd: {  	s13 =	rddreg [dreg:$0x1e];
	[sflag:s17] =	ssyncadd.s32 $0xFFFFD800  }
0xce: {  	[tilespmem:s21], [sflag:$0x3] =	stream.indirect.gather [hbm4b:s5+s19], $0x80, s13, s19, $0xb8;
	[tilespmem:$0x1D800] =	vst v63  }
0xcf: {  	_ =	swait.ge [sflag:s22], $0x2800  }
0xd0: {  	[sflag:s22] =	ssyncset.done $0x0  }
0xd1: {  	s14 =	rddreg [dreg:$0x1f];
	[sflag:s22] =	ssyncadd.s32 $0xFFFFD800  }
0xd2: {  	[spmem:s3] =	stream.indirect.scatter.add.f32 [tilespmem:s16], [sflag:$0x4], $0x80, s14, s19, $0xb8;
	[tilespmem:$0x1D800] =	vst v63  }
0xd3: {  	_ =	swait.ge [sflag:s17], $0x2800  }
0xd4: {  	s15 =	sld [smem:$0x7F6]  }
0xd5: {  	[sflag:s17] =	ssyncset.done $0x0  }
0xd6: {  	[sflag:s17] =	ssyncadd.s32 $0xFFFFD800  }
0xd7: {  	[tilespmem:s16], [sflag:$0x1] =	stream.indirect.gather [hbm4b:s5+s19], $0x80, s15, s19, $0xb8;
	[tilespmem:$0x1D800] =	vst v63  }
0xd8: {  	_ =	swait.ge [sflag:s23], $0x2800  }
0xd9: {  	s13 =	sld [smem:$0x7F7]  }
0xda: {  	[sflag:s23] =	ssyncset.done $0x0  }
0xdb: {  	[sflag:s23] =	ssyncadd.s32 $0xFFFFD800  }
0xdc: {  	[spmem:s3] =	stream.indirect.scatter.add.f32 [tilespmem:s20], [sflag:$0x4], $0x80, s13, s19, $0xb8;
	[tilespmem:$0x1D800] =	vst v63  }
0xdd: {  	_ =	swait.ge [sflag:s17], $0x2800  }
0xde: {  	s14 =	sld [smem:$0x7F8]  }
0xdf: {  	[sflag:s17] =	ssyncset.done $0x0  }
0xe0: {  	[sflag:s17] =	ssyncadd.s32 $0xFFFFD800  }
0xe1: {  	[tilespmem:s20], [sflag:$0x2] =	stream.indirect.gather [hbm4b:s5+s19], $0x80, s14, s19, $0xb8;
	[tilespmem:$0x1D800] =	vst v63  }
0xe2: {  	_ =	swait.ge [sflag:s24], $0x2800  }
0xe3: {  	s15 =	sld [smem:$0x7F9]  }
0xe4: {  	[sflag:s24] =	ssyncset.done $0x0  }
0xe5: {  	[sflag:s24] =	ssyncadd.s32 $0xFFFFD800  }
0xe6: {  	[spmem:s3] =	stream.indirect.scatter.add.f32 [tilespmem:s21], [sflag:$0x4], $0x80, s15, s19, $0xb8;
	[tilespmem:$0x1D800] =	vst v63  }
0xe7: {  	_ =	swait.ge [sflag:s17], $0x2800  }
0xe8: {  	s13 =	sld [smem:$0x7FA]  }
0xe9: {  	[sflag:s17] =	ssyncset.done $0x0  }
0xea: {  	[sflag:s17] =	ssyncadd.s32 $0xFFFFD800  }
0xeb: {  	[tilespmem:s21], [sflag:$0x3] =	stream.indirect.gather [hbm4b:s5+s19], $0x80, s13, s19, $0xb8;
	[tilespmem:$0x1D800] =	vst v63  }
0xec: {  	_ =	swait.ge [sflag:s22], $0x2800  }
0xed: {  	s14 =	sld [smem:$0x7FB]  }
0xee: {  	[sflag:s22] =	ssyncset.done $0x0  }
0xef: {  	[sflag:s22] =	ssyncadd.s32 $0xFFFFD800  }
0xf0: {  	[spmem:s3] =	stream.indirect.scatter.add.f32 [tilespmem:s16], [sflag:$0x4], $0x80, s14, s19, $0xb8;
	[tilespmem:$0x1D800] =	vst v63  }
0xf1: {  	_ =	swait.ge [sflag:s17], $0x2800  }
0xf2: {  	s15 =	sld [smem:$0x7FC]  }
0xf3: {  	[sflag:s17] =	ssyncset.done $0x0  }
0xf4: {  	[sflag:s17] =	ssyncadd.s32 $0xFFFFD800  }
0xf5: {  	[tilespmem:s16], [sflag:$0x1] =	stream.indirect.gather [hbm4b:s5+s19], $0x80, s15, s19, $0xb8;
	[tilespmem:$0x1D800] =	vst v63  }
0xf6: {  	_ =	swait.ge [sflag:s23], $0x2800  }
0xf7: {  	[sflag:s23] =	ssyncset.done $0x0  }
0xf8: {  	[sflag:s23] =	ssyncadd.s32 $0xFFFFD800  }
0xf9: {  	[spmem:s3] =	stream.indirect.scatter.add.f32 [tilespmem:s20], [sflag:$0x4], $0x80, s25, s19, $0xb8;
	[tilespmem:$0x1D800] =	vst v63  }
0xfa: {  	_ =	swait.ge [sflag:s17], $0x2800  }
0xfb: {  	[sflag:s17] =	ssyncset.done $0x0  }
0xfc: {  	[sflag:s17] =	ssyncadd.s32 $0xFFFFD800  }
0xfd: {  	[tilespmem:s20], [sflag:$0x2] =	stream.indirect.gather [hbm4b:s5+s19], $0x80, s26, s19, $0xb8;
	[tilespmem:$0x1D800] =	vst v63  }
0xfe: {  	_ =	swait.ge [sflag:s24], $0x2800  }
0xff: {  	[sflag:s24] =	ssyncset.done $0x0  }
0x100: {  	[sflag:s24] =	ssyncadd.s32 $0xFFFFD800  }
0x101: {  	[spmem:s3] =	stream.indirect.scatter.add.f32 [tilespmem:s21], [sflag:$0x4], $0x80, s28, s19, $0xb8;
	[tilespmem:$0x1D800] =	vst v63  }
0x102: {  	_ =	swait.ge [sflag:s17], $0x2800  }
0x103: {  	[sflag:s17] =	ssyncset.done $0x0  }
0x104: {  	[sflag:s17] =	ssyncadd.s32 $0xFFFFD800  }
0x105: {  	[tilespmem:s21], [sflag:$0x3] =	stream.indirect.gather [hbm4b:s5+s19], $0x80, s29, s19, $0xb8;
	[tilespmem:$0x1D800] =	vst v63  }
0x106: {  	_ =	swait.ge [sflag:s22], $0x2800  }
0x107: {  	[sflag:s22] =	ssyncset.done $0x0  }
0x108: {  	[sflag:s22] =	ssyncadd.s32 $0xFFFFD800  }
0x109: {  	[spmem:s3] =	stream.indirect.scatter.add.f32 [tilespmem:s16], [sflag:$0x4], $0x80, s30, s19, $0xb8;
	[tilespmem:$0x1D800] =	vst v63  }
0x10a: {  	_ =	swait.ge [sflag:s17], $0x2800  }
0x10b: {  	[sflag:s17] =	ssyncset.done $0x0  }
0x10c: {  	[sflag:s17] =	ssyncadd.s32 $0xFFFFD800  }
0x10d: {  	[tilespmem:s16], [sflag:$0x1] =	stream.indirect.gather [hbm4b:s5+s19], $0x80, s31, s19, $0xb8;
	[tilespmem:$0x1D800] =	vst v63  }
0x10e: {  	_ =	swait.ge [sflag:s23], $0x2800  }
0x10f: {  	[sflag:s23] =	ssyncset.done $0x0  }
0x110: {  	[sflag:s23] =	ssyncadd.s32 $0xFFFFD800  }
0x111: {  	[spmem:s3] =	stream.indirect.scatter.add.f32 [tilespmem:s20], [sflag:$0x4], $0x80, s0, s19, $0xb8;
	[tilespmem:$0x1D800] =	vst v63  }
0x112: {  	_ =	swait.ge [sflag:s17], $0x2800  }
0x113: {  	[sflag:s17] =	ssyncset.done $0x0  }
0x114: {  	[sflag:s17] =	ssyncadd.s32 $0xFFFFD800  }
0x115: {  	[tilespmem:s20], [sflag:$0x2] =	stream.indirect.gather [hbm4b:s5+s19], $0x80, s1, s19, $0xb8;
	[tilespmem:$0x1D800] =	vst v63  }
0x116: {  	_ =	swait.ge [sflag:s24], $0x2800  }
0x117: {  	[sflag:s24] =	ssyncset.done $0x0  }
0x118: {  	[sflag:s24] =	ssyncadd.s32 $0xFFFFD800  }
0x119: {  	[spmem:s3] =	stream.indirect.scatter.add.f32 [tilespmem:s21], [sflag:$0x4], $0x80, s2, s19, $0xb8;
	[tilespmem:$0x1D800] =	vst v63  }
0x11a: {  	_ =	swait.ge [sflag:s17], $0x2800  }
0x11b: {  	[sflag:s17] =	ssyncset.done $0x0  }
0x11c: {  	[sflag:s17] =	ssyncadd.s32 $0xFFFFD800  }
0x11d: {  	[tilespmem:s21], [sflag:$0x3] =	stream.indirect.gather [hbm4b:s5+s19], $0x80, s7, s19, $0xb8;
	[tilespmem:$0x1D800] =	vst v63  }
0x11e: {  	_ =	swait.ge [sflag:s22], $0x2800  }
0x11f: {  	[sflag:s22] =	ssyncset.done $0x0  }
0x120: {  	[sflag:s22] =	ssyncadd.s32 $0xFFFFD800  }
0x121: {  	[spmem:s3] =	stream.indirect.scatter.add.f32 [tilespmem:s16], [sflag:$0x4], $0x80, s8, s19, $0xb8;
	[tilespmem:$0x1D800] =	vst v63  }
0x122: {  	_ =	swait.ge [sflag:s17], $0x2800  }
0x123: {  	[sflag:s17] =	ssyncset.done $0x0  }
0x124: {  	[sflag:s17] =	ssyncadd.s32 $0xFFFFD800  }
0x125: {  	[tilespmem:s16], [sflag:$0x1] =	stream.indirect.gather [hbm4b:s5+s19], $0x80, s9, s19, $0xb8;
	[tilespmem:$0x1D800] =	vst v63  }
0x126: {  	_ =	swait.ge [sflag:s23], $0x2800  }
0x127: {  	[sflag:s23] =	ssyncset.done $0x0  }
0x128: {  	[sflag:s23] =	ssyncadd.s32 $0xFFFFD800  }
0x129: {  	[spmem:s3] =	stream.indirect.scatter.add.f32 [tilespmem:s20], [sflag:$0x4], $0x80, s10, s19, $0xb8;
	[tilespmem:$0x1D800] =	vst v63  }
0x12a: {  	_ =	swait.ge [sflag:s17], $0x2800  }
0x12b: {  	[sflag:s17] =	ssyncset.done $0x0  }
0x12c: {  	[sflag:s17] =	ssyncadd.s32 $0xFFFFD800  }
0x12d: {  	_ =	swait.ge [sflag:s24], $0x2800  }
0x12e: {  	[sflag:s24] =	ssyncset.done $0x0  }
0x12f: {  	[sflag:s24] =	ssyncadd.s32 $0xFFFFD800  }
0x130: {  	[spmem:s3] =	stream.indirect.scatter.add.f32 [tilespmem:s21], [sflag:$0x4], $0x80, s11, s19, $0xb8;
	[tilespmem:$0x1D800] =	vst v63  }
0x131: {  	_ =	swait.ge [sflag:s17], $0x2800  }
0x132: {  	[sflag:s17] =	ssyncset.done $0x0  }
0x133: {  	[sflag:s17] =	ssyncadd.s32 $0xFFFFD800  }
0x134: {  	_ =	swait.ge [sflag:s22], $0x2800  }
0x135: {  	[sflag:s22] =	ssyncset.done $0x0  }
0x136: {  	[sflag:s22] =	ssyncadd.s32 $0xFFFFD800  }
0x137: {  	[spmem:s3] =	stream.indirect.scatter.add.f32 [tilespmem:s16], [sflag:$0x4], $0x80, s12, s19, $0xb8;
	[tilespmem:$0x1D800] =	vst v63  }
0x138: {  	s14 =	simm.s32 $0x4000;
	_ =	swait.ge [sflag:s17], $0x2800  }
0x139: {  	s15 =	simm.s32 $0x8000;
	s6 =	rddreg [dreg:$0x4];
	[sflag:s17] =	ssyncset.done $0x0  }
.LBB2_2:
0x13a: {  	[sflag:s17] =	ssyncadd.s32 $0xFFFFD800;
	s6 =	sadd.s32 s14, s6  }
0x13b: {  	[tilespmem:s4], [sflag:$0x4] =	stream.linear.gather [hbm4b:s6+s4], $0xC80, $0x38;
	[tilespmem:$0x1D800] =	vst v63  }
0x13c: {  	_ =	swait.ge [sflag:s17], $0xC80  }
0x13d: {  	s6 =	rddreg [dreg:$0x5];
	[sflag:s17] =	ssyncset.done $0x0  }
0x13e: {  	[sflag:s17] =	ssyncadd.s32 $0xFFFFF380;
	s6 =	sadd.s32 s14, s6  }
0x13f: {  	[tilespmem:s18], [sflag:$0x4] =	stream.linear.gather [hbm4b:s6+s4], $0xC80, $0x38;
	[tilespmem:$0x1D800] =	vst v63  }
0x140: {  	_ =	swait.ge [sflag:s17], $0xC80  }
0x141: {  	[sflag:s17] =	ssyncset.done $0x0  }
0x142: {  	[sflag:s17] =	ssyncadd.s32 $0xFFFFF380  }
0x143: {  	[tilespmem:s16], [sflag:$0x1] =	stream.indirect.gather [hbm4b:s5+s19], $0x80, s4, s19, $0xb8;
	[tilespmem:$0x1D800] =	vst v63  }
0x144: {  	s13 =	smov.u32 s15;
	s6 =	rddreg [dreg:$0x6]  }
0x145: {  	[tilespmem:s20], [sflag:$0x2] =	stream.indirect.gather [hbm4b:s5+s19], $0x80, s6, s19, $0xb8;
	[tilespmem:$0x1D800] =	vst v63  }
0x146: {  	s14 =	smov.u32 s13;
	s13 =	rddreg [dreg:$0x7]  }
0x147: {  	[tilespmem:s21], [sflag:$0x3] =	stream.indirect.gather [hbm4b:s5+s19], $0x80, s13, s19, $0xb8;
	[tilespmem:$0x1D800] =	vst v63  }
0x148: {  	_ =	swait.ge [sflag:s22], $0x2800  }
0x149: {  	[sflag:s22] =	ssyncset.done $0x0  }
0x14a: {  	[sflag:s22] =	ssyncadd.s32 $0xFFFFD800  }
0x14b: {  	[spmem:s3] =	stream.indirect.scatter.add.f32 [tilespmem:s16], [sflag:$0x4], $0x80, s18, s19, $0xb8;
	[tilespmem:$0x1D800] =	vst v63  }
0x14c: {  	_ =	swait.ge [sflag:s17], $0x2800  }
0x14d: {  	[sflag:s17] =	ssyncset.done $0x0  }
0x14e: {  	s13 =	rddreg [dreg:$0x8];
	[sflag:s17] =	ssyncadd.s32 $0xFFFFD800  }
0x14f: {  	[tilespmem:s16], [sflag:$0x1] =	stream.indirect.gather [hbm4b:s5+s19], $0x80, s13, s19, $0xb8;
	[tilespmem:$0x1D800] =	vst v63  }
0x150: {  	_ =	swait.ge [sflag:s23], $0x2800  }
0x151: {  	[sflag:s23] =	ssyncset.done $0x0  }
0x152: {  	s13 =	rddreg [dreg:$0x9];
	[sflag:s23] =	ssyncadd.s32 $0xFFFFD800  }
0x153: {  	[spmem:s3] =	stream.indirect.scatter.add.f32 [tilespmem:s20], [sflag:$0x4], $0x80, s13, s19, $0xb8;
	[tilespmem:$0x1D800] =	vst v63  }
0x154: {  	_ =	swait.ge [sflag:s17], $0x2800  }
0x155: {  	[sflag:s17] =	ssyncset.done $0x0  }
0x156: {  	s13 =	rddreg [dreg:$0xa];
	[sflag:s17] =	ssyncadd.s32 $0xFFFFD800  }
0x157: {  	[tilespmem:s20], [sflag:$0x2] =	stream.indirect.gather [hbm4b:s5+s19], $0x80, s13, s19, $0xb8;
	[tilespmem:$0x1D800] =	vst v63  }
0x158: {  	_ =	swait.ge [sflag:s24], $0x2800  }
0x159: {  	[sflag:s24] =	ssyncset.done $0x0  }
0x15a: {  	s13 =	rddreg [dreg:$0xb];
	[sflag:s24] =	ssyncadd.s32 $0xFFFFD800  }
0x15b: {  	[spmem:s3] =	stream.indirect.scatter.add.f32 [tilespmem:s21], [sflag:$0x4], $0x80, s13, s19, $0xb8;
	[tilespmem:$0x1D800] =	vst v63  }
0x15c: {  	_ =	swait.ge [sflag:s17], $0x2800  }
0x15d: {  	[sflag:s17] =	ssyncset.done $0x0  }
0x15e: {  	s13 =	rddreg [dreg:$0xc];
	[sflag:s17] =	ssyncadd.s32 $0xFFFFD800  }
0x15f: {  	[tilespmem:s21], [sflag:$0x3] =	stream.indirect.gather [hbm4b:s5+s19], $0x80, s13, s19, $0xb8;
	[tilespmem:$0x1D800] =	vst v63  }
0x160: {  	_ =	swait.ge [sflag:s22], $0x2800  }
0x161: {  	[sflag:s22] =	ssyncset.done $0x0  }
0x162: {  	s13 =	rddreg [dreg:$0xd];
	[sflag:s22] =	ssyncadd.s32 $0xFFFFD800  }
0x163: {  	[spmem:s3] =	stream.indirect.scatter.add.f32 [tilespmem:s16], [sflag:$0x4], $0x80, s13, s19, $0xb8;
	[tilespmem:$0x1D800] =	vst v63  }
0x164: {  	_ =	swait.ge [sflag:s17], $0x2800  }
0x165: {  	[sflag:s17] =	ssyncset.done $0x0  }
0x166: {  	s13 =	rddreg [dreg:$0xe];
	[sflag:s17] =	ssyncadd.s32 $0xFFFFD800  }
0x167: {  	[tilespmem:s16], [sflag:$0x1] =	stream.indirect.gather [hbm4b:s5+s19], $0x80, s13, s19, $0xb8;
	[tilespmem:$0x1D800] =	vst v63  }
0x168: {  	_ =	swait.ge [sflag:s23], $0x2800  }
0x169: {  	[sflag:s23] =	ssyncset.done $0x0  }
0x16a: {  	s13 =	rddreg [dreg:$0xf];
	[sflag:s23] =	ssyncadd.s32 $0xFFFFD800  }
0x16b: {  	[spmem:s3] =	stream.indirect.scatter.add.f32 [tilespmem:s20], [sflag:$0x4], $0x80, s13, s19, $0xb8;
	[tilespmem:$0x1D800] =	vst v63  }
0x16c: {  	_ =	swait.ge [sflag:s17], $0x2800  }
0x16d: {  	[sflag:s17] =	ssyncset.done $0x0  }
0x16e: {  	s13 =	rddreg [dreg:$0x10];
	[sflag:s17] =	ssyncadd.s32 $0xFFFFD800  }
0x16f: {  	[tilespmem:s20], [sflag:$0x2] =	stream.indirect.gather [hbm4b:s5+s19], $0x80, s13, s19, $0xb8;
	[tilespmem:$0x1D800] =	vst v63  }
0x170: {  	_ =	swait.ge [sflag:s24], $0x2800  }
0x171: {  	[sflag:s24] =	ssyncset.done $0x0  }
0x172: {  	s13 =	rddreg [dreg:$0x11];
	[sflag:s24] =	ssyncadd.s32 $0xFFFFD800  }
0x173: {  	[spmem:s3] =	stream.indirect.scatter.add.f32 [tilespmem:s21], [sflag:$0x4], $0x80, s13, s19, $0xb8;
	[tilespmem:$0x1D800] =	vst v63  }
0x174: {  	_ =	swait.ge [sflag:s17], $0x2800  }
0x175: {  	[sflag:s17] =	ssyncset.done $0x0  }
0x176: {  	s13 =	rddreg [dreg:$0x12];
	[sflag:s17] =	ssyncadd.s32 $0xFFFFD800  }
0x177: {  	[tilespmem:s21], [sflag:$0x3] =	stream.indirect.gather [hbm4b:s5+s19], $0x80, s13, s19, $0xb8;
	[tilespmem:$0x1D800] =	vst v63  }
0x178: {  	_ =	swait.ge [sflag:s22], $0x2800  }
0x179: {  	[sflag:s22] =	ssyncset.done $0x0  }
0x17a: {  	s13 =	rddreg [dreg:$0x13];
	[sflag:s22] =	ssyncadd.s32 $0xFFFFD800  }
0x17b: {  	[spmem:s3] =	stream.indirect.scatter.add.f32 [tilespmem:s16], [sflag:$0x4], $0x80, s13, s19, $0xb8;
	[tilespmem:$0x1D800] =	vst v63  }
0x17c: {  	_ =	swait.ge [sflag:s17], $0x2800  }
0x17d: {  	[sflag:s17] =	ssyncset.done $0x0  }
0x17e: {  	s13 =	rddreg [dreg:$0x14];
	[sflag:s17] =	ssyncadd.s32 $0xFFFFD800  }
0x17f: {  	[tilespmem:s16], [sflag:$0x1] =	stream.indirect.gather [hbm4b:s5+s19], $0x80, s13, s19, $0xb8;
	[tilespmem:$0x1D800] =	vst v63  }
0x180: {  	_ =	swait.ge [sflag:s23], $0x2800  }
0x181: {  	[sflag:s23] =	ssyncset.done $0x0  }
0x182: {  	s13 =	rddreg [dreg:$0x15];
	[sflag:s23] =	ssyncadd.s32 $0xFFFFD800  }
0x183: {  	[spmem:s3] =	stream.indirect.scatter.add.f32 [tilespmem:s20], [sflag:$0x4], $0x80, s13, s19, $0xb8;
	[tilespmem:$0x1D800] =	vst v63  }
0x184: {  	_ =	swait.ge [sflag:s17], $0x2800  }
0x185: {  	[sflag:s17] =	ssyncset.done $0x0  }
0x186: {  	s13 =	rddreg [dreg:$0x16];
	[sflag:s17] =	ssyncadd.s32 $0xFFFFD800  }
0x187: {  	[tilespmem:s20], [sflag:$0x2] =	stream.indirect.gather [hbm4b:s5+s19], $0x80, s13, s19, $0xb8;
	[tilespmem:$0x1D800] =	vst v63  }
0x188: {  	_ =	swait.ge [sflag:s24], $0x2800  }
0x189: {  	[sflag:s24] =	ssyncset.done $0x0  }
0x18a: {  	s13 =	rddreg [dreg:$0x17];
	[sflag:s24] =	ssyncadd.s32 $0xFFFFD800  }
0x18b: {  	[spmem:s3] =	stream.indirect.scatter.add.f32 [tilespmem:s21], [sflag:$0x4], $0x80, s13, s19, $0xb8;
	[tilespmem:$0x1D800] =	vst v63  }
0x18c: {  	_ =	swait.ge [sflag:s17], $0x2800  }
0x18d: {  	[sflag:s17] =	ssyncset.done $0x0  }
0x18e: {  	s13 =	rddreg [dreg:$0x18];
	[sflag:s17] =	ssyncadd.s32 $0xFFFFD800  }
0x18f: {  	[tilespmem:s21], [sflag:$0x3] =	stream.indirect.gather [hbm4b:s5+s19], $0x80, s13, s19, $0xb8;
	[tilespmem:$0x1D800] =	vst v63  }
0x190: {  	_ =	swait.ge [sflag:s22], $0x2800  }
0x191: {  	[sflag:s22] =	ssyncset.done $0x0  }
0x192: {  	s13 =	rddreg [dreg:$0x19];
	[sflag:s22] =	ssyncadd.s32 $0xFFFFD800  }
0x193: {  	[spmem:s3] =	stream.indirect.scatter.add.f32 [tilespmem:s16], [sflag:$0x4], $0x80, s13, s19, $0xb8;
	[tilespmem:$0x1D800] =	vst v63  }
0x194: {  	_ =	swait.ge [sflag:s17], $0x2800  }
0x195: {  	[sflag:s17] =	ssyncset.done $0x0  }
0x196: {  	s13 =	rddreg [dreg:$0x1a];
	[sflag:s17] =	ssyncadd.s32 $0xFFFFD800  }
0x197: {  	[tilespmem:s16], [sflag:$0x1] =	stream.indirect.gather [hbm4b:s5+s19], $0x80, s13, s19, $0xb8;
	[tilespmem:$0x1D800] =	vst v63  }
0x198: {  	_ =	swait.ge [sflag:s23], $0x2800  }
0x199: {  	[sflag:s23] =	ssyncset.done $0x0  }
0x19a: {  	s13 =	rddreg [dreg:$0x1b];
	[sflag:s23] =	ssyncadd.s32 $0xFFFFD800  }
0x19b: {  	[spmem:s3] =	stream.indirect.scatter.add.f32 [tilespmem:s20], [sflag:$0x4], $0x80, s13, s19, $0xb8;
	[tilespmem:$0x1D800] =	vst v63  }
0x19c: {  	_ =	swait.ge [sflag:s17], $0x2800  }
0x19d: {  	[sflag:s17] =	ssyncset.done $0x0  }
0x19e: {  	s13 =	rddreg [dreg:$0x1c];
	[sflag:s17] =	ssyncadd.s32 $0xFFFFD800  }
0x19f: {  	[tilespmem:s20], [sflag:$0x2] =	stream.indirect.gather [hbm4b:s5+s19], $0x80, s13, s19, $0xb8;
	[tilespmem:$0x1D800] =	vst v63  }
0x1a0: {  	_ =	swait.ge [sflag:s24], $0x2800  }
0x1a1: {  	[sflag:s24] =	ssyncset.done $0x0  }
0x1a2: {  	s13 =	rddreg [dreg:$0x1d];
	[sflag:s24] =	ssyncadd.s32 $0xFFFFD800  }
0x1a3: {  	[spmem:s3] =	stream.indirect.scatter.add.f32 [tilespmem:s21], [sflag:$0x4], $0x80, s13, s19, $0xb8;
	[tilespmem:$0x1D800] =	vst v63  }
0x1a4: {  	_ =	swait.ge [sflag:s17], $0x2800  }
0x1a5: {  	[sflag:s17] =	ssyncset.done $0x0  }
0x1a6: {  	s13 =	rddreg [dreg:$0x1e];
	[sflag:s17] =	ssyncadd.s32 $0xFFFFD800  }
0x1a7: {  	[tilespmem:s21], [sflag:$0x3] =	stream.indirect.gather [hbm4b:s5+s19], $0x80, s13, s19, $0xb8;
	[tilespmem:$0x1D800] =	vst v63  }
0x1a8: {  	_ =	swait.ge [sflag:s22], $0x2800  }
0x1a9: {  	[sflag:s22] =	ssyncset.done $0x0  }
0x1aa: {  	s13 =	rddreg [dreg:$0x1f];
	[sflag:s22] =	ssyncadd.s32 $0xFFFFD800  }
0x1ab: {  	[spmem:s3] =	stream.indirect.scatter.add.f32 [tilespmem:s16], [sflag:$0x4], $0x80, s13, s19, $0xb8;
	[tilespmem:$0x1D800] =	vst v63  }
0x1ac: {  	_ =	swait.ge [sflag:s17], $0x2800  }
0x1ad: {  	s13 =	sld [smem:$0x7F6]  }
0x1ae: {  	[sflag:s17] =	ssyncset.done $0x0  }
0x1af: {  	[sflag:s17] =	ssyncadd.s32 $0xFFFFD800  }
0x1b0: {  	[tilespmem:s16], [sflag:$0x1] =	stream.indirect.gather [hbm4b:s5+s19], $0x80, s13, s19, $0xb8;
	[tilespmem:$0x1D800] =	vst v63  }
0x1b1: {  	_ =	swait.ge [sflag:s23], $0x2800  }
0x1b2: {  	s13 =	sld [smem:$0x7F7]  }
0x1b3: {  	[sflag:s23] =	ssyncset.done $0x0  }
0x1b4: {  	[sflag:s23] =	ssyncadd.s32 $0xFFFFD800  }
0x1b5: {  	[spmem:s3] =	stream.indirect.scatter.add.f32 [tilespmem:s20], [sflag:$0x4], $0x80, s13, s19, $0xb8;
	[tilespmem:$0x1D800] =	vst v63  }
0x1b6: {  	_ =	swait.ge [sflag:s17], $0x2800  }
0x1b7: {  	s13 =	sld [smem:$0x7F8]  }
0x1b8: {  	[sflag:s17] =	ssyncset.done $0x0  }
0x1b9: {  	[sflag:s17] =	ssyncadd.s32 $0xFFFFD800  }
0x1ba: {  	[tilespmem:s20], [sflag:$0x2] =	stream.indirect.gather [hbm4b:s5+s19], $0x80, s13, s19, $0xb8;
	[tilespmem:$0x1D800] =	vst v63  }
0x1bb: {  	_ =	swait.ge [sflag:s24], $0x2800  }
0x1bc: {  	s13 =	sld [smem:$0x7F9]  }
0x1bd: {  	[sflag:s24] =	ssyncset.done $0x0  }
0x1be: {  	[sflag:s24] =	ssyncadd.s32 $0xFFFFD800  }
0x1bf: {  	[spmem:s3] =	stream.indirect.scatter.add.f32 [tilespmem:s21], [sflag:$0x4], $0x80, s13, s19, $0xb8;
	[tilespmem:$0x1D800] =	vst v63  }
0x1c0: {  	_ =	swait.ge [sflag:s17], $0x2800  }
0x1c1: {  	s13 =	sld [smem:$0x7FA]  }
0x1c2: {  	[sflag:s17] =	ssyncset.done $0x0  }
0x1c3: {  	[sflag:s17] =	ssyncadd.s32 $0xFFFFD800  }
0x1c4: {  	[tilespmem:s21], [sflag:$0x3] =	stream.indirect.gather [hbm4b:s5+s19], $0x80, s13, s19, $0xb8;
	[tilespmem:$0x1D800] =	vst v63  }
0x1c5: {  	_ =	swait.ge [sflag:s22], $0x2800  }
0x1c6: {  	s13 =	sld [smem:$0x7FB]  }
0x1c7: {  	[sflag:s22] =	ssyncset.done $0x0  }
0x1c8: {  	[sflag:s22] =	ssyncadd.s32 $0xFFFFD800  }
0x1c9: {  	[spmem:s3] =	stream.indirect.scatter.add.f32 [tilespmem:s16], [sflag:$0x4], $0x80, s13, s19, $0xb8;
	[tilespmem:$0x1D800] =	vst v63  }
0x1ca: {  	_ =	swait.ge [sflag:s17], $0x2800  }
0x1cb: {  	s13 =	sld [smem:$0x7FC]  }
0x1cc: {  	[sflag:s17] =	ssyncset.done $0x0  }
0x1cd: {  	[sflag:s17] =	ssyncadd.s32 $0xFFFFD800  }
0x1ce: {  	[tilespmem:s16], [sflag:$0x1] =	stream.indirect.gather [hbm4b:s5+s19], $0x80, s13, s19, $0xb8;
	[tilespmem:$0x1D800] =	vst v63  }
0x1cf: {  	_ =	swait.ge [sflag:s23], $0x2800  }
0x1d0: {  	[sflag:s23] =	ssyncset.done $0x0  }
0x1d1: {  	[sflag:s23] =	ssyncadd.s32 $0xFFFFD800  }
0x1d2: {  	[spmem:s3] =	stream.indirect.scatter.add.f32 [tilespmem:s20], [sflag:$0x4], $0x80, s25, s19, $0xb8;
	[tilespmem:$0x1D800] =	vst v63  }
0x1d3: {  	_ =	swait.ge [sflag:s17], $0x2800  }
0x1d4: {  	[sflag:s17] =	ssyncset.done $0x0  }
0x1d5: {  	[sflag:s17] =	ssyncadd.s32 $0xFFFFD800  }
0x1d6: {  	[tilespmem:s20], [sflag:$0x2] =	stream.indirect.gather [hbm4b:s5+s19], $0x80, s26, s19, $0xb8;
	[tilespmem:$0x1D800] =	vst v63  }
0x1d7: {  	_ =	swait.ge [sflag:s24], $0x2800  }
0x1d8: {  	[sflag:s24] =	ssyncset.done $0x0  }
0x1d9: {  	[sflag:s24] =	ssyncadd.s32 $0xFFFFD800  }
0x1da: {  	[spmem:s3] =	stream.indirect.scatter.add.f32 [tilespmem:s21], [sflag:$0x4], $0x80, s28, s19, $0xb8;
	[tilespmem:$0x1D800] =	vst v63  }
0x1db: {  	_ =	swait.ge [sflag:s17], $0x2800  }
0x1dc: {  	[sflag:s17] =	ssyncset.done $0x0  }
0x1dd: {  	[sflag:s17] =	ssyncadd.s32 $0xFFFFD800  }
0x1de: {  	[tilespmem:s21], [sflag:$0x3] =	stream.indirect.gather [hbm4b:s5+s19], $0x80, s29, s19, $0xb8;
	[tilespmem:$0x1D800] =	vst v63  }
0x1df: {  	_ =	swait.ge [sflag:s22], $0x2800  }
0x1e0: {  	[sflag:s22] =	ssyncset.done $0x0  }
0x1e1: {  	[sflag:s22] =	ssyncadd.s32 $0xFFFFD800  }
0x1e2: {  	[spmem:s3] =	stream.indirect.scatter.add.f32 [tilespmem:s16], [sflag:$0x4], $0x80, s30, s19, $0xb8;
	[tilespmem:$0x1D800] =	vst v63  }
0x1e3: {  	_ =	swait.ge [sflag:s17], $0x2800  }
0x1e4: {  	[sflag:s17] =	ssyncset.done $0x0  }
0x1e5: {  	[sflag:s17] =	ssyncadd.s32 $0xFFFFD800  }
0x1e6: {  	[tilespmem:s16], [sflag:$0x1] =	stream.indirect.gather [hbm4b:s5+s19], $0x80, s31, s19, $0xb8;
	[tilespmem:$0x1D800] =	vst v63  }
0x1e7: {  	_ =	swait.ge [sflag:s23], $0x2800  }
0x1e8: {  	[sflag:s23] =	ssyncset.done $0x0  }
0x1e9: {  	[sflag:s23] =	ssyncadd.s32 $0xFFFFD800  }
0x1ea: {  	[spmem:s3] =	stream.indirect.scatter.add.f32 [tilespmem:s20], [sflag:$0x4], $0x80, s0, s19, $0xb8;
	[tilespmem:$0x1D800] =	vst v63  }
0x1eb: {  	_ =	swait.ge [sflag:s17], $0x2800  }
0x1ec: {  	[sflag:s17] =	ssyncset.done $0x0  }
0x1ed: {  	[sflag:s17] =	ssyncadd.s32 $0xFFFFD800  }
0x1ee: {  	[tilespmem:s20], [sflag:$0x2] =	stream.indirect.gather [hbm4b:s5+s19], $0x80, s1, s19, $0xb8;
	[tilespmem:$0x1D800] =	vst v63  }
0x1ef: {  	_ =	swait.ge [sflag:s24], $0x2800  }
0x1f0: {  	[sflag:s24] =	ssyncset.done $0x0  }
0x1f1: {  	[sflag:s24] =	ssyncadd.s32 $0xFFFFD800  }
0x1f2: {  	[spmem:s3] =	stream.indirect.scatter.add.f32 [tilespmem:s21], [sflag:$0x4], $0x80, s2, s19, $0xb8;
	[tilespmem:$0x1D800] =	vst v63  }
0x1f3: {  	_ =	swait.ge [sflag:s17], $0x2800  }
0x1f4: {  	[sflag:s17] =	ssyncset.done $0x0  }
0x1f5: {  	[sflag:s17] =	ssyncadd.s32 $0xFFFFD800  }
0x1f6: {  	[tilespmem:s21], [sflag:$0x3] =	stream.indirect.gather [hbm4b:s5+s19], $0x80, s7, s19, $0xb8;
	[tilespmem:$0x1D800] =	vst v63  }
0x1f7: {  	_ =	swait.ge [sflag:s22], $0x2800  }
0x1f8: {  	[sflag:s22] =	ssyncset.done $0x0  }
0x1f9: {  	[sflag:s22] =	ssyncadd.s32 $0xFFFFD800  }
0x1fa: {  	[spmem:s3] =	stream.indirect.scatter.add.f32 [tilespmem:s16], [sflag:$0x4], $0x80, s8, s19, $0xb8;
	[tilespmem:$0x1D800] =	vst v63  }
0x1fb: {  	_ =	swait.ge [sflag:s17], $0x2800  }
0x1fc: {  	[sflag:s17] =	ssyncset.done $0x0  }
0x1fd: {  	[sflag:s17] =	ssyncadd.s32 $0xFFFFD800  }
0x1fe: {  	[tilespmem:s16], [sflag:$0x1] =	stream.indirect.gather [hbm4b:s5+s19], $0x80, s9, s19, $0xb8;
	[tilespmem:$0x1D800] =	vst v63  }
0x1ff: {  	_ =	swait.ge [sflag:s23], $0x2800  }
0x200: {  	[sflag:s23] =	ssyncset.done $0x0  }
0x201: {  	[sflag:s23] =	ssyncadd.s32 $0xFFFFD800  }
0x202: {  	[spmem:s3] =	stream.indirect.scatter.add.f32 [tilespmem:s20], [sflag:$0x4], $0x80, s10, s19, $0xb8;
	[tilespmem:$0x1D800] =	vst v63  }
0x203: {  	_ =	swait.ge [sflag:s17], $0x2800  }
0x204: {  	[sflag:s17] =	ssyncset.done $0x0  }
0x205: {  	[sflag:s17] =	ssyncadd.s32 $0xFFFFD800  }
0x206: {  	_ =	swait.ge [sflag:s24], $0x2800  }
0x207: {  	[sflag:s24] =	ssyncset.done $0x0  }
0x208: {  	[sflag:s24] =	ssyncadd.s32 $0xFFFFD800  }
0x209: {  	[spmem:s3] =	stream.indirect.scatter.add.f32 [tilespmem:s21], [sflag:$0x4], $0x80, s11, s19, $0xb8;
	[tilespmem:$0x1D800] =	vst v63  }
0x20a: {  	_ =	swait.ge [sflag:s17], $0x2800  }
0x20b: {  	[sflag:s17] =	ssyncset.done $0x0  }
0x20c: {  	[sflag:s17] =	ssyncadd.s32 $0xFFFFD800  }
0x20d: {  	p0 =	sne.s32 s15, $0x10000;
	_ =	swait.ge [sflag:s22], $0x2800  }
.Ltmp0:
0x20e: {  	[sflag:s22] =	ssyncset.done $0x0;
	(pc) =	sbr.rel @p0 .LBB2_2-.Ltmp0, $4  }
0x20f: {  	[sflag:s22] =	ssyncadd.s32 $0xFFFFD800  }
0x210: {  	[spmem:s3] =	stream.indirect.scatter.add.f32 [tilespmem:s16], [sflag:$0x4], $0x80, s12, s19, $0xb8;
	[tilespmem:$0x1D800] =	vst v63  }
0x211: {  	_ =	swait.ge [sflag:s17], $0x2800  }
0x212: {  	s15 =	sadd.s32 $0x4000, s15;
	s6 =	rddreg [dreg:$0x4];
	[sflag:s17] =	ssyncset.done $0x0  }
0x213: {  	[sflag:s17] =	ssyncadd.s32 $0xFFFFD800;
	s6 =	sadd.s32 s14, s6  }
0x214: {  	[tilespmem:s4], [sflag:$0x4] =	stream.linear.gather [hbm4b:s6+s4], $0xC80, $0x38;
	[tilespmem:$0x1D800] =	vst v63  }
0x215: {  	_ =	swait.ge [sflag:s17], $0xC80  }
0x216: {  	s13 =	rddreg [dreg:$0x5];
	[sflag:s17] =	ssyncset.done $0x0  }
0x217: {  	[sflag:s17] =	ssyncadd.s32 $0xFFFFF380;
	s6 =	sadd.s32 s14, s13  }
0x218: {  	[tilespmem:s18], [sflag:$0x4] =	stream.linear.gather [hbm4b:s6+s4], $0xC80, $0x38;
	[tilespmem:$0x1D800] =	vst v63  }
0x219: {  	_ =	swait.ge [sflag:s17], $0xC80  }
0x21a: {  	[sflag:s17] =	ssyncset.done $0x0  }
0x21b: {  	[sflag:s17] =	ssyncadd.s32 $0xFFFFF380  }
0x21c: {  	[tilespmem:s16], [sflag:$0x1] =	stream.indirect.gather [hbm4b:s5+s19], $0x80, s4, s19, $0xb8;
	[tilespmem:$0x1D800] =	vst v63  }
0x21d: {  	s15 =	rddreg [dreg:$0x6]  }
0x21e: {  	[tilespmem:s20], [sflag:$0x2] =	stream.indirect.gather [hbm4b:s5+s19], $0x80, s15, s19, $0xb8;
	[tilespmem:$0x1D800] =	vst v63  }
0x21f: {  	s13 =	rddreg [dreg:$0x7]  }
0x220: {  	[tilespmem:s21], [sflag:$0x3] =	stream.indirect.gather [hbm4b:s5+s19], $0x80, s13, s19, $0xb8;
	[tilespmem:$0x1D800] =	vst v63  }
0x221: {  	_ =	swait.ge [sflag:s22], $0x2800  }
0x222: {  	[sflag:s22] =	ssyncset.done $0x0  }
0x223: {  	[sflag:s22] =	ssyncadd.s32 $0xFFFFD800  }
0x224: {  	[spmem:s3] =	stream.indirect.scatter.add.f32 [tilespmem:s16], [sflag:$0x4], $0x80, s18, s19, $0xb8;
	[tilespmem:$0x1D800] =	vst v63  }
0x225: {  	_ =	swait.ge [sflag:s17], $0x2800  }
0x226: {  	[sflag:s17] =	ssyncset.done $0x0  }
0x227: {  	s14 =	rddreg [dreg:$0x8];
	[sflag:s17] =	ssyncadd.s32 $0xFFFFD800  }
0x228: {  	[tilespmem:s16], [sflag:$0x1] =	stream.indirect.gather [hbm4b:s5+s19], $0x80, s14, s19, $0xb8;
	[tilespmem:$0x1D800] =	vst v63  }
0x229: {  	_ =	swait.ge [sflag:s23], $0x2800  }
0x22a: {  	[sflag:s23] =	ssyncset.done $0x0  }
0x22b: {  	s15 =	rddreg [dreg:$0x9];
	[sflag:s23] =	ssyncadd.s32 $0xFFFFD800  }
0x22c: {  	[spmem:s3] =	stream.indirect.scatter.add.f32 [tilespmem:s20], [sflag:$0x4], $0x80, s15, s19, $0xb8;
	[tilespmem:$0x1D800] =	vst v63  }
0x22d: {  	_ =	swait.ge [sflag:s17], $0x2800  }
0x22e: {  	[sflag:s17] =	ssyncset.done $0x0  }
0x22f: {  	s13 =	rddreg [dreg:$0xa];
	[sflag:s17] =	ssyncadd.s32 $0xFFFFD800  }
0x230: {  	[tilespmem:s20], [sflag:$0x2] =	stream.indirect.gather [hbm4b:s5+s19], $0x80, s13, s19, $0xb8;
	[tilespmem:$0x1D800] =	vst v63  }
0x231: {  	_ =	swait.ge [sflag:s24], $0x2800  }
0x232: {  	[sflag:s24] =	ssyncset.done $0x0  }
0x233: {  	s14 =	rddreg [dreg:$0xb];
	[sflag:s24] =	ssyncadd.s32 $0xFFFFD800  }
0x234: {  	[spmem:s3] =	stream.indirect.scatter.add.f32 [tilespmem:s21], [sflag:$0x4], $0x80, s14, s19, $0xb8;
	[tilespmem:$0x1D800] =	vst v63  }
0x235: {  	_ =	swait.ge [sflag:s17], $0x2800  }
0x236: {  	[sflag:s17] =	ssyncset.done $0x0  }
0x237: {  	s15 =	rddreg [dreg:$0xc];
	[sflag:s17] =	ssyncadd.s32 $0xFFFFD800  }
0x238: {  	[tilespmem:s21], [sflag:$0x3] =	stream.indirect.gather [hbm4b:s5+s19], $0x80, s15, s19, $0xb8;
	[tilespmem:$0x1D800] =	vst v63  }
0x239: {  	_ =	swait.ge [sflag:s22], $0x2800  }
0x23a: {  	[sflag:s22] =	ssyncset.done $0x0  }
0x23b: {  	s13 =	rddreg [dreg:$0xd];
	[sflag:s22] =	ssyncadd.s32 $0xFFFFD800  }
0x23c: {  	[spmem:s3] =	stream.indirect.scatter.add.f32 [tilespmem:s16], [sflag:$0x4], $0x80, s13, s19, $0xb8;
	[tilespmem:$0x1D800] =	vst v63  }
0x23d: {  	_ =	swait.ge [sflag:s17], $0x2800  }
0x23e: {  	[sflag:s17] =	ssyncset.done $0x0  }
0x23f: {  	s14 =	rddreg [dreg:$0xe];
	[sflag:s17] =	ssyncadd.s32 $0xFFFFD800  }
0x240: {  	[tilespmem:s16], [sflag:$0x1] =	stream.indirect.gather [hbm4b:s5+s19], $0x80, s14, s19, $0xb8;
	[tilespmem:$0x1D800] =	vst v63  }
0x241: {  	_ =	swait.ge [sflag:s23], $0x2800  }
0x242: {  	[sflag:s23] =	ssyncset.done $0x0  }
0x243: {  	s15 =	rddreg [dreg:$0xf];
	[sflag:s23] =	ssyncadd.s32 $0xFFFFD800  }
0x244: {  	[spmem:s3] =	stream.indirect.scatter.add.f32 [tilespmem:s20], [sflag:$0x4], $0x80, s15, s19, $0xb8;
	[tilespmem:$0x1D800] =	vst v63  }
0x245: {  	_ =	swait.ge [sflag:s17], $0x2800  }
0x246: {  	[sflag:s17] =	ssyncset.done $0x0  }
0x247: {  	s13 =	rddreg [dreg:$0x10];
	[sflag:s17] =	ssyncadd.s32 $0xFFFFD800  }
0x248: {  	[tilespmem:s20], [sflag:$0x2] =	stream.indirect.gather [hbm4b:s5+s19], $0x80, s13, s19, $0xb8;
	[tilespmem:$0x1D800] =	vst v63  }
0x249: {  	_ =	swait.ge [sflag:s24], $0x2800  }
0x24a: {  	[sflag:s24] =	ssyncset.done $0x0  }
0x24b: {  	s14 =	rddreg [dreg:$0x11];
	[sflag:s24] =	ssyncadd.s32 $0xFFFFD800  }
0x24c: {  	[spmem:s3] =	stream.indirect.scatter.add.f32 [tilespmem:s21], [sflag:$0x4], $0x80, s14, s19, $0xb8;
	[tilespmem:$0x1D800] =	vst v63  }
0x24d: {  	_ =	swait.ge [sflag:s17], $0x2800  }
0x24e: {  	[sflag:s17] =	ssyncset.done $0x0  }
0x24f: {  	s15 =	rddreg [dreg:$0x12];
	[sflag:s17] =	ssyncadd.s32 $0xFFFFD800  }
0x250: {  	[tilespmem:s21], [sflag:$0x3] =	stream.indirect.gather [hbm4b:s5+s19], $0x80, s15, s19, $0xb8;
	[tilespmem:$0x1D800] =	vst v63  }
0x251: {  	_ =	swait.ge [sflag:s22], $0x2800  }
0x252: {  	[sflag:s22] =	ssyncset.done $0x0  }
0x253: {  	s13 =	rddreg [dreg:$0x13];
	[sflag:s22] =	ssyncadd.s32 $0xFFFFD800  }
0x254: {  	[spmem:s3] =	stream.indirect.scatter.add.f32 [tilespmem:s16], [sflag:$0x4], $0x80, s13, s19, $0xb8;
	[tilespmem:$0x1D800] =	vst v63  }
0x255: {  	_ =	swait.ge [sflag:s17], $0x2800  }
0x256: {  	[sflag:s17] =	ssyncset.done $0x0  }
0x257: {  	s14 =	rddreg [dreg:$0x14];
	[sflag:s17] =	ssyncadd.s32 $0xFFFFD800  }
0x258: {  	[tilespmem:s16], [sflag:$0x1] =	stream.indirect.gather [hbm4b:s5+s19], $0x80, s14, s19, $0xb8;
	[tilespmem:$0x1D800] =	vst v63  }
0x259: {  	_ =	swait.ge [sflag:s23], $0x2800  }
0x25a: {  	[sflag:s23] =	ssyncset.done $0x0  }
0x25b: {  	s15 =	rddreg [dreg:$0x15];
	[sflag:s23] =	ssyncadd.s32 $0xFFFFD800  }
0x25c: {  	[spmem:s3] =	stream.indirect.scatter.add.f32 [tilespmem:s20], [sflag:$0x4], $0x80, s15, s19, $0xb8;
	[tilespmem:$0x1D800] =	vst v63  }
0x25d: {  	_ =	swait.ge [sflag:s17], $0x2800  }
0x25e: {  	[sflag:s17] =	ssyncset.done $0x0  }
0x25f: {  	s13 =	rddreg [dreg:$0x16];
	[sflag:s17] =	ssyncadd.s32 $0xFFFFD800  }
0x260: {  	[tilespmem:s20], [sflag:$0x2] =	stream.indirect.gather [hbm4b:s5+s19], $0x80, s13, s19, $0xb8;
	[tilespmem:$0x1D800] =	vst v63  }
0x261: {  	_ =	swait.ge [sflag:s24], $0x2800  }
0x262: {  	[sflag:s24] =	ssyncset.done $0x0  }
0x263: {  	s14 =	rddreg [dreg:$0x17];
	[sflag:s24] =	ssyncadd.s32 $0xFFFFD800  }
0x264: {  	[spmem:s3] =	stream.indirect.scatter.add.f32 [tilespmem:s21], [sflag:$0x4], $0x80, s14, s19, $0xb8;
	[tilespmem:$0x1D800] =	vst v63  }
0x265: {  	_ =	swait.ge [sflag:s17], $0x2800  }
0x266: {  	[sflag:s17] =	ssyncset.done $0x0  }
0x267: {  	s15 =	rddreg [dreg:$0x18];
	[sflag:s17] =	ssyncadd.s32 $0xFFFFD800  }
0x268: {  	[tilespmem:s21], [sflag:$0x3] =	stream.indirect.gather [hbm4b:s5+s19], $0x80, s15, s19, $0xb8;
	[tilespmem:$0x1D800] =	vst v63  }
0x269: {  	_ =	swait.ge [sflag:s22], $0x2800  }
0x26a: {  	[sflag:s22] =	ssyncset.done $0x0  }
0x26b: {  	s13 =	rddreg [dreg:$0x19];
	[sflag:s22] =	ssyncadd.s32 $0xFFFFD800  }
0x26c: {  	[spmem:s3] =	stream.indirect.scatter.add.f32 [tilespmem:s16], [sflag:$0x4], $0x80, s13, s19, $0xb8;
	[tilespmem:$0x1D800] =	vst v63  }
0x26d: {  	_ =	swait.ge [sflag:s17], $0x2800  }
0x26e: {  	[sflag:s17] =	ssyncset.done $0x0  }
0x26f: {  	s14 =	rddreg [dreg:$0x1a];
	[sflag:s17] =	ssyncadd.s32 $0xFFFFD800  }
0x270: {  	[tilespmem:s16], [sflag:$0x1] =	stream.indirect.gather [hbm4b:s5+s19], $0x80, s14, s19, $0xb8;
	[tilespmem:$0x1D800] =	vst v63  }
0x271: {  	_ =	swait.ge [sflag:s23], $0x2800  }
0x272: {  	[sflag:s23] =	ssyncset.done $0x0  }
0x273: {  	s15 =	rddreg [dreg:$0x1b];
	[sflag:s23] =	ssyncadd.s32 $0xFFFFD800  }
0x274: {  	[spmem:s3] =	stream.indirect.scatter.add.f32 [tilespmem:s20], [sflag:$0x4], $0x80, s15, s19, $0xb8;
	[tilespmem:$0x1D800] =	vst v63  }
0x275: {  	_ =	swait.ge [sflag:s17], $0x2800  }
0x276: {  	[sflag:s17] =	ssyncset.done $0x0  }
0x277: {  	s13 =	rddreg [dreg:$0x1c];
	[sflag:s17] =	ssyncadd.s32 $0xFFFFD800  }
0x278: {  	[tilespmem:s20], [sflag:$0x2] =	stream.indirect.gather [hbm4b:s5+s19], $0x80, s13, s19, $0xb8;
	[tilespmem:$0x1D800] =	vst v63  }
0x279: {  	_ =	swait.ge [sflag:s24], $0x2800  }
0x27a: {  	[sflag:s24] =	ssyncset.done $0x0  }
0x27b: {  	s14 =	rddreg [dreg:$0x1d];
	[sflag:s24] =	ssyncadd.s32 $0xFFFFD800  }
0x27c: {  	[spmem:s3] =	stream.indirect.scatter.add.f32 [tilespmem:s21], [sflag:$0x4], $0x80, s14, s19, $0xb8;
	[tilespmem:$0x1D800] =	vst v63  }
0x27d: {  	_ =	swait.ge [sflag:s17], $0x2800  }
0x27e: {  	[sflag:s17] =	ssyncset.done $0x0  }
0x27f: {  	s15 =	rddreg [dreg:$0x1e];
	[sflag:s17] =	ssyncadd.s32 $0xFFFFD800  }
0x280: {  	[tilespmem:s21], [sflag:$0x3] =	stream.indirect.gather [hbm4b:s5+s19], $0x80, s15, s19, $0xb8;
	[tilespmem:$0x1D800] =	vst v63  }
0x281: {  	_ =	swait.ge [sflag:s22], $0x2800  }
0x282: {  	[sflag:s22] =	ssyncset.done $0x0  }
0x283: {  	s13 =	rddreg [dreg:$0x1f];
	[sflag:s22] =	ssyncadd.s32 $0xFFFFD800  }
0x284: {  	[spmem:s3] =	stream.indirect.scatter.add.f32 [tilespmem:s16], [sflag:$0x4], $0x80, s13, s19, $0xb8;
	[tilespmem:$0x1D800] =	vst v63  }
0x285: {  	_ =	swait.ge [sflag:s17], $0x2800  }
0x286: {  	s14 =	sld [smem:$0x7F6]  }
0x287: {  	[sflag:s17] =	ssyncset.done $0x0  }
0x288: {  	[sflag:s17] =	ssyncadd.s32 $0xFFFFD800  }
0x289: {  	[tilespmem:s16], [sflag:$0x1] =	stream.indirect.gather [hbm4b:s5+s19], $0x80, s14, s19, $0xb8;
	[tilespmem:$0x1D800] =	vst v63  }
0x28a: {  	_ =	swait.ge [sflag:s23], $0x2800  }
0x28b: {  	s15 =	sld [smem:$0x7F7]  }
0x28c: {  	[sflag:s23] =	ssyncset.done $0x0  }
0x28d: {  	[sflag:s23] =	ssyncadd.s32 $0xFFFFD800  }
0x28e: {  	[spmem:s3] =	stream.indirect.scatter.add.f32 [tilespmem:s20], [sflag:$0x4], $0x80, s15, s19, $0xb8;
	[tilespmem:$0x1D800] =	vst v63  }
0x28f: {  	_ =	swait.ge [sflag:s17], $0x2800  }
0x290: {  	s13 =	sld [smem:$0x7F8]  }
0x291: {  	[sflag:s17] =	ssyncset.done $0x0  }
0x292: {  	[sflag:s17] =	ssyncadd.s32 $0xFFFFD800  }
0x293: {  	[tilespmem:s20], [sflag:$0x2] =	stream.indirect.gather [hbm4b:s5+s19], $0x80, s13, s19, $0xb8;
	[tilespmem:$0x1D800] =	vst v63  }
0x294: {  	_ =	swait.ge [sflag:s24], $0x2800  }
0x295: {  	s14 =	sld [smem:$0x7F9]  }
0x296: {  	[sflag:s24] =	ssyncset.done $0x0  }
0x297: {  	[sflag:s24] =	ssyncadd.s32 $0xFFFFD800  }
0x298: {  	[spmem:s3] =	stream.indirect.scatter.add.f32 [tilespmem:s21], [sflag:$0x4], $0x80, s14, s19, $0xb8;
	[tilespmem:$0x1D800] =	vst v63  }
0x299: {  	_ =	swait.ge [sflag:s17], $0x2800  }
0x29a: {  	s15 =	sld [smem:$0x7FA]  }
0x29b: {  	[sflag:s17] =	ssyncset.done $0x0  }
0x29c: {  	[sflag:s17] =	ssyncadd.s32 $0xFFFFD800  }
0x29d: {  	[tilespmem:s21], [sflag:$0x3] =	stream.indirect.gather [hbm4b:s5+s19], $0x80, s15, s19, $0xb8;
	[tilespmem:$0x1D800] =	vst v63  }
0x29e: {  	_ =	swait.ge [sflag:s22], $0x2800  }
0x29f: {  	s13 =	sld [smem:$0x7FB]  }
0x2a0: {  	[sflag:s22] =	ssyncset.done $0x0  }
0x2a1: {  	[sflag:s22] =	ssyncadd.s32 $0xFFFFD800  }
0x2a2: {  	[spmem:s3] =	stream.indirect.scatter.add.f32 [tilespmem:s16], [sflag:$0x4], $0x80, s13, s19, $0xb8;
	[tilespmem:$0x1D800] =	vst v63  }
0x2a3: {  	_ =	swait.ge [sflag:s17], $0x2800  }
0x2a4: {  	s14 =	sld [smem:$0x7FC]  }
0x2a5: {  	[sflag:s17] =	ssyncset.done $0x0  }
0x2a6: {  	[sflag:s17] =	ssyncadd.s32 $0xFFFFD800  }
0x2a7: {  	[tilespmem:s16], [sflag:$0x1] =	stream.indirect.gather [hbm4b:s5+s19], $0x80, s14, s19, $0xb8;
	[tilespmem:$0x1D800] =	vst v63  }
0x2a8: {  	_ =	swait.ge [sflag:s23], $0x2800  }
0x2a9: {  	[sflag:s23] =	ssyncset.done $0x0  }
0x2aa: {  	[sflag:s23] =	ssyncadd.s32 $0xFFFFD800  }
0x2ab: {  	[spmem:s3] =	stream.indirect.scatter.add.f32 [tilespmem:s20], [sflag:$0x4], $0x80, s25, s19, $0xb8;
	[tilespmem:$0x1D800] =	vst v63  }
0x2ac: {  	_ =	swait.ge [sflag:s17], $0x2800  }
0x2ad: {  	[sflag:s17] =	ssyncset.done $0x0  }
0x2ae: {  	[sflag:s17] =	ssyncadd.s32 $0xFFFFD800  }
0x2af: {  	[tilespmem:s20], [sflag:$0x2] =	stream.indirect.gather [hbm4b:s5+s19], $0x80, s26, s19, $0xb8;
	[tilespmem:$0x1D800] =	vst v63  }
0x2b0: {  	_ =	swait.ge [sflag:s24], $0x2800  }
0x2b1: {  	[sflag:s24] =	ssyncset.done $0x0  }
0x2b2: {  	[sflag:s24] =	ssyncadd.s32 $0xFFFFD800  }
0x2b3: {  	[spmem:s3] =	stream.indirect.scatter.add.f32 [tilespmem:s21], [sflag:$0x4], $0x80, s28, s19, $0xb8;
	[tilespmem:$0x1D800] =	vst v63  }
0x2b4: {  	_ =	swait.ge [sflag:s17], $0x2800  }
0x2b5: {  	[sflag:s17] =	ssyncset.done $0x0  }
0x2b6: {  	[sflag:s17] =	ssyncadd.s32 $0xFFFFD800  }
0x2b7: {  	[tilespmem:s21], [sflag:$0x3] =	stream.indirect.gather [hbm4b:s5+s19], $0x80, s29, s19, $0xb8;
	[tilespmem:$0x1D800] =	vst v63  }
0x2b8: {  	_ =	swait.ge [sflag:s22], $0x2800  }
0x2b9: {  	[sflag:s22] =	ssyncset.done $0x0  }
0x2ba: {  	[sflag:s22] =	ssyncadd.s32 $0xFFFFD800  }
0x2bb: {  	[spmem:s3] =	stream.indirect.scatter.add.f32 [tilespmem:s16], [sflag:$0x4], $0x80, s30, s19, $0xb8;
	[tilespmem:$0x1D800] =	vst v63  }
0x2bc: {  	_ =	swait.ge [sflag:s17], $0x2800  }
0x2bd: {  	[sflag:s17] =	ssyncset.done $0x0  }
0x2be: {  	[sflag:s17] =	ssyncadd.s32 $0xFFFFD800  }
0x2bf: {  	[tilespmem:s16], [sflag:$0x1] =	stream.indirect.gather [hbm4b:s5+s19], $0x80, s31, s19, $0xb8;
	[tilespmem:$0x1D800] =	vst v63  }
0x2c0: {  	_ =	swait.ge [sflag:s23], $0x2800  }
0x2c1: {  	[sflag:s23] =	ssyncset.done $0x0  }
0x2c2: {  	[sflag:s23] =	ssyncadd.s32 $0xFFFFD800  }
0x2c3: {  	[spmem:s3] =	stream.indirect.scatter.add.f32 [tilespmem:s20], [sflag:$0x4], $0x80, s0, s19, $0xb8;
	[tilespmem:$0x1D800] =	vst v63  }
0x2c4: {  	_ =	swait.ge [sflag:s17], $0x2800  }
0x2c5: {  	[sflag:s17] =	ssyncset.done $0x0  }
0x2c6: {  	[sflag:s17] =	ssyncadd.s32 $0xFFFFD800  }
0x2c7: {  	[tilespmem:s20], [sflag:$0x2] =	stream.indirect.gather [hbm4b:s5+s19], $0x80, s1, s19, $0xb8;
	[tilespmem:$0x1D800] =	vst v63  }
0x2c8: {  	_ =	swait.ge [sflag:s24], $0x2800  }
0x2c9: {  	[sflag:s24] =	ssyncset.done $0x0  }
0x2ca: {  	[sflag:s24] =	ssyncadd.s32 $0xFFFFD800  }
0x2cb: {  	[spmem:s3] =	stream.indirect.scatter.add.f32 [tilespmem:s21], [sflag:$0x4], $0x80, s2, s19, $0xb8;
	[tilespmem:$0x1D800] =	vst v63  }
0x2cc: {  	_ =	swait.ge [sflag:s17], $0x2800  }
0x2cd: {  	[sflag:s17] =	ssyncset.done $0x0  }
0x2ce: {  	[sflag:s17] =	ssyncadd.s32 $0xFFFFD800  }
0x2cf: {  	[tilespmem:s21], [sflag:$0x3] =	stream.indirect.gather [hbm4b:s5+s19], $0x80, s7, s19, $0xb8;
	[tilespmem:$0x1D800] =	vst v63  }
0x2d0: {  	_ =	swait.ge [sflag:s22], $0x2800  }
0x2d1: {  	[sflag:s22] =	ssyncset.done $0x0  }
0x2d2: {  	[sflag:s22] =	ssyncadd.s32 $0xFFFFD800  }
0x2d3: {  	[spmem:s3] =	stream.indirect.scatter.add.f32 [tilespmem:s16], [sflag:$0x4], $0x80, s8, s19, $0xb8;
	[tilespmem:$0x1D800] =	vst v63  }
0x2d4: {  	_ =	swait.ge [sflag:s17], $0x2800  }
0x2d5: {  	[sflag:s17] =	ssyncset.done $0x0  }
0x2d6: {  	[sflag:s17] =	ssyncadd.s32 $0xFFFFD800  }
0x2d7: {  	[tilespmem:s16], [sflag:$0x1] =	stream.indirect.gather [hbm4b:s5+s19], $0x80, s9, s19, $0xb8;
	[tilespmem:$0x1D800] =	vst v63  }
0x2d8: {  	_ =	swait.ge [sflag:s23], $0x2800  }
0x2d9: {  	[sflag:s23] =	ssyncset.done $0x0  }
0x2da: {  	[sflag:s23] =	ssyncadd.s32 $0xFFFFD800  }
0x2db: {  	[spmem:s3] =	stream.indirect.scatter.add.f32 [tilespmem:s20], [sflag:$0x4], $0x80, s10, s19, $0xb8;
	[tilespmem:$0x1D800] =	vst v63  }
0x2dc: {  	_ =	swait.ge [sflag:s17], $0x2800  }
0x2dd: {  	[sflag:s17] =	ssyncset.done $0x0  }
0x2de: {  	[sflag:s17] =	ssyncadd.s32 $0xFFFFD800  }
0x2df: {  	_ =	swait.ge [sflag:s24], $0x2800  }
0x2e0: {  	[sflag:s24] =	ssyncset.done $0x0  }
0x2e1: {  	[sflag:s24] =	ssyncadd.s32 $0xFFFFD800  }
0x2e2: {  	[spmem:s3] =	stream.indirect.scatter.add.f32 [tilespmem:s21], [sflag:$0x4], $0x80, s11, s19, $0xb8;
	[tilespmem:$0x1D800] =	vst v63  }
0x2e3: {  	_ =	swait.ge [sflag:s17], $0x2800  }
0x2e4: {  	[sflag:s17] =	ssyncset.done $0x0  }
0x2e5: {  	[sflag:s17] =	ssyncadd.s32 $0xFFFFD800  }
0x2e6: {  	_ =	swait.ge [sflag:s22], $0x2800  }
0x2e7: {  	[sflag:s22] =	ssyncset.done $0x0  }
0x2e8: {  	[sflag:s22] =	ssyncadd.s32 $0xFFFFD800  }
0x2e9: {  	[spmem:s3] =	stream.indirect.scatter.add.f32 [tilespmem:s16], [sflag:$0x4], $0x80, s12, s19, $0xb8;
	[tilespmem:$0x1D800] =	vst v63  }
0x2ea: {  	_ =	swait.ge [sflag:s17], $0x2800  }
0x2eb: {  	[sflag:s17] =	ssyncset.done $0x0  }
0x2ec: {  	[sflag:s17] =	ssyncadd.s32 $0xFFFFD800  }
0x2ed: {  	[bflag:$0x0] =	sbarrier.arrive $0xFFFF  }
0x2ee: {  	s15 =	stileid.u32;
	s14 =	sld [smem:$0x7FD]  }
0x2ef: {  	s6 =	sshll.u32 s15, $0x6;
	s15 =	sld [smem:$0x7F4];
	_ =	sdelay $0x1  }
0x2f0: {  	s6 =	sor.u32 $0x1C04, s6;
	s13 =	sshrl.u32 s14, $0x3  }
0x2f1: {  	[hbm:s15], [sflag:s6] =	dma.local [spmem:s13], $0x2800  }
0x2f2: {  	_ =	swait.ge [sflag:s17], $0x2800  }
0x2f3: {  	s6 =	sld [smem:$0x7EC]  }
0x2f4: {  	s15 =	sld [smem:$0x7F5];
	_ =	sdelay $0x1  }
0x2f5: {  	s13 =	sadd.s32 $0x1, s6  }
0x2f6: {  	p0 =	sne.s32 s13, s15  }
.Ltmp1:
0x2f7: {  	_ = 	snop;
	(pc) =	sbr.rel @p0 .LBB2_1-.Ltmp1, $3  }
0x2f8: {  	_ =	sdelay $0x1  }
0x2f9: {  	[sflag:s17] =	ssyncset.done $0x0  }
0x2fa: {  	[sflag:s17] =	ssyncadd.s32 $0xFFFFD800  }
0x2fb: {  	_ =	sfence.sel $0x180000  }
0x2fc: {  	[bflag:$0x0] =	sbarrier.arrive $0xFFFF  }
0x2fd: {  	_ =	strace $0x90000050  }
0x2fe: {  	s0 =	stileid.u32;
	[bflag:$0x2] =	sbarrier.arrive $0xFFFF  }
0x2ff: {  	p0 =	sne.s32 s0, $0x0;
	s0 =	rddreg [dreg:$0x3]  }
0x300: {  	s0 =	sadd.s32 @!p0 $0x100000, s0  }
0x301: {  	[sflag:s0] =	ssyncadd.tile.s32 @!p0 $0x1;
	_ =	shalt  }
.Lfunc_end2:
_tile_overlayer_lowered:
.L_overlay_start_2:
0x302: {  	(tag) =	ssettag $0x2  }
0x303: {  	s0 =	rddreg [dreg:$0x0];
	s2 =	stileid.u32  }
0x304: {  	s1 =	rddreg [dreg:$0x1];
	p0 =	sne.s32 s2, $0x0  }
0x305: {  	s3 =	rddreg [dreg:$0x2];
	[bflag:$0x3] =	sbarrier.arrive $0xFFFF;
	s2 =	simm.s32 @!p0 $0x1C04  }
0x306: {  	[timem:s3], [sflag:s2] =	dma.local @!p0 [hbm:s0], s1  }
0x307: {  	s0 =	simm.s32 @!p0 $0x4  }
0x308: {  	_ =	swait.ge @!p0 [sflag:s0], s1  }
0x309: {  	s1 =	ssub.s32 @!p0 $0x0, s1;
	[sflag:s0] =	ssyncset.done @!p0 $0x0  }
0x30a: {  	[sflag:s0] =	ssyncadd.s32 @!p0 s1  }
0x30b: {  	[bflag:$0x3] =	sbarrier.arrive $0xFFFF  }
0x30c: {  	_ =	shalt  }

</sc_bundles>
